<compile_context>
chip_gen: v7x
topology: tpu7x:2x2x1
jax: 0.10.2.dev20260603
libtpu: 0.0.44.dev20260713+nightly
codegen_flags: <defaults>
</compile_context>

<pallas_src>
import functools

import jax
import jax.numpy as jnp
from jax import lax
from jax.experimental import pallas as pl
from jax.experimental.pallas import tpu as pltpu
from jax.experimental.pallas import tpu_sc as plsc

VOCAB = 1000000
EMBED = 64
C = 5
BATCH = 16384
NC = 2
NS = 16
NW = NC * NS
BPW = BATCH // NW
CB = 128
NCH = BPW // CB
L = 16


def _make_kernel():
    mesh = plsc.VectorSubcoreMesh(core_axis_name="c", subcore_axis_name="s")

    @functools.partial(
        pl.kernel,
        mesh=mesh,
        compiler_params=pltpu.CompilerParams(
            needs_layout_passes=False, use_tc_tiling_on_sc=False),
        out_type=jax.ShapeDtypeStruct((BATCH * C,), jnp.float32),
        scratch_types=[
            pltpu.VMEM((CB,), jnp.int32),
            pltpu.VMEM((C, CB), jnp.int32),
            pltpu.VMEM((CB, EMBED), jnp.float32),
            pltpu.VMEM((C, CB, EMBED), jnp.float32),
            pltpu.VMEM((CB * C,), jnp.float32),
            pltpu.VMEM((C * L * L,), jnp.float32),
            pltpu.SemaphoreType.DMA,
        ],
    )
    def word2vec_sc(tgt_hbm, ctx_hbm, ttab_hbm, ctab_hbm, out_hbm,
                    tidx, cidx, trows, crows, outv, pmat, sem):
        wid = lax.axis_index("s") * NC + lax.axis_index("c")

        def chunk_body(g, carry):
            base = wid * BPW + g * CB
            pltpu.sync_copy(tgt_hbm.at[pl.ds(base, CB)], tidx)
            pltpu.sync_copy(ctx_hbm.at[:, pl.ds(base, CB)], cidx)
            copies = [pltpu.async_copy(ttab_hbm.at[tidx], trows, sem)]
            for j in range(C):
                copies.append(
                    pltpu.async_copy(ctab_hbm.at[cidx.at[j]], crows.at[j], sem))
            for cp in copies:
                cp.wait()

            lane = lax.iota(jnp.int32, L)

            def group_body(i16, carry2):
                for ii in range(L):
                    i = i16 * L + ii
                    we = [trows[i, pl.ds(k * L, L)] for k in range(EMBED // L)]
                    for c in range(C):
                        p = we[0] * crows[c, i, pl.ds(0, L)]
                        for k in range(1, EMBED // L):
                            p = p + we[k] * crows[c, i, pl.ds(k * L, L)]
                        plsc.store_scatter(pmat, [c * L * L + lane * L + ii], p)
                for c in range(C):
                    acc = pmat[pl.ds(c * L * L, L)]
                    for j in range(1, L):
                        acc = acc + pmat[pl.ds(c * L * L + j * L, L)]
                    plsc.store_scatter(
                        outv, [(i16 * L + lane) * C + c], acc)
                return carry2

            lax.fori_loop(0, CB // L, group_body, 0)
            pltpu.sync_copy(outv, out_hbm.at[pl.ds(base * C, CB * C)])
            return carry

        lax.fori_loop(0, NCH, chunk_body, 0)

    return word2vec_sc


_word2vec_sc = _make_kernel()


@jax.jit
def kernel(target, context, target_table, context_table):
    tgt_flat = target.reshape(BATCH)
    ctx_t = context.T
    out_flat = _word2vec_sc(tgt_flat, ctx_t, target_table, context_table)
    return out_flat.reshape(BATCH, C)

# --- scband reference (transcript-rebuilt; emitter-appended) ---
"""Pipeline reference for scband-word2-vec-11690900980397 (READ-ONLY COPY).

The authoritative reference and input builder live on the scoring server;
editing this copy changes nothing except your own understanding.
"""

import jax, jax.numpy as jnp
import numpy as np

VOCAB = 1000000
EMBED = 64
NUM_NS = 4
BATCH = 16384

def setup_inputs(seed: int = 0) -> dict:
    key = jax.random.key(seed)
    k1, k2, k3, k4 = jax.random.split(key, 4)
    target = jax.random.randint(k1, (BATCH, 1), 0, VOCAB, dtype=jnp.int64 if jax.config.jax_enable_x64 else jnp.int32).astype(jnp.int32)
    context = jax.random.randint(k2, (BATCH, NUM_NS + 1), 0, VOCAB).astype(jnp.int32)
    target_table = (jax.random.normal(k3, (VOCAB, EMBED), dtype=jnp.float32) * 0.05)
    context_table = (jax.random.normal(k4, (VOCAB, EMBED), dtype=jnp.float32) * 0.05)
    return {"target": target, "context": context, "target_table": target_table, "context_table": context_table}

def reference(target, context, target_table, context_table):
    # target_embedding lookup: [B, 1, E]
    we = jnp.take(target_table, target, axis=0)
    # context_embedding lookup: [B, num_ns+1, E]
    ce = jnp.take(context_table, context, axis=0)
    # Dot over embedding dim: dots[b, c, t] = sum_e ce[b,c,e] * we[b,t,e] -> [B, num_ns+1, 1]
    dots = jnp.einsum('bce,bte->bct', ce, we)
    # Flatten -> [B, num_ns+1]
    return dots.reshape(dots.shape[0], -1)

if __name__ == "__main__":
    import jax
    _d = setup_inputs()
    print(jax.jit(kernel)(*tuple(_d.values())))

</pallas_src>

<mosaic_0001>
#map = affine_map<(d0, d1) -> (0)>
#map1 = affine_map<(d0, d1) -> (0, 0)>
module attributes {stable_mosaic.version = 14 : i64} {
  func.func @word2vec_sc(%arg0: i32, %arg1: i32, %arg2: memref<16384xi32, #tpu.memory_space<hbm>>, %arg3: memref<5x16384xi32, #tpu.memory_space<hbm>>, %arg4: memref<1000000x64xf32, #tpu.memory_space<hbm>>, %arg5: memref<1000000x64xf32, #tpu.memory_space<hbm>>, %arg6: memref<81920xf32, #tpu.memory_space<hbm>>, %arg7: memref<128xi32, #tpu.memory_space<vmem>>, %arg8: memref<5x128xi32, #tpu.memory_space<vmem>>, %arg9: memref<128x64xf32, #tpu.memory_space<vmem>>, %arg10: memref<5x128x64xf32, #tpu.memory_space<vmem>>, %arg11: memref<640xf32, #tpu.memory_space<vmem>>, %arg12: memref<1280xf32, #tpu.memory_space<vmem>>, %arg13: memref<!tpu.dma_semaphore, #tpu.memory_space<semaphore_mem>>) attributes {dimension_semantics = [#tpu.dimension_semantics<core_parallel>, #tpu.dimension_semantics<subcore_parallel>], iteration_bounds = array<i64: 2, 16>, scalar_prefetch = 0 : i64, scratch_operands = 7 : i64, tpu.core_type = #tpu.core_type<sc_vector_subcore>, window_params = [{transform_indices = #map}, {transform_indices = #map1}, {transform_indices = #map1}, {transform_indices = #map1}, {transform_indices = #map}]} {
    %mul3A = arith.constant 2 : i32
    %mul3A_0 = arith.muli %arg1, %mul3A : i32
    %add3A = arith.addi %mul3A_0, %arg0 : i32
    %scan3A = arith.constant 0 : i32
    %scan3A_1 = arith.constant 0 : i32
    %scan3A_2 = arith.constant 4 : i32
    %scan3A_3 = arith.addi %scan3A_1, %scan3A_2 : i32
    %scan3A_4 = arith.constant 1 : i32
    scf.for %scan3A_6 = %scan3A_1 to %scan3A_3 step %scan3A_4  : i32 {
      %mul3A_7 = arith.constant 512 : i32
      %mul3A_8 = arith.muli %add3A, %mul3A_7 : i32
      %mul3A_9 = arith.constant 128 : i32
      %mul3A_10 = arith.muli %scan3A_6, %mul3A_9 : i32
      %add3A_11 = arith.addi %mul3A_8, %mul3A_10 : i32
      "tpu.region"() ({
        %run_scoped3A = tpu.sem_alloc : memref<!tpu.dma_semaphore, #tpu.memory_space<semaphore_mem>>
        %dma_start3A_144 = tpu.memref_slice %arg2[%add3A_11] : memref<16384xi32, #tpu.memory_space<hbm>> -> memref<128xi32, #tpu.memory_space<hbm>>
        %dma_start3A_145 = tpu.memref_slice %arg2[%add3A_11] : memref<16384xi32, #tpu.memory_space<hbm>> -> memref<128xi32, #tpu.memory_space<hbm>>
        tpu.enqueue_dma source(%dma_start3A_145 : memref<128xi32, #tpu.memory_space<hbm>>) target(%arg7 : memref<128xi32, #tpu.memory_space<vmem>>) target_semaphore(%run_scoped3A : memref<!tpu.dma_semaphore, #tpu.memory_space<semaphore_mem>>)
        %dma_wait3A_146 = tpu.memref_slice %arg2[%add3A_11] : memref<16384xi32, #tpu.memory_space<hbm>> -> memref<128xi32, #tpu.memory_space<hbm>>
        %dma_wait3A_147 = tpu.memref_slice %arg2[%add3A_11] : memref<16384xi32, #tpu.memory_space<hbm>> -> memref<128xi32, #tpu.memory_space<hbm>>
        tpu.wait_dma2 semaphore(%run_scoped3A : memref<!tpu.dma_semaphore, #tpu.memory_space<semaphore_mem>>) src(%dma_wait3A_147 : memref<128xi32, #tpu.memory_space<hbm>>) dst(%arg7 : memref<128xi32, #tpu.memory_space<vmem>>)
        tpu.yield
      }) : () -> ()
      "tpu.region"() ({
        %run_scoped3A = tpu.sem_alloc : memref<!tpu.dma_semaphore, #tpu.memory_space<semaphore_mem>>
        %dma_start3A_144 = arith.constant 0 : i32
        %dma_start3A_145 = tpu.memref_slice %arg3[%dma_start3A_144, %add3A_11] : memref<5x16384xi32, #tpu.memory_space<hbm>> -> memref<5x128xi32, #tpu.memory_space<hbm>>
        %dma_start3A_146 = arith.constant 0 : i32
        %dma_start3A_147 = tpu.memref_slice %arg3[%dma_start3A_146, %add3A_11] : memref<5x16384xi32, #tpu.memory_space<hbm>> -> memref<5x128xi32, #tpu.memory_space<hbm>>
        tpu.enqueue_dma source(%dma_start3A_147 : memref<5x128xi32, #tpu.memory_space<hbm>>) target(%arg8 : memref<5x128xi32, #tpu.memory_space<vmem>>) target_semaphore(%run_scoped3A : memref<!tpu.dma_semaphore, #tpu.memory_space<semaphore_mem>>)
        %dma_wait3A_148 = arith.constant 0 : i32
        %dma_wait3A_149 = tpu.memref_slice %arg3[%dma_wait3A_148, %add3A_11] : memref<5x16384xi32, #tpu.memory_space<hbm>> -> memref<5x128xi32, #tpu.memory_space<hbm>>
        %dma_wait3A_150 = arith.constant 0 : i32
        %dma_wait3A_151 = tpu.memref_slice %arg3[%dma_wait3A_150, %add3A_11] : memref<5x16384xi32, #tpu.memory_space<hbm>> -> memref<5x128xi32, #tpu.memory_space<hbm>>
        tpu.wait_dma2 semaphore(%run_scoped3A : memref<!tpu.dma_semaphore, #tpu.memory_space<semaphore_mem>>) src(%dma_wait3A_151 : memref<5x128xi32, #tpu.memory_space<hbm>>) dst(%arg8 : memref<5x128xi32, #tpu.memory_space<vmem>>)
        tpu.yield
      }) : () -> ()
      %dma_start3A = arith.constant 0 : i32
      %dma_start3A_12 = arith.constant 0 : i32
      %dma_start3A_13 = tpu.memref_slice %arg4[%dma_start3A, %dma_start3A_12] : memref<1000000x64xf32, #tpu.memory_space<hbm>> -> memref<1000000x64xf32, #tpu.memory_space<hbm>>
      tpu.enqueue_indirect_dma source(%dma_start3A_13 : memref<1000000x64xf32, #tpu.memory_space<hbm>>) target(%arg9 : memref<128x64xf32, #tpu.memory_space<vmem>>) offsets(%arg7 : memref<128xi32, #tpu.memory_space<vmem>>) semaphore(%arg13 : memref<!tpu.dma_semaphore, #tpu.memory_space<semaphore_mem>>)
      %dma_start3A_14 = arith.constant 0 : i32
      %dma_start3A_15 = arith.constant 0 : i32
      %dma_start3A_16 = arith.constant 0 : i32
      %dma_start3A_17 = arith.constant 0 : i32
      %dma_start3A_18 = tpu.memref_slice %arg10[%dma_start3A_15, %dma_start3A_16, %dma_start3A_17] : memref<5x128x64xf32, #tpu.memory_space<vmem>> -> memref<1x128x64xf32, #tpu.memory_space<vmem>>
      %dma_start3A_19 = tpu.memref_squeeze %dma_start3A_18 : memref<1x128x64xf32, #tpu.memory_space<vmem>> -> memref<128x64xf32, #tpu.memory_space<vmem>>
      %dma_start3A_20 = arith.constant 0 : i32
      %dma_start3A_21 = tpu.memref_slice %arg8[%dma_start3A_14, %dma_start3A_20] : memref<5x128xi32, #tpu.memory_space<vmem>> -> memref<1x128xi32, #tpu.memory_space<vmem>>
      %dma_start3A_22 = tpu.memref_squeeze %dma_start3A_21 : memref<1x128xi32, #tpu.memory_space<vmem>> -> memref<128xi32, #tpu.memory_space<vmem>>
      %dma_start3A_23 = arith.constant 0 : i32
      %dma_start3A_24 = arith.constant 0 : i32
      %dma_start3A_25 = tpu.memref_slice %arg5[%dma_start3A_23, %dma_start3A_24] : memref<1000000x64xf32, #tpu.memory_space<hbm>> -> memref<1000000x64xf32, #tpu.memory_space<hbm>>
      tpu.enqueue_indirect_dma source(%dma_start3A_25 : memref<1000000x64xf32, #tpu.memory_space<hbm>>) target(%dma_start3A_19 : memref<128x64xf32, #tpu.memory_space<vmem>>) offsets(%dma_start3A_22 : memref<128xi32, #tpu.memory_space<vmem>>) semaphore(%arg13 : memref<!tpu.dma_semaphore, #tpu.memory_space<semaphore_mem>>)
      %dma_start3A_26 = arith.constant 1 : i32
      %dma_start3A_27 = arith.constant 1 : i32
      %dma_start3A_28 = arith.constant 0 : i32
      %dma_start3A_29 = arith.constant 0 : i32
      %dma_start3A_30 = tpu.memref_slice %arg10[%dma_start3A_27, %dma_start3A_28, %dma_start3A_29] : memref<5x128x64xf32, #tpu.memory_space<vmem>> -> memref<1x128x64xf32, #tpu.memory_space<vmem>>
      %dma_start3A_31 = tpu.memref_squeeze %dma_start3A_30 : memref<1x128x64xf32, #tpu.memory_space<vmem>> -> memref<128x64xf32, #tpu.memory_space<vmem>>
      %dma_start3A_32 = arith.constant 0 : i32
      %dma_start3A_33 = tpu.memref_slice %arg8[%dma_start3A_26, %dma_start3A_32] : memref<5x128xi32, #tpu.memory_space<vmem>> -> memref<1x128xi32, #tpu.memory_space<vmem>>
      %dma_start3A_34 = tpu.memref_squeeze %dma_start3A_33 : memref<1x128xi32, #tpu.memory_space<vmem>> -> memref<128xi32, #tpu.memory_space<vmem>>
      %dma_start3A_35 = arith.constant 0 : i32
      %dma_start3A_36 = arith.constant 0 : i32
      %dma_start3A_37 = tpu.memref_slice %arg5[%dma_start3A_35, %dma_start3A_36] : memref<1000000x64xf32, #tpu.memory_space<hbm>> -> memref<1000000x64xf32, #tpu.memory_space<hbm>>
      tpu.enqueue_indirect_dma source(%dma_start3A_37 : memref<1000000x64xf32, #tpu.memory_space<hbm>>) target(%dma_start3A_31 : memref<128x64xf32, #tpu.memory_space<vmem>>) offsets(%dma_start3A_34 : memref<128xi32, #tpu.memory_space<vmem>>) semaphore(%arg13 : memref<!tpu.dma_semaphore, #tpu.memory_space<semaphore_mem>>)
      %dma_start3A_38 = arith.constant 2 : i32
      %dma_start3A_39 = arith.constant 2 : i32
      %dma_start3A_40 = arith.constant 0 : i32
      %dma_start3A_41 = arith.constant 0 : i32
      %dma_start3A_42 = tpu.memref_slice %arg10[%dma_start3A_39, %dma_start3A_40, %dma_start3A_41] : memref<5x128x64xf32, #tpu.memory_space<vmem>> -> memref<1x128x64xf32, #tpu.memory_space<vmem>>
      %dma_start3A_43 = tpu.memref_squeeze %dma_start3A_42 : memref<1x128x64xf32, #tpu.memory_space<vmem>> -> memref<128x64xf32, #tpu.memory_space<vmem>>
      %dma_start3A_44 = arith.constant 0 : i32
      %dma_start3A_45 = tpu.memref_slice %arg8[%dma_start3A_38, %dma_start3A_44] : memref<5x128xi32, #tpu.memory_space<vmem>> -> memref<1x128xi32, #tpu.memory_space<vmem>>
      %dma_start3A_46 = tpu.memref_squeeze %dma_start3A_45 : memref<1x128xi32, #tpu.memory_space<vmem>> -> memref<128xi32, #tpu.memory_space<vmem>>
      %dma_start3A_47 = arith.constant 0 : i32
      %dma_start3A_48 = arith.constant 0 : i32
      %dma_start3A_49 = tpu.memref_slice %arg5[%dma_start3A_47, %dma_start3A_48] : memref<1000000x64xf32, #tpu.memory_space<hbm>> -> memref<1000000x64xf32, #tpu.memory_space<hbm>>
      tpu.enqueue_indirect_dma source(%dma_start3A_49 : memref<1000000x64xf32, #tpu.memory_space<hbm>>) target(%dma_start3A_43 : memref<128x64xf32, #tpu.memory_space<vmem>>) offsets(%dma_start3A_46 : memref<128xi32, #tpu.memory_space<vmem>>) semaphore(%arg13 : memref<!tpu.dma_semaphore, #tpu.memory_space<semaphore_mem>>)
      %dma_start3A_50 = arith.constant 3 : i32
      %dma_start3A_51 = arith.constant 3 : i32
      %dma_start3A_52 = arith.constant 0 : i32
      %dma_start3A_53 = arith.constant 0 : i32
      %dma_start3A_54 = tpu.memref_slice %arg10[%dma_start3A_51, %dma_start3A_52, %dma_start3A_53] : memref<5x128x64xf32, #tpu.memory_space<vmem>> -> memref<1x128x64xf32, #tpu.memory_space<vmem>>
      %dma_start3A_55 = tpu.memref_squeeze %dma_start3A_54 : memref<1x128x64xf32, #tpu.memory_space<vmem>> -> memref<128x64xf32, #tpu.memory_space<vmem>>
      %dma_start3A_56 = arith.constant 0 : i32
      %dma_start3A_57 = tpu.memref_slice %arg8[%dma_start3A_50, %dma_start3A_56] : memref<5x128xi32, #tpu.memory_space<vmem>> -> memref<1x128xi32, #tpu.memory_space<vmem>>
      %dma_start3A_58 = tpu.memref_squeeze %dma_start3A_57 : memref<1x128xi32, #tpu.memory_space<vmem>> -> memref<128xi32, #tpu.memory_space<vmem>>
      %dma_start3A_59 = arith.constant 0 : i32
      %dma_start3A_60 = arith.constant 0 : i32
      %dma_start3A_61 = tpu.memref_slice %arg5[%dma_start3A_59, %dma_start3A_60] : memref<1000000x64xf32, #tpu.memory_space<hbm>> -> memref<1000000x64xf32, #tpu.memory_space<hbm>>
      tpu.enqueue_indirect_dma source(%dma_start3A_61 : memref<1000000x64xf32, #tpu.memory_space<hbm>>) target(%dma_start3A_55 : memref<128x64xf32, #tpu.memory_space<vmem>>) offsets(%dma_start3A_58 : memref<128xi32, #tpu.memory_space<vmem>>) semaphore(%arg13 : memref<!tpu.dma_semaphore, #tpu.memory_space<semaphore_mem>>)
      %dma_start3A_62 = arith.constant 4 : i32
      %dma_start3A_63 = arith.constant 4 : i32
      %dma_start3A_64 = arith.constant 0 : i32
      %dma_start3A_65 = arith.constant 0 : i32
      %dma_start3A_66 = tpu.memref_slice %arg10[%dma_start3A_63, %dma_start3A_64, %dma_start3A_65] : memref<5x128x64xf32, #tpu.memory_space<vmem>> -> memref<1x128x64xf32, #tpu.memory_space<vmem>>
      %dma_start3A_67 = tpu.memref_squeeze %dma_start3A_66 : memref<1x128x64xf32, #tpu.memory_space<vmem>> -> memref<128x64xf32, #tpu.memory_space<vmem>>
      %dma_start3A_68 = arith.constant 0 : i32
      %dma_start3A_69 = tpu.memref_slice %arg8[%dma_start3A_62, %dma_start3A_68] : memref<5x128xi32, #tpu.memory_space<vmem>> -> memref<1x128xi32, #tpu.memory_space<vmem>>
      %dma_start3A_70 = tpu.memref_squeeze %dma_start3A_69 : memref<1x128xi32, #tpu.memory_space<vmem>> -> memref<128xi32, #tpu.memory_space<vmem>>
      %dma_start3A_71 = arith.constant 0 : i32
      %dma_start3A_72 = arith.constant 0 : i32
      %dma_start3A_73 = tpu.memref_slice %arg5[%dma_start3A_71, %dma_start3A_72] : memref<1000000x64xf32, #tpu.memory_space<hbm>> -> memref<1000000x64xf32, #tpu.memory_space<hbm>>
      tpu.enqueue_indirect_dma source(%dma_start3A_73 : memref<1000000x64xf32, #tpu.memory_space<hbm>>) target(%dma_start3A_67 : memref<128x64xf32, #tpu.memory_space<vmem>>) offsets(%dma_start3A_70 : memref<128xi32, #tpu.memory_space<vmem>>) semaphore(%arg13 : memref<!tpu.dma_semaphore, #tpu.memory_space<semaphore_mem>>)
      %dma_wait3A = arith.constant 0 : i32
      %dma_wait3A_74 = arith.constant 0 : i32
      %dma_wait3A_75 = tpu.memref_slice %arg4[%dma_wait3A, %dma_wait3A_74] : memref<1000000x64xf32, #tpu.memory_space<hbm>> -> memref<1000000x64xf32, #tpu.memory_space<hbm>>
      tpu.wait_indirect_dma semaphore(%arg13 : memref<!tpu.dma_semaphore, #tpu.memory_space<semaphore_mem>>) src(%dma_wait3A_75 : memref<1000000x64xf32, #tpu.memory_space<hbm>>) dst(%arg9 : memref<128x64xf32, #tpu.memory_space<vmem>>)
      %dma_wait3A_76 = arith.constant 0 : i32
      %dma_wait3A_77 = arith.constant 0 : i32
      %dma_wait3A_78 = arith.constant 0 : i32
      %dma_wait3A_79 = arith.constant 0 : i32
      %dma_wait3A_80 = tpu.memref_slice %arg10[%dma_wait3A_77, %dma_wait3A_78, %dma_wait3A_79] : memref<5x128x64xf32, #tpu.memory_space<vmem>> -> memref<1x128x64xf32, #tpu.memory_space<vmem>>
      %dma_wait3A_81 = tpu.memref_squeeze %dma_wait3A_80 : memref<1x128x64xf32, #tpu.memory_space<vmem>> -> memref<128x64xf32, #tpu.memory_space<vmem>>
      %dma_wait3A_82 = arith.constant 0 : i32
      %dma_wait3A_83 = tpu.memref_slice %arg8[%dma_wait3A_76, %dma_wait3A_82] : memref<5x128xi32, #tpu.memory_space<vmem>> -> memref<1x128xi32, #tpu.memory_space<vmem>>
      %dma_wait3A_84 = tpu.memref_squeeze %dma_wait3A_83 : memref<1x128xi32, #tpu.memory_space<vmem>> -> memref<128xi32, #tpu.memory_space<vmem>>
      %dma_wait3A_85 = arith.constant 0 : i32
      %dma_wait3A_86 = arith.constant 0 : i32
      %dma_wait3A_87 = tpu.memref_slice %arg5[%dma_wait3A_85, %dma_wait3A_86] : memref<1000000x64xf32, #tpu.memory_space<hbm>> -> memref<1000000x64xf32, #tpu.memory_space<hbm>>
      tpu.wait_indirect_dma semaphore(%arg13 : memref<!tpu.dma_semaphore, #tpu.memory_space<semaphore_mem>>) src(%dma_wait3A_87 : memref<1000000x64xf32, #tpu.memory_space<hbm>>) dst(%dma_wait3A_81 : memref<128x64xf32, #tpu.memory_space<vmem>>)
      %dma_wait3A_88 = arith.constant 1 : i32
      %dma_wait3A_89 = arith.constant 1 : i32
      %dma_wait3A_90 = arith.constant 0 : i32
      %dma_wait3A_91 = arith.constant 0 : i32
      %dma_wait3A_92 = tpu.memref_slice %arg10[%dma_wait3A_89, %dma_wait3A_90, %dma_wait3A_91] : memref<5x128x64xf32, #tpu.memory_space<vmem>> -> memref<1x128x64xf32, #tpu.memory_space<vmem>>
      %dma_wait3A_93 = tpu.memref_squeeze %dma_wait3A_92 : memref<1x128x64xf32, #tpu.memory_space<vmem>> -> memref<128x64xf32, #tpu.memory_space<vmem>>
      %dma_wait3A_94 = arith.constant 0 : i32
      %dma_wait3A_95 = tpu.memref_slice %arg8[%dma_wait3A_88, %dma_wait3A_94] : memref<5x128xi32, #tpu.memory_space<vmem>> -> memref<1x128xi32, #tpu.memory_space<vmem>>
      %dma_wait3A_96 = tpu.memref_squeeze %dma_wait3A_95 : memref<1x128xi32, #tpu.memory_space<vmem>> -> memref<128xi32, #tpu.memory_space<vmem>>
      %dma_wait3A_97 = arith.constant 0 : i32
      %dma_wait3A_98 = arith.constant 0 : i32
      %dma_wait3A_99 = tpu.memref_slice %arg5[%dma_wait3A_97, %dma_wait3A_98] : memref<1000000x64xf32, #tpu.memory_space<hbm>> -> memref<1000000x64xf32, #tpu.memory_space<hbm>>
      tpu.wait_indirect_dma semaphore(%arg13 : memref<!tpu.dma_semaphore, #tpu.memory_space<semaphore_mem>>) src(%dma_wait3A_99 : memref<1000000x64xf32, #tpu.memory_space<hbm>>) dst(%dma_wait3A_93 : memref<128x64xf32, #tpu.memory_space<vmem>>)
      %dma_wait3A_100 = arith.constant 2 : i32
      %dma_wait3A_101 = arith.constant 2 : i32
      %dma_wait3A_102 = arith.constant 0 : i32
      %dma_wait3A_103 = arith.constant 0 : i32
      %dma_wait3A_104 = tpu.memref_slice %arg10[%dma_wait3A_101, %dma_wait3A_102, %dma_wait3A_103] : memref<5x128x64xf32, #tpu.memory_space<vmem>> -> memref<1x128x64xf32, #tpu.memory_space<vmem>>
      %dma_wait3A_105 = tpu.memref_squeeze %dma_wait3A_104 : memref<1x128x64xf32, #tpu.memory_space<vmem>> -> memref<128x64xf32, #tpu.memory_space<vmem>>
      %dma_wait3A_106 = arith.constant 0 : i32
      %dma_wait3A_107 = tpu.memref_slice %arg8[%dma_wait3A_100, %dma_wait3A_106] : memref<5x128xi32, #tpu.memory_space<vmem>> -> memref<1x128xi32, #tpu.memory_space<vmem>>
      %dma_wait3A_108 = tpu.memref_squeeze %dma_wait3A_107 : memref<1x128xi32, #tpu.memory_space<vmem>> -> memref<128xi32, #tpu.memory_space<vmem>>
      %dma_wait3A_109 = arith.constant 0 : i32
      %dma_wait3A_110 = arith.constant 0 : i32
      %dma_wait3A_111 = tpu.memref_slice %arg5[%dma_wait3A_109, %dma_wait3A_110] : memref<1000000x64xf32, #tpu.memory_space<hbm>> -> memref<1000000x64xf32, #tpu.memory_space<hbm>>
      tpu.wait_indirect_dma semaphore(%arg13 : memref<!tpu.dma_semaphore, #tpu.memory_space<semaphore_mem>>) src(%dma_wait3A_111 : memref<1000000x64xf32, #tpu.memory_space<hbm>>) dst(%dma_wait3A_105 : memref<128x64xf32, #tpu.memory_space<vmem>>)
      %dma_wait3A_112 = arith.constant 3 : i32
      %dma_wait3A_113 = arith.constant 3 : i32
      %dma_wait3A_114 = arith.constant 0 : i32
      %dma_wait3A_115 = arith.constant 0 : i32
      %dma_wait3A_116 = tpu.memref_slice %arg10[%dma_wait3A_113, %dma_wait3A_114, %dma_wait3A_115] : memref<5x128x64xf32, #tpu.memory_space<vmem>> -> memref<1x128x64xf32, #tpu.memory_space<vmem>>
      %dma_wait3A_117 = tpu.memref_squeeze %dma_wait3A_116 : memref<1x128x64xf32, #tpu.memory_space<vmem>> -> memref<128x64xf32, #tpu.memory_space<vmem>>
      %dma_wait3A_118 = arith.constant 0 : i32
      %dma_wait3A_119 = tpu.memref_slice %arg8[%dma_wait3A_112, %dma_wait3A_118] : memref<5x128xi32, #tpu.memory_space<vmem>> -> memref<1x128xi32, #tpu.memory_space<vmem>>
      %dma_wait3A_120 = tpu.memref_squeeze %dma_wait3A_119 : memref<1x128xi32, #tpu.memory_space<vmem>> -> memref<128xi32, #tpu.memory_space<vmem>>
      %dma_wait3A_121 = arith.constant 0 : i32
      %dma_wait3A_122 = arith.constant 0 : i32
      %dma_wait3A_123 = tpu.memref_slice %arg5[%dma_wait3A_121, %dma_wait3A_122] : memref<1000000x64xf32, #tpu.memory_space<hbm>> -> memref<1000000x64xf32, #tpu.memory_space<hbm>>
      tpu.wait_indirect_dma semaphore(%arg13 : memref<!tpu.dma_semaphore, #tpu.memory_space<semaphore_mem>>) src(%dma_wait3A_123 : memref<1000000x64xf32, #tpu.memory_space<hbm>>) dst(%dma_wait3A_117 : memref<128x64xf32, #tpu.memory_space<vmem>>)
      %dma_wait3A_124 = arith.constant 4 : i32
      %dma_wait3A_125 = arith.constant 4 : i32
      %dma_wait3A_126 = arith.constant 0 : i32
      %dma_wait3A_127 = arith.constant 0 : i32
      %dma_wait3A_128 = tpu.memref_slice %arg10[%dma_wait3A_125, %dma_wait3A_126, %dma_wait3A_127] : memref<5x128x64xf32, #tpu.memory_space<vmem>> -> memref<1x128x64xf32, #tpu.memory_space<vmem>>
      %dma_wait3A_129 = tpu.memref_squeeze %dma_wait3A_128 : memref<1x128x64xf32, #tpu.memory_space<vmem>> -> memref<128x64xf32, #tpu.memory_space<vmem>>
      %dma_wait3A_130 = arith.constant 0 : i32
      %dma_wait3A_131 = tpu.memref_slice %arg8[%dma_wait3A_124, %dma_wait3A_130] : memref<5x128xi32, #tpu.memory_space<vmem>> -> memref<1x128xi32, #tpu.memory_space<vmem>>
      %dma_wait3A_132 = tpu.memref_squeeze %dma_wait3A_131 : memref<1x128xi32, #tpu.memory_space<vmem>> -> memref<128xi32, #tpu.memory_space<vmem>>
      %dma_wait3A_133 = arith.constant 0 : i32
      %dma_wait3A_134 = arith.constant 0 : i32
      %dma_wait3A_135 = tpu.memref_slice %arg5[%dma_wait3A_133, %dma_wait3A_134] : memref<1000000x64xf32, #tpu.memory_space<hbm>> -> memref<1000000x64xf32, #tpu.memory_space<hbm>>
      tpu.wait_indirect_dma semaphore(%arg13 : memref<!tpu.dma_semaphore, #tpu.memory_space<semaphore_mem>>) src(%dma_wait3A_135 : memref<1000000x64xf32, #tpu.memory_space<hbm>>) dst(%dma_wait3A_129 : memref<128x64xf32, #tpu.memory_space<vmem>>)
      %iota3A = tpu.iota {dimensions = array<i32: 0>} : vector<16xi32>
      %scan3A_136 = arith.constant 0 : i32
      %scan3A_137 = arith.constant 0 : i32
      %scan3A_138 = arith.constant 8 : i32
      %scan3A_139 = arith.addi %scan3A_137, %scan3A_138 : i32
      %scan3A_140 = arith.constant 1 : i32
      scf.for %scan3A_144 = %scan3A_137 to %scan3A_139 step %scan3A_140  : i32 {
        %mul3A_145 = arith.constant 16 : i32
        %mul3A_146 = arith.muli %scan3A_144, %mul3A_145 : i32
        %add3A_147 = arith.constant 0 : i32
        %add3A_148 = arith.addi %mul3A_146, %add3A_147 : i32
        %get3A = arith.index_cast %add3A_148 : i32 to index
        %get3A_149 = arith.constant 0 : index
        %get3A_150 = tpu.vector_load %arg9[%get3A, %get3A_149] {strides = array<i32>} : memref<128x64xf32, #tpu.memory_space<vmem>>, vector<16xf32>,
        %get3A_151 = arith.index_cast %add3A_148 : i32 to index
        %get3A_152 = arith.constant 16 : index
        %get3A_153 = tpu.vector_load %arg9[%get3A_151, %get3A_152] {strides = array<i32>} : memref<128x64xf32, #tpu.memory_space<vmem>>, vector<16xf32>,
        %get3A_154 = arith.index_cast %add3A_148 : i32 to index
        %get3A_155 = arith.constant 32 : index
        %get3A_156 = tpu.vector_load %arg9[%get3A_154, %get3A_155] {strides = array<i32>} : memref<128x64xf32, #tpu.memory_space<vmem>>, vector<16xf32>,
        %get3A_157 = arith.index_cast %add3A_148 : i32 to index
        %get3A_158 = arith.constant 48 : index
        %get3A_159 = tpu.vector_load %arg9[%get3A_157, %get3A_158] {strides = array<i32>} : memref<128x64xf32, #tpu.memory_space<vmem>>, vector<16xf32>,
        %get3A_160 = arith.constant 0 : i32
        %get3A_161 = arith.index_cast %get3A_160 : i32 to index
        %get3A_162 = arith.index_cast %add3A_148 : i32 to index
        %get3A_163 = arith.constant 0 : index
        %get3A_164 = tpu.vector_load %arg10[%get3A_161, %get3A_162, %get3A_163] {strides = array<i32>} : memref<5x128x64xf32, #tpu.memory_space<vmem>>, vector<16xf32>,
        %mul3A_165 = arith.mulf %get3A_150, %get3A_164 : vector<16xf32>
        %get3A_166 = arith.constant 0 : i32
        %get3A_167 = arith.index_cast %get3A_166 : i32 to index
        %get3A_168 = arith.index_cast %add3A_148 : i32 to index
        %get3A_169 = arith.constant 16 : index
        %get3A_170 = tpu.vector_load %arg10[%get3A_167, %get3A_168, %get3A_169] {strides = array<i32>} : memref<5x128x64xf32, #tpu.memory_space<vmem>>, vector<16xf32>,
        %mul3A_171 = arith.mulf %get3A_153, %get3A_170 : vector<16xf32>
        %add3A_172 = arith.addf %mul3A_165, %mul3A_171 : vector<16xf32>
        %get3A_173 = arith.constant 0 : i32
        %get3A_174 = arith.index_cast %get3A_173 : i32 to index
        %get3A_175 = arith.index_cast %add3A_148 : i32 to index
        %get3A_176 = arith.constant 32 : index
        %get3A_177 = tpu.vector_load %arg10[%get3A_174, %get3A_175, %get3A_176] {strides = array<i32>} : memref<5x128x64xf32, #tpu.memory_space<vmem>>, vector<16xf32>,
        %mul3A_178 = arith.mulf %get3A_156, %get3A_177 : vector<16xf32>
        %add3A_179 = arith.addf %add3A_172, %mul3A_178 : vector<16xf32>
        %get3A_180 = arith.constant 0 : i32
        %get3A_181 = arith.index_cast %get3A_180 : i32 to index
        %get3A_182 = arith.index_cast %add3A_148 : i32 to index
        %get3A_183 = arith.constant 48 : index
        %get3A_184 = tpu.vector_load %arg10[%get3A_181, %get3A_182, %get3A_183] {strides = array<i32>} : memref<5x128x64xf32, #tpu.memory_space<vmem>>, vector<16xf32>,
        %mul3A_185 = arith.mulf %get3A_159, %get3A_184 : vector<16xf32>
        %add3A_186 = arith.addf %add3A_179, %mul3A_185 : vector<16xf32>
        %mul3A_187 = arith.constant 16 : i32
        %mul3A_188 = vector.broadcast %mul3A_187 : i32 to vector<16xi32>
        %mul3A_189 = arith.muli %iota3A, %mul3A_188 : vector<16xi32>
        %add3A_190 = arith.constant 0 : i32
        %add3A_191 = vector.broadcast %add3A_190 : i32 to vector<16xi32>
        %add3A_192 = arith.addi %add3A_191, %mul3A_189 : vector<16xi32>
        %add3A_193 = arith.constant 0 : i32
        %add3A_194 = vector.broadcast %add3A_193 : i32 to vector<16xi32>
        %add3A_195 = arith.addi %add3A_192, %add3A_194 : vector<16xi32>
        tpu.vector_store_idx %arg12[%add3A_195], %add3A_186 : memref<1280xf32, #tpu.memory_space<vmem>>[vector<16xi32>], vector<16xf32>,
        %get3A_196 = arith.constant 1 : i32
        %get3A_197 = arith.index_cast %get3A_196 : i32 to index
        %get3A_198 = arith.index_cast %add3A_148 : i32 to index
        %get3A_199 = arith.constant 0 : index
        %get3A_200 = tpu.vector_load %arg10[%get3A_197, %get3A_198, %get3A_199] {strides = array<i32>} : memref<5x128x64xf32, #tpu.memory_space<vmem>>, vector<16xf32>,
        %mul3A_201 = arith.mulf %get3A_150, %get3A_200 : vector<16xf32>
        %get3A_202 = arith.constant 1 : i32
        %get3A_203 = arith.index_cast %get3A_202 : i32 to index
        %get3A_204 = arith.index_cast %add3A_148 : i32 to index
        %get3A_205 = arith.constant 16 : index
        %get3A_206 = tpu.vector_load %arg10[%get3A_203, %get3A_204, %get3A_205] {strides = array<i32>} : memref<5x128x64xf32, #tpu.memory_space<vmem>>, vector<16xf32>,
        %mul3A_207 = arith.mulf %get3A_153, %get3A_206 : vector<16xf32>
        %add3A_208 = arith.addf %mul3A_201, %mul3A_207 : vector<16xf32>
        %get3A_209 = arith.constant 1 : i32
        %get3A_210 = arith.index_cast %get3A_209 : i32 to index
        %get3A_211 = arith.index_cast %add3A_148 : i32 to index
        %get3A_212 = arith.constant 32 : index
        %get3A_213 = tpu.vector_load %arg10[%get3A_210, %get3A_211, %get3A_212] {strides = array<i32>} : memref<5x128x64xf32, #tpu.memory_space<vmem>>, vector<16xf32>,
        %mul3A_214 = arith.mulf %get3A_156, %get3A_213 : vector<16xf32>
        %add3A_215 = arith.addf %add3A_208, %mul3A_214 : vector<16xf32>
        %get3A_216 = arith.constant 1 : i32
        %get3A_217 = arith.index_cast %get3A_216 : i32 to index
        %get3A_218 = arith.index_cast %add3A_148 : i32 to index
        %get3A_219 = arith.constant 48 : index
        %get3A_220 = tpu.vector_load %arg10[%get3A_217, %get3A_218, %get3A_219] {strides = array<i32>} : memref<5x128x64xf32, #tpu.memory_space<vmem>>, vector<16xf32>,
        %mul3A_221 = arith.mulf %get3A_159, %get3A_220 : vector<16xf32>
        %add3A_222 = arith.addf %add3A_215, %mul3A_221 : vector<16xf32>
        %mul3A_223 = arith.constant 16 : i32
        %mul3A_224 = vector.broadcast %mul3A_223 : i32 to vector<16xi32>
        %mul3A_225 = arith.muli %iota3A, %mul3A_224 : vector<16xi32>
        %add3A_226 = arith.constant 256 : i32
        %add3A_227 = vector.broadcast %add3A_226 : i32 to vector<16xi32>
        %add3A_228 = arith.addi %add3A_227, %mul3A_225 : vector<16xi32>
        %add3A_229 = arith.constant 0 : i32
        %add3A_230 = vector.broadcast %add3A_229 : i32 to vector<16xi32>
        %add3A_231 = arith.addi %add3A_228, %add3A_230 : vector<16xi32>
        tpu.vector_store_idx %arg12[%add3A_231], %add3A_222 : memref<1280xf32, #tpu.memory_space<vmem>>[vector<16xi32>], vector<16xf32>,
        %get3A_232 = arith.constant 2 : i32
        %get3A_233 = arith.index_cast %get3A_232 : i32 to index
        %get3A_234 = arith.index_cast %add3A_148 : i32 to index
        %get3A_235 = arith.constant 0 : index
        %get3A_236 = tpu.vector_load %arg10[%get3A_233, %get3A_234, %get3A_235] {strides = array<i32>} : memref<5x128x64xf32, #tpu.memory_space<vmem>>, vector<16xf32>,
        %mul3A_237 = arith.mulf %get3A_150, %get3A_236 : vector<16xf32>
        %get3A_238 = arith.constant 2 : i32
        %get3A_239 = arith.index_cast %get3A_238 : i32 to index
        %get3A_240 = arith.index_cast %add3A_148 : i32 to index
        %get3A_241 = arith.constant 16 : index
        %get3A_242 = tpu.vector_load %arg10[%get3A_239, %get3A_240, %get3A_241] {strides = array<i32>} : memref<5x128x64xf32, #tpu.memory_space<vmem>>, vector<16xf32>,
        %mul3A_243 = arith.mulf %get3A_153, %get3A_242 : vector<16xf32>
        %add3A_244 = arith.addf %mul3A_237, %mul3A_243 : vector<16xf32>
        %get3A_245 = arith.constant 2 : i32
        %get3A_246 = arith.index_cast %get3A_245 : i32 to index
        %get3A_247 = arith.index_cast %add3A_148 : i32 to index
        %get3A_248 = arith.constant 32 : index
        %get3A_249 = tpu.vector_load %arg10[%get3A_246, %get3A_247, %get3A_248] {strides = array<i32>} : memref<5x128x64xf32, #tpu.memory_space<vmem>>, vector<16xf32>,
        %mul3A_250 = arith.mulf %get3A_156, %get3A_249 : vector<16xf32>
        %add3A_251 = arith.addf %add3A_244, %mul3A_250 : vector<16xf32>
        %get3A_252 = arith.constant 2 : i32
        %get3A_253 = arith.index_cast %get3A_252 : i32 to index
        %get3A_254 = arith.index_cast %add3A_148 : i32 to index
        %get3A_255 = arith.constant 48 : index
        %get3A_256 = tpu.vector_load %arg10[%get3A_253, %get3A_254, %get3A_255] {strides = array<i32>} : memref<5x128x64xf32, #tpu.memory_space<vmem>>, vector<16xf32>,
        %mul3A_257 = arith.mulf %get3A_159, %get3A_256 : vector<16xf32>
        %add3A_258 = arith.addf %add3A_251, %mul3A_257 : vector<16xf32>
        %mul3A_259 = arith.constant 16 : i32
        %mul3A_260 = vector.broadcast %mul3A_259 : i32 to vector<16xi32>
        %mul3A_261 = arith.muli %iota3A, %mul3A_260 : vector<16xi32>
        %add3A_262 = arith.constant 512 : i32
        %add3A_263 = vector.broadcast %add3A_262 : i32 to vector<16xi32>
        %add3A_264 = arith.addi %add3A_263, %mul3A_261 : vector<16xi32>
        %add3A_265 = arith.constant 0 : i32
        %add3A_266 = vector.broadcast %add3A_265 : i32 to vector<16xi32>
        %add3A_267 = arith.addi %add3A_264, %add3A_266 : vector<16xi32>
        tpu.vector_store_idx %arg12[%add3A_267], %add3A_258 : memref<1280xf32, #tpu.memory_space<vmem>>[vector<16xi32>], vector<16xf32>,
        %get3A_268 = arith.constant 3 : i32
        %get3A_269 = arith.index_cast %get3A_268 : i32 to index
        %get3A_270 = arith.index_cast %add3A_148 : i32 to index
        %get3A_271 = arith.constant 0 : index
        %get3A_272 = tpu.vector_load %arg10[%get3A_269, %get3A_270, %get3A_271] {strides = array<i32>} : memref<5x128x64xf32, #tpu.memory_space<vmem>>, vector<16xf32>,
        %mul3A_273 = arith.mulf %get3A_150, %get3A_272 : vector<16xf32>
        %get3A_274 = arith.constant 3 : i32
        %get3A_275 = arith.index_cast %get3A_274 : i32 to index
        %get3A_276 = arith.index_cast %add3A_148 : i32 to index
        %get3A_277 = arith.constant 16 : index
        %get3A_278 = tpu.vector_load %arg10[%get3A_275, %get3A_276, %get3A_277] {strides = array<i32>} : memref<5x128x64xf32, #tpu.memory_space<vmem>>, vector<16xf32>,
        %mul3A_279 = arith.mulf %get3A_153, %get3A_278 : vector<16xf32>
        %add3A_280 = arith.addf %mul3A_273, %mul3A_279 : vector<16xf32>
        %get3A_281 = arith.constant 3 : i32
        %get3A_282 = arith.index_cast %get3A_281 : i32 to index
        %get3A_283 = arith.index_cast %add3A_148 : i32 to index
        %get3A_284 = arith.constant 32 : index
        %get3A_285 = tpu.vector_load %arg10[%get3A_282, %get3A_283, %get3A_284] {strides = array<i32>} : memref<5x128x64xf32, #tpu.memory_space<vmem>>, vector<16xf32>,
        %mul3A_286 = arith.mulf %get3A_156, %get3A_285 : vector<16xf32>
        %add3A_287 = arith.addf %add3A_280, %mul3A_286 : vector<16xf32>
        %get3A_288 = arith.constant 3 : i32
        %get3A_289 = arith.index_cast %get3A_288 : i32 to index
        %get3A_290 = arith.index_cast %add3A_148 : i32 to index
        %get3A_291 = arith.constant 48 : index
        %get3A_292 = tpu.vector_load %arg10[%get3A_289, %get3A_290, %get3A_291] {strides = array<i32>} : memref<5x128x64xf32, #tpu.memory_space<vmem>>, vector<16xf32>,
        %mul3A_293 = arith.mulf %get3A_159, %get3A_292 : vector<16xf32>
        %add3A_294 = arith.addf %add3A_287, %mul3A_293 : vector<16xf32>
        %mul3A_295 = arith.constant 16 : i32
        %mul3A_296 = vector.broadcast %mul3A_295 : i32 to vector<16xi32>
        %mul3A_297 = arith.muli %iota3A, %mul3A_296 : vector<16xi32>
        %add3A_298 = arith.constant 768 : i32
        %add3A_299 = vector.broadcast %add3A_298 : i32 to vector<16xi32>
        %add3A_300 = arith.addi %add3A_299, %mul3A_297 : vector<16xi32>
        %add3A_301 = arith.constant 0 : i32
        %add3A_302 = vector.broadcast %add3A_301 : i32 to vector<16xi32>
        %add3A_303 = arith.addi %add3A_300, %add3A_302 : vector<16xi32>
        tpu.vector_store_idx %arg12[%add3A_303], %add3A_294 : memref<1280xf32, #tpu.memory_space<vmem>>[vector<16xi32>], vector<16xf32>,
        %get3A_304 = arith.constant 4 : i32
        %get3A_305 = arith.index_cast %get3A_304 : i32 to index
        %get3A_306 = arith.index_cast %add3A_148 : i32 to index
        %get3A_307 = arith.constant 0 : index
        %get3A_308 = tpu.vector_load %arg10[%get3A_305, %get3A_306, %get3A_307] {strides = array<i32>} : memref<5x128x64xf32, #tpu.memory_space<vmem>>, vector<16xf32>,
        %mul3A_309 = arith.mulf %get3A_150, %get3A_308 : vector<16xf32>
        %get3A_310 = arith.constant 4 : i32
        %get3A_311 = arith.index_cast %get3A_310 : i32 to index
        %get3A_312 = arith.index_cast %add3A_148 : i32 to index
        %get3A_313 = arith.constant 16 : index
        %get3A_314 = tpu.vector_load %arg10[%get3A_311, %get3A_312, %get3A_313] {strides = array<i32>} : memref<5x128x64xf32, #tpu.memory_space<vmem>>, vector<16xf32>,
        %mul3A_315 = arith.mulf %get3A_153, %get3A_314 : vector<16xf32>
        %add3A_316 = arith.addf %mul3A_309, %mul3A_315 : vector<16xf32>
        %get3A_317 = arith.constant 4 : i32
        %get3A_318 = arith.index_cast %get3A_317 : i32 to index
        %get3A_319 = arith.index_cast %add3A_148 : i32 to index
        %get3A_320 = arith.constant 32 : index
        %get3A_321 = tpu.vector_load %arg10[%get3A_318, %get3A_319, %get3A_320] {strides = array<i32>} : memref<5x128x64xf32, #tpu.memory_space<vmem>>, vector<16xf32>,
        %mul3A_322 = arith.mulf %get3A_156, %get3A_321 : vector<16xf32>
        %add3A_323 = arith.addf %add3A_316, %mul3A_322 : vector<16xf32>
        %get3A_324 = arith.constant 4 : i32
        %get3A_325 = arith.index_cast %get3A_324 : i32 to index
        %get3A_326 = arith.index_cast %add3A_148 : i32 to index
        %get3A_327 = arith.constant 48 : index
        %get3A_328 = tpu.vector_load %arg10[%get3A_325, %get3A_326, %get3A_327] {strides = array<i32>} : memref<5x128x64xf32, #tpu.memory_space<vmem>>, vector<16xf32>,
        %mul3A_329 = arith.mulf %get3A_159, %get3A_328 : vector<16xf32>
        %add3A_330 = arith.addf %add3A_323, %mul3A_329 : vector<16xf32>
        %mul3A_331 = arith.constant 16 : i32
        %mul3A_332 = vector.broadcast %mul3A_331 : i32 to vector<16xi32>
        %mul3A_333 = arith.muli %iota3A, %mul3A_332 : vector<16xi32>
        %add3A_334 = arith.constant 1024 : i32
        %add3A_335 = vector.broadcast %add3A_334 : i32 to vector<16xi32>
        %add3A_336 = arith.addi %add3A_335, %mul3A_333 : vector<16xi32>
        %add3A_337 = arith.constant 0 : i32
        %add3A_338 = vector.broadcast %add3A_337 : i32 to vector<16xi32>
        %add3A_339 = arith.addi %add3A_336, %add3A_338 : vector<16xi32>
        tpu.vector_store_idx %arg12[%add3A_339], %add3A_330 : memref<1280xf32, #tpu.memory_space<vmem>>[vector<16xi32>], vector<16xf32>,
        %mul3A_340 = arith.constant 16 : i32
        %mul3A_341 = arith.muli %scan3A_144, %mul3A_340 : i32
        %add3A_342 = arith.constant 1 : i32
        %add3A_343 = arith.addi %mul3A_341, %add3A_342 : i32
        %get3A_344 = arith.index_cast %add3A_343 : i32 to index
        %get3A_345 = arith.constant 0 : index
        %get3A_346 = tpu.vector_load %arg9[%get3A_344, %get3A_345] {strides = array<i32>} : memref<128x64xf32, #tpu.memory_space<vmem>>, vector<16xf32>,
        %get3A_347 = arith.index_cast %add3A_343 : i32 to index
        %get3A_348 = arith.constant 16 : index
        %get3A_349 = tpu.vector_load %arg9[%get3A_347, %get3A_348] {strides = array<i32>} : memref<128x64xf32, #tpu.memory_space<vmem>>, vector<16xf32>,
        %get3A_350 = arith.index_cast %add3A_343 : i32 to index
        %get3A_351 = arith.constant 32 : index
        %get3A_352 = tpu.vector_load %arg9[%get3A_350, %get3A_351] {strides = array<i32>} : memref<128x64xf32, #tpu.memory_space<vmem>>, vector<16xf32>,
        %get3A_353 = arith.index_cast %add3A_343 : i32 to index
        %get3A_354 = arith.constant 48 : index
        %get3A_355 = tpu.vector_load %arg9[%get3A_353, %get3A_354] {strides = array<i32>} : memref<128x64xf32, #tpu.memory_space<vmem>>, vector<16xf32>,
        %get3A_356 = arith.constant 0 : i32
        %get3A_357 = arith.index_cast %get3A_356 : i32 to index
        %get3A_358 = arith.index_cast %add3A_343 : i32 to index
        %get3A_359 = arith.constant 0 : index
        %get3A_360 = tpu.vector_load %arg10[%get3A_357, %get3A_358, %get3A_359] {strides = array<i32>} : memref<5x128x64xf32, #tpu.memory_space<vmem>>, vector<16xf32>,
        %mul3A_361 = arith.mulf %get3A_346, %get3A_360 : vector<16xf32>
        %get3A_362 = arith.constant 0 : i32
        %get3A_363 = arith.index_cast %get3A_362 : i32 to index
        %get3A_364 = arith.index_cast %add3A_343 : i32 to index
        %get3A_365 = arith.constant 16 : index
        %get3A_366 = tpu.vector_load %arg10[%get3A_363, %get3A_364, %get3A_365] {strides = array<i32>} : memref<5x128x64xf32, #tpu.memory_space<vmem>>, vector<16xf32>,
        %mul3A_367 = arith.mulf %get3A_349, %get3A_366 : vector<16xf32>
        %add3A_368 = arith.addf %mul3A_361, %mul3A_367 : vector<16xf32>
        %get3A_369 = arith.constant 0 : i32
        %get3A_370 = arith.index_cast %get3A_369 : i32 to index
        %get3A_371 = arith.index_cast %add3A_343 : i32 to index
        %get3A_372 = arith.constant 32 : index
        %get3A_373 = tpu.vector_load %arg10[%get3A_370, %get3A_371, %get3A_372] {strides = array<i32>} : memref<5x128x64xf32, #tpu.memory_space<vmem>>, vector<16xf32>,
        %mul3A_374 = arith.mulf %get3A_352, %get3A_373 : vector<16xf32>
        %add3A_375 = arith.addf %add3A_368, %mul3A_374 : vector<16xf32>
        %get3A_376 = arith.constant 0 : i32
        %get3A_377 = arith.index_cast %get3A_376 : i32 to index
        %get3A_378 = arith.index_cast %add3A_343 : i32 to index
        %get3A_379 = arith.constant 48 : index
        %get3A_380 = tpu.vector_load %arg10[%get3A_377, %get3A_378, %get3A_379] {strides = array<i32>} : memref<5x128x64xf32, #tpu.memory_space<vmem>>, vector<16xf32>,
        %mul3A_381 = arith.mulf %get3A_355, %get3A_380 : vector<16xf32>
        %add3A_382 = arith.addf %add3A_375, %mul3A_381 : vector<16xf32>
        %mul3A_383 = arith.constant 16 : i32
        %mul3A_384 = vector.broadcast %mul3A_383 : i32 to vector<16xi32>
        %mul3A_385 = arith.muli %iota3A, %mul3A_384 : vector<16xi32>
        %add3A_386 = arith.constant 0 : i32
        %add3A_387 = vector.broadcast %add3A_386 : i32 to vector<16xi32>
        %add3A_388 = arith.addi %add3A_387, %mul3A_385 : vector<16xi32>
        %add3A_389 = arith.constant 1 : i32
        %add3A_390 = vector.broadcast %add3A_389 : i32 to vector<16xi32>
        %add3A_391 = arith.addi %add3A_388, %add3A_390 : vector<16xi32>
        tpu.vector_store_idx %arg12[%add3A_391], %add3A_382 : memref<1280xf32, #tpu.memory_space<vmem>>[vector<16xi32>], vector<16xf32>,
        %get3A_392 = arith.constant 1 : i32
        %get3A_393 = arith.index_cast %get3A_392 : i32 to index
        %get3A_394 = arith.index_cast %add3A_343 : i32 to index
        %get3A_395 = arith.constant 0 : index
        %get3A_396 = tpu.vector_load %arg10[%get3A_393, %get3A_394, %get3A_395] {strides = array<i32>} : memref<5x128x64xf32, #tpu.memory_space<vmem>>, vector<16xf32>,
        %mul3A_397 = arith.mulf %get3A_346, %get3A_396 : vector<16xf32>
        %get3A_398 = arith.constant 1 : i32
        %get3A_399 = arith.index_cast %get3A_398 : i32 to index
        %get3A_400 = arith.index_cast %add3A_343 : i32 to index
        %get3A_401 = arith.constant 16 : index
        %get3A_402 = tpu.vector_load %arg10[%get3A_399, %get3A_400, %get3A_401] {strides = array<i32>} : memref<5x128x64xf32, #tpu.memory_space<vmem>>, vector<16xf32>,
        %mul3A_403 = arith.mulf %get3A_349, %get3A_402 : vector<16xf32>
        %add3A_404 = arith.addf %mul3A_397, %mul3A_403 : vector<16xf32>
        %get3A_405 = arith.constant 1 : i32
        %get3A_406 = arith.index_cast %get3A_405 : i32 to index
        %get3A_407 = arith.index_cast %add3A_343 : i32 to index
        %get3A_408 = arith.constant 32 : index
        %get3A_409 = tpu.vector_load %arg10[%get3A_406, %get3A_407, %get3A_408] {strides = array<i32>} : memref<5x128x64xf32, #tpu.memory_space<vmem>>, vector<16xf32>,
        %mul3A_410 = arith.mulf %get3A_352, %get3A_409 : vector<16xf32>
        %add3A_411 = arith.addf %add3A_404, %mul3A_410 : vector<16xf32>
        %get3A_412 = arith.constant 1 : i32
        %get3A_413 = arith.index_cast %get3A_412 : i32 to index
        %get3A_414 = arith.index_cast %add3A_343 : i32 to index
        %get3A_415 = arith.constant 48 : index
        %get3A_416 = tpu.vector_load %arg10[%get3A_413, %get3A_414, %get3A_415] {strides = array<i32>} : memref<5x128x64xf32, #tpu.memory_space<vmem>>, vector<16xf32>,
        %mul3A_417 = arith.mulf %get3A_355, %get3A_416 : vector<16xf32>
        %add3A_418 = arith.addf %add3A_411, %mul3A_417 : vector<16xf32>
        %mul3A_419 = arith.constant 16 : i32
        %mul3A_420 = vector.broadcast %mul3A_419 : i32 to vector<16xi32>
        %mul3A_421 = arith.muli %iota3A, %mul3A_420 : vector<16xi32>
        %add3A_422 = arith.constant 256 : i32
        %add3A_423 = vector.broadcast %add3A_422 : i32 to vector<16xi32>
        %add3A_424 = arith.addi %add3A_423, %mul3A_421 : vector<16xi32>
        %add3A_425 = arith.constant 1 : i32
        %add3A_426 = vector.broadcast %add3A_425 : i32 to vector<16xi32>
        %add3A_427 = arith.addi %add3A_424, %add3A_426 : vector<16xi32>
        tpu.vector_store_idx %arg12[%add3A_427], %add3A_418 : memref<1280xf32, #tpu.memory_space<vmem>>[vector<16xi32>], vector<16xf32>,
        %get3A_428 = arith.constant 2 : i32
        %get3A_429 = arith.index_cast %get3A_428 : i32 to index
        %get3A_430 = arith.index_cast %add3A_343 : i32 to index
        %get3A_431 = arith.constant 0 : index
        %get3A_432 = tpu.vector_load %arg10[%get3A_429, %get3A_430, %get3A_431] {strides = array<i32>} : memref<5x128x64xf32, #tpu.memory_space<vmem>>, vector<16xf32>,
        %mul3A_433 = arith.mulf %get3A_346, %get3A_432 : vector<16xf32>
        %get3A_434 = arith.constant 2 : i32
        %get3A_435 = arith.index_cast %get3A_434 : i32 to index
        %get3A_436 = arith.index_cast %add3A_343 : i32 to index
        %get3A_437 = arith.constant 16 : index
        %get3A_438 = tpu.vector_load %arg10[%get3A_435, %get3A_436, %get3A_437] {strides = array<i32>} : memref<5x128x64xf32, #tpu.memory_space<vmem>>, vector<16xf32>,
        %mul3A_439 = arith.mulf %get3A_349, %get3A_438 : vector<16xf32>
        %add3A_440 = arith.addf %mul3A_433, %mul3A_439 : vector<16xf32>
        %get3A_441 = arith.constant 2 : i32
        %get3A_442 = arith.index_cast %get3A_441 : i32 to index
        %get3A_443 = arith.index_cast %add3A_343 : i32 to index
        %get3A_444 = arith.constant 32 : index
        %get3A_445 = tpu.vector_load %arg10[%get3A_442, %get3A_443, %get3A_444] {strides = array<i32>} : memref<5x128x64xf32, #tpu.memory_space<vmem>>, vector<16xf32>,
        %mul3A_446 = arith.mulf %get3A_352, %get3A_445 : vector<16xf32>
        %add3A_447 = arith.addf %add3A_440, %mul3A_446 : vector<16xf32>
        %get3A_448 = arith.constant 2 : i32
        %get3A_449 = arith.index_cast %get3A_448 : i32 to index
        %get3A_450 = arith.index_cast %add3A_343 : i32 to index
        %get3A_451 = arith.constant 48 : index
        %get3A_452 = tpu.vector_load %arg10[%get3A_449, %get3A_450, %get3A_451] {strides = array<i32>} : memref<5x128x64xf32, #tpu.memory_space<vmem>>, vector<16xf32>,
        %mul3A_453 = arith.mulf %get3A_355, %get3A_452 : vector<16xf32>
        %add3A_454 = arith.addf %add3A_447, %mul3A_453 : vector<16xf32>
        %mul3A_455 = arith.constant 16 : i32
        %mul3A_456 = vector.broadcast %mul3A_455 : i32 to vector<16xi32>
        %mul3A_457 = arith.muli %iota3A, %mul3A_456 : vector<16xi32>
        %add3A_458 = arith.constant 512 : i32
        %add3A_459 = vector.broadcast %add3A_458 : i32 to vector<16xi32>
        %add3A_460 = arith.addi %add3A_459, %mul3A_457 : vector<16xi32>
        %add3A_461 = arith.constant 1 : i32
        %add3A_462 = vector.broadcast %add3A_461 : i32 to vector<16xi32>
        %add3A_463 = arith.addi %add3A_460, %add3A_462 : vector<16xi32>
        tpu.vector_store_idx %arg12[%add3A_463], %add3A_454 : memref<1280xf32, #tpu.memory_space<vmem>>[vector<16xi32>], vector<16xf32>,
        %get3A_464 = arith.constant 3 : i32
        %get3A_465 = arith.index_cast %get3A_464 : i32 to index
        %get3A_466 = arith.index_cast %add3A_343 : i32 to index
        %get3A_467 = arith.constant 0 : index
        %get3A_468 = tpu.vector_load %arg10[%get3A_465, %get3A_466, %get3A_467] {strides = array<i32>} : memref<5x128x64xf32, #tpu.memory_space<vmem>>, vector<16xf32>,
        %mul3A_469 = arith.mulf %get3A_346, %get3A_468 : vector<16xf32>
        %get3A_470 = arith.constant 3 : i32
        %get3A_471 = arith.index_cast %get3A_470 : i32 to index
        %get3A_472 = arith.index_cast %add3A_343 : i32 to index
        %get3A_473 = arith.constant 16 : index
        %get3A_474 = tpu.vector_load %arg10[%get3A_471, %get3A_472, %get3A_473] {strides = array<i32>} : memref<5x128x64xf32, #tpu.memory_space<vmem>>, vector<16xf32>,
        %mul3A_475 = arith.mulf %get3A_349, %get3A_474 : vector<16xf32>
        %add3A_476 = arith.addf %mul3A_469, %mul3A_475 : vector<16xf32>
        %get3A_477 = arith.constant 3 : i32
        %get3A_478 = arith.index_cast %get3A_477 : i32 to index
        %get3A_479 = arith.index_cast %add3A_343 : i32 to index
        %get3A_480 = arith.constant 32 : index
        %get3A_481 = tpu.vector_load %arg10[%get3A_478, %get3A_479, %get3A_480] {strides = array<i32>} : memref<5x128x64xf32, #tpu.memory_space<vmem>>, vector<16xf32>,
        %mul3A_482 = arith.mulf %get3A_352, %get3A_481 : vector<16xf32>
        %add3A_483 = arith.addf %add3A_476, %mul3A_482 : vector<16xf32>
        %get3A_484 = arith.constant 3 : i32
        %get3A_485 = arith.index_cast %get3A_484 : i32 to index
        %get3A_486 = arith.index_cast %add3A_343 : i32 to index
        %get3A_487 = arith.constant 48 : index
        %get3A_488 = tpu.vector_load %arg10[%get3A_485, %get3A_486, %get3A_487] {strides = array<i32>} : memref<5x128x64xf32, #tpu.memory_space<vmem>>, vector<16xf32>,
        %mul3A_489 = arith.mulf %get3A_355, %get3A_488 : vector<16xf32>
        %add3A_490 = arith.addf %add3A_483, %mul3A_489 : vector<16xf32>
        %mul3A_491 = arith.constant 16 : i32
        %mul3A_492 = vector.broadcast %mul3A_491 : i32 to vector<16xi32>
        %mul3A_493 = arith.muli %iota3A, %mul3A_492 : vector<16xi32>
        %add3A_494 = arith.constant 768 : i32
        %add3A_495 = vector.broadcast %add3A_494 : i32 to vector<16xi32>
        %add3A_496 = arith.addi %add3A_495, %mul3A_493 : vector<16xi32>
        %add3A_497 = arith.constant 1 : i32
        %add3A_498 = vector.broadcast %add3A_497 : i32 to vector<16xi32>
        %add3A_499 = arith.addi %add3A_496, %add3A_498 : vector<16xi32>
        tpu.vector_store_idx %arg12[%add3A_499], %add3A_490 : memref<1280xf32, #tpu.memory_space<vmem>>[vector<16xi32>], vector<16xf32>,
        %get3A_500 = arith.constant 4 : i32
        %get3A_501 = arith.index_cast %get3A_500 : i32 to index
        %get3A_502 = arith.index_cast %add3A_343 : i32 to index
        %get3A_503 = arith.constant 0 : index
        %get3A_504 = tpu.vector_load %arg10[%get3A_501, %get3A_502, %get3A_503] {strides = array<i32>} : memref<5x128x64xf32, #tpu.memory_space<vmem>>, vector<16xf32>,
        %mul3A_505 = arith.mulf %get3A_346, %get3A_504 : vector<16xf32>
        %get3A_506 = arith.constant 4 : i32
        %get3A_507 = arith.index_cast %get3A_506 : i32 to index
        %get3A_508 = arith.index_cast %add3A_343 : i32 to index
        %get3A_509 = arith.constant 16 : index
        %get3A_510 = tpu.vector_load %arg10[%get3A_507, %get3A_508, %get3A_509] {strides = array<i32>} : memref<5x128x64xf32, #tpu.memory_space<vmem>>, vector<16xf32>,
        %mul3A_511 = arith.mulf %get3A_349, %get3A_510 : vector<16xf32>
        %add3A_512 = arith.addf %mul3A_505, %mul3A_511 : vector<16xf32>
        %get3A_513 = arith.constant 4 : i32
        %get3A_514 = arith.index_cast %get3A_513 : i32 to index
        %get3A_515 = arith.index_cast %add3A_343 : i32 to index
        %get3A_516 = arith.constant 32 : index
        %get3A_517 = tpu.vector_load %arg10[%get3A_514, %get3A_515, %get3A_516] {strides = array<i32>} : memref<5x128x64xf32, #tpu.memory_space<vmem>>, vector<16xf32>,
        %mul3A_518 = arith.mulf %get3A_352, %get3A_517 : vector<16xf32>
        %add3A_519 = arith.addf %add3A_512, %mul3A_518 : vector<16xf32>
        %get3A_520 = arith.constant 4 : i32
        %get3A_521 = arith.index_cast %get3A_520 : i32 to index
        %get3A_522 = arith.index_cast %add3A_343 : i32 to index
        %get3A_523 = arith.constant 48 : index
        %get3A_524 = tpu.vector_load %arg10[%get3A_521, %get3A_522, %get3A_523] {strides = array<i32>} : memref<5x128x64xf32, #tpu.memory_space<vmem>>, vector<16xf32>,
        %mul3A_525 = arith.mulf %get3A_355, %get3A_524 : vector<16xf32>
        %add3A_526 = arith.addf %add3A_519, %mul3A_525 : vector<16xf32>
        %mul3A_527 = arith.constant 16 : i32
        %mul3A_528 = vector.broadcast %mul3A_527 : i32 to vector<16xi32>
        %mul3A_529 = arith.muli %iota3A, %mul3A_528 : vector<16xi32>
        %add3A_530 = arith.constant 1024 : i32
        %add3A_531 = vector.broadcast %add3A_530 : i32 to vector<16xi32>
        %add3A_532 = arith.addi %add3A_531, %mul3A_529 : vector<16xi32>
        %add3A_533 = arith.constant 1 : i32
        %add3A_534 = vector.broadcast %add3A_533 : i32 to vector<16xi32>
        %add3A_535 = arith.addi %add3A_532, %add3A_534 : vector<16xi32>
        tpu.vector_store_idx %arg12[%add3A_535], %add3A_526 : memref<1280xf32, #tpu.memory_space<vmem>>[vector<16xi32>], vector<16xf32>,
        %mul3A_536 = arith.constant 16 : i32
        %mul3A_537 = arith.muli %scan3A_144, %mul3A_536 : i32
        %add3A_538 = arith.constant 2 : i32
        %add3A_539 = arith.addi %mul3A_537, %add3A_538 : i32
        %get3A_540 = arith.index_cast %add3A_539 : i32 to index
        %get3A_541 = arith.constant 0 : index
        %get3A_542 = tpu.vector_load %arg9[%get3A_540, %get3A_541] {strides = array<i32>} : memref<128x64xf32, #tpu.memory_space<vmem>>, vector<16xf32>,
        %get3A_543 = arith.index_cast %add3A_539 : i32 to index
        %get3A_544 = arith.constant 16 : index
        %get3A_545 = tpu.vector_load %arg9[%get3A_543, %get3A_544] {strides = array<i32>} : memref<128x64xf32, #tpu.memory_space<vmem>>, vector<16xf32>,
        %get3A_546 = arith.index_cast %add3A_539 : i32 to index
        %get3A_547 = arith.constant 32 : index
        %get3A_548 = tpu.vector_load %arg9[%get3A_546, %get3A_547] {strides = array<i32>} : memref<128x64xf32, #tpu.memory_space<vmem>>, vector<16xf32>,
        %get3A_549 = arith.index_cast %add3A_539 : i32 to index
        %get3A_550 = arith.constant 48 : index
        %get3A_551 = tpu.vector_load %arg9[%get3A_549, %get3A_550] {strides = array<i32>} : memref<128x64xf32, #tpu.memory_space<vmem>>, vector<16xf32>,
        %get3A_552 = arith.constant 0 : i32
        %get3A_553 = arith.index_cast %get3A_552 : i32 to index
        %get3A_554 = arith.index_cast %add3A_539 : i32 to index
        %get3A_555 = arith.constant 0 : index
        %get3A_556 = tpu.vector_load %arg10[%get3A_553, %get3A_554, %get3A_555] {strides = array<i32>} : memref<5x128x64xf32, #tpu.memory_space<vmem>>, vector<16xf32>,
        %mul3A_557 = arith.mulf %get3A_542, %get3A_556 : vector<16xf32>
        %get3A_558 = arith.constant 0 : i32
        %get3A_559 = arith.index_cast %get3A_558 : i32 to index
        %get3A_560 = arith.index_cast %add3A_539 : i32 to index
        %get3A_561 = arith.constant 16 : index
        %get3A_562 = tpu.vector_load %arg10[%get3A_559, %get3A_560, %get3A_561] {strides = array<i32>} : memref<5x128x64xf32, #tpu.memory_space<vmem>>, vector<16xf32>,
        %mul3A_563 = arith.mulf %get3A_545, %get3A_562 : vector<16xf32>
        %add3A_564 = arith.addf %mul3A_557, %mul3A_563 : vector<16xf32>
        %get3A_565 = arith.constant 0 : i32
        %get3A_566 = arith.index_cast %get3A_565 : i32 to index
        %get3A_567 = arith.index_cast %add3A_539 : i32 to index
        %get3A_568 = arith.constant 32 : index
        %get3A_569 = tpu.vector_load %arg10[%get3A_566, %get3A_567, %get3A_568] {strides = array<i32>} : memref<5x128x64xf32, #tpu.memory_space<vmem>>, vector<16xf32>,
        %mul3A_570 = arith.mulf %get3A_548, %get3A_569 : vector<16xf32>
        %add3A_571 = arith.addf %add3A_564, %mul3A_570 : vector<16xf32>
        %get3A_572 = arith.constant 0 : i32
        %get3A_573 = arith.index_cast %get3A_572 : i32 to index
        %get3A_574 = arith.index_cast %add3A_539 : i32 to index
        %get3A_575 = arith.constant 48 : index
        %get3A_576 = tpu.vector_load %arg10[%get3A_573, %get3A_574, %get3A_575] {strides = array<i32>} : memref<5x128x64xf32, #tpu.memory_space<vmem>>, vector<16xf32>,
        %mul3A_577 = arith.mulf %get3A_551, %get3A_576 : vector<16xf32>
        %add3A_578 = arith.addf %add3A_571, %mul3A_577 : vector<16xf32>
        %mul3A_579 = arith.constant 16 : i32
        %mul3A_580 = vector.broadcast %mul3A_579 : i32 to vector<16xi32>
        %mul3A_581 = arith.muli %iota3A, %mul3A_580 : vector<16xi32>
        %add3A_582 = arith.constant 0 : i32
        %add3A_583 = vector.broadcast %add3A_582 : i32 to vector<16xi32>
        %add3A_584 = arith.addi %add3A_583, %mul3A_581 : vector<16xi32>
        %add3A_585 = arith.constant 2 : i32
        %add3A_586 = vector.broadcast %add3A_585 : i32 to vector<16xi32>
        %add3A_587 = arith.addi %add3A_584, %add3A_586 : vector<16xi32>
        tpu.vector_store_idx %arg12[%add3A_587], %add3A_578 : memref<1280xf32, #tpu.memory_space<vmem>>[vector<16xi32>], vector<16xf32>,
        %get3A_588 = arith.constant 1 : i32
        %get3A_589 = arith.index_cast %get3A_588 : i32 to index
        %get3A_590 = arith.index_cast %add3A_539 : i32 to index
        %get3A_591 = arith.constant 0 : index
        %get3A_592 = tpu.vector_load %arg10[%get3A_589, %get3A_590, %get3A_591] {strides = array<i32>} : memref<5x128x64xf32, #tpu.memory_space<vmem>>, vector<16xf32>,
        %mul3A_593 = arith.mulf %get3A_542, %get3A_592 : vector<16xf32>
        %get3A_594 = arith.constant 1 : i32
        %get3A_595 = arith.index_cast %get3A_594 : i32 to index
        %get3A_596 = arith.index_cast %add3A_539 : i32 to index
        %get3A_597 = arith.constant 16 : index
        %get3A_598 = tpu.vector_load %arg10[%get3A_595, %get3A_596, %get3A_597] {strides = array<i32>} : memref<5x128x64xf32, #tpu.memory_space<vmem>>, vector<16xf32>,
        %mul3A_599 = arith.mulf %get3A_545, %get3A_598 : vector<16xf32>
        %add3A_600 = arith.addf %mul3A_593, %mul3A_599 : vector<16xf32>
        %get3A_601 = arith.constant 1 : i32
        %get3A_602 = arith.index_cast %get3A_601 : i32 to index
        %get3A_603 = arith.index_cast %add3A_539 : i32 to index
        %get3A_604 = arith.constant 32 : index
        %get3A_605 = tpu.vector_load %arg10[%get3A_602, %get3A_603, %get3A_604] {strides = array<i32>} : memref<5x128x64xf32, #tpu.memory_space<vmem>>, vector<16xf32>,
        %mul3A_606 = arith.mulf %get3A_548, %get3A_605 : vector<16xf32>
        %add3A_607 = arith.addf %add3A_600, %mul3A_606 : vector<16xf32>
        %get3A_608 = arith.constant 1 : i32
        %get3A_609 = arith.index_cast %get3A_608 : i32 to index
        %get3A_610 = arith.index_cast %add3A_539 : i32 to index
        %get3A_611 = arith.constant 48 : index
        %get3A_612 = tpu.vector_load %arg10[%get3A_609, %get3A_610, %get3A_611] {strides = array<i32>} : memref<5x128x64xf32, #tpu.memory_space<vmem>>, vector<16xf32>,
        %mul3A_613 = arith.mulf %get3A_551, %get3A_612 : vector<16xf32>
        %add3A_614 = arith.addf %add3A_607, %mul3A_613 : vector<16xf32>
        %mul3A_615 = arith.constant 16 : i32
        %mul3A_616 = vector.broadcast %mul3A_615 : i32 to vector<16xi32>
        %mul3A_617 = arith.muli %iota3A, %mul3A_616 : vector<16xi32>
        %add3A_618 = arith.constant 256 : i32
        %add3A_619 = vector.broadcast %add3A_618 : i32 to vector<16xi32>
        %add3A_620 = arith.addi %add3A_619, %mul3A_617 : vector<16xi32>
        %add3A_621 = arith.constant 2 : i32
        %add3A_622 = vector.broadcast %add3A_621 : i32 to vector<16xi32>
        %add3A_623 = arith.addi %add3A_620, %add3A_622 : vector<16xi32>
        tpu.vector_store_idx %arg12[%add3A_623], %add3A_614 : memref<1280xf32, #tpu.memory_space<vmem>>[vector<16xi32>], vector<16xf32>,
        %get3A_624 = arith.constant 2 : i32
        %get3A_625 = arith.index_cast %get3A_624 : i32 to index
        %get3A_626 = arith.index_cast %add3A_539 : i32 to index
        %get3A_627 = arith.constant 0 : index
        %get3A_628 = tpu.vector_load %arg10[%get3A_625, %get3A_626, %get3A_627] {strides = array<i32>} : memref<5x128x64xf32, #tpu.memory_space<vmem>>, vector<16xf32>,
        %mul3A_629 = arith.mulf %get3A_542, %get3A_628 : vector<16xf32>
        %get3A_630 = arith.constant 2 : i32
        %get3A_631 = arith.index_cast %get3A_630 : i32 to index
        %get3A_632 = arith.index_cast %add3A_539 : i32 to index
        %get3A_633 = arith.constant 16 : index
        %get3A_634 = tpu.vector_load %arg10[%get3A_631, %get3A_632, %get3A_633] {strides = array<i32>} : memref<5x128x64xf32, #tpu.memory_space<vmem>>, vector<16xf32>,
        %mul3A_635 = arith.mulf %get3A_545, %get3A_634 : vector<16xf32>
        %add3A_636 = arith.addf %mul3A_629, %mul3A_635 : vector<16xf32>
        %get3A_637 = arith.constant 2 : i32
        %get3A_638 = arith.index_cast %get3A_637 : i32 to index
        %get3A_639 = arith.index_cast %add3A_539 : i32 to index
        %get3A_640 = arith.constant 32 : index
        %get3A_641 = tpu.vector_load %arg10[%get3A_638, %get3A_639, %get3A_640] {strides = array<i32>} : memref<5x128x64xf32, #tpu.memory_space<vmem>>, vector<16xf32>,
        %mul3A_642 = arith.mulf %get3A_548, %get3A_641 : vector<16xf32>
        %add3A_643 = arith.addf %add3A_636, %mul3A_642 : vector<16xf32>
        %get3A_644 = arith.constant 2 : i32
        %get3A_645 = arith.index_cast %get3A_644 : i32 to index
        %get3A_646 = arith.index_cast %add3A_539 : i32 to index
        %get3A_647 = arith.constant 48 : index
        %get3A_648 = tpu.vector_load %arg10[%get3A_645, %get3A_646, %get3A_647] {strides = array<i32>} : memref<5x128x64xf32, #tpu.memory_space<vmem>>, vector<16xf32>,
        %mul3A_649 = arith.mulf %get3A_551, %get3A_648 : vector<16xf32>
        %add3A_650 = arith.addf %add3A_643, %mul3A_649 : vector<16xf32>
        %mul3A_651 = arith.constant 16 : i32
        %mul3A_652 = vector.broadcast %mul3A_651 : i32 to vector<16xi32>
        %mul3A_653 = arith.muli %iota3A, %mul3A_652 : vector<16xi32>
        %add3A_654 = arith.constant 512 : i32
        %add3A_655 = vector.broadcast %add3A_654 : i32 to vector<16xi32>
        %add3A_656 = arith.addi %add3A_655, %mul3A_653 : vector<16xi32>
        %add3A_657 = arith.constant 2 : i32
        %add3A_658 = vector.broadcast %add3A_657 : i32 to vector<16xi32>
        %add3A_659 = arith.addi %add3A_656, %add3A_658 : vector<16xi32>
        tpu.vector_store_idx %arg12[%add3A_659], %add3A_650 : memref<1280xf32, #tpu.memory_space<vmem>>[vector<16xi32>], vector<16xf32>,
        %get3A_660 = arith.constant 3 : i32
        %get3A_661 = arith.index_cast %get3A_660 : i32 to index
        %get3A_662 = arith.index_cast %add3A_539 : i32 to index
        %get3A_663 = arith.constant 0 : index
        %get3A_664 = tpu.vector_load %arg10[%get3A_661, %get3A_662, %get3A_663] {strides = array<i32>} : memref<5x128x64xf32, #tpu.memory_space<vmem>>, vector<16xf32>,
        %mul3A_665 = arith.mulf %get3A_542, %get3A_664 : vector<16xf32>
        %get3A_666 = arith.constant 3 : i32
        %get3A_667 = arith.index_cast %get3A_666 : i32 to index
        %get3A_668 = arith.index_cast %add3A_539 : i32 to index
        %get3A_669 = arith.constant 16 : index
        %get3A_670 = tpu.vector_load %arg10[%get3A_667, %get3A_668, %get3A_669] {strides = array<i32>} : memref<5x128x64xf32, #tpu.memory_space<vmem>>, vector<16xf32>,
        %mul3A_671 = arith.mulf %get3A_545, %get3A_670 : vector<16xf32>
        %add3A_672 = arith.addf %mul3A_665, %mul3A_671 : vector<16xf32>
        %get3A_673 = arith.constant 3 : i32
        %get3A_674 = arith.index_cast %get3A_673 : i32 to index
        %get3A_675 = arith.index_cast %add3A_539 : i32 to index
        %get3A_676 = arith.constant 32 : index
        %get3A_677 = tpu.vector_load %arg10[%get3A_674, %get3A_675, %get3A_676] {strides = array<i32>} : memref<5x128x64xf32, #tpu.memory_space<vmem>>, vector<16xf32>,
        %mul3A_678 = arith.mulf %get3A_548, %get3A_677 : vector<16xf32>
        %add3A_679 = arith.addf %add3A_672, %mul3A_678 : vector<16xf32>
        %get3A_680 = arith.constant 3 : i32
        %get3A_681 = arith.index_cast %get3A_680 : i32 to index
        %get3A_682 = arith.index_cast %add3A_539 : i32 to index
        %get3A_683 = arith.constant 48 : index
        %get3A_684 = tpu.vector_load %arg10[%get3A_681, %get3A_682, %get3A_683] {strides = array<i32>} : memref<5x128x64xf32, #tpu.memory_space<vmem>>, vector<16xf32>,
        %mul3A_685 = arith.mulf %get3A_551, %get3A_684 : vector<16xf32>
        %add3A_686 = arith.addf %add3A_679, %mul3A_685 : vector<16xf32>
        %mul3A_687 = arith.constant 16 : i32
        %mul3A_688 = vector.broadcast %mul3A_687 : i32 to vector<16xi32>
        %mul3A_689 = arith.muli %iota3A, %mul3A_688 : vector<16xi32>
        %add3A_690 = arith.constant 768 : i32
        %add3A_691 = vector.broadcast %add3A_690 : i32 to vector<16xi32>
        %add3A_692 = arith.addi %add3A_691, %mul3A_689 : vector<16xi32>
        %add3A_693 = arith.constant 2 : i32
        %add3A_694 = vector.broadcast %add3A_693 : i32 to vector<16xi32>
        %add3A_695 = arith.addi %add3A_692, %add3A_694 : vector<16xi32>
        tpu.vector_store_idx %arg12[%add3A_695], %add3A_686 : memref<1280xf32, #tpu.memory_space<vmem>>[vector<16xi32>], vector<16xf32>,
        %get3A_696 = arith.constant 4 : i32
        %get3A_697 = arith.index_cast %get3A_696 : i32 to index
        %get3A_698 = arith.index_cast %add3A_539 : i32 to index
        %get3A_699 = arith.constant 0 : index
        %get3A_700 = tpu.vector_load %arg10[%get3A_697, %get3A_698, %get3A_699] {strides = array<i32>} : memref<5x128x64xf32, #tpu.memory_space<vmem>>, vector<16xf32>,
        %mul3A_701 = arith.mulf %get3A_542, %get3A_700 : vector<16xf32>
        %get3A_702 = arith.constant 4 : i32
        %get3A_703 = arith.index_cast %get3A_702 : i32 to index
        %get3A_704 = arith.index_cast %add3A_539 : i32 to index
        %get3A_705 = arith.constant 16 : index
        %get3A_706 = tpu.vector_load %arg10[%get3A_703, %get3A_704, %get3A_705] {strides = array<i32>} : memref<5x128x64xf32, #tpu.memory_space<vmem>>, vector<16xf32>,
        %mul3A_707 = arith.mulf %get3A_545, %get3A_706 : vector<16xf32>
        %add3A_708 = arith.addf %mul3A_701, %mul3A_707 : vector<16xf32>
        %get3A_709 = arith.constant 4 : i32
        %get3A_710 = arith.index_cast %get3A_709 : i32 to index
        %get3A_711 = arith.index_cast %add3A_539 : i32 to index
        %get3A_712 = arith.constant 32 : index
        %get3A_713 = tpu.vector_load %arg10[%get3A_710, %get3A_711, %get3A_712] {strides = array<i32>} : memref<5x128x64xf32, #tpu.memory_space<vmem>>, vector<16xf32>,
        %mul3A_714 = arith.mulf %get3A_548, %get3A_713 : vector<16xf32>
        %add3A_715 = arith.addf %add3A_708, %mul3A_714 : vector<16xf32>
        %get3A_716 = arith.constant 4 : i32
        %get3A_717 = arith.index_cast %get3A_716 : i32 to index
        %get3A_718 = arith.index_cast %add3A_539 : i32 to index
        %get3A_719 = arith.constant 48 : index
        %get3A_720 = tpu.vector_load %arg10[%get3A_717, %get3A_718, %get3A_719] {strides = array<i32>} : memref<5x128x64xf32, #tpu.memory_space<vmem>>, vector<16xf32>,
        %mul3A_721 = arith.mulf %get3A_551, %get3A_720 : vector<16xf32>
        %add3A_722 = arith.addf %add3A_715, %mul3A_721 : vector<16xf32>
        %mul3A_723 = arith.constant 16 : i32
        %mul3A_724 = vector.broadcast %mul3A_723 : i32 to vector<16xi32>
        %mul3A_725 = arith.muli %iota3A, %mul3A_724 : vector<16xi32>
        %add3A_726 = arith.constant 1024 : i32
        %add3A_727 = vector.broadcast %add3A_726 : i32 to vector<16xi32>
        %add3A_728 = arith.addi %add3A_727, %mul3A_725 : vector<16xi32>
        %add3A_729 = arith.constant 2 : i32
        %add3A_730 = vector.broadcast %add3A_729 : i32 to vector<16xi32>
        %add3A_731 = arith.addi %add3A_728, %add3A_730 : vector<16xi32>
        tpu.vector_store_idx %arg12[%add3A_731], %add3A_722 : memref<1280xf32, #tpu.memory_space<vmem>>[vector<16xi32>], vector<16xf32>,
        %mul3A_732 = arith.constant 16 : i32
        %mul3A_733 = arith.muli %scan3A_144, %mul3A_732 : i32
        %add3A_734 = arith.constant 3 : i32
        %add3A_735 = arith.addi %mul3A_733, %add3A_734 : i32
        %get3A_736 = arith.index_cast %add3A_735 : i32 to index
        %get3A_737 = arith.constant 0 : index
        %get3A_738 = tpu.vector_load %arg9[%get3A_736, %get3A_737] {strides = array<i32>} : memref<128x64xf32, #tpu.memory_space<vmem>>, vector<16xf32>,
        %get3A_739 = arith.index_cast %add3A_735 : i32 to index
        %get3A_740 = arith.constant 16 : index
        %get3A_741 = tpu.vector_load %arg9[%get3A_739, %get3A_740] {strides = array<i32>} : memref<128x64xf32, #tpu.memory_space<vmem>>, vector<16xf32>,
        %get3A_742 = arith.index_cast %add3A_735 : i32 to index
        %get3A_743 = arith.constant 32 : index
        %get3A_744 = tpu.vector_load %arg9[%get3A_742, %get3A_743] {strides = array<i32>} : memref<128x64xf32, #tpu.memory_space<vmem>>, vector<16xf32>,
        %get3A_745 = arith.index_cast %add3A_735 : i32 to index
        %get3A_746 = arith.constant 48 : index
        %get3A_747 = tpu.vector_load %arg9[%get3A_745, %get3A_746] {strides = array<i32>} : memref<128x64xf32, #tpu.memory_space<vmem>>, vector<16xf32>,
        %get3A_748 = arith.constant 0 : i32
        %get3A_749 = arith.index_cast %get3A_748 : i32 to index
        %get3A_750 = arith.index_cast %add3A_735 : i32 to index
        %get3A_751 = arith.constant 0 : index
        %get3A_752 = tpu.vector_load %arg10[%get3A_749, %get3A_750, %get3A_751] {strides = array<i32>} : memref<5x128x64xf32, #tpu.memory_space<vmem>>, vector<16xf32>,
        %mul3A_753 = arith.mulf %get3A_738, %get3A_752 : vector<16xf32>
        %get3A_754 = arith.constant 0 : i32
        %get3A_755 = arith.index_cast %get3A_754 : i32 to index
        %get3A_756 = arith.index_cast %add3A_735 : i32 to index
        %get3A_757 = arith.constant 16 : index
        %get3A_758 = tpu.vector_load %arg10[%get3A_755, %get3A_756, %get3A_757] {strides = array<i32>} : memref<5x128x64xf32, #tpu.memory_space<vmem>>, vector<16xf32>,
        %mul3A_759 = arith.mulf %get3A_741, %get3A_758 : vector<16xf32>
        %add3A_760 = arith.addf %mul3A_753, %mul3A_759 : vector<16xf32>
        %get3A_761 = arith.constant 0 : i32
        %get3A_762 = arith.index_cast %get3A_761 : i32 to index
        %get3A_763 = arith.index_cast %add3A_735 : i32 to index
        %get3A_764 = arith.constant 32 : index
        %get3A_765 = tpu.vector_load %arg10[%get3A_762, %get3A_763, %get3A_764] {strides = array<i32>} : memref<5x128x64xf32, #tpu.memory_space<vmem>>, vector<16xf32>,
        %mul3A_766 = arith.mulf %get3A_744, %get3A_765 : vector<16xf32>
        %add3A_767 = arith.addf %add3A_760, %mul3A_766 : vector<16xf32>
        %get3A_768 = arith.constant 0 : i32
        %get3A_769 = arith.index_cast %get3A_768 : i32 to index
        %get3A_770 = arith.index_cast %add3A_735 : i32 to index
        %get3A_771 = arith.constant 48 : index
        %get3A_772 = tpu.vector_load %arg10[%get3A_769, %get3A_770, %get3A_771] {strides = array<i32>} : memref<5x128x64xf32, #tpu.memory_space<vmem>>, vector<16xf32>,
        %mul3A_773 = arith.mulf %get3A_747, %get3A_772 : vector<16xf32>
        %add3A_774 = arith.addf %add3A_767, %mul3A_773 : vector<16xf32>
        %mul3A_775 = arith.constant 16 : i32
        %mul3A_776 = vector.broadcast %mul3A_775 : i32 to vector<16xi32>
        %mul3A_777 = arith.muli %iota3A, %mul3A_776 : vector<16xi32>
        %add3A_778 = arith.constant 0 : i32
        %add3A_779 = vector.broadcast %add3A_778 : i32 to vector<16xi32>
        %add3A_780 = arith.addi %add3A_779, %mul3A_777 : vector<16xi32>
        %add3A_781 = arith.constant 3 : i32
        %add3A_782 = vector.broadcast %add3A_781 : i32 to vector<16xi32>
        %add3A_783 = arith.addi %add3A_780, %add3A_782 : vector<16xi32>
        tpu.vector_store_idx %arg12[%add3A_783], %add3A_774 : memref<1280xf32, #tpu.memory_space<vmem>>[vector<16xi32>], vector<16xf32>,
        %get3A_784 = arith.constant 1 : i32
        %get3A_785 = arith.index_cast %get3A_784 : i32 to index
        %get3A_786 = arith.index_cast %add3A_735 : i32 to index
        %get3A_787 = arith.constant 0 : index
        %get3A_788 = tpu.vector_load %arg10[%get3A_785, %get3A_786, %get3A_787] {strides = array<i32>} : memref<5x128x64xf32, #tpu.memory_space<vmem>>, vector<16xf32>,
        %mul3A_789 = arith.mulf %get3A_738, %get3A_788 : vector<16xf32>
        %get3A_790 = arith.constant 1 : i32
        %get3A_791 = arith.index_cast %get3A_790 : i32 to index
        %get3A_792 = arith.index_cast %add3A_735 : i32 to index
        %get3A_793 = arith.constant 16 : index
        %get3A_794 = tpu.vector_load %arg10[%get3A_791, %get3A_792, %get3A_793] {strides = array<i32>} : memref<5x128x64xf32, #tpu.memory_space<vmem>>, vector<16xf32>,
        %mul3A_795 = arith.mulf %get3A_741, %get3A_794 : vector<16xf32>
        %add3A_796 = arith.addf %mul3A_789, %mul3A_795 : vector<16xf32>
        %get3A_797 = arith.constant 1 : i32
        %get3A_798 = arith.index_cast %get3A_797 : i32 to index
        %get3A_799 = arith.index_cast %add3A_735 : i32 to index
        %get3A_800 = arith.constant 32 : index
        %get3A_801 = tpu.vector_load %arg10[%get3A_798, %get3A_799, %get3A_800] {strides = array<i32>} : memref<5x128x64xf32, #tpu.memory_space<vmem>>, vector<16xf32>,
        %mul3A_802 = arith.mulf %get3A_744, %get3A_801 : vector<16xf32>
        %add3A_803 = arith.addf %add3A_796, %mul3A_802 : vector<16xf32>
        %get3A_804 = arith.constant 1 : i32
        %get3A_805 = arith.index_cast %get3A_804 : i32 to index
        %get3A_806 = arith.index_cast %add3A_735 : i32 to index
        %get3A_807 = arith.constant 48 : index
        %get3A_808 = tpu.vector_load %arg10[%get3A_805, %get3A_806, %get3A_807] {strides = array<i32>} : memref<5x128x64xf32, #tpu.memory_space<vmem>>, vector<16xf32>,
        %mul3A_809 = arith.mulf %get3A_747, %get3A_808 : vector<16xf32>
        %add3A_810 = arith.addf %add3A_803, %mul3A_809 : vector<16xf32>
        %mul3A_811 = arith.constant 16 : i32
        %mul3A_812 = vector.broadcast %mul3A_811 : i32 to vector<16xi32>
        %mul3A_813 = arith.muli %iota3A, %mul3A_812 : vector<16xi32>
        %add3A_814 = arith.constant 256 : i32
        %add3A_815 = vector.broadcast %add3A_814 : i32 to vector<16xi32>
        %add3A_816 = arith.addi %add3A_815, %mul3A_813 : vector<16xi32>
        %add3A_817 = arith.constant 3 : i32
        %add3A_818 = vector.broadcast %add3A_817 : i32 to vector<16xi32>
        %add3A_819 = arith.addi %add3A_816, %add3A_818 : vector<16xi32>
        tpu.vector_store_idx %arg12[%add3A_819], %add3A_810 : memref<1280xf32, #tpu.memory_space<vmem>>[vector<16xi32>], vector<16xf32>,
        %get3A_820 = arith.constant 2 : i32
        %get3A_821 = arith.index_cast %get3A_820 : i32 to index
        %get3A_822 = arith.index_cast %add3A_735 : i32 to index
        %get3A_823 = arith.constant 0 : index
        %get3A_824 = tpu.vector_load %arg10[%get3A_821, %get3A_822, %get3A_823] {strides = array<i32>} : memref<5x128x64xf32, #tpu.memory_space<vmem>>, vector<16xf32>,
        %mul3A_825 = arith.mulf %get3A_738, %get3A_824 : vector<16xf32>
        %get3A_826 = arith.constant 2 : i32
        %get3A_827 = arith.index_cast %get3A_826 : i32 to index
        %get3A_828 = arith.index_cast %add3A_735 : i32 to index
        %get3A_829 = arith.constant 16 : index
        %get3A_830 = tpu.vector_load %arg10[%get3A_827, %get3A_828, %get3A_829] {strides = array<i32>} : memref<5x128x64xf32, #tpu.memory_space<vmem>>, vector<16xf32>,
        %mul3A_831 = arith.mulf %get3A_741, %get3A_830 : vector<16xf32>
        %add3A_832 = arith.addf %mul3A_825, %mul3A_831 : vector<16xf32>
        %get3A_833 = arith.constant 2 : i32
        %get3A_834 = arith.index_cast %get3A_833 : i32 to index
        %get3A_835 = arith.index_cast %add3A_735 : i32 to index
        %get3A_836 = arith.constant 32 : index
        %get3A_837 = tpu.vector_load %arg10[%get3A_834, %get3A_835, %get3A_836] {strides = array<i32>} : memref<5x128x64xf32, #tpu.memory_space<vmem>>, vector<16xf32>,
        %mul3A_838 = arith.mulf %get3A_744, %get3A_837 : vector<16xf32>
        %add3A_839 = arith.addf %add3A_832, %mul3A_838 : vector<16xf32>
        %get3A_840 = arith.constant 2 : i32
        %get3A_841 = arith.index_cast %get3A_840 : i32 to index
        %get3A_842 = arith.index_cast %add3A_735 : i32 to index
        %get3A_843 = arith.constant 48 : index
        %get3A_844 = tpu.vector_load %arg10[%get3A_841, %get3A_842, %get3A_843] {strides = array<i32>} : memref<5x128x64xf32, #tpu.memory_space<vmem>>, vector<16xf32>,
        %mul3A_845 = arith.mulf %get3A_747, %get3A_844 : vector<16xf32>
        %add3A_846 = arith.addf %add3A_839, %mul3A_845 : vector<16xf32>
        %mul3A_847 = arith.constant 16 : i32
        %mul3A_848 = vector.broadcast %mul3A_847 : i32 to vector<16xi32>
        %mul3A_849 = arith.muli %iota3A, %mul3A_848 : vector<16xi32>
        %add3A_850 = arith.constant 512 : i32
        %add3A_851 = vector.broadcast %add3A_850 : i32 to vector<16xi32>
        %add3A_852 = arith.addi %add3A_851, %mul3A_849 : vector<16xi32>
        %add3A_853 = arith.constant 3 : i32
        %add3A_854 = vector.broadcast %add3A_853 : i32 to vector<16xi32>
        %add3A_855 = arith.addi %add3A_852, %add3A_854 : vector<16xi32>
        tpu.vector_store_idx %arg12[%add3A_855], %add3A_846 : memref<1280xf32, #tpu.memory_space<vmem>>[vector<16xi32>], vector<16xf32>,
        %get3A_856 = arith.constant 3 : i32
        %get3A_857 = arith.index_cast %get3A_856 : i32 to index
        %get3A_858 = arith.index_cast %add3A_735 : i32 to index
        %get3A_859 = arith.constant 0 : index
        %get3A_860 = tpu.vector_load %arg10[%get3A_857, %get3A_858, %get3A_859] {strides = array<i32>} : memref<5x128x64xf32, #tpu.memory_space<vmem>>, vector<16xf32>,
        %mul3A_861 = arith.mulf %get3A_738, %get3A_860 : vector<16xf32>
        %get3A_862 = arith.constant 3 : i32
        %get3A_863 = arith.index_cast %get3A_862 : i32 to index
        %get3A_864 = arith.index_cast %add3A_735 : i32 to index
        %get3A_865 = arith.constant 16 : index
        %get3A_866 = tpu.vector_load %arg10[%get3A_863, %get3A_864, %get3A_865] {strides = array<i32>} : memref<5x128x64xf32, #tpu.memory_space<vmem>>, vector<16xf32>,
        %mul3A_867 = arith.mulf %get3A_741, %get3A_866 : vector<16xf32>
        %add3A_868 = arith.addf %mul3A_861, %mul3A_867 : vector<16xf32>
        %get3A_869 = arith.constant 3 : i32
        %get3A_870 = arith.index_cast %get3A_869 : i32 to index
        %get3A_871 = arith.index_cast %add3A_735 : i32 to index
        %get3A_872 = arith.constant 32 : index
        %get3A_873 = tpu.vector_load %arg10[%get3A_870, %get3A_871, %get3A_872] {strides = array<i32>} : memref<5x128x64xf32, #tpu.memory_space<vmem>>, vector<16xf32>,
        %mul3A_874 = arith.mulf %get3A_744, %get3A_873 : vector<16xf32>
        %add3A_875 = arith.addf %add3A_868, %mul3A_874 : vector<16xf32>
        %get3A_876 = arith.constant 3 : i32
        %get3A_877 = arith.index_cast %get3A_876 : i32 to index
        %get3A_878 = arith.index_cast %add3A_735 : i32 to index
        %get3A_879 = arith.constant 48 : index
        %get3A_880 = tpu.vector_load %arg10[%get3A_877, %get3A_878, %get3A_879] {strides = array<i32>} : memref<5x128x64xf32, #tpu.memory_space<vmem>>, vector<16xf32>,
        %mul3A_881 = arith.mulf %get3A_747, %get3A_880 : vector<16xf32>
        %add3A_882 = arith.addf %add3A_875, %mul3A_881 : vector<16xf32>
        %mul3A_883 = arith.constant 16 : i32
        %mul3A_884 = vector.broadcast %mul3A_883 : i32 to vector<16xi32>
        %mul3A_885 = arith.muli %iota3A, %mul3A_884 : vector<16xi32>
        %add3A_886 = arith.constant 768 : i32
        %add3A_887 = vector.broadcast %add3A_886 : i32 to vector<16xi32>
        %add3A_888 = arith.addi %add3A_887, %mul3A_885 : vector<16xi32>
        %add3A_889 = arith.constant 3 : i32
        %add3A_890 = vector.broadcast %add3A_889 : i32 to vector<16xi32>
        %add3A_891 = arith.addi %add3A_888, %add3A_890 : vector<16xi32>
        tpu.vector_store_idx %arg12[%add3A_891], %add3A_882 : memref<1280xf32, #tpu.memory_space<vmem>>[vector<16xi32>], vector<16xf32>,
        %get3A_892 = arith.constant 4 : i32
        %get3A_893 = arith.index_cast %get3A_892 : i32 to index
        %get3A_894 = arith.index_cast %add3A_735 : i32 to index
        %get3A_895 = arith.constant 0 : index
        %get3A_896 = tpu.vector_load %arg10[%get3A_893, %get3A_894, %get3A_895] {strides = array<i32>} : memref<5x128x64xf32, #tpu.memory_space<vmem>>, vector<16xf32>,
        %mul3A_897 = arith.mulf %get3A_738, %get3A_896 : vector<16xf32>
        %get3A_898 = arith.constant 4 : i32
        %get3A_899 = arith.index_cast %get3A_898 : i32 to index
        %get3A_900 = arith.index_cast %add3A_735 : i32 to index
        %get3A_901 = arith.constant 16 : index
        %get3A_902 = tpu.vector_load %arg10[%get3A_899, %get3A_900, %get3A_901] {strides = array<i32>} : memref<5x128x64xf32, #tpu.memory_space<vmem>>, vector<16xf32>,
        %mul3A_903 = arith.mulf %get3A_741, %get3A_902 : vector<16xf32>
        %add3A_904 = arith.addf %mul3A_897, %mul3A_903 : vector<16xf32>
        %get3A_905 = arith.constant 4 : i32
        %get3A_906 = arith.index_cast %get3A_905 : i32 to index
        %get3A_907 = arith.index_cast %add3A_735 : i32 to index
        %get3A_908 = arith.constant 32 : index
        %get3A_909 = tpu.vector_load %arg10[%get3A_906, %get3A_907, %get3A_908] {strides = array<i32>} : memref<5x128x64xf32, #tpu.memory_space<vmem>>, vector<16xf32>,
        %mul3A_910 = arith.mulf %get3A_744, %get3A_909 : vector<16xf32>
        %add3A_911 = arith.addf %add3A_904, %mul3A_910 : vector<16xf32>
        %get3A_912 = arith.constant 4 : i32
        %get3A_913 = arith.index_cast %get3A_912 : i32 to index
        %get3A_914 = arith.index_cast %add3A_735 : i32 to index
        %get3A_915 = arith.constant 48 : index
        %get3A_916 = tpu.vector_load %arg10[%get3A_913, %get3A_914, %get3A_915] {strides = array<i32>} : memref<5x128x64xf32, #tpu.memory_space<vmem>>, vector<16xf32>,
        %mul3A_917 = arith.mulf %get3A_747, %get3A_916 : vector<16xf32>
        %add3A_918 = arith.addf %add3A_911, %mul3A_917 : vector<16xf32>
        %mul3A_919 = arith.constant 16 : i32
        %mul3A_920 = vector.broadcast %mul3A_919 : i32 to vector<16xi32>
        %mul3A_921 = arith.muli %iota3A, %mul3A_920 : vector<16xi32>
        %add3A_922 = arith.constant 1024 : i32
        %add3A_923 = vector.broadcast %add3A_922 : i32 to vector<16xi32>
        %add3A_924 = arith.addi %add3A_923, %mul3A_921 : vector<16xi32>
        %add3A_925 = arith.constant 3 : i32
        %add3A_926 = vector.broadcast %add3A_925 : i32 to vector<16xi32>
        %add3A_927 = arith.addi %add3A_924, %add3A_926 : vector<16xi32>
        tpu.vector_store_idx %arg12[%add3A_927], %add3A_918 : memref<1280xf32, #tpu.memory_space<vmem>>[vector<16xi32>], vector<16xf32>,
        %mul3A_928 = arith.constant 16 : i32
        %mul3A_929 = arith.muli %scan3A_144, %mul3A_928 : i32
        %add3A_930 = arith.constant 4 : i32
        %add3A_931 = arith.addi %mul3A_929, %add3A_930 : i32
        %get3A_932 = arith.index_cast %add3A_931 : i32 to index
        %get3A_933 = arith.constant 0 : index
        %get3A_934 = tpu.vector_load %arg9[%get3A_932, %get3A_933] {strides = array<i32>} : memref<128x64xf32, #tpu.memory_space<vmem>>, vector<16xf32>,
        %get3A_935 = arith.index_cast %add3A_931 : i32 to index
        %get3A_936 = arith.constant 16 : index
        %get3A_937 = tpu.vector_load %arg9[%get3A_935, %get3A_936] {strides = array<i32>} : memref<128x64xf32, #tpu.memory_space<vmem>>, vector<16xf32>,
        %get3A_938 = arith.index_cast %add3A_931 : i32 to index
        %get3A_939 = arith.constant 32 : index
        %get3A_940 = tpu.vector_load %arg9[%get3A_938, %get3A_939] {strides = array<i32>} : memref<128x64xf32, #tpu.memory_space<vmem>>, vector<16xf32>,
        %get3A_941 = arith.index_cast %add3A_931 : i32 to index
        %get3A_942 = arith.constant 48 : index
        %get3A_943 = tpu.vector_load %arg9[%get3A_941, %get3A_942] {strides = array<i32>} : memref<128x64xf32, #tpu.memory_space<vmem>>, vector<16xf32>,
        %get3A_944 = arith.constant 0 : i32
        %get3A_945 = arith.index_cast %get3A_944 : i32 to index
        %get3A_946 = arith.index_cast %add3A_931 : i32 to index
        %get3A_947 = arith.constant 0 : index
        %get3A_948 = tpu.vector_load %arg10[%get3A_945, %get3A_946, %get3A_947] {strides = array<i32>} : memref<5x128x64xf32, #tpu.memory_space<vmem>>, vector<16xf32>,
        %mul3A_949 = arith.mulf %get3A_934, %get3A_948 : vector<16xf32>
        %get3A_950 = arith.constant 0 : i32
        %get3A_951 = arith.index_cast %get3A_950 : i32 to index
        %get3A_952 = arith.index_cast %add3A_931 : i32 to index
        %get3A_953 = arith.constant 16 : index
        %get3A_954 = tpu.vector_load %arg10[%get3A_951, %get3A_952, %get3A_953] {strides = array<i32>} : memref<5x128x64xf32, #tpu.memory_space<vmem>>, vector<16xf32>,
        %mul3A_955 = arith.mulf %get3A_937, %get3A_954 : vector<16xf32>
        %add3A_956 = arith.addf %mul3A_949, %mul3A_955 : vector<16xf32>
        %get3A_957 = arith.constant 0 : i32
        %get3A_958 = arith.index_cast %get3A_957 : i32 to index
        %get3A_959 = arith.index_cast %add3A_931 : i32 to index
        %get3A_960 = arith.constant 32 : index
        %get3A_961 = tpu.vector_load %arg10[%get3A_958, %get3A_959, %get3A_960] {strides = array<i32>} : memref<5x128x64xf32, #tpu.memory_space<vmem>>, vector<16xf32>,
        %mul3A_962 = arith.mulf %get3A_940, %get3A_961 : vector<16xf32>
        %add3A_963 = arith.addf %add3A_956, %mul3A_962 : vector<16xf32>
        %get3A_964 = arith.constant 0 : i32
        %get3A_965 = arith.index_cast %get3A_964 : i32 to index
        %get3A_966 = arith.index_cast %add3A_931 : i32 to index
        %get3A_967 = arith.constant 48 : index
        %get3A_968 = tpu.vector_load %arg10[%get3A_965, %get3A_966, %get3A_967] {strides = array<i32>} : memref<5x128x64xf32, #tpu.memory_space<vmem>>, vector<16xf32>,
        %mul3A_969 = arith.mulf %get3A_943, %get3A_968 : vector<16xf32>
        %add3A_970 = arith.addf %add3A_963, %mul3A_969 : vector<16xf32>
        %mul3A_971 = arith.constant 16 : i32
        %mul3A_972 = vector.broadcast %mul3A_971 : i32 to vector<16xi32>
        %mul3A_973 = arith.muli %iota3A, %mul3A_972 : vector<16xi32>
        %add3A_974 = arith.constant 0 : i32
        %add3A_975 = vector.broadcast %add3A_974 : i32 to vector<16xi32>
        %add3A_976 = arith.addi %add3A_975, %mul3A_973 : vector<16xi32>
        %add3A_977 = arith.constant 4 : i32
        %add3A_978 = vector.broadcast %add3A_977 : i32 to vector<16xi32>
        %add3A_979 = arith.addi %add3A_976, %add3A_978 : vector<16xi32>
        tpu.vector_store_idx %arg12[%add3A_979], %add3A_970 : memref<1280xf32, #tpu.memory_space<vmem>>[vector<16xi32>], vector<16xf32>,
        %get3A_980 = arith.constant 1 : i32
        %get3A_981 = arith.index_cast %get3A_980 : i32 to index
        %get3A_982 = arith.index_cast %add3A_931 : i32 to index
        %get3A_983 = arith.constant 0 : index
        %get3A_984 = tpu.vector_load %arg10[%get3A_981, %get3A_982, %get3A_983] {strides = array<i32>} : memref<5x128x64xf32, #tpu.memory_space<vmem>>, vector<16xf32>,
        %mul3A_985 = arith.mulf %get3A_934, %get3A_984 : vector<16xf32>
        %get3A_986 = arith.constant 1 : i32
        %get3A_987 = arith.index_cast %get3A_986 : i32 to index
        %get3A_988 = arith.index_cast %add3A_931 : i32 to index
        %get3A_989 = arith.constant 16 : index
        %get3A_990 = tpu.vector_load %arg10[%get3A_987, %get3A_988, %get3A_989] {strides = array<i32>} : memref<5x128x64xf32, #tpu.memory_space<vmem>>, vector<16xf32>,
        %mul3A_991 = arith.mulf %get3A_937, %get3A_990 : vector<16xf32>
        %add3A_992 = arith.addf %mul3A_985, %mul3A_991 : vector<16xf32>
        %get3A_993 = arith.constant 1 : i32
        %get3A_994 = arith.index_cast %get3A_993 : i32 to index
        %get3A_995 = arith.index_cast %add3A_931 : i32 to index
        %get3A_996 = arith.constant 32 : index
        %get3A_997 = tpu.vector_load %arg10[%get3A_994, %get3A_995, %get3A_996] {strides = array<i32>} : memref<5x128x64xf32, #tpu.memory_space<vmem>>, vector<16xf32>,
        %mul3A_998 = arith.mulf %get3A_940, %get3A_997 : vector<16xf32>
        %add3A_999 = arith.addf %add3A_992, %mul3A_998 : vector<16xf32>
        %get3A_1000 = arith.constant 1 : i32
        %get3A_1001 = arith.index_cast %get3A_1000 : i32 to index
        %get3A_1002 = arith.index_cast %add3A_931 : i32 to index
        %get3A_1003 = arith.constant 48 : index
        %get3A_1004 = tpu.vector_load %arg10[%get3A_1001, %get3A_1002, %get3A_1003] {strides = array<i32>} : memref<5x128x64xf32, #tpu.memory_space<vmem>>, vector<16xf32>,
        %mul3A_1005 = arith.mulf %get3A_943, %get3A_1004 : vector<16xf32>
        %add3A_1006 = arith.addf %add3A_999, %mul3A_1005 : vector<16xf32>
        %mul3A_1007 = arith.constant 16 : i32
        %mul3A_1008 = vector.broadcast %mul3A_1007 : i32 to vector<16xi32>
        %mul3A_1009 = arith.muli %iota3A, %mul3A_1008 : vector<16xi32>
        %add3A_1010 = arith.constant 256 : i32
        %add3A_1011 = vector.broadcast %add3A_1010 : i32 to vector<16xi32>
        %add3A_1012 = arith.addi %add3A_1011, %mul3A_1009 : vector<16xi32>
        %add3A_1013 = arith.constant 4 : i32
        %add3A_1014 = vector.broadcast %add3A_1013 : i32 to vector<16xi32>
        %add3A_1015 = arith.addi %add3A_1012, %add3A_1014 : vector<16xi32>
        tpu.vector_store_idx %arg12[%add3A_1015], %add3A_1006 : memref<1280xf32, #tpu.memory_space<vmem>>[vector<16xi32>], vector<16xf32>,
        %get3A_1016 = arith.constant 2 : i32
        %get3A_1017 = arith.index_cast %get3A_1016 : i32 to index
        %get3A_1018 = arith.index_cast %add3A_931 : i32 to index
        %get3A_1019 = arith.constant 0 : index
        %get3A_1020 = tpu.vector_load %arg10[%get3A_1017, %get3A_1018, %get3A_1019] {strides = array<i32>} : memref<5x128x64xf32, #tpu.memory_space<vmem>>, vector<16xf32>,
        %mul3A_1021 = arith.mulf %get3A_934, %get3A_1020 : vector<16xf32>
        %get3A_1022 = arith.constant 2 : i32
        %get3A_1023 = arith.index_cast %get3A_1022 : i32 to index
        %get3A_1024 = arith.index_cast %add3A_931 : i32 to index
        %get3A_1025 = arith.constant 16 : index
        %get3A_1026 = tpu.vector_load %arg10[%get3A_1023, %get3A_1024, %get3A_1025] {strides = array<i32>} : memref<5x128x64xf32, #tpu.memory_space<vmem>>, vector<16xf32>,
        %mul3A_1027 = arith.mulf %get3A_937, %get3A_1026 : vector<16xf32>
        %add3A_1028 = arith.addf %mul3A_1021, %mul3A_1027 : vector<16xf32>
        %get3A_1029 = arith.constant 2 : i32
        %get3A_1030 = arith.index_cast %get3A_1029 : i32 to index
        %get3A_1031 = arith.index_cast %add3A_931 : i32 to index
        %get3A_1032 = arith.constant 32 : index
        %get3A_1033 = tpu.vector_load %arg10[%get3A_1030, %get3A_1031, %get3A_1032] {strides = array<i32>} : memref<5x128x64xf32, #tpu.memory_space<vmem>>, vector<16xf32>,
        %mul3A_1034 = arith.mulf %get3A_940, %get3A_1033 : vector<16xf32>
        %add3A_1035 = arith.addf %add3A_1028, %mul3A_1034 : vector<16xf32>
        %get3A_1036 = arith.constant 2 : i32
        %get3A_1037 = arith.index_cast %get3A_1036 : i32 to index
        %get3A_1038 = arith.index_cast %add3A_931 : i32 to index
        %get3A_1039 = arith.constant 48 : index
        %get3A_1040 = tpu.vector_load %arg10[%get3A_1037, %get3A_1038, %get3A_1039] {strides = array<i32>} : memref<5x128x64xf32, #tpu.memory_space<vmem>>, vector<16xf32>,
        %mul3A_1041 = arith.mulf %get3A_943, %get3A_1040 : vector<16xf32>
        %add3A_1042 = arith.addf %add3A_1035, %mul3A_1041 : vector<16xf32>
        %mul3A_1043 = arith.constant 16 : i32
        %mul3A_1044 = vector.broadcast %mul3A_1043 : i32 to vector<16xi32>
        %mul3A_1045 = arith.muli %iota3A, %mul3A_1044 : vector<16xi32>
        %add3A_1046 = arith.constant 512 : i32
        %add3A_1047 = vector.broadcast %add3A_1046 : i32 to vector<16xi32>
        %add3A_1048 = arith.addi %add3A_1047, %mul3A_1045 : vector<16xi32>
        %add3A_1049 = arith.constant 4 : i32
        %add3A_1050 = vector.broadcast %add3A_1049 : i32 to vector<16xi32>
        %add3A_1051 = arith.addi %add3A_1048, %add3A_1050 : vector<16xi32>
        tpu.vector_store_idx %arg12[%add3A_1051], %add3A_1042 : memref<1280xf32, #tpu.memory_space<vmem>>[vector<16xi32>], vector<16xf32>,
        %get3A_1052 = arith.constant 3 : i32
        %get3A_1053 = arith.index_cast %get3A_1052 : i32 to index
        %get3A_1054 = arith.index_cast %add3A_931 : i32 to index
        %get3A_1055 = arith.constant 0 : index
        %get3A_1056 = tpu.vector_load %arg10[%get3A_1053, %get3A_1054, %get3A_1055] {strides = array<i32>} : memref<5x128x64xf32, #tpu.memory_space<vmem>>, vector<16xf32>,
        %mul3A_1057 = arith.mulf %get3A_934, %get3A_1056 : vector<16xf32>
        %get3A_1058 = arith.constant 3 : i32
        %get3A_1059 = arith.index_cast %get3A_1058 : i32 to index
        %get3A_1060 = arith.index_cast %add3A_931 : i32 to index
        %get3A_1061 = arith.constant 16 : index
        %get3A_1062 = tpu.vector_load %arg10[%get3A_1059, %get3A_1060, %get3A_1061] {strides = array<i32>} : memref<5x128x64xf32, #tpu.memory_space<vmem>>, vector<16xf32>,
        %mul3A_1063 = arith.mulf %get3A_937, %get3A_1062 : vector<16xf32>
        %add3A_1064 = arith.addf %mul3A_1057, %mul3A_1063 : vector<16xf32>
        %get3A_1065 = arith.constant 3 : i32
        %get3A_1066 = arith.index_cast %get3A_1065 : i32 to index
        %get3A_1067 = arith.index_cast %add3A_931 : i32 to index
        %get3A_1068 = arith.constant 32 : index
        %get3A_1069 = tpu.vector_load %arg10[%get3A_1066, %get3A_1067, %get3A_1068] {strides = array<i32>} : memref<5x128x64xf32, #tpu.memory_space<vmem>>, vector<16xf32>,
        %mul3A_1070 = arith.mulf %get3A_940, %get3A_1069 : vector<16xf32>
        %add3A_1071 = arith.addf %add3A_1064, %mul3A_1070 : vector<16xf32>
        %get3A_1072 = arith.constant 3 : i32
        %get3A_1073 = arith.index_cast %get3A_1072 : i32 to index
        %get3A_1074 = arith.index_cast %add3A_931 : i32 to index
        %get3A_1075 = arith.constant 48 : index
        %get3A_1076 = tpu.vector_load %arg10[%get3A_1073, %get3A_1074, %get3A_1075] {strides = array<i32>} : memref<5x128x64xf32, #tpu.memory_space<vmem>>, vector<16xf32>,
        %mul3A_1077 = arith.mulf %get3A_943, %get3A_1076 : vector<16xf32>
        %add3A_1078 = arith.addf %add3A_1071, %mul3A_1077 : vector<16xf32>
        %mul3A_1079 = arith.constant 16 : i32
        %mul3A_1080 = vector.broadcast %mul3A_1079 : i32 to vector<16xi32>
        %mul3A_1081 = arith.muli %iota3A, %mul3A_1080 : vector<16xi32>
        %add3A_1082 = arith.constant 768 : i32
        %add3A_1083 = vector.broadcast %add3A_1082 : i32 to vector<16xi32>
        %add3A_1084 = arith.addi %add3A_1083, %mul3A_1081 : vector<16xi32>
        %add3A_1085 = arith.constant 4 : i32
        %add3A_1086 = vector.broadcast %add3A_1085 : i32 to vector<16xi32>
        %add3A_1087 = arith.addi %add3A_1084, %add3A_1086 : vector<16xi32>
        tpu.vector_store_idx %arg12[%add3A_1087], %add3A_1078 : memref<1280xf32, #tpu.memory_space<vmem>>[vector<16xi32>], vector<16xf32>,
        %get3A_1088 = arith.constant 4 : i32
        %get3A_1089 = arith.index_cast %get3A_1088 : i32 to index
        %get3A_1090 = arith.index_cast %add3A_931 : i32 to index
        %get3A_1091 = arith.constant 0 : index
        %get3A_1092 = tpu.vector_load %arg10[%get3A_1089, %get3A_1090, %get3A_1091] {strides = array<i32>} : memref<5x128x64xf32, #tpu.memory_space<vmem>>, vector<16xf32>,
        %mul3A_1093 = arith.mulf %get3A_934, %get3A_1092 : vector<16xf32>
        %get3A_1094 = arith.constant 4 : i32
        %get3A_1095 = arith.index_cast %get3A_1094 : i32 to index
        %get3A_1096 = arith.index_cast %add3A_931 : i32 to index
        %get3A_1097 = arith.constant 16 : index
        %get3A_1098 = tpu.vector_load %arg10[%get3A_1095, %get3A_1096, %get3A_1097] {strides = array<i32>} : memref<5x128x64xf32, #tpu.memory_space<vmem>>, vector<16xf32>,
        %mul3A_1099 = arith.mulf %get3A_937, %get3A_1098 : vector<16xf32>
        %add3A_1100 = arith.addf %mul3A_1093, %mul3A_1099 : vector<16xf32>
        %get3A_1101 = arith.constant 4 : i32
        %get3A_1102 = arith.index_cast %get3A_1101 : i32 to index
        %get3A_1103 = arith.index_cast %add3A_931 : i32 to index
        %get3A_1104 = arith.constant 32 : index
        %get3A_1105 = tpu.vector_load %arg10[%get3A_1102, %get3A_1103, %get3A_1104] {strides = array<i32>} : memref<5x128x64xf32, #tpu.memory_space<vmem>>, vector<16xf32>,
        %mul3A_1106 = arith.mulf %get3A_940, %get3A_1105 : vector<16xf32>
        %add3A_1107 = arith.addf %add3A_1100, %mul3A_1106 : vector<16xf32>
        %get3A_1108 = arith.constant 4 : i32
        %get3A_1109 = arith.index_cast %get3A_1108 : i32 to index
        %get3A_1110 = arith.index_cast %add3A_931 : i32 to index
        %get3A_1111 = arith.constant 48 : index
        %get3A_1112 = tpu.vector_load %arg10[%get3A_1109, %get3A_1110, %get3A_1111] {strides = array<i32>} : memref<5x128x64xf32, #tpu.memory_space<vmem>>, vector<16xf32>,
        %mul3A_1113 = arith.mulf %get3A_943, %get3A_1112 : vector<16xf32>
        %add3A_1114 = arith.addf %add3A_1107, %mul3A_1113 : vector<16xf32>
        %mul3A_1115 = arith.constant 16 : i32
        %mul3A_1116 = vector.broadcast %mul3A_1115 : i32 to vector<16xi32>
        %mul3A_1117 = arith.muli %iota3A, %mul3A_1116 : vector<16xi32>
        %add3A_1118 = arith.constant 1024 : i32
        %add3A_1119 = vector.broadcast %add3A_1118 : i32 to vector<16xi32>
        %add3A_1120 = arith.addi %add3A_1119, %mul3A_1117 : vector<16xi32>
        %add3A_1121 = arith.constant 4 : i32
        %add3A_1122 = vector.broadcast %add3A_1121 : i32 to vector<16xi32>
        %add3A_1123 = arith.addi %add3A_1120, %add3A_1122 : vector<16xi32>
        tpu.vector_store_idx %arg12[%add3A_1123], %add3A_1114 : memref<1280xf32, #tpu.memory_space<vmem>>[vector<16xi32>], vector<16xf32>,
        %mul3A_1124 = arith.constant 16 : i32
        %mul3A_1125 = arith.muli %scan3A_144, %mul3A_1124 : i32
        %add3A_1126 = arith.constant 5 : i32
        %add3A_1127 = arith.addi %mul3A_1125, %add3A_1126 : i32
        %get3A_1128 = arith.index_cast %add3A_1127 : i32 to index
        %get3A_1129 = arith.constant 0 : index
        %get3A_1130 = tpu.vector_load %arg9[%get3A_1128, %get3A_1129] {strides = array<i32>} : memref<128x64xf32, #tpu.memory_space<vmem>>, vector<16xf32>,
        %get3A_1131 = arith.index_cast %add3A_1127 : i32 to index
        %get3A_1132 = arith.constant 16 : index
        %get3A_1133 = tpu.vector_load %arg9[%get3A_1131, %get3A_1132] {strides = array<i32>} : memref<128x64xf32, #tpu.memory_space<vmem>>, vector<16xf32>,
        %get3A_1134 = arith.index_cast %add3A_1127 : i32 to index
        %get3A_1135 = arith.constant 32 : index
        %get3A_1136 = tpu.vector_load %arg9[%get3A_1134, %get3A_1135] {strides = array<i32>} : memref<128x64xf32, #tpu.memory_space<vmem>>, vector<16xf32>,
        %get3A_1137 = arith.index_cast %add3A_1127 : i32 to index
        %get3A_1138 = arith.constant 48 : index
        %get3A_1139 = tpu.vector_load %arg9[%get3A_1137, %get3A_1138] {strides = array<i32>} : memref<128x64xf32, #tpu.memory_space<vmem>>, vector<16xf32>,
        %get3A_1140 = arith.constant 0 : i32
        %get3A_1141 = arith.index_cast %get3A_1140 : i32 to index
        %get3A_1142 = arith.index_cast %add3A_1127 : i32 to index
        %get3A_1143 = arith.constant 0 : index
        %get3A_1144 = tpu.vector_load %arg10[%get3A_1141, %get3A_1142, %get3A_1143] {strides = array<i32>} : memref<5x128x64xf32, #tpu.memory_space<vmem>>, vector<16xf32>,
        %mul3A_1145 = arith.mulf %get3A_1130, %get3A_1144 : vector<16xf32>
        %get3A_1146 = arith.constant 0 : i32
        %get3A_1147 = arith.index_cast %get3A_1146 : i32 to index
        %get3A_1148 = arith.index_cast %add3A_1127 : i32 to index
        %get3A_1149 = arith.constant 16 : index
        %get3A_1150 = tpu.vector_load %arg10[%get3A_1147, %get3A_1148, %get3A_1149] {strides = array<i32>} : memref<5x128x64xf32, #tpu.memory_space<vmem>>, vector<16xf32>,
        %mul3A_1151 = arith.mulf %get3A_1133, %get3A_1150 : vector<16xf32>
        %add3A_1152 = arith.addf %mul3A_1145, %mul3A_1151 : vector<16xf32>
        %get3A_1153 = arith.constant 0 : i32
        %get3A_1154 = arith.index_cast %get3A_1153 : i32 to index
        %get3A_1155 = arith.index_cast %add3A_1127 : i32 to index
        %get3A_1156 = arith.constant 32 : index
        %get3A_1157 = tpu.vector_load %arg10[%get3A_1154, %get3A_1155, %get3A_1156] {strides = array<i32>} : memref<5x128x64xf32, #tpu.memory_space<vmem>>, vector<16xf32>,
        %mul3A_1158 = arith.mulf %get3A_1136, %get3A_1157 : vector<16xf32>
        %add3A_1159 = arith.addf %add3A_1152, %mul3A_1158 : vector<16xf32>
        %get3A_1160 = arith.constant 0 : i32
        %get3A_1161 = arith.index_cast %get3A_1160 : i32 to index
        %get3A_1162 = arith.index_cast %add3A_1127 : i32 to index
        %get3A_1163 = arith.constant 48 : index
        %get3A_1164 = tpu.vector_load %arg10[%get3A_1161, %get3A_1162, %get3A_1163] {strides = array<i32>} : memref<5x128x64xf32, #tpu.memory_space<vmem>>, vector<16xf32>,
        %mul3A_1165 = arith.mulf %get3A_1139, %get3A_1164 : vector<16xf32>
        %add3A_1166 = arith.addf %add3A_1159, %mul3A_1165 : vector<16xf32>
        %mul3A_1167 = arith.constant 16 : i32
        %mul3A_1168 = vector.broadcast %mul3A_1167 : i32 to vector<16xi32>
        %mul3A_1169 = arith.muli %iota3A, %mul3A_1168 : vector<16xi32>
        %add3A_1170 = arith.constant 0 : i32
        %add3A_1171 = vector.broadcast %add3A_1170 : i32 to vector<16xi32>
        %add3A_1172 = arith.addi %add3A_1171, %mul3A_1169 : vector<16xi32>
        %add3A_1173 = arith.constant 5 : i32
        %add3A_1174 = vector.broadcast %add3A_1173 : i32 to vector<16xi32>
        %add3A_1175 = arith.addi %add3A_1172, %add3A_1174 : vector<16xi32>
        tpu.vector_store_idx %arg12[%add3A_1175], %add3A_1166 : memref<1280xf32, #tpu.memory_space<vmem>>[vector<16xi32>], vector<16xf32>,
        %get3A_1176 = arith.constant 1 : i32
        %get3A_1177 = arith.index_cast %get3A_1176 : i32 to index
        %get3A_1178 = arith.index_cast %add3A_1127 : i32 to index
        %get3A_1179 = arith.constant 0 : index
        %get3A_1180 = tpu.vector_load %arg10[%get3A_1177, %get3A_1178, %get3A_1179] {strides = array<i32>} : memref<5x128x64xf32, #tpu.memory_space<vmem>>, vector<16xf32>,
        %mul3A_1181 = arith.mulf %get3A_1130, %get3A_1180 : vector<16xf32>
        %get3A_1182 = arith.constant 1 : i32
        %get3A_1183 = arith.index_cast %get3A_1182 : i32 to index
        %get3A_1184 = arith.index_cast %add3A_1127 : i32 to index
        %get3A_1185 = arith.constant 16 : index
        %get3A_1186 = tpu.vector_load %arg10[%get3A_1183, %get3A_1184, %get3A_1185] {strides = array<i32>} : memref<5x128x64xf32, #tpu.memory_space<vmem>>, vector<16xf32>,
        %mul3A_1187 = arith.mulf %get3A_1133, %get3A_1186 : vector<16xf32>
        %add3A_1188 = arith.addf %mul3A_1181, %mul3A_1187 : vector<16xf32>
        %get3A_1189 = arith.constant 1 : i32
        %get3A_1190 = arith.index_cast %get3A_1189 : i32 to index
        %get3A_1191 = arith.index_cast %add3A_1127 : i32 to index
        %get3A_1192 = arith.constant 32 : index
        %get3A_1193 = tpu.vector_load %arg10[%get3A_1190, %get3A_1191, %get3A_1192] {strides = array<i32>} : memref<5x128x64xf32, #tpu.memory_space<vmem>>, vector<16xf32>,
        %mul3A_1194 = arith.mulf %get3A_1136, %get3A_1193 : vector<16xf32>
        %add3A_1195 = arith.addf %add3A_1188, %mul3A_1194 : vector<16xf32>
        %get3A_1196 = arith.constant 1 : i32
        %get3A_1197 = arith.index_cast %get3A_1196 : i32 to index
        %get3A_1198 = arith.index_cast %add3A_1127 : i32 to index
        %get3A_1199 = arith.constant 48 : index
        %get3A_1200 = tpu.vector_load %arg10[%get3A_1197, %get3A_1198, %get3A_1199] {strides = array<i32>} : memref<5x128x64xf32, #tpu.memory_space<vmem>>, vector<16xf32>,
        %mul3A_1201 = arith.mulf %get3A_1139, %get3A_1200 : vector<16xf32>
        %add3A_1202 = arith.addf %add3A_1195, %mul3A_1201 : vector<16xf32>
        %mul3A_1203 = arith.constant 16 : i32
        %mul3A_1204 = vector.broadcast %mul3A_1203 : i32 to vector<16xi32>
        %mul3A_1205 = arith.muli %iota3A, %mul3A_1204 : vector<16xi32>
        %add3A_1206 = arith.constant 256 : i32
        %add3A_1207 = vector.broadcast %add3A_1206 : i32 to vector<16xi32>
        %add3A_1208 = arith.addi %add3A_1207, %mul3A_1205 : vector<16xi32>
        %add3A_1209 = arith.constant 5 : i32
        %add3A_1210 = vector.broadcast %add3A_1209 : i32 to vector<16xi32>
        %add3A_1211 = arith.addi %add3A_1208, %add3A_1210 : vector<16xi32>
        tpu.vector_store_idx %arg12[%add3A_1211], %add3A_1202 : memref<1280xf32, #tpu.memory_space<vmem>>[vector<16xi32>], vector<16xf32>,
        %get3A_1212 = arith.constant 2 : i32
        %get3A_1213 = arith.index_cast %get3A_1212 : i32 to index
        %get3A_1214 = arith.index_cast %add3A_1127 : i32 to index
        %get3A_1215 = arith.constant 0 : index
        %get3A_1216 = tpu.vector_load %arg10[%get3A_1213, %get3A_1214, %get3A_1215] {strides = array<i32>} : memref<5x128x64xf32, #tpu.memory_space<vmem>>, vector<16xf32>,
        %mul3A_1217 = arith.mulf %get3A_1130, %get3A_1216 : vector<16xf32>
        %get3A_1218 = arith.constant 2 : i32
        %get3A_1219 = arith.index_cast %get3A_1218 : i32 to index
        %get3A_1220 = arith.index_cast %add3A_1127 : i32 to index
        %get3A_1221 = arith.constant 16 : index
        %get3A_1222 = tpu.vector_load %arg10[%get3A_1219, %get3A_1220, %get3A_1221] {strides = array<i32>} : memref<5x128x64xf32, #tpu.memory_space<vmem>>, vector<16xf32>,
        %mul3A_1223 = arith.mulf %get3A_1133, %get3A_1222 : vector<16xf32>
        %add3A_1224 = arith.addf %mul3A_1217, %mul3A_1223 : vector<16xf32>
        %get3A_1225 = arith.constant 2 : i32
        %get3A_1226 = arith.index_cast %get3A_1225 : i32 to index
        %get3A_1227 = arith.index_cast %add3A_1127 : i32 to index
        %get3A_1228 = arith.constant 32 : index
        %get3A_1229 = tpu.vector_load %arg10[%get3A_1226, %get3A_1227, %get3A_1228] {strides = array<i32>} : memref<5x128x64xf32, #tpu.memory_space<vmem>>, vector<16xf32>,
        %mul3A_1230 = arith.mulf %get3A_1136, %get3A_1229 : vector<16xf32>
        %add3A_1231 = arith.addf %add3A_1224, %mul3A_1230 : vector<16xf32>
        %get3A_1232 = arith.constant 2 : i32
        %get3A_1233 = arith.index_cast %get3A_1232 : i32 to index
        %get3A_1234 = arith.index_cast %add3A_1127 : i32 to index
        %get3A_1235 = arith.constant 48 : index
        %get3A_1236 = tpu.vector_load %arg10[%get3A_1233, %get3A_1234, %get3A_1235] {strides = array<i32>} : memref<5x128x64xf32, #tpu.memory_space<vmem>>, vector<16xf32>,
        %mul3A_1237 = arith.mulf %get3A_1139, %get3A_1236 : vector<16xf32>
        %add3A_1238 = arith.addf %add3A_1231, %mul3A_1237 : vector<16xf32>
        %mul3A_1239 = arith.constant 16 : i32
        %mul3A_1240 = vector.broadcast %mul3A_1239 : i32 to vector<16xi32>
        %mul3A_1241 = arith.muli %iota3A, %mul3A_1240 : vector<16xi32>
        %add3A_1242 = arith.constant 512 : i32
        %add3A_1243 = vector.broadcast %add3A_1242 : i32 to vector<16xi32>
        %add3A_1244 = arith.addi %add3A_1243, %mul3A_1241 : vector<16xi32>
        %add3A_1245 = arith.constant 5 : i32
        %add3A_1246 = vector.broadcast %add3A_1245 : i32 to vector<16xi32>
        %add3A_1247 = arith.addi %add3A_1244, %add3A_1246 : vector<16xi32>
        tpu.vector_store_idx %arg12[%add3A_1247], %add3A_1238 : memref<1280xf32, #tpu.memory_space<vmem>>[vector<16xi32>], vector<16xf32>,
        %get3A_1248 = arith.constant 3 : i32
        %get3A_1249 = arith.index_cast %get3A_1248 : i32 to index
        %get3A_1250 = arith.index_cast %add3A_1127 : i32 to index
        %get3A_1251 = arith.constant 0 : index
        %get3A_1252 = tpu.vector_load %arg10[%get3A_1249, %get3A_1250, %get3A_1251] {strides = array<i32>} : memref<5x128x64xf32, #tpu.memory_space<vmem>>, vector<16xf32>,
        %mul3A_1253 = arith.mulf %get3A_1130, %get3A_1252 : vector<16xf32>
        %get3A_1254 = arith.constant 3 : i32
        %get3A_1255 = arith.index_cast %get3A_1254 : i32 to index
        %get3A_1256 = arith.index_cast %add3A_1127 : i32 to index
        %get3A_1257 = arith.constant 16 : index
        %get3A_1258 = tpu.vector_load %arg10[%get3A_1255, %get3A_1256, %get3A_1257] {strides = array<i32>} : memref<5x128x64xf32, #tpu.memory_space<vmem>>, vector<16xf32>,
        %mul3A_1259 = arith.mulf %get3A_1133, %get3A_1258 : vector<16xf32>
        %add3A_1260 = arith.addf %mul3A_1253, %mul3A_1259 : vector<16xf32>
        %get3A_1261 = arith.constant 3 : i32
        %get3A_1262 = arith.index_cast %get3A_1261 : i32 to index
        %get3A_1263 = arith.index_cast %add3A_1127 : i32 to index
        %get3A_1264 = arith.constant 32 : index
        %get3A_1265 = tpu.vector_load %arg10[%get3A_1262, %get3A_1263, %get3A_1264] {strides = array<i32>} : memref<5x128x64xf32, #tpu.memory_space<vmem>>, vector<16xf32>,
        %mul3A_1266 = arith.mulf %get3A_1136, %get3A_1265 : vector<16xf32>
        %add3A_1267 = arith.addf %add3A_1260, %mul3A_1266 : vector<16xf32>
        %get3A_1268 = arith.constant 3 : i32
        %get3A_1269 = arith.index_cast %get3A_1268 : i32 to index
        %get3A_1270 = arith.index_cast %add3A_1127 : i32 to index
        %get3A_1271 = arith.constant 48 : index
        %get3A_1272 = tpu.vector_load %arg10[%get3A_1269, %get3A_1270, %get3A_1271] {strides = array<i32>} : memref<5x128x64xf32, #tpu.memory_space<vmem>>, vector<16xf32>,
        %mul3A_1273 = arith.mulf %get3A_1139, %get3A_1272 : vector<16xf32>
        %add3A_1274 = arith.addf %add3A_1267, %mul3A_1273 : vector<16xf32>
        %mul3A_1275 = arith.constant 16 : i32
        %mul3A_1276 = vector.broadcast %mul3A_1275 : i32 to vector<16xi32>
        %mul3A_1277 = arith.muli %iota3A, %mul3A_1276 : vector<16xi32>
        %add3A_1278 = arith.constant 768 : i32
        %add3A_1279 = vector.broadcast %add3A_1278 : i32 to vector<16xi32>
        %add3A_1280 = arith.addi %add3A_1279, %mul3A_1277 : vector<16xi32>
        %add3A_1281 = arith.constant 5 : i32
        %add3A_1282 = vector.broadcast %add3A_1281 : i32 to vector<16xi32>
        %add3A_1283 = arith.addi %add3A_1280, %add3A_1282 : vector<16xi32>
        tpu.vector_store_idx %arg12[%add3A_1283], %add3A_1274 : memref<1280xf32, #tpu.memory_space<vmem>>[vector<16xi32>], vector<16xf32>,
        %get3A_1284 = arith.constant 4 : i32
        %get3A_1285 = arith.index_cast %get3A_1284 : i32 to index
        %get3A_1286 = arith.index_cast %add3A_1127 : i32 to index
        %get3A_1287 = arith.constant 0 : index
        %get3A_1288 = tpu.vector_load %arg10[%get3A_1285, %get3A_1286, %get3A_1287] {strides = array<i32>} : memref<5x128x64xf32, #tpu.memory_space<vmem>>, vector<16xf32>,
        %mul3A_1289 = arith.mulf %get3A_1130, %get3A_1288 : vector<16xf32>
        %get3A_1290 = arith.constant 4 : i32
        %get3A_1291 = arith.index_cast %get3A_1290 : i32 to index
        %get3A_1292 = arith.index_cast %add3A_1127 : i32 to index
        %get3A_1293 = arith.constant 16 : index
        %get3A_1294 = tpu.vector_load %arg10[%get3A_1291, %get3A_1292, %get3A_1293] {strides = array<i32>} : memref<5x128x64xf32, #tpu.memory_space<vmem>>, vector<16xf32>,
        %mul3A_1295 = arith.mulf %get3A_1133, %get3A_1294 : vector<16xf32>
        %add3A_1296 = arith.addf %mul3A_1289, %mul3A_1295 : vector<16xf32>
        %get3A_1297 = arith.constant 4 : i32
        %get3A_1298 = arith.index_cast %get3A_1297 : i32 to index
        %get3A_1299 = arith.index_cast %add3A_1127 : i32 to index
        %get3A_1300 = arith.constant 32 : index
        %get3A_1301 = tpu.vector_load %arg10[%get3A_1298, %get3A_1299, %get3A_1300] {strides = array<i32>} : memref<5x128x64xf32, #tpu.memory_space<vmem>>, vector<16xf32>,
        %mul3A_1302 = arith.mulf %get3A_1136, %get3A_1301 : vector<16xf32>
        %add3A_1303 = arith.addf %add3A_1296, %mul3A_1302 : vector<16xf32>
        %get3A_1304 = arith.constant 4 : i32
        %get3A_1305 = arith.index_cast %get3A_1304 : i32 to index
        %get3A_1306 = arith.index_cast %add3A_1127 : i32 to index
        %get3A_1307 = arith.constant 48 : index
        %get3A_1308 = tpu.vector_load %arg10[%get3A_1305, %get3A_1306, %get3A_1307] {strides = array<i32>} : memref<5x128x64xf32, #tpu.memory_space<vmem>>, vector<16xf32>,
        %mul3A_1309 = arith.mulf %get3A_1139, %get3A_1308 : vector<16xf32>
        %add3A_1310 = arith.addf %add3A_1303, %mul3A_1309 : vector<16xf32>
        %mul3A_1311 = arith.constant 16 : i32
        %mul3A_1312 = vector.broadcast %mul3A_1311 : i32 to vector<16xi32>
        %mul3A_1313 = arith.muli %iota3A, %mul3A_1312 : vector<16xi32>
        %add3A_1314 = arith.constant 1024 : i32
        %add3A_1315 = vector.broadcast %add3A_1314 : i32 to vector<16xi32>
        %add3A_1316 = arith.addi %add3A_1315, %mul3A_1313 : vector<16xi32>
        %add3A_1317 = arith.constant 5 : i32
        %add3A_1318 = vector.broadcast %add3A_1317 : i32 to vector<16xi32>
        %add3A_1319 = arith.addi %add3A_1316, %add3A_1318 : vector<16xi32>
        tpu.vector_store_idx %arg12[%add3A_1319], %add3A_1310 : memref<1280xf32, #tpu.memory_space<vmem>>[vector<16xi32>], vector<16xf32>,
        %mul3A_1320 = arith.constant 16 : i32
        %mul3A_1321 = arith.muli %scan3A_144, %mul3A_1320 : i32
        %add3A_1322 = arith.constant 6 : i32
        %add3A_1323 = arith.addi %mul3A_1321, %add3A_1322 : i32
        %get3A_1324 = arith.index_cast %add3A_1323 : i32 to index
        %get3A_1325 = arith.constant 0 : index
        %get3A_1326 = tpu.vector_load %arg9[%get3A_1324, %get3A_1325] {strides = array<i32>} : memref<128x64xf32, #tpu.memory_space<vmem>>, vector<16xf32>,
        %get3A_1327 = arith.index_cast %add3A_1323 : i32 to index
        %get3A_1328 = arith.constant 16 : index
        %get3A_1329 = tpu.vector_load %arg9[%get3A_1327, %get3A_1328] {strides = array<i32>} : memref<128x64xf32, #tpu.memory_space<vmem>>, vector<16xf32>,
        %get3A_1330 = arith.index_cast %add3A_1323 : i32 to index
        %get3A_1331 = arith.constant 32 : index
        %get3A_1332 = tpu.vector_load %arg9[%get3A_1330, %get3A_1331] {strides = array<i32>} : memref<128x64xf32, #tpu.memory_space<vmem>>, vector<16xf32>,
        %get3A_1333 = arith.index_cast %add3A_1323 : i32 to index
        %get3A_1334 = arith.constant 48 : index
        %get3A_1335 = tpu.vector_load %arg9[%get3A_1333, %get3A_1334] {strides = array<i32>} : memref<128x64xf32, #tpu.memory_space<vmem>>, vector<16xf32>,
        %get3A_1336 = arith.constant 0 : i32
        %get3A_1337 = arith.index_cast %get3A_1336 : i32 to index
        %get3A_1338 = arith.index_cast %add3A_1323 : i32 to index
        %get3A_1339 = arith.constant 0 : index
        %get3A_1340 = tpu.vector_load %arg10[%get3A_1337, %get3A_1338, %get3A_1339] {strides = array<i32>} : memref<5x128x64xf32, #tpu.memory_space<vmem>>, vector<16xf32>,
        %mul3A_1341 = arith.mulf %get3A_1326, %get3A_1340 : vector<16xf32>
        %get3A_1342 = arith.constant 0 : i32
        %get3A_1343 = arith.index_cast %get3A_1342 : i32 to index
        %get3A_1344 = arith.index_cast %add3A_1323 : i32 to index
        %get3A_1345 = arith.constant 16 : index
        %get3A_1346 = tpu.vector_load %arg10[%get3A_1343, %get3A_1344, %get3A_1345] {strides = array<i32>} : memref<5x128x64xf32, #tpu.memory_space<vmem>>, vector<16xf32>,
        %mul3A_1347 = arith.mulf %get3A_1329, %get3A_1346 : vector<16xf32>
        %add3A_1348 = arith.addf %mul3A_1341, %mul3A_1347 : vector<16xf32>
        %get3A_1349 = arith.constant 0 : i32
        %get3A_1350 = arith.index_cast %get3A_1349 : i32 to index
        %get3A_1351 = arith.index_cast %add3A_1323 : i32 to index
        %get3A_1352 = arith.constant 32 : index
        %get3A_1353 = tpu.vector_load %arg10[%get3A_1350, %get3A_1351, %get3A_1352] {strides = array<i32>} : memref<5x128x64xf32, #tpu.memory_space<vmem>>, vector<16xf32>,
        %mul3A_1354 = arith.mulf %get3A_1332, %get3A_1353 : vector<16xf32>
        %add3A_1355 = arith.addf %add3A_1348, %mul3A_1354 : vector<16xf32>
        %get3A_1356 = arith.constant 0 : i32
        %get3A_1357 = arith.index_cast %get3A_1356 : i32 to index
        %get3A_1358 = arith.index_cast %add3A_1323 : i32 to index
        %get3A_1359 = arith.constant 48 : index
        %get3A_1360 = tpu.vector_load %arg10[%get3A_1357, %get3A_1358, %get3A_1359] {strides = array<i32>} : memref<5x128x64xf32, #tpu.memory_space<vmem>>, vector<16xf32>,
        %mul3A_1361 = arith.mulf %get3A_1335, %get3A_1360 : vector<16xf32>
        %add3A_1362 = arith.addf %add3A_1355, %mul3A_1361 : vector<16xf32>
        %mul3A_1363 = arith.constant 16 : i32
        %mul3A_1364 = vector.broadcast %mul3A_1363 : i32 to vector<16xi32>
        %mul3A_1365 = arith.muli %iota3A, %mul3A_1364 : vector<16xi32>
        %add3A_1366 = arith.constant 0 : i32
        %add3A_1367 = vector.broadcast %add3A_1366 : i32 to vector<16xi32>
        %add3A_1368 = arith.addi %add3A_1367, %mul3A_1365 : vector<16xi32>
        %add3A_1369 = arith.constant 6 : i32
        %add3A_1370 = vector.broadcast %add3A_1369 : i32 to vector<16xi32>
        %add3A_1371 = arith.addi %add3A_1368, %add3A_1370 : vector<16xi32>
        tpu.vector_store_idx %arg12[%add3A_1371], %add3A_1362 : memref<1280xf32, #tpu.memory_space<vmem>>[vector<16xi32>], vector<16xf32>,
        %get3A_1372 = arith.constant 1 : i32
        %get3A_1373 = arith.index_cast %get3A_1372 : i32 to index
        %get3A_1374 = arith.index_cast %add3A_1323 : i32 to index
        %get3A_1375 = arith.constant 0 : index
        %get3A_1376 = tpu.vector_load %arg10[%get3A_1373, %get3A_1374, %get3A_1375] {strides = array<i32>} : memref<5x128x64xf32, #tpu.memory_space<vmem>>, vector<16xf32>,
        %mul3A_1377 = arith.mulf %get3A_1326, %get3A_1376 : vector<16xf32>
        %get3A_1378 = arith.constant 1 : i32
        %get3A_1379 = arith.index_cast %get3A_1378 : i32 to index
        %get3A_1380 = arith.index_cast %add3A_1323 : i32 to index
        %get3A_1381 = arith.constant 16 : index
        %get3A_1382 = tpu.vector_load %arg10[%get3A_1379, %get3A_1380, %get3A_1381] {strides = array<i32>} : memref<5x128x64xf32, #tpu.memory_space<vmem>>, vector<16xf32>,
        %mul3A_1383 = arith.mulf %get3A_1329, %get3A_1382 : vector<16xf32>
        %add3A_1384 = arith.addf %mul3A_1377, %mul3A_1383 : vector<16xf32>
        %get3A_1385 = arith.constant 1 : i32
        %get3A_1386 = arith.index_cast %get3A_1385 : i32 to index
        %get3A_1387 = arith.index_cast %add3A_1323 : i32 to index
        %get3A_1388 = arith.constant 32 : index
        %get3A_1389 = tpu.vector_load %arg10[%get3A_1386, %get3A_1387, %get3A_1388] {strides = array<i32>} : memref<5x128x64xf32, #tpu.memory_space<vmem>>, vector<16xf32>,
        %mul3A_1390 = arith.mulf %get3A_1332, %get3A_1389 : vector<16xf32>
        %add3A_1391 = arith.addf %add3A_1384, %mul3A_1390 : vector<16xf32>
        %get3A_1392 = arith.constant 1 : i32
        %get3A_1393 = arith.index_cast %get3A_1392 : i32 to index
        %get3A_1394 = arith.index_cast %add3A_1323 : i32 to index
        %get3A_1395 = arith.constant 48 : index
        %get3A_1396 = tpu.vector_load %arg10[%get3A_1393, %get3A_1394, %get3A_1395] {strides = array<i32>} : memref<5x128x64xf32, #tpu.memory_space<vmem>>, vector<16xf32>,
        %mul3A_1397 = arith.mulf %get3A_1335, %get3A_1396 : vector<16xf32>
        %add3A_1398 = arith.addf %add3A_1391, %mul3A_1397 : vector<16xf32>
        %mul3A_1399 = arith.constant 16 : i32
        %mul3A_1400 = vector.broadcast %mul3A_1399 : i32 to vector<16xi32>
        %mul3A_1401 = arith.muli %iota3A, %mul3A_1400 : vector<16xi32>
        %add3A_1402 = arith.constant 256 : i32
        %add3A_1403 = vector.broadcast %add3A_1402 : i32 to vector<16xi32>
        %add3A_1404 = arith.addi %add3A_1403, %mul3A_1401 : vector<16xi32>
        %add3A_1405 = arith.constant 6 : i32
        %add3A_1406 = vector.broadcast %add3A_1405 : i32 to vector<16xi32>
        %add3A_1407 = arith.addi %add3A_1404, %add3A_1406 : vector<16xi32>
        tpu.vector_store_idx %arg12[%add3A_1407], %add3A_1398 : memref<1280xf32, #tpu.memory_space<vmem>>[vector<16xi32>], vector<16xf32>,
        %get3A_1408 = arith.constant 2 : i32
        %get3A_1409 = arith.index_cast %get3A_1408 : i32 to index
        %get3A_1410 = arith.index_cast %add3A_1323 : i32 to index
        %get3A_1411 = arith.constant 0 : index
        %get3A_1412 = tpu.vector_load %arg10[%get3A_1409, %get3A_1410, %get3A_1411] {strides = array<i32>} : memref<5x128x64xf32, #tpu.memory_space<vmem>>, vector<16xf32>,
        %mul3A_1413 = arith.mulf %get3A_1326, %get3A_1412 : vector<16xf32>
        %get3A_1414 = arith.constant 2 : i32
        %get3A_1415 = arith.index_cast %get3A_1414 : i32 to index
        %get3A_1416 = arith.index_cast %add3A_1323 : i32 to index
        %get3A_1417 = arith.constant 16 : index
        %get3A_1418 = tpu.vector_load %arg10[%get3A_1415, %get3A_1416, %get3A_1417] {strides = array<i32>} : memref<5x128x64xf32, #tpu.memory_space<vmem>>, vector<16xf32>,
        %mul3A_1419 = arith.mulf %get3A_1329, %get3A_1418 : vector<16xf32>
        %add3A_1420 = arith.addf %mul3A_1413, %mul3A_1419 : vector<16xf32>
        %get3A_1421 = arith.constant 2 : i32
        %get3A_1422 = arith.index_cast %get3A_1421 : i32 to index
        %get3A_1423 = arith.index_cast %add3A_1323 : i32 to index
        %get3A_1424 = arith.constant 32 : index
        %get3A_1425 = tpu.vector_load %arg10[%get3A_1422, %get3A_1423, %get3A_1424] {strides = array<i32>} : memref<5x128x64xf32, #tpu.memory_space<vmem>>, vector<16xf32>,
        %mul3A_1426 = arith.mulf %get3A_1332, %get3A_1425 : vector<16xf32>
        %add3A_1427 = arith.addf %add3A_1420, %mul3A_1426 : vector<16xf32>
        %get3A_1428 = arith.constant 2 : i32
        %get3A_1429 = arith.index_cast %get3A_1428 : i32 to index
        %get3A_1430 = arith.index_cast %add3A_1323 : i32 to index
        %get3A_1431 = arith.constant 48 : index
        %get3A_1432 = tpu.vector_load %arg10[%get3A_1429, %get3A_1430, %get3A_1431] {strides = array<i32>} : memref<5x128x64xf32, #tpu.memory_space<vmem>>, vector<16xf32>,
        %mul3A_1433 = arith.mulf %get3A_1335, %get3A_1432 : vector<16xf32>
        %add3A_1434 = arith.addf %add3A_1427, %mul3A_1433 : vector<16xf32>
        %mul3A_1435 = arith.constant 16 : i32
        %mul3A_1436 = vector.broadcast %mul3A_1435 : i32 to vector<16xi32>
        %mul3A_1437 = arith.muli %iota3A, %mul3A_1436 : vector<16xi32>
        %add3A_1438 = arith.constant 512 : i32
        %add3A_1439 = vector.broadcast %add3A_1438 : i32 to vector<16xi32>
        %add3A_1440 = arith.addi %add3A_1439, %mul3A_1437 : vector<16xi32>
        %add3A_1441 = arith.constant 6 : i32
        %add3A_1442 = vector.broadcast %add3A_1441 : i32 to vector<16xi32>
        %add3A_1443 = arith.addi %add3A_1440, %add3A_1442 : vector<16xi32>
        tpu.vector_store_idx %arg12[%add3A_1443], %add3A_1434 : memref<1280xf32, #tpu.memory_space<vmem>>[vector<16xi32>], vector<16xf32>,
        %get3A_1444 = arith.constant 3 : i32
        %get3A_1445 = arith.index_cast %get3A_1444 : i32 to index
        %get3A_1446 = arith.index_cast %add3A_1323 : i32 to index
        %get3A_1447 = arith.constant 0 : index
        %get3A_1448 = tpu.vector_load %arg10[%get3A_1445, %get3A_1446, %get3A_1447] {strides = array<i32>} : memref<5x128x64xf32, #tpu.memory_space<vmem>>, vector<16xf32>,
        %mul3A_1449 = arith.mulf %get3A_1326, %get3A_1448 : vector<16xf32>
        %get3A_1450 = arith.constant 3 : i32
        %get3A_1451 = arith.index_cast %get3A_1450 : i32 to index
        %get3A_1452 = arith.index_cast %add3A_1323 : i32 to index
        %get3A_1453 = arith.constant 16 : index
        %get3A_1454 = tpu.vector_load %arg10[%get3A_1451, %get3A_1452, %get3A_1453] {strides = array<i32>} : memref<5x128x64xf32, #tpu.memory_space<vmem>>, vector<16xf32>,
        %mul3A_1455 = arith.mulf %get3A_1329, %get3A_1454 : vector<16xf32>
        %add3A_1456 = arith.addf %mul3A_1449, %mul3A_1455 : vector<16xf32>
        %get3A_1457 = arith.constant 3 : i32
        %get3A_1458 = arith.index_cast %get3A_1457 : i32 to index
        %get3A_1459 = arith.index_cast %add3A_1323 : i32 to index
        %get3A_1460 = arith.constant 32 : index
        %get3A_1461 = tpu.vector_load %arg10[%get3A_1458, %get3A_1459, %get3A_1460] {strides = array<i32>} : memref<5x128x64xf32, #tpu.memory_space<vmem>>, vector<16xf32>,
        %mul3A_1462 = arith.mulf %get3A_1332, %get3A_1461 : vector<16xf32>
        %add3A_1463 = arith.addf %add3A_1456, %mul3A_1462 : vector<16xf32>
        %get3A_1464 = arith.constant 3 : i32
        %get3A_1465 = arith.index_cast %get3A_1464 : i32 to index
        %get3A_1466 = arith.index_cast %add3A_1323 : i32 to index
        %get3A_1467 = arith.constant 48 : index
        %get3A_1468 = tpu.vector_load %arg10[%get3A_1465, %get3A_1466, %get3A_1467] {strides = array<i32>} : memref<5x128x64xf32, #tpu.memory_space<vmem>>, vector<16xf32>,
        %mul3A_1469 = arith.mulf %get3A_1335, %get3A_1468 : vector<16xf32>
        %add3A_1470 = arith.addf %add3A_1463, %mul3A_1469 : vector<16xf32>
        %mul3A_1471 = arith.constant 16 : i32
        %mul3A_1472 = vector.broadcast %mul3A_1471 : i32 to vector<16xi32>
        %mul3A_1473 = arith.muli %iota3A, %mul3A_1472 : vector<16xi32>
        %add3A_1474 = arith.constant 768 : i32
        %add3A_1475 = vector.broadcast %add3A_1474 : i32 to vector<16xi32>
        %add3A_1476 = arith.addi %add3A_1475, %mul3A_1473 : vector<16xi32>
        %add3A_1477 = arith.constant 6 : i32
        %add3A_1478 = vector.broadcast %add3A_1477 : i32 to vector<16xi32>
        %add3A_1479 = arith.addi %add3A_1476, %add3A_1478 : vector<16xi32>
        tpu.vector_store_idx %arg12[%add3A_1479], %add3A_1470 : memref<1280xf32, #tpu.memory_space<vmem>>[vector<16xi32>], vector<16xf32>,
        %get3A_1480 = arith.constant 4 : i32
        %get3A_1481 = arith.index_cast %get3A_1480 : i32 to index
        %get3A_1482 = arith.index_cast %add3A_1323 : i32 to index
        %get3A_1483 = arith.constant 0 : index
        %get3A_1484 = tpu.vector_load %arg10[%get3A_1481, %get3A_1482, %get3A_1483] {strides = array<i32>} : memref<5x128x64xf32, #tpu.memory_space<vmem>>, vector<16xf32>,
        %mul3A_1485 = arith.mulf %get3A_1326, %get3A_1484 : vector<16xf32>
        %get3A_1486 = arith.constant 4 : i32
        %get3A_1487 = arith.index_cast %get3A_1486 : i32 to index
        %get3A_1488 = arith.index_cast %add3A_1323 : i32 to index
        %get3A_1489 = arith.constant 16 : index
        %get3A_1490 = tpu.vector_load %arg10[%get3A_1487, %get3A_1488, %get3A_1489] {strides = array<i32>} : memref<5x128x64xf32, #tpu.memory_space<vmem>>, vector<16xf32>,
        %mul3A_1491 = arith.mulf %get3A_1329, %get3A_1490 : vector<16xf32>
        %add3A_1492 = arith.addf %mul3A_1485, %mul3A_1491 : vector<16xf32>
        %get3A_1493 = arith.constant 4 : i32
        %get3A_1494 = arith.index_cast %get3A_1493 : i32 to index
        %get3A_1495 = arith.index_cast %add3A_1323 : i32 to index
        %get3A_1496 = arith.constant 32 : index
        %get3A_1497 = tpu.vector_load %arg10[%get3A_1494, %get3A_1495, %get3A_1496] {strides = array<i32>} : memref<5x128x64xf32, #tpu.memory_space<vmem>>, vector<16xf32>,
        %mul3A_1498 = arith.mulf %get3A_1332, %get3A_1497 : vector<16xf32>
        %add3A_1499 = arith.addf %add3A_1492, %mul3A_1498 : vector<16xf32>
        %get3A_1500 = arith.constant 4 : i32
        %get3A_1501 = arith.index_cast %get3A_1500 : i32 to index
        %get3A_1502 = arith.index_cast %add3A_1323 : i32 to index
        %get3A_1503 = arith.constant 48 : index
        %get3A_1504 = tpu.vector_load %arg10[%get3A_1501, %get3A_1502, %get3A_1503] {strides = array<i32>} : memref<5x128x64xf32, #tpu.memory_space<vmem>>, vector<16xf32>,
        %mul3A_1505 = arith.mulf %get3A_1335, %get3A_1504 : vector<16xf32>
        %add3A_1506 = arith.addf %add3A_1499, %mul3A_1505 : vector<16xf32>
        %mul3A_1507 = arith.constant 16 : i32
        %mul3A_1508 = vector.broadcast %mul3A_1507 : i32 to vector<16xi32>
        %mul3A_1509 = arith.muli %iota3A, %mul3A_1508 : vector<16xi32>
        %add3A_1510 = arith.constant 1024 : i32
        %add3A_1511 = vector.broadcast %add3A_1510 : i32 to vector<16xi32>
        %add3A_1512 = arith.addi %add3A_1511, %mul3A_1509 : vector<16xi32>
        %add3A_1513 = arith.constant 6 : i32
        %add3A_1514 = vector.broadcast %add3A_1513 : i32 to vector<16xi32>
        %add3A_1515 = arith.addi %add3A_1512, %add3A_1514 : vector<16xi32>
        tpu.vector_store_idx %arg12[%add3A_1515], %add3A_1506 : memref<1280xf32, #tpu.memory_space<vmem>>[vector<16xi32>], vector<16xf32>,
        %mul3A_1516 = arith.constant 16 : i32
        %mul3A_1517 = arith.muli %scan3A_144, %mul3A_1516 : i32
        %add3A_1518 = arith.constant 7 : i32
        %add3A_1519 = arith.addi %mul3A_1517, %add3A_1518 : i32
        %get3A_1520 = arith.index_cast %add3A_1519 : i32 to index
        %get3A_1521 = arith.constant 0 : index
        %get3A_1522 = tpu.vector_load %arg9[%get3A_1520, %get3A_1521] {strides = array<i32>} : memref<128x64xf32, #tpu.memory_space<vmem>>, vector<16xf32>,
        %get3A_1523 = arith.index_cast %add3A_1519 : i32 to index
        %get3A_1524 = arith.constant 16 : index
        %get3A_1525 = tpu.vector_load %arg9[%get3A_1523, %get3A_1524] {strides = array<i32>} : memref<128x64xf32, #tpu.memory_space<vmem>>, vector<16xf32>,
        %get3A_1526 = arith.index_cast %add3A_1519 : i32 to index
        %get3A_1527 = arith.constant 32 : index
        %get3A_1528 = tpu.vector_load %arg9[%get3A_1526, %get3A_1527] {strides = array<i32>} : memref<128x64xf32, #tpu.memory_space<vmem>>, vector<16xf32>,
        %get3A_1529 = arith.index_cast %add3A_1519 : i32 to index
        %get3A_1530 = arith.constant 48 : index
        %get3A_1531 = tpu.vector_load %arg9[%get3A_1529, %get3A_1530] {strides = array<i32>} : memref<128x64xf32, #tpu.memory_space<vmem>>, vector<16xf32>,
        %get3A_1532 = arith.constant 0 : i32
        %get3A_1533 = arith.index_cast %get3A_1532 : i32 to index
        %get3A_1534 = arith.index_cast %add3A_1519 : i32 to index
        %get3A_1535 = arith.constant 0 : index
        %get3A_1536 = tpu.vector_load %arg10[%get3A_1533, %get3A_1534, %get3A_1535] {strides = array<i32>} : memref<5x128x64xf32, #tpu.memory_space<vmem>>, vector<16xf32>,
        %mul3A_1537 = arith.mulf %get3A_1522, %get3A_1536 : vector<16xf32>
        %get3A_1538 = arith.constant 0 : i32
        %get3A_1539 = arith.index_cast %get3A_1538 : i32 to index
        %get3A_1540 = arith.index_cast %add3A_1519 : i32 to index
        %get3A_1541 = arith.constant 16 : index
        %get3A_1542 = tpu.vector_load %arg10[%get3A_1539, %get3A_1540, %get3A_1541] {strides = array<i32>} : memref<5x128x64xf32, #tpu.memory_space<vmem>>, vector<16xf32>,
        %mul3A_1543 = arith.mulf %get3A_1525, %get3A_1542 : vector<16xf32>
        %add3A_1544 = arith.addf %mul3A_1537, %mul3A_1543 : vector<16xf32>
        %get3A_1545 = arith.constant 0 : i32
        %get3A_1546 = arith.index_cast %get3A_1545 : i32 to index
        %get3A_1547 = arith.index_cast %add3A_1519 : i32 to index
        %get3A_1548 = arith.constant 32 : index
        %get3A_1549 = tpu.vector_load %arg10[%get3A_1546, %get3A_1547, %get3A_1548] {strides = array<i32>} : memref<5x128x64xf32, #tpu.memory_space<vmem>>, vector<16xf32>,
        %mul3A_1550 = arith.mulf %get3A_1528, %get3A_1549 : vector<16xf32>
        %add3A_1551 = arith.addf %add3A_1544, %mul3A_1550 : vector<16xf32>
        %get3A_1552 = arith.constant 0 : i32
        %get3A_1553 = arith.index_cast %get3A_1552 : i32 to index
        %get3A_1554 = arith.index_cast %add3A_1519 : i32 to index
        %get3A_1555 = arith.constant 48 : index
        %get3A_1556 = tpu.vector_load %arg10[%get3A_1553, %get3A_1554, %get3A_1555] {strides = array<i32>} : memref<5x128x64xf32, #tpu.memory_space<vmem>>, vector<16xf32>,
        %mul3A_1557 = arith.mulf %get3A_1531, %get3A_1556 : vector<16xf32>
        %add3A_1558 = arith.addf %add3A_1551, %mul3A_1557 : vector<16xf32>
        %mul3A_1559 = arith.constant 16 : i32
        %mul3A_1560 = vector.broadcast %mul3A_1559 : i32 to vector<16xi32>
        %mul3A_1561 = arith.muli %iota3A, %mul3A_1560 : vector<16xi32>
        %add3A_1562 = arith.constant 0 : i32
        %add3A_1563 = vector.broadcast %add3A_1562 : i32 to vector<16xi32>
        %add3A_1564 = arith.addi %add3A_1563, %mul3A_1561 : vector<16xi32>
        %add3A_1565 = arith.constant 7 : i32
        %add3A_1566 = vector.broadcast %add3A_1565 : i32 to vector<16xi32>
        %add3A_1567 = arith.addi %add3A_1564, %add3A_1566 : vector<16xi32>
        tpu.vector_store_idx %arg12[%add3A_1567], %add3A_1558 : memref<1280xf32, #tpu.memory_space<vmem>>[vector<16xi32>], vector<16xf32>,
        %get3A_1568 = arith.constant 1 : i32
        %get3A_1569 = arith.index_cast %get3A_1568 : i32 to index
        %get3A_1570 = arith.index_cast %add3A_1519 : i32 to index
        %get3A_1571 = arith.constant 0 : index
        %get3A_1572 = tpu.vector_load %arg10[%get3A_1569, %get3A_1570, %get3A_1571] {strides = array<i32>} : memref<5x128x64xf32, #tpu.memory_space<vmem>>, vector<16xf32>,
        %mul3A_1573 = arith.mulf %get3A_1522, %get3A_1572 : vector<16xf32>
        %get3A_1574 = arith.constant 1 : i32
        %get3A_1575 = arith.index_cast %get3A_1574 : i32 to index
        %get3A_1576 = arith.index_cast %add3A_1519 : i32 to index
        %get3A_1577 = arith.constant 16 : index
        %get3A_1578 = tpu.vector_load %arg10[%get3A_1575, %get3A_1576, %get3A_1577] {strides = array<i32>} : memref<5x128x64xf32, #tpu.memory_space<vmem>>, vector<16xf32>,
        %mul3A_1579 = arith.mulf %get3A_1525, %get3A_1578 : vector<16xf32>
        %add3A_1580 = arith.addf %mul3A_1573, %mul3A_1579 : vector<16xf32>
        %get3A_1581 = arith.constant 1 : i32
        %get3A_1582 = arith.index_cast %get3A_1581 : i32 to index
        %get3A_1583 = arith.index_cast %add3A_1519 : i32 to index
        %get3A_1584 = arith.constant 32 : index
        %get3A_1585 = tpu.vector_load %arg10[%get3A_1582, %get3A_1583, %get3A_1584] {strides = array<i32>} : memref<5x128x64xf32, #tpu.memory_space<vmem>>, vector<16xf32>,
        %mul3A_1586 = arith.mulf %get3A_1528, %get3A_1585 : vector<16xf32>
        %add3A_1587 = arith.addf %add3A_1580, %mul3A_1586 : vector<16xf32>
        %get3A_1588 = arith.constant 1 : i32
        %get3A_1589 = arith.index_cast %get3A_1588 : i32 to index
        %get3A_1590 = arith.index_cast %add3A_1519 : i32 to index
        %get3A_1591 = arith.constant 48 : index
        %get3A_1592 = tpu.vector_load %arg10[%get3A_1589, %get3A_1590, %get3A_1591] {strides = array<i32>} : memref<5x128x64xf32, #tpu.memory_space<vmem>>, vector<16xf32>,
        %mul3A_1593 = arith.mulf %get3A_1531, %get3A_1592 : vector<16xf32>
        %add3A_1594 = arith.addf %add3A_1587, %mul3A_1593 : vector<16xf32>
        %mul3A_1595 = arith.constant 16 : i32
        %mul3A_1596 = vector.broadcast %mul3A_1595 : i32 to vector<16xi32>
        %mul3A_1597 = arith.muli %iota3A, %mul3A_1596 : vector<16xi32>
        %add3A_1598 = arith.constant 256 : i32
        %add3A_1599 = vector.broadcast %add3A_1598 : i32 to vector<16xi32>
        %add3A_1600 = arith.addi %add3A_1599, %mul3A_1597 : vector<16xi32>
        %add3A_1601 = arith.constant 7 : i32
        %add3A_1602 = vector.broadcast %add3A_1601 : i32 to vector<16xi32>
        %add3A_1603 = arith.addi %add3A_1600, %add3A_1602 : vector<16xi32>
        tpu.vector_store_idx %arg12[%add3A_1603], %add3A_1594 : memref<1280xf32, #tpu.memory_space<vmem>>[vector<16xi32>], vector<16xf32>,
        %get3A_1604 = arith.constant 2 : i32
        %get3A_1605 = arith.index_cast %get3A_1604 : i32 to index
        %get3A_1606 = arith.index_cast %add3A_1519 : i32 to index
        %get3A_1607 = arith.constant 0 : index
        %get3A_1608 = tpu.vector_load %arg10[%get3A_1605, %get3A_1606, %get3A_1607] {strides = array<i32>} : memref<5x128x64xf32, #tpu.memory_space<vmem>>, vector<16xf32>,
        %mul3A_1609 = arith.mulf %get3A_1522, %get3A_1608 : vector<16xf32>
        %get3A_1610 = arith.constant 2 : i32
        %get3A_1611 = arith.index_cast %get3A_1610 : i32 to index
        %get3A_1612 = arith.index_cast %add3A_1519 : i32 to index
        %get3A_1613 = arith.constant 16 : index
        %get3A_1614 = tpu.vector_load %arg10[%get3A_1611, %get3A_1612, %get3A_1613] {strides = array<i32>} : memref<5x128x64xf32, #tpu.memory_space<vmem>>, vector<16xf32>,
        %mul3A_1615 = arith.mulf %get3A_1525, %get3A_1614 : vector<16xf32>
        %add3A_1616 = arith.addf %mul3A_1609, %mul3A_1615 : vector<16xf32>
        %get3A_1617 = arith.constant 2 : i32
        %get3A_1618 = arith.index_cast %get3A_1617 : i32 to index
        %get3A_1619 = arith.index_cast %add3A_1519 : i32 to index
        %get3A_1620 = arith.constant 32 : index
        %get3A_1621 = tpu.vector_load %arg10[%get3A_1618, %get3A_1619, %get3A_1620] {strides = array<i32>} : memref<5x128x64xf32, #tpu.memory_space<vmem>>, vector<16xf32>,
        %mul3A_1622 = arith.mulf %get3A_1528, %get3A_1621 : vector<16xf32>
        %add3A_1623 = arith.addf %add3A_1616, %mul3A_1622 : vector<16xf32>
        %get3A_1624 = arith.constant 2 : i32
        %get3A_1625 = arith.index_cast %get3A_1624 : i32 to index
        %get3A_1626 = arith.index_cast %add3A_1519 : i32 to index
        %get3A_1627 = arith.constant 48 : index
        %get3A_1628 = tpu.vector_load %arg10[%get3A_1625, %get3A_1626, %get3A_1627] {strides = array<i32>} : memref<5x128x64xf32, #tpu.memory_space<vmem>>, vector<16xf32>,
        %mul3A_1629 = arith.mulf %get3A_1531, %get3A_1628 : vector<16xf32>
        %add3A_1630 = arith.addf %add3A_1623, %mul3A_1629 : vector<16xf32>
        %mul3A_1631 = arith.constant 16 : i32
        %mul3A_1632 = vector.broadcast %mul3A_1631 : i32 to vector<16xi32>
        %mul3A_1633 = arith.muli %iota3A, %mul3A_1632 : vector<16xi32>
        %add3A_1634 = arith.constant 512 : i32
        %add3A_1635 = vector.broadcast %add3A_1634 : i32 to vector<16xi32>
        %add3A_1636 = arith.addi %add3A_1635, %mul3A_1633 : vector<16xi32>
        %add3A_1637 = arith.constant 7 : i32
        %add3A_1638 = vector.broadcast %add3A_1637 : i32 to vector<16xi32>
        %add3A_1639 = arith.addi %add3A_1636, %add3A_1638 : vector<16xi32>
        tpu.vector_store_idx %arg12[%add3A_1639], %add3A_1630 : memref<1280xf32, #tpu.memory_space<vmem>>[vector<16xi32>], vector<16xf32>,
        %get3A_1640 = arith.constant 3 : i32
        %get3A_1641 = arith.index_cast %get3A_1640 : i32 to index
        %get3A_1642 = arith.index_cast %add3A_1519 : i32 to index
        %get3A_1643 = arith.constant 0 : index
        %get3A_1644 = tpu.vector_load %arg10[%get3A_1641, %get3A_1642, %get3A_1643] {strides = array<i32>} : memref<5x128x64xf32, #tpu.memory_space<vmem>>, vector<16xf32>,
        %mul3A_1645 = arith.mulf %get3A_1522, %get3A_1644 : vector<16xf32>
        %get3A_1646 = arith.constant 3 : i32
        %get3A_1647 = arith.index_cast %get3A_1646 : i32 to index
        %get3A_1648 = arith.index_cast %add3A_1519 : i32 to index
        %get3A_1649 = arith.constant 16 : index
        %get3A_1650 = tpu.vector_load %arg10[%get3A_1647, %get3A_1648, %get3A_1649] {strides = array<i32>} : memref<5x128x64xf32, #tpu.memory_space<vmem>>, vector<16xf32>,
        %mul3A_1651 = arith.mulf %get3A_1525, %get3A_1650 : vector<16xf32>
        %add3A_1652 = arith.addf %mul3A_1645, %mul3A_1651 : vector<16xf32>
        %get3A_1653 = arith.constant 3 : i32
        %get3A_1654 = arith.index_cast %get3A_1653 : i32 to index
        %get3A_1655 = arith.index_cast %add3A_1519 : i32 to index
        %get3A_1656 = arith.constant 32 : index
        %get3A_1657 = tpu.vector_load %arg10[%get3A_1654, %get3A_1655, %get3A_1656] {strides = array<i32>} : memref<5x128x64xf32, #tpu.memory_space<vmem>>, vector<16xf32>,
        %mul3A_1658 = arith.mulf %get3A_1528, %get3A_1657 : vector<16xf32>
        %add3A_1659 = arith.addf %add3A_1652, %mul3A_1658 : vector<16xf32>
        %get3A_1660 = arith.constant 3 : i32
        %get3A_1661 = arith.index_cast %get3A_1660 : i32 to index
        %get3A_1662 = arith.index_cast %add3A_1519 : i32 to index
        %get3A_1663 = arith.constant 48 : index
        %get3A_1664 = tpu.vector_load %arg10[%get3A_1661, %get3A_1662, %get3A_1663] {strides = array<i32>} : memref<5x128x64xf32, #tpu.memory_space<vmem>>, vector<16xf32>,
        %mul3A_1665 = arith.mulf %get3A_1531, %get3A_1664 : vector<16xf32>
        %add3A_1666 = arith.addf %add3A_1659, %mul3A_1665 : vector<16xf32>
        %mul3A_1667 = arith.constant 16 : i32
        %mul3A_1668 = vector.broadcast %mul3A_1667 : i32 to vector<16xi32>
        %mul3A_1669 = arith.muli %iota3A, %mul3A_1668 : vector<16xi32>
        %add3A_1670 = arith.constant 768 : i32
        %add3A_1671 = vector.broadcast %add3A_1670 : i32 to vector<16xi32>
        %add3A_1672 = arith.addi %add3A_1671, %mul3A_1669 : vector<16xi32>
        %add3A_1673 = arith.constant 7 : i32
        %add3A_1674 = vector.broadcast %add3A_1673 : i32 to vector<16xi32>
        %add3A_1675 = arith.addi %add3A_1672, %add3A_1674 : vector<16xi32>
        tpu.vector_store_idx %arg12[%add3A_1675], %add3A_1666 : memref<1280xf32, #tpu.memory_space<vmem>>[vector<16xi32>], vector<16xf32>,
        %get3A_1676 = arith.constant 4 : i32
        %get3A_1677 = arith.index_cast %get3A_1676 : i32 to index
        %get3A_1678 = arith.index_cast %add3A_1519 : i32 to index
        %get3A_1679 = arith.constant 0 : index
        %get3A_1680 = tpu.vector_load %arg10[%get3A_1677, %get3A_1678, %get3A_1679] {strides = array<i32>} : memref<5x128x64xf32, #tpu.memory_space<vmem>>, vector<16xf32>,
        %mul3A_1681 = arith.mulf %get3A_1522, %get3A_1680 : vector<16xf32>
        %get3A_1682 = arith.constant 4 : i32
        %get3A_1683 = arith.index_cast %get3A_1682 : i32 to index
        %get3A_1684 = arith.index_cast %add3A_1519 : i32 to index
        %get3A_1685 = arith.constant 16 : index
        %get3A_1686 = tpu.vector_load %arg10[%get3A_1683, %get3A_1684, %get3A_1685] {strides = array<i32>} : memref<5x128x64xf32, #tpu.memory_space<vmem>>, vector<16xf32>,
        %mul3A_1687 = arith.mulf %get3A_1525, %get3A_1686 : vector<16xf32>
        %add3A_1688 = arith.addf %mul3A_1681, %mul3A_1687 : vector<16xf32>
        %get3A_1689 = arith.constant 4 : i32
        %get3A_1690 = arith.index_cast %get3A_1689 : i32 to index
        %get3A_1691 = arith.index_cast %add3A_1519 : i32 to index
        %get3A_1692 = arith.constant 32 : index
        %get3A_1693 = tpu.vector_load %arg10[%get3A_1690, %get3A_1691, %get3A_1692] {strides = array<i32>} : memref<5x128x64xf32, #tpu.memory_space<vmem>>, vector<16xf32>,
        %mul3A_1694 = arith.mulf %get3A_1528, %get3A_1693 : vector<16xf32>
        %add3A_1695 = arith.addf %add3A_1688, %mul3A_1694 : vector<16xf32>
        %get3A_1696 = arith.constant 4 : i32
        %get3A_1697 = arith.index_cast %get3A_1696 : i32 to index
        %get3A_1698 = arith.index_cast %add3A_1519 : i32 to index
        %get3A_1699 = arith.constant 48 : index
        %get3A_1700 = tpu.vector_load %arg10[%get3A_1697, %get3A_1698, %get3A_1699] {strides = array<i32>} : memref<5x128x64xf32, #tpu.memory_space<vmem>>, vector<16xf32>,
        %mul3A_1701 = arith.mulf %get3A_1531, %get3A_1700 : vector<16xf32>
        %add3A_1702 = arith.addf %add3A_1695, %mul3A_1701 : vector<16xf32>
        %mul3A_1703 = arith.constant 16 : i32
        %mul3A_1704 = vector.broadcast %mul3A_1703 : i32 to vector<16xi32>
        %mul3A_1705 = arith.muli %iota3A, %mul3A_1704 : vector<16xi32>
        %add3A_1706 = arith.constant 1024 : i32
        %add3A_1707 = vector.broadcast %add3A_1706 : i32 to vector<16xi32>
        %add3A_1708 = arith.addi %add3A_1707, %mul3A_1705 : vector<16xi32>
        %add3A_1709 = arith.constant 7 : i32
        %add3A_1710 = vector.broadcast %add3A_1709 : i32 to vector<16xi32>
        %add3A_1711 = arith.addi %add3A_1708, %add3A_1710 : vector<16xi32>
        tpu.vector_store_idx %arg12[%add3A_1711], %add3A_1702 : memref<1280xf32, #tpu.memory_space<vmem>>[vector<16xi32>], vector<16xf32>,
        %mul3A_1712 = arith.constant 16 : i32
        %mul3A_1713 = arith.muli %scan3A_144, %mul3A_1712 : i32
        %add3A_1714 = arith.constant 8 : i32
        %add3A_1715 = arith.addi %mul3A_1713, %add3A_1714 : i32
        %get3A_1716 = arith.index_cast %add3A_1715 : i32 to index
        %get3A_1717 = arith.constant 0 : index
        %get3A_1718 = tpu.vector_load %arg9[%get3A_1716, %get3A_1717] {strides = array<i32>} : memref<128x64xf32, #tpu.memory_space<vmem>>, vector<16xf32>,
        %get3A_1719 = arith.index_cast %add3A_1715 : i32 to index
        %get3A_1720 = arith.constant 16 : index
        %get3A_1721 = tpu.vector_load %arg9[%get3A_1719, %get3A_1720] {strides = array<i32>} : memref<128x64xf32, #tpu.memory_space<vmem>>, vector<16xf32>,
        %get3A_1722 = arith.index_cast %add3A_1715 : i32 to index
        %get3A_1723 = arith.constant 32 : index
        %get3A_1724 = tpu.vector_load %arg9[%get3A_1722, %get3A_1723] {strides = array<i32>} : memref<128x64xf32, #tpu.memory_space<vmem>>, vector<16xf32>,
        %get3A_1725 = arith.index_cast %add3A_1715 : i32 to index
        %get3A_1726 = arith.constant 48 : index
        %get3A_1727 = tpu.vector_load %arg9[%get3A_1725, %get3A_1726] {strides = array<i32>} : memref<128x64xf32, #tpu.memory_space<vmem>>, vector<16xf32>,
        %get3A_1728 = arith.constant 0 : i32
        %get3A_1729 = arith.index_cast %get3A_1728 : i32 to index
        %get3A_1730 = arith.index_cast %add3A_1715 : i32 to index
        %get3A_1731 = arith.constant 0 : index
        %get3A_1732 = tpu.vector_load %arg10[%get3A_1729, %get3A_1730, %get3A_1731] {strides = array<i32>} : memref<5x128x64xf32, #tpu.memory_space<vmem>>, vector<16xf32>,
        %mul3A_1733 = arith.mulf %get3A_1718, %get3A_1732 : vector<16xf32>
        %get3A_1734 = arith.constant 0 : i32
        %get3A_1735 = arith.index_cast %get3A_1734 : i32 to index
        %get3A_1736 = arith.index_cast %add3A_1715 : i32 to index
        %get3A_1737 = arith.constant 16 : index
        %get3A_1738 = tpu.vector_load %arg10[%get3A_1735, %get3A_1736, %get3A_1737] {strides = array<i32>} : memref<5x128x64xf32, #tpu.memory_space<vmem>>, vector<16xf32>,
        %mul3A_1739 = arith.mulf %get3A_1721, %get3A_1738 : vector<16xf32>
        %add3A_1740 = arith.addf %mul3A_1733, %mul3A_1739 : vector<16xf32>
        %get3A_1741 = arith.constant 0 : i32
        %get3A_1742 = arith.index_cast %get3A_1741 : i32 to index
        %get3A_1743 = arith.index_cast %add3A_1715 : i32 to index
        %get3A_1744 = arith.constant 32 : index
        %get3A_1745 = tpu.vector_load %arg10[%get3A_1742, %get3A_1743, %get3A_1744] {strides = array<i32>} : memref<5x128x64xf32, #tpu.memory_space<vmem>>, vector<16xf32>,
        %mul3A_1746 = arith.mulf %get3A_1724, %get3A_1745 : vector<16xf32>
        %add3A_1747 = arith.addf %add3A_1740, %mul3A_1746 : vector<16xf32>
        %get3A_1748 = arith.constant 0 : i32
        %get3A_1749 = arith.index_cast %get3A_1748 : i32 to index
        %get3A_1750 = arith.index_cast %add3A_1715 : i32 to index
        %get3A_1751 = arith.constant 48 : index
        %get3A_1752 = tpu.vector_load %arg10[%get3A_1749, %get3A_1750, %get3A_1751] {strides = array<i32>} : memref<5x128x64xf32, #tpu.memory_space<vmem>>, vector<16xf32>,
        %mul3A_1753 = arith.mulf %get3A_1727, %get3A_1752 : vector<16xf32>
        %add3A_1754 = arith.addf %add3A_1747, %mul3A_1753 : vector<16xf32>
        %mul3A_1755 = arith.constant 16 : i32
        %mul3A_1756 = vector.broadcast %mul3A_1755 : i32 to vector<16xi32>
        %mul3A_1757 = arith.muli %iota3A, %mul3A_1756 : vector<16xi32>
        %add3A_1758 = arith.constant 0 : i32
        %add3A_1759 = vector.broadcast %add3A_1758 : i32 to vector<16xi32>
        %add3A_1760 = arith.addi %add3A_1759, %mul3A_1757 : vector<16xi32>
        %add3A_1761 = arith.constant 8 : i32
        %add3A_1762 = vector.broadcast %add3A_1761 : i32 to vector<16xi32>
        %add3A_1763 = arith.addi %add3A_1760, %add3A_1762 : vector<16xi32>
        tpu.vector_store_idx %arg12[%add3A_1763], %add3A_1754 : memref<1280xf32, #tpu.memory_space<vmem>>[vector<16xi32>], vector<16xf32>,
        %get3A_1764 = arith.constant 1 : i32
        %get3A_1765 = arith.index_cast %get3A_1764 : i32 to index
        %get3A_1766 = arith.index_cast %add3A_1715 : i32 to index
        %get3A_1767 = arith.constant 0 : index
        %get3A_1768 = tpu.vector_load %arg10[%get3A_1765, %get3A_1766, %get3A_1767] {strides = array<i32>} : memref<5x128x64xf32, #tpu.memory_space<vmem>>, vector<16xf32>,
        %mul3A_1769 = arith.mulf %get3A_1718, %get3A_1768 : vector<16xf32>
        %get3A_1770 = arith.constant 1 : i32
        %get3A_1771 = arith.index_cast %get3A_1770 : i32 to index
        %get3A_1772 = arith.index_cast %add3A_1715 : i32 to index
        %get3A_1773 = arith.constant 16 : index
        %get3A_1774 = tpu.vector_load %arg10[%get3A_1771, %get3A_1772, %get3A_1773] {strides = array<i32>} : memref<5x128x64xf32, #tpu.memory_space<vmem>>, vector<16xf32>,
        %mul3A_1775 = arith.mulf %get3A_1721, %get3A_1774 : vector<16xf32>
        %add3A_1776 = arith.addf %mul3A_1769, %mul3A_1775 : vector<16xf32>
        %get3A_1777 = arith.constant 1 : i32
        %get3A_1778 = arith.index_cast %get3A_1777 : i32 to index
        %get3A_1779 = arith.index_cast %add3A_1715 : i32 to index
        %get3A_1780 = arith.constant 32 : index
        %get3A_1781 = tpu.vector_load %arg10[%get3A_1778, %get3A_1779, %get3A_1780] {strides = array<i32>} : memref<5x128x64xf32, #tpu.memory_space<vmem>>, vector<16xf32>,
        %mul3A_1782 = arith.mulf %get3A_1724, %get3A_1781 : vector<16xf32>
        %add3A_1783 = arith.addf %add3A_1776, %mul3A_1782 : vector<16xf32>
        %get3A_1784 = arith.constant 1 : i32
        %get3A_1785 = arith.index_cast %get3A_1784 : i32 to index
        %get3A_1786 = arith.index_cast %add3A_1715 : i32 to index
        %get3A_1787 = arith.constant 48 : index
        %get3A_1788 = tpu.vector_load %arg10[%get3A_1785, %get3A_1786, %get3A_1787] {strides = array<i32>} : memref<5x128x64xf32, #tpu.memory_space<vmem>>, vector<16xf32>,
        %mul3A_1789 = arith.mulf %get3A_1727, %get3A_1788 : vector<16xf32>
        %add3A_1790 = arith.addf %add3A_1783, %mul3A_1789 : vector<16xf32>
        %mul3A_1791 = arith.constant 16 : i32
        %mul3A_1792 = vector.broadcast %mul3A_1791 : i32 to vector<16xi32>
        %mul3A_1793 = arith.muli %iota3A, %mul3A_1792 : vector<16xi32>
        %add3A_1794 = arith.constant 256 : i32
        %add3A_1795 = vector.broadcast %add3A_1794 : i32 to vector<16xi32>
        %add3A_1796 = arith.addi %add3A_1795, %mul3A_1793 : vector<16xi32>
        %add3A_1797 = arith.constant 8 : i32
        %add3A_1798 = vector.broadcast %add3A_1797 : i32 to vector<16xi32>
        %add3A_1799 = arith.addi %add3A_1796, %add3A_1798 : vector<16xi32>
        tpu.vector_store_idx %arg12[%add3A_1799], %add3A_1790 : memref<1280xf32, #tpu.memory_space<vmem>>[vector<16xi32>], vector<16xf32>,
        %get3A_1800 = arith.constant 2 : i32
        %get3A_1801 = arith.index_cast %get3A_1800 : i32 to index
        %get3A_1802 = arith.index_cast %add3A_1715 : i32 to index
        %get3A_1803 = arith.constant 0 : index
        %get3A_1804 = tpu.vector_load %arg10[%get3A_1801, %get3A_1802, %get3A_1803] {strides = array<i32>} : memref<5x128x64xf32, #tpu.memory_space<vmem>>, vector<16xf32>,
        %mul3A_1805 = arith.mulf %get3A_1718, %get3A_1804 : vector<16xf32>
        %get3A_1806 = arith.constant 2 : i32
        %get3A_1807 = arith.index_cast %get3A_1806 : i32 to index
        %get3A_1808 = arith.index_cast %add3A_1715 : i32 to index
        %get3A_1809 = arith.constant 16 : index
        %get3A_1810 = tpu.vector_load %arg10[%get3A_1807, %get3A_1808, %get3A_1809] {strides = array<i32>} : memref<5x128x64xf32, #tpu.memory_space<vmem>>, vector<16xf32>,
        %mul3A_1811 = arith.mulf %get3A_1721, %get3A_1810 : vector<16xf32>
        %add3A_1812 = arith.addf %mul3A_1805, %mul3A_1811 : vector<16xf32>
        %get3A_1813 = arith.constant 2 : i32
        %get3A_1814 = arith.index_cast %get3A_1813 : i32 to index
        %get3A_1815 = arith.index_cast %add3A_1715 : i32 to index
        %get3A_1816 = arith.constant 32 : index
        %get3A_1817 = tpu.vector_load %arg10[%get3A_1814, %get3A_1815, %get3A_1816] {strides = array<i32>} : memref<5x128x64xf32, #tpu.memory_space<vmem>>, vector<16xf32>,
        %mul3A_1818 = arith.mulf %get3A_1724, %get3A_1817 : vector<16xf32>
        %add3A_1819 = arith.addf %add3A_1812, %mul3A_1818 : vector<16xf32>
        %get3A_1820 = arith.constant 2 : i32
        %get3A_1821 = arith.index_cast %get3A_1820 : i32 to index
        %get3A_1822 = arith.index_cast %add3A_1715 : i32 to index
        %get3A_1823 = arith.constant 48 : index
        %get3A_1824 = tpu.vector_load %arg10[%get3A_1821, %get3A_1822, %get3A_1823] {strides = array<i32>} : memref<5x128x64xf32, #tpu.memory_space<vmem>>, vector<16xf32>,
        %mul3A_1825 = arith.mulf %get3A_1727, %get3A_1824 : vector<16xf32>
        %add3A_1826 = arith.addf %add3A_1819, %mul3A_1825 : vector<16xf32>
        %mul3A_1827 = arith.constant 16 : i32
        %mul3A_1828 = vector.broadcast %mul3A_1827 : i32 to vector<16xi32>
        %mul3A_1829 = arith.muli %iota3A, %mul3A_1828 : vector<16xi32>
        %add3A_1830 = arith.constant 512 : i32
        %add3A_1831 = vector.broadcast %add3A_1830 : i32 to vector<16xi32>
        %add3A_1832 = arith.addi %add3A_1831, %mul3A_1829 : vector<16xi32>
        %add3A_1833 = arith.constant 8 : i32
        %add3A_1834 = vector.broadcast %add3A_1833 : i32 to vector<16xi32>
        %add3A_1835 = arith.addi %add3A_1832, %add3A_1834 : vector<16xi32>
        tpu.vector_store_idx %arg12[%add3A_1835], %add3A_1826 : memref<1280xf32, #tpu.memory_space<vmem>>[vector<16xi32>], vector<16xf32>,
        %get3A_1836 = arith.constant 3 : i32
        %get3A_1837 = arith.index_cast %get3A_1836 : i32 to index
        %get3A_1838 = arith.index_cast %add3A_1715 : i32 to index
        %get3A_1839 = arith.constant 0 : index
        %get3A_1840 = tpu.vector_load %arg10[%get3A_1837, %get3A_1838, %get3A_1839] {strides = array<i32>} : memref<5x128x64xf32, #tpu.memory_space<vmem>>, vector<16xf32>,
        %mul3A_1841 = arith.mulf %get3A_1718, %get3A_1840 : vector<16xf32>
        %get3A_1842 = arith.constant 3 : i32
        %get3A_1843 = arith.index_cast %get3A_1842 : i32 to index
        %get3A_1844 = arith.index_cast %add3A_1715 : i32 to index
        %get3A_1845 = arith.constant 16 : index
        %get3A_1846 = tpu.vector_load %arg10[%get3A_1843, %get3A_1844, %get3A_1845] {strides = array<i32>} : memref<5x128x64xf32, #tpu.memory_space<vmem>>, vector<16xf32>,
        %mul3A_1847 = arith.mulf %get3A_1721, %get3A_1846 : vector<16xf32>
        %add3A_1848 = arith.addf %mul3A_1841, %mul3A_1847 : vector<16xf32>
        %get3A_1849 = arith.constant 3 : i32
        %get3A_1850 = arith.index_cast %get3A_1849 : i32 to index
        %get3A_1851 = arith.index_cast %add3A_1715 : i32 to index
        %get3A_1852 = arith.constant 32 : index
        %get3A_1853 = tpu.vector_load %arg10[%get3A_1850, %get3A_1851, %get3A_1852] {strides = array<i32>} : memref<5x128x64xf32, #tpu.memory_space<vmem>>, vector<16xf32>,
        %mul3A_1854 = arith.mulf %get3A_1724, %get3A_1853 : vector<16xf32>
        %add3A_1855 = arith.addf %add3A_1848, %mul3A_1854 : vector<16xf32>
        %get3A_1856 = arith.constant 3 : i32
        %get3A_1857 = arith.index_cast %get3A_1856 : i32 to index
        %get3A_1858 = arith.index_cast %add3A_1715 : i32 to index
        %get3A_1859 = arith.constant 48 : index
        %get3A_1860 = tpu.vector_load %arg10[%get3A_1857, %get3A_1858, %get3A_1859] {strides = array<i32>} : memref<5x128x64xf32, #tpu.memory_space<vmem>>, vector<16xf32>,
        %mul3A_1861 = arith.mulf %get3A_1727, %get3A_1860 : vector<16xf32>
        %add3A_1862 = arith.addf %add3A_1855, %mul3A_1861 : vector<16xf32>
        %mul3A_1863 = arith.constant 16 : i32
        %mul3A_1864 = vector.broadcast %mul3A_1863 : i32 to vector<16xi32>
        %mul3A_1865 = arith.muli %iota3A, %mul3A_1864 : vector<16xi32>
        %add3A_1866 = arith.constant 768 : i32
        %add3A_1867 = vector.broadcast %add3A_1866 : i32 to vector<16xi32>
        %add3A_1868 = arith.addi %add3A_1867, %mul3A_1865 : vector<16xi32>
        %add3A_1869 = arith.constant 8 : i32
        %add3A_1870 = vector.broadcast %add3A_1869 : i32 to vector<16xi32>
        %add3A_1871 = arith.addi %add3A_1868, %add3A_1870 : vector<16xi32>
        tpu.vector_store_idx %arg12[%add3A_1871], %add3A_1862 : memref<1280xf32, #tpu.memory_space<vmem>>[vector<16xi32>], vector<16xf32>,
        %get3A_1872 = arith.constant 4 : i32
        %get3A_1873 = arith.index_cast %get3A_1872 : i32 to index
        %get3A_1874 = arith.index_cast %add3A_1715 : i32 to index
        %get3A_1875 = arith.constant 0 : index
        %get3A_1876 = tpu.vector_load %arg10[%get3A_1873, %get3A_1874, %get3A_1875] {strides = array<i32>} : memref<5x128x64xf32, #tpu.memory_space<vmem>>, vector<16xf32>,
        %mul3A_1877 = arith.mulf %get3A_1718, %get3A_1876 : vector<16xf32>
        %get3A_1878 = arith.constant 4 : i32
        %get3A_1879 = arith.index_cast %get3A_1878 : i32 to index
        %get3A_1880 = arith.index_cast %add3A_1715 : i32 to index
        %get3A_1881 = arith.constant 16 : index
        %get3A_1882 = tpu.vector_load %arg10[%get3A_1879, %get3A_1880, %get3A_1881] {strides = array<i32>} : memref<5x128x64xf32, #tpu.memory_space<vmem>>, vector<16xf32>,
        %mul3A_1883 = arith.mulf %get3A_1721, %get3A_1882 : vector<16xf32>
        %add3A_1884 = arith.addf %mul3A_1877, %mul3A_1883 : vector<16xf32>
        %get3A_1885 = arith.constant 4 : i32
        %get3A_1886 = arith.index_cast %get3A_1885 : i32 to index
        %get3A_1887 = arith.index_cast %add3A_1715 : i32 to index
        %get3A_1888 = arith.constant 32 : index
        %get3A_1889 = tpu.vector_load %arg10[%get3A_1886, %get3A_1887, %get3A_1888] {strides = array<i32>} : memref<5x128x64xf32, #tpu.memory_space<vmem>>, vector<16xf32>,
        %mul3A_1890 = arith.mulf %get3A_1724, %get3A_1889 : vector<16xf32>
        %add3A_1891 = arith.addf %add3A_1884, %mul3A_1890 : vector<16xf32>
        %get3A_1892 = arith.constant 4 : i32
        %get3A_1893 = arith.index_cast %get3A_1892 : i32 to index
        %get3A_1894 = arith.index_cast %add3A_1715 : i32 to index
        %get3A_1895 = arith.constant 48 : index
        %get3A_1896 = tpu.vector_load %arg10[%get3A_1893, %get3A_1894, %get3A_1895] {strides = array<i32>} : memref<5x128x64xf32, #tpu.memory_space<vmem>>, vector<16xf32>,
        %mul3A_1897 = arith.mulf %get3A_1727, %get3A_1896 : vector<16xf32>
        %add3A_1898 = arith.addf %add3A_1891, %mul3A_1897 : vector<16xf32>
        %mul3A_1899 = arith.constant 16 : i32
        %mul3A_1900 = vector.broadcast %mul3A_1899 : i32 to vector<16xi32>
        %mul3A_1901 = arith.muli %iota3A, %mul3A_1900 : vector<16xi32>
        %add3A_1902 = arith.constant 1024 : i32
        %add3A_1903 = vector.broadcast %add3A_1902 : i32 to vector<16xi32>
        %add3A_1904 = arith.addi %add3A_1903, %mul3A_1901 : vector<16xi32>
        %add3A_1905 = arith.constant 8 : i32
        %add3A_1906 = vector.broadcast %add3A_1905 : i32 to vector<16xi32>
        %add3A_1907 = arith.addi %add3A_1904, %add3A_1906 : vector<16xi32>
        tpu.vector_store_idx %arg12[%add3A_1907], %add3A_1898 : memref<1280xf32, #tpu.memory_space<vmem>>[vector<16xi32>], vector<16xf32>,
        %mul3A_1908 = arith.constant 16 : i32
        %mul3A_1909 = arith.muli %scan3A_144, %mul3A_1908 : i32
        %add3A_1910 = arith.constant 9 : i32
        %add3A_1911 = arith.addi %mul3A_1909, %add3A_1910 : i32
        %get3A_1912 = arith.index_cast %add3A_1911 : i32 to index
        %get3A_1913 = arith.constant 0 : index
        %get3A_1914 = tpu.vector_load %arg9[%get3A_1912, %get3A_1913] {strides = array<i32>} : memref<128x64xf32, #tpu.memory_space<vmem>>, vector<16xf32>,
        %get3A_1915 = arith.index_cast %add3A_1911 : i32 to index
        %get3A_1916 = arith.constant 16 : index
        %get3A_1917 = tpu.vector_load %arg9[%get3A_1915, %get3A_1916] {strides = array<i32>} : memref<128x64xf32, #tpu.memory_space<vmem>>, vector<16xf32>,
        %get3A_1918 = arith.index_cast %add3A_1911 : i32 to index
        %get3A_1919 = arith.constant 32 : index
        %get3A_1920 = tpu.vector_load %arg9[%get3A_1918, %get3A_1919] {strides = array<i32>} : memref<128x64xf32, #tpu.memory_space<vmem>>, vector<16xf32>,
        %get3A_1921 = arith.index_cast %add3A_1911 : i32 to index
        %get3A_1922 = arith.constant 48 : index
        %get3A_1923 = tpu.vector_load %arg9[%get3A_1921, %get3A_1922] {strides = array<i32>} : memref<128x64xf32, #tpu.memory_space<vmem>>, vector<16xf32>,
        %get3A_1924 = arith.constant 0 : i32
        %get3A_1925 = arith.index_cast %get3A_1924 : i32 to index
        %get3A_1926 = arith.index_cast %add3A_1911 : i32 to index
        %get3A_1927 = arith.constant 0 : index
        %get3A_1928 = tpu.vector_load %arg10[%get3A_1925, %get3A_1926, %get3A_1927] {strides = array<i32>} : memref<5x128x64xf32, #tpu.memory_space<vmem>>, vector<16xf32>,
        %mul3A_1929 = arith.mulf %get3A_1914, %get3A_1928 : vector<16xf32>
        %get3A_1930 = arith.constant 0 : i32
        %get3A_1931 = arith.index_cast %get3A_1930 : i32 to index
        %get3A_1932 = arith.index_cast %add3A_1911 : i32 to index
        %get3A_1933 = arith.constant 16 : index
        %get3A_1934 = tpu.vector_load %arg10[%get3A_1931, %get3A_1932, %get3A_1933] {strides = array<i32>} : memref<5x128x64xf32, #tpu.memory_space<vmem>>, vector<16xf32>,
        %mul3A_1935 = arith.mulf %get3A_1917, %get3A_1934 : vector<16xf32>
        %add3A_1936 = arith.addf %mul3A_1929, %mul3A_1935 : vector<16xf32>
        %get3A_1937 = arith.constant 0 : i32
        %get3A_1938 = arith.index_cast %get3A_1937 : i32 to index
        %get3A_1939 = arith.index_cast %add3A_1911 : i32 to index
        %get3A_1940 = arith.constant 32 : index
        %get3A_1941 = tpu.vector_load %arg10[%get3A_1938, %get3A_1939, %get3A_1940] {strides = array<i32>} : memref<5x128x64xf32, #tpu.memory_space<vmem>>, vector<16xf32>,
        %mul3A_1942 = arith.mulf %get3A_1920, %get3A_1941 : vector<16xf32>
        %add3A_1943 = arith.addf %add3A_1936, %mul3A_1942 : vector<16xf32>
        %get3A_1944 = arith.constant 0 : i32
        %get3A_1945 = arith.index_cast %get3A_1944 : i32 to index
        %get3A_1946 = arith.index_cast %add3A_1911 : i32 to index
        %get3A_1947 = arith.constant 48 : index
        %get3A_1948 = tpu.vector_load %arg10[%get3A_1945, %get3A_1946, %get3A_1947] {strides = array<i32>} : memref<5x128x64xf32, #tpu.memory_space<vmem>>, vector<16xf32>,
        %mul3A_1949 = arith.mulf %get3A_1923, %get3A_1948 : vector<16xf32>
        %add3A_1950 = arith.addf %add3A_1943, %mul3A_1949 : vector<16xf32>
        %mul3A_1951 = arith.constant 16 : i32
        %mul3A_1952 = vector.broadcast %mul3A_1951 : i32 to vector<16xi32>
        %mul3A_1953 = arith.muli %iota3A, %mul3A_1952 : vector<16xi32>
        %add3A_1954 = arith.constant 0 : i32
        %add3A_1955 = vector.broadcast %add3A_1954 : i32 to vector<16xi32>
        %add3A_1956 = arith.addi %add3A_1955, %mul3A_1953 : vector<16xi32>
        %add3A_1957 = arith.constant 9 : i32
        %add3A_1958 = vector.broadcast %add3A_1957 : i32 to vector<16xi32>
        %add3A_1959 = arith.addi %add3A_1956, %add3A_1958 : vector<16xi32>
        tpu.vector_store_idx %arg12[%add3A_1959], %add3A_1950 : memref<1280xf32, #tpu.memory_space<vmem>>[vector<16xi32>], vector<16xf32>,
        %get3A_1960 = arith.constant 1 : i32
        %get3A_1961 = arith.index_cast %get3A_1960 : i32 to index
        %get3A_1962 = arith.index_cast %add3A_1911 : i32 to index
        %get3A_1963 = arith.constant 0 : index
        %get3A_1964 = tpu.vector_load %arg10[%get3A_1961, %get3A_1962, %get3A_1963] {strides = array<i32>} : memref<5x128x64xf32, #tpu.memory_space<vmem>>, vector<16xf32>,
        %mul3A_1965 = arith.mulf %get3A_1914, %get3A_1964 : vector<16xf32>
        %get3A_1966 = arith.constant 1 : i32
        %get3A_1967 = arith.index_cast %get3A_1966 : i32 to index
        %get3A_1968 = arith.index_cast %add3A_1911 : i32 to index
        %get3A_1969 = arith.constant 16 : index
        %get3A_1970 = tpu.vector_load %arg10[%get3A_1967, %get3A_1968, %get3A_1969] {strides = array<i32>} : memref<5x128x64xf32, #tpu.memory_space<vmem>>, vector<16xf32>,
        %mul3A_1971 = arith.mulf %get3A_1917, %get3A_1970 : vector<16xf32>
        %add3A_1972 = arith.addf %mul3A_1965, %mul3A_1971 : vector<16xf32>
        %get3A_1973 = arith.constant 1 : i32
        %get3A_1974 = arith.index_cast %get3A_1973 : i32 to index
        %get3A_1975 = arith.index_cast %add3A_1911 : i32 to index
        %get3A_1976 = arith.constant 32 : index
        %get3A_1977 = tpu.vector_load %arg10[%get3A_1974, %get3A_1975, %get3A_1976] {strides = array<i32>} : memref<5x128x64xf32, #tpu.memory_space<vmem>>, vector<16xf32>,
        %mul3A_1978 = arith.mulf %get3A_1920, %get3A_1977 : vector<16xf32>
        %add3A_1979 = arith.addf %add3A_1972, %mul3A_1978 : vector<16xf32>
        %get3A_1980 = arith.constant 1 : i32
        %get3A_1981 = arith.index_cast %get3A_1980 : i32 to index
        %get3A_1982 = arith.index_cast %add3A_1911 : i32 to index
        %get3A_1983 = arith.constant 48 : index
        %get3A_1984 = tpu.vector_load %arg10[%get3A_1981, %get3A_1982, %get3A_1983] {strides = array<i32>} : memref<5x128x64xf32, #tpu.memory_space<vmem>>, vector<16xf32>,
        %mul3A_1985 = arith.mulf %get3A_1923, %get3A_1984 : vector<16xf32>
        %add3A_1986 = arith.addf %add3A_1979, %mul3A_1985 : vector<16xf32>
        %mul3A_1987 = arith.constant 16 : i32
        %mul3A_1988 = vector.broadcast %mul3A_1987 : i32 to vector<16xi32>
        %mul3A_1989 = arith.muli %iota3A, %mul3A_1988 : vector<16xi32>
        %add3A_1990 = arith.constant 256 : i32
        %add3A_1991 = vector.broadcast %add3A_1990 : i32 to vector<16xi32>
        %add3A_1992 = arith.addi %add3A_1991, %mul3A_1989 : vector<16xi32>
        %add3A_1993 = arith.constant 9 : i32
        %add3A_1994 = vector.broadcast %add3A_1993 : i32 to vector<16xi32>
        %add3A_1995 = arith.addi %add3A_1992, %add3A_1994 : vector<16xi32>
        tpu.vector_store_idx %arg12[%add3A_1995], %add3A_1986 : memref<1280xf32, #tpu.memory_space<vmem>>[vector<16xi32>], vector<16xf32>,
        %get3A_1996 = arith.constant 2 : i32
        %get3A_1997 = arith.index_cast %get3A_1996 : i32 to index
        %get3A_1998 = arith.index_cast %add3A_1911 : i32 to index
        %get3A_1999 = arith.constant 0 : index
        %get3A_2000 = tpu.vector_load %arg10[%get3A_1997, %get3A_1998, %get3A_1999] {strides = array<i32>} : memref<5x128x64xf32, #tpu.memory_space<vmem>>, vector<16xf32>,
        %mul3A_2001 = arith.mulf %get3A_1914, %get3A_2000 : vector<16xf32>
        %get3A_2002 = arith.constant 2 : i32
        %get3A_2003 = arith.index_cast %get3A_2002 : i32 to index
        %get3A_2004 = arith.index_cast %add3A_1911 : i32 to index
        %get3A_2005 = arith.constant 16 : index
        %get3A_2006 = tpu.vector_load %arg10[%get3A_2003, %get3A_2004, %get3A_2005] {strides = array<i32>} : memref<5x128x64xf32, #tpu.memory_space<vmem>>, vector<16xf32>,
        %mul3A_2007 = arith.mulf %get3A_1917, %get3A_2006 : vector<16xf32>
        %add3A_2008 = arith.addf %mul3A_2001, %mul3A_2007 : vector<16xf32>
        %get3A_2009 = arith.constant 2 : i32
        %get3A_2010 = arith.index_cast %get3A_2009 : i32 to index
        %get3A_2011 = arith.index_cast %add3A_1911 : i32 to index
        %get3A_2012 = arith.constant 32 : index
        %get3A_2013 = tpu.vector_load %arg10[%get3A_2010, %get3A_2011, %get3A_2012] {strides = array<i32>} : memref<5x128x64xf32, #tpu.memory_space<vmem>>, vector<16xf32>,
        %mul3A_2014 = arith.mulf %get3A_1920, %get3A_2013 : vector<16xf32>
        %add3A_2015 = arith.addf %add3A_2008, %mul3A_2014 : vector<16xf32>
        %get3A_2016 = arith.constant 2 : i32
        %get3A_2017 = arith.index_cast %get3A_2016 : i32 to index
        %get3A_2018 = arith.index_cast %add3A_1911 : i32 to index
        %get3A_2019 = arith.constant 48 : index
        %get3A_2020 = tpu.vector_load %arg10[%get3A_2017, %get3A_2018, %get3A_2019] {strides = array<i32>} : memref<5x128x64xf32, #tpu.memory_space<vmem>>, vector<16xf32>,
        %mul3A_2021 = arith.mulf %get3A_1923, %get3A_2020 : vector<16xf32>
        %add3A_2022 = arith.addf %add3A_2015, %mul3A_2021 : vector<16xf32>
        %mul3A_2023 = arith.constant 16 : i32
        %mul3A_2024 = vector.broadcast %mul3A_2023 : i32 to vector<16xi32>
        %mul3A_2025 = arith.muli %iota3A, %mul3A_2024 : vector<16xi32>
        %add3A_2026 = arith.constant 512 : i32
        %add3A_2027 = vector.broadcast %add3A_2026 : i32 to vector<16xi32>
        %add3A_2028 = arith.addi %add3A_2027, %mul3A_2025 : vector<16xi32>
        %add3A_2029 = arith.constant 9 : i32
        %add3A_2030 = vector.broadcast %add3A_2029 : i32 to vector<16xi32>
        %add3A_2031 = arith.addi %add3A_2028, %add3A_2030 : vector<16xi32>
        tpu.vector_store_idx %arg12[%add3A_2031], %add3A_2022 : memref<1280xf32, #tpu.memory_space<vmem>>[vector<16xi32>], vector<16xf32>,
        %get3A_2032 = arith.constant 3 : i32
        %get3A_2033 = arith.index_cast %get3A_2032 : i32 to index
        %get3A_2034 = arith.index_cast %add3A_1911 : i32 to index
        %get3A_2035 = arith.constant 0 : index
        %get3A_2036 = tpu.vector_load %arg10[%get3A_2033, %get3A_2034, %get3A_2035] {strides = array<i32>} : memref<5x128x64xf32, #tpu.memory_space<vmem>>, vector<16xf32>,
        %mul3A_2037 = arith.mulf %get3A_1914, %get3A_2036 : vector<16xf32>
        %get3A_2038 = arith.constant 3 : i32
        %get3A_2039 = arith.index_cast %get3A_2038 : i32 to index
        %get3A_2040 = arith.index_cast %add3A_1911 : i32 to index
        %get3A_2041 = arith.constant 16 : index
        %get3A_2042 = tpu.vector_load %arg10[%get3A_2039, %get3A_2040, %get3A_2041] {strides = array<i32>} : memref<5x128x64xf32, #tpu.memory_space<vmem>>, vector<16xf32>,
        %mul3A_2043 = arith.mulf %get3A_1917, %get3A_2042 : vector<16xf32>
        %add3A_2044 = arith.addf %mul3A_2037, %mul3A_2043 : vector<16xf32>
        %get3A_2045 = arith.constant 3 : i32
        %get3A_2046 = arith.index_cast %get3A_2045 : i32 to index
        %get3A_2047 = arith.index_cast %add3A_1911 : i32 to index
        %get3A_2048 = arith.constant 32 : index
        %get3A_2049 = tpu.vector_load %arg10[%get3A_2046, %get3A_2047, %get3A_2048] {strides = array<i32>} : memref<5x128x64xf32, #tpu.memory_space<vmem>>, vector<16xf32>,
        %mul3A_2050 = arith.mulf %get3A_1920, %get3A_2049 : vector<16xf32>
        %add3A_2051 = arith.addf %add3A_2044, %mul3A_2050 : vector<16xf32>
        %get3A_2052 = arith.constant 3 : i32
        %get3A_2053 = arith.index_cast %get3A_2052 : i32 to index
        %get3A_2054 = arith.index_cast %add3A_1911 : i32 to index
        %get3A_2055 = arith.constant 48 : index
        %get3A_2056 = tpu.vector_load %arg10[%get3A_2053, %get3A_2054, %get3A_2055] {strides = array<i32>} : memref<5x128x64xf32, #tpu.memory_space<vmem>>, vector<16xf32>,
        %mul3A_2057 = arith.mulf %get3A_1923, %get3A_2056 : vector<16xf32>
        %add3A_2058 = arith.addf %add3A_2051, %mul3A_2057 : vector<16xf32>
        %mul3A_2059 = arith.constant 16 : i32
        %mul3A_2060 = vector.broadcast %mul3A_2059 : i32 to vector<16xi32>
        %mul3A_2061 = arith.muli %iota3A, %mul3A_2060 : vector<16xi32>
        %add3A_2062 = arith.constant 768 : i32
        %add3A_2063 = vector.broadcast %add3A_2062 : i32 to vector<16xi32>
        %add3A_2064 = arith.addi %add3A_2063, %mul3A_2061 : vector<16xi32>
        %add3A_2065 = arith.constant 9 : i32
        %add3A_2066 = vector.broadcast %add3A_2065 : i32 to vector<16xi32>
        %add3A_2067 = arith.addi %add3A_2064, %add3A_2066 : vector<16xi32>
        tpu.vector_store_idx %arg12[%add3A_2067], %add3A_2058 : memref<1280xf32, #tpu.memory_space<vmem>>[vector<16xi32>], vector<16xf32>,
        %get3A_2068 = arith.constant 4 : i32
        %get3A_2069 = arith.index_cast %get3A_2068 : i32 to index
        %get3A_2070 = arith.index_cast %add3A_1911 : i32 to index
        %get3A_2071 = arith.constant 0 : index
        %get3A_2072 = tpu.vector_load %arg10[%get3A_2069, %get3A_2070, %get3A_2071] {strides = array<i32>} : memref<5x128x64xf32, #tpu.memory_space<vmem>>, vector<16xf32>,
        %mul3A_2073 = arith.mulf %get3A_1914, %get3A_2072 : vector<16xf32>
        %get3A_2074 = arith.constant 4 : i32
        %get3A_2075 = arith.index_cast %get3A_2074 : i32 to index
        %get3A_2076 = arith.index_cast %add3A_1911 : i32 to index
        %get3A_2077 = arith.constant 16 : index
        %get3A_2078 = tpu.vector_load %arg10[%get3A_2075, %get3A_2076, %get3A_2077] {strides = array<i32>} : memref<5x128x64xf32, #tpu.memory_space<vmem>>, vector<16xf32>,
        %mul3A_2079 = arith.mulf %get3A_1917, %get3A_2078 : vector<16xf32>
        %add3A_2080 = arith.addf %mul3A_2073, %mul3A_2079 : vector<16xf32>
        %get3A_2081 = arith.constant 4 : i32
        %get3A_2082 = arith.index_cast %get3A_2081 : i32 to index
        %get3A_2083 = arith.index_cast %add3A_1911 : i32 to index
        %get3A_2084 = arith.constant 32 : index
        %get3A_2085 = tpu.vector_load %arg10[%get3A_2082, %get3A_2083, %get3A_2084] {strides = array<i32>} : memref<5x128x64xf32, #tpu.memory_space<vmem>>, vector<16xf32>,
        %mul3A_2086 = arith.mulf %get3A_1920, %get3A_2085 : vector<16xf32>
        %add3A_2087 = arith.addf %add3A_2080, %mul3A_2086 : vector<16xf32>
        %get3A_2088 = arith.constant 4 : i32
        %get3A_2089 = arith.index_cast %get3A_2088 : i32 to index
        %get3A_2090 = arith.index_cast %add3A_1911 : i32 to index
        %get3A_2091 = arith.constant 48 : index
        %get3A_2092 = tpu.vector_load %arg10[%get3A_2089, %get3A_2090, %get3A_2091] {strides = array<i32>} : memref<5x128x64xf32, #tpu.memory_space<vmem>>, vector<16xf32>,
        %mul3A_2093 = arith.mulf %get3A_1923, %get3A_2092 : vector<16xf32>
        %add3A_2094 = arith.addf %add3A_2087, %mul3A_2093 : vector<16xf32>
        %mul3A_2095 = arith.constant 16 : i32
        %mul3A_2096 = vector.broadcast %mul3A_2095 : i32 to vector<16xi32>
        %mul3A_2097 = arith.muli %iota3A, %mul3A_2096 : vector<16xi32>
        %add3A_2098 = arith.constant 1024 : i32
        %add3A_2099 = vector.broadcast %add3A_2098 : i32 to vector<16xi32>
        %add3A_2100 = arith.addi %add3A_2099, %mul3A_2097 : vector<16xi32>
        %add3A_2101 = arith.constant 9 : i32
        %add3A_2102 = vector.broadcast %add3A_2101 : i32 to vector<16xi32>
        %add3A_2103 = arith.addi %add3A_2100, %add3A_2102 : vector<16xi32>
        tpu.vector_store_idx %arg12[%add3A_2103], %add3A_2094 : memref<1280xf32, #tpu.memory_space<vmem>>[vector<16xi32>], vector<16xf32>,
        %mul3A_2104 = arith.constant 16 : i32
        %mul3A_2105 = arith.muli %scan3A_144, %mul3A_2104 : i32
        %add3A_2106 = arith.constant 10 : i32
        %add3A_2107 = arith.addi %mul3A_2105, %add3A_2106 : i32
        %get3A_2108 = arith.index_cast %add3A_2107 : i32 to index
        %get3A_2109 = arith.constant 0 : index
        %get3A_2110 = tpu.vector_load %arg9[%get3A_2108, %get3A_2109] {strides = array<i32>} : memref<128x64xf32, #tpu.memory_space<vmem>>, vector<16xf32>,
        %get3A_2111 = arith.index_cast %add3A_2107 : i32 to index
        %get3A_2112 = arith.constant 16 : index
        %get3A_2113 = tpu.vector_load %arg9[%get3A_2111, %get3A_2112] {strides = array<i32>} : memref<128x64xf32, #tpu.memory_space<vmem>>, vector<16xf32>,
        %get3A_2114 = arith.index_cast %add3A_2107 : i32 to index
        %get3A_2115 = arith.constant 32 : index
        %get3A_2116 = tpu.vector_load %arg9[%get3A_2114, %get3A_2115] {strides = array<i32>} : memref<128x64xf32, #tpu.memory_space<vmem>>, vector<16xf32>,
        %get3A_2117 = arith.index_cast %add3A_2107 : i32 to index
        %get3A_2118 = arith.constant 48 : index
        %get3A_2119 = tpu.vector_load %arg9[%get3A_2117, %get3A_2118] {strides = array<i32>} : memref<128x64xf32, #tpu.memory_space<vmem>>, vector<16xf32>,
        %get3A_2120 = arith.constant 0 : i32
        %get3A_2121 = arith.index_cast %get3A_2120 : i32 to index
        %get3A_2122 = arith.index_cast %add3A_2107 : i32 to index
        %get3A_2123 = arith.constant 0 : index
        %get3A_2124 = tpu.vector_load %arg10[%get3A_2121, %get3A_2122, %get3A_2123] {strides = array<i32>} : memref<5x128x64xf32, #tpu.memory_space<vmem>>, vector<16xf32>,
        %mul3A_2125 = arith.mulf %get3A_2110, %get3A_2124 : vector<16xf32>
        %get3A_2126 = arith.constant 0 : i32
        %get3A_2127 = arith.index_cast %get3A_2126 : i32 to index
        %get3A_2128 = arith.index_cast %add3A_2107 : i32 to index
        %get3A_2129 = arith.constant 16 : index
        %get3A_2130 = tpu.vector_load %arg10[%get3A_2127, %get3A_2128, %get3A_2129] {strides = array<i32>} : memref<5x128x64xf32, #tpu.memory_space<vmem>>, vector<16xf32>,
        %mul3A_2131 = arith.mulf %get3A_2113, %get3A_2130 : vector<16xf32>
        %add3A_2132 = arith.addf %mul3A_2125, %mul3A_2131 : vector<16xf32>
        %get3A_2133 = arith.constant 0 : i32
        %get3A_2134 = arith.index_cast %get3A_2133 : i32 to index
        %get3A_2135 = arith.index_cast %add3A_2107 : i32 to index
        %get3A_2136 = arith.constant 32 : index
        %get3A_2137 = tpu.vector_load %arg10[%get3A_2134, %get3A_2135, %get3A_2136] {strides = array<i32>} : memref<5x128x64xf32, #tpu.memory_space<vmem>>, vector<16xf32>,
        %mul3A_2138 = arith.mulf %get3A_2116, %get3A_2137 : vector<16xf32>
        %add3A_2139 = arith.addf %add3A_2132, %mul3A_2138 : vector<16xf32>
        %get3A_2140 = arith.constant 0 : i32
        %get3A_2141 = arith.index_cast %get3A_2140 : i32 to index
        %get3A_2142 = arith.index_cast %add3A_2107 : i32 to index
        %get3A_2143 = arith.constant 48 : index
        %get3A_2144 = tpu.vector_load %arg10[%get3A_2141, %get3A_2142, %get3A_2143] {strides = array<i32>} : memref<5x128x64xf32, #tpu.memory_space<vmem>>, vector<16xf32>,
        %mul3A_2145 = arith.mulf %get3A_2119, %get3A_2144 : vector<16xf32>
        %add3A_2146 = arith.addf %add3A_2139, %mul3A_2145 : vector<16xf32>
        %mul3A_2147 = arith.constant 16 : i32
        %mul3A_2148 = vector.broadcast %mul3A_2147 : i32 to vector<16xi32>
        %mul3A_2149 = arith.muli %iota3A, %mul3A_2148 : vector<16xi32>
        %add3A_2150 = arith.constant 0 : i32
        %add3A_2151 = vector.broadcast %add3A_2150 : i32 to vector<16xi32>
        %add3A_2152 = arith.addi %add3A_2151, %mul3A_2149 : vector<16xi32>
        %add3A_2153 = arith.constant 10 : i32
        %add3A_2154 = vector.broadcast %add3A_2153 : i32 to vector<16xi32>
        %add3A_2155 = arith.addi %add3A_2152, %add3A_2154 : vector<16xi32>
        tpu.vector_store_idx %arg12[%add3A_2155], %add3A_2146 : memref<1280xf32, #tpu.memory_space<vmem>>[vector<16xi32>], vector<16xf32>,
        %get3A_2156 = arith.constant 1 : i32
        %get3A_2157 = arith.index_cast %get3A_2156 : i32 to index
        %get3A_2158 = arith.index_cast %add3A_2107 : i32 to index
        %get3A_2159 = arith.constant 0 : index
        %get3A_2160 = tpu.vector_load %arg10[%get3A_2157, %get3A_2158, %get3A_2159] {strides = array<i32>} : memref<5x128x64xf32, #tpu.memory_space<vmem>>, vector<16xf32>,
        %mul3A_2161 = arith.mulf %get3A_2110, %get3A_2160 : vector<16xf32>
        %get3A_2162 = arith.constant 1 : i32
        %get3A_2163 = arith.index_cast %get3A_2162 : i32 to index
        %get3A_2164 = arith.index_cast %add3A_2107 : i32 to index
        %get3A_2165 = arith.constant 16 : index
        %get3A_2166 = tpu.vector_load %arg10[%get3A_2163, %get3A_2164, %get3A_2165] {strides = array<i32>} : memref<5x128x64xf32, #tpu.memory_space<vmem>>, vector<16xf32>,
        %mul3A_2167 = arith.mulf %get3A_2113, %get3A_2166 : vector<16xf32>
        %add3A_2168 = arith.addf %mul3A_2161, %mul3A_2167 : vector<16xf32>
        %get3A_2169 = arith.constant 1 : i32
        %get3A_2170 = arith.index_cast %get3A_2169 : i32 to index
        %get3A_2171 = arith.index_cast %add3A_2107 : i32 to index
        %get3A_2172 = arith.constant 32 : index
        %get3A_2173 = tpu.vector_load %arg10[%get3A_2170, %get3A_2171, %get3A_2172] {strides = array<i32>} : memref<5x128x64xf32, #tpu.memory_space<vmem>>, vector<16xf32>,
        %mul3A_2174 = arith.mulf %get3A_2116, %get3A_2173 : vector<16xf32>
        %add3A_2175 = arith.addf %add3A_2168, %mul3A_2174 : vector<16xf32>
        %get3A_2176 = arith.constant 1 : i32
        %get3A_2177 = arith.index_cast %get3A_2176 : i32 to index
        %get3A_2178 = arith.index_cast %add3A_2107 : i32 to index
        %get3A_2179 = arith.constant 48 : index
        %get3A_2180 = tpu.vector_load %arg10[%get3A_2177, %get3A_2178, %get3A_2179] {strides = array<i32>} : memref<5x128x64xf32, #tpu.memory_space<vmem>>, vector<16xf32>,
        %mul3A_2181 = arith.mulf %get3A_2119, %get3A_2180 : vector<16xf32>
        %add3A_2182 = arith.addf %add3A_2175, %mul3A_2181 : vector<16xf32>
        %mul3A_2183 = arith.constant 16 : i32
        %mul3A_2184 = vector.broadcast %mul3A_2183 : i32 to vector<16xi32>
        %mul3A_2185 = arith.muli %iota3A, %mul3A_2184 : vector<16xi32>
        %add3A_2186 = arith.constant 256 : i32
        %add3A_2187 = vector.broadcast %add3A_2186 : i32 to vector<16xi32>
        %add3A_2188 = arith.addi %add3A_2187, %mul3A_2185 : vector<16xi32>
        %add3A_2189 = arith.constant 10 : i32
        %add3A_2190 = vector.broadcast %add3A_2189 : i32 to vector<16xi32>
        %add3A_2191 = arith.addi %add3A_2188, %add3A_2190 : vector<16xi32>
        tpu.vector_store_idx %arg12[%add3A_2191], %add3A_2182 : memref<1280xf32, #tpu.memory_space<vmem>>[vector<16xi32>], vector<16xf32>,
        %get3A_2192 = arith.constant 2 : i32
        %get3A_2193 = arith.index_cast %get3A_2192 : i32 to index
        %get3A_2194 = arith.index_cast %add3A_2107 : i32 to index
        %get3A_2195 = arith.constant 0 : index
        %get3A_2196 = tpu.vector_load %arg10[%get3A_2193, %get3A_2194, %get3A_2195] {strides = array<i32>} : memref<5x128x64xf32, #tpu.memory_space<vmem>>, vector<16xf32>,
        %mul3A_2197 = arith.mulf %get3A_2110, %get3A_2196 : vector<16xf32>
        %get3A_2198 = arith.constant 2 : i32
        %get3A_2199 = arith.index_cast %get3A_2198 : i32 to index
        %get3A_2200 = arith.index_cast %add3A_2107 : i32 to index
        %get3A_2201 = arith.constant 16 : index
        %get3A_2202 = tpu.vector_load %arg10[%get3A_2199, %get3A_2200, %get3A_2201] {strides = array<i32>} : memref<5x128x64xf32, #tpu.memory_space<vmem>>, vector<16xf32>,
        %mul3A_2203 = arith.mulf %get3A_2113, %get3A_2202 : vector<16xf32>
        %add3A_2204 = arith.addf %mul3A_2197, %mul3A_2203 : vector<16xf32>
        %get3A_2205 = arith.constant 2 : i32
        %get3A_2206 = arith.index_cast %get3A_2205 : i32 to index
        %get3A_2207 = arith.index_cast %add3A_2107 : i32 to index
        %get3A_2208 = arith.constant 32 : index
        %get3A_2209 = tpu.vector_load %arg10[%get3A_2206, %get3A_2207, %get3A_2208] {strides = array<i32>} : memref<5x128x64xf32, #tpu.memory_space<vmem>>, vector<16xf32>,
        %mul3A_2210 = arith.mulf %get3A_2116, %get3A_2209 : vector<16xf32>
        %add3A_2211 = arith.addf %add3A_2204, %mul3A_2210 : vector<16xf32>
        %get3A_2212 = arith.constant 2 : i32
        %get3A_2213 = arith.index_cast %get3A_2212 : i32 to index
        %get3A_2214 = arith.index_cast %add3A_2107 : i32 to index
        %get3A_2215 = arith.constant 48 : index
        %get3A_2216 = tpu.vector_load %arg10[%get3A_2213, %get3A_2214, %get3A_2215] {strides = array<i32>} : memref<5x128x64xf32, #tpu.memory_space<vmem>>, vector<16xf32>,
        %mul3A_2217 = arith.mulf %get3A_2119, %get3A_2216 : vector<16xf32>
        %add3A_2218 = arith.addf %add3A_2211, %mul3A_2217 : vector<16xf32>
        %mul3A_2219 = arith.constant 16 : i32
        %mul3A_2220 = vector.broadcast %mul3A_2219 : i32 to vector<16xi32>
        %mul3A_2221 = arith.muli %iota3A, %mul3A_2220 : vector<16xi32>
        %add3A_2222 = arith.constant 512 : i32
        %add3A_2223 = vector.broadcast %add3A_2222 : i32 to vector<16xi32>
        %add3A_2224 = arith.addi %add3A_2223, %mul3A_2221 : vector<16xi32>
        %add3A_2225 = arith.constant 10 : i32
        %add3A_2226 = vector.broadcast %add3A_2225 : i32 to vector<16xi32>
        %add3A_2227 = arith.addi %add3A_2224, %add3A_2226 : vector<16xi32>
        tpu.vector_store_idx %arg12[%add3A_2227], %add3A_2218 : memref<1280xf32, #tpu.memory_space<vmem>>[vector<16xi32>], vector<16xf32>,
        %get3A_2228 = arith.constant 3 : i32
        %get3A_2229 = arith.index_cast %get3A_2228 : i32 to index
        %get3A_2230 = arith.index_cast %add3A_2107 : i32 to index
        %get3A_2231 = arith.constant 0 : index
        %get3A_2232 = tpu.vector_load %arg10[%get3A_2229, %get3A_2230, %get3A_2231] {strides = array<i32>} : memref<5x128x64xf32, #tpu.memory_space<vmem>>, vector<16xf32>,
        %mul3A_2233 = arith.mulf %get3A_2110, %get3A_2232 : vector<16xf32>
        %get3A_2234 = arith.constant 3 : i32
        %get3A_2235 = arith.index_cast %get3A_2234 : i32 to index
        %get3A_2236 = arith.index_cast %add3A_2107 : i32 to index
        %get3A_2237 = arith.constant 16 : index
        %get3A_2238 = tpu.vector_load %arg10[%get3A_2235, %get3A_2236, %get3A_2237] {strides = array<i32>} : memref<5x128x64xf32, #tpu.memory_space<vmem>>, vector<16xf32>,
        %mul3A_2239 = arith.mulf %get3A_2113, %get3A_2238 : vector<16xf32>
        %add3A_2240 = arith.addf %mul3A_2233, %mul3A_2239 : vector<16xf32>
        %get3A_2241 = arith.constant 3 : i32
        %get3A_2242 = arith.index_cast %get3A_2241 : i32 to index
        %get3A_2243 = arith.index_cast %add3A_2107 : i32 to index
        %get3A_2244 = arith.constant 32 : index
        %get3A_2245 = tpu.vector_load %arg10[%get3A_2242, %get3A_2243, %get3A_2244] {strides = array<i32>} : memref<5x128x64xf32, #tpu.memory_space<vmem>>, vector<16xf32>,
        %mul3A_2246 = arith.mulf %get3A_2116, %get3A_2245 : vector<16xf32>
        %add3A_2247 = arith.addf %add3A_2240, %mul3A_2246 : vector<16xf32>
        %get3A_2248 = arith.constant 3 : i32
        %get3A_2249 = arith.index_cast %get3A_2248 : i32 to index
        %get3A_2250 = arith.index_cast %add3A_2107 : i32 to index
        %get3A_2251 = arith.constant 48 : index
        %get3A_2252 = tpu.vector_load %arg10[%get3A_2249, %get3A_2250, %get3A_2251] {strides = array<i32>} : memref<5x128x64xf32, #tpu.memory_space<vmem>>, vector<16xf32>,
        %mul3A_2253 = arith.mulf %get3A_2119, %get3A_2252 : vector<16xf32>
        %add3A_2254 = arith.addf %add3A_2247, %mul3A_2253 : vector<16xf32>
        %mul3A_2255 = arith.constant 16 : i32
        %mul3A_2256 = vector.broadcast %mul3A_2255 : i32 to vector<16xi32>
        %mul3A_2257 = arith.muli %iota3A, %mul3A_2256 : vector<16xi32>
        %add3A_2258 = arith.constant 768 : i32
        %add3A_2259 = vector.broadcast %add3A_2258 : i32 to vector<16xi32>
        %add3A_2260 = arith.addi %add3A_2259, %mul3A_2257 : vector<16xi32>
        %add3A_2261 = arith.constant 10 : i32
        %add3A_2262 = vector.broadcast %add3A_2261 : i32 to vector<16xi32>
        %add3A_2263 = arith.addi %add3A_2260, %add3A_2262 : vector<16xi32>
        tpu.vector_store_idx %arg12[%add3A_2263], %add3A_2254 : memref<1280xf32, #tpu.memory_space<vmem>>[vector<16xi32>], vector<16xf32>,
        %get3A_2264 = arith.constant 4 : i32
        %get3A_2265 = arith.index_cast %get3A_2264 : i32 to index
        %get3A_2266 = arith.index_cast %add3A_2107 : i32 to index
        %get3A_2267 = arith.constant 0 : index
        %get3A_2268 = tpu.vector_load %arg10[%get3A_2265, %get3A_2266, %get3A_2267] {strides = array<i32>} : memref<5x128x64xf32, #tpu.memory_space<vmem>>, vector<16xf32>,
        %mul3A_2269 = arith.mulf %get3A_2110, %get3A_2268 : vector<16xf32>
        %get3A_2270 = arith.constant 4 : i32
        %get3A_2271 = arith.index_cast %get3A_2270 : i32 to index
        %get3A_2272 = arith.index_cast %add3A_2107 : i32 to index
        %get3A_2273 = arith.constant 16 : index
        %get3A_2274 = tpu.vector_load %arg10[%get3A_2271, %get3A_2272, %get3A_2273] {strides = array<i32>} : memref<5x128x64xf32, #tpu.memory_space<vmem>>, vector<16xf32>,
        %mul3A_2275 = arith.mulf %get3A_2113, %get3A_2274 : vector<16xf32>
        %add3A_2276 = arith.addf %mul3A_2269, %mul3A_2275 : vector<16xf32>
        %get3A_2277 = arith.constant 4 : i32
        %get3A_2278 = arith.index_cast %get3A_2277 : i32 to index
        %get3A_2279 = arith.index_cast %add3A_2107 : i32 to index
        %get3A_2280 = arith.constant 32 : index
        %get3A_2281 = tpu.vector_load %arg10[%get3A_2278, %get3A_2279, %get3A_2280] {strides = array<i32>} : memref<5x128x64xf32, #tpu.memory_space<vmem>>, vector<16xf32>,
        %mul3A_2282 = arith.mulf %get3A_2116, %get3A_2281 : vector<16xf32>
        %add3A_2283 = arith.addf %add3A_2276, %mul3A_2282 : vector<16xf32>
        %get3A_2284 = arith.constant 4 : i32
        %get3A_2285 = arith.index_cast %get3A_2284 : i32 to index
        %get3A_2286 = arith.index_cast %add3A_2107 : i32 to index
        %get3A_2287 = arith.constant 48 : index
        %get3A_2288 = tpu.vector_load %arg10[%get3A_2285, %get3A_2286, %get3A_2287] {strides = array<i32>} : memref<5x128x64xf32, #tpu.memory_space<vmem>>, vector<16xf32>,
        %mul3A_2289 = arith.mulf %get3A_2119, %get3A_2288 : vector<16xf32>
        %add3A_2290 = arith.addf %add3A_2283, %mul3A_2289 : vector<16xf32>
        %mul3A_2291 = arith.constant 16 : i32
        %mul3A_2292 = vector.broadcast %mul3A_2291 : i32 to vector<16xi32>
        %mul3A_2293 = arith.muli %iota3A, %mul3A_2292 : vector<16xi32>
        %add3A_2294 = arith.constant 1024 : i32
        %add3A_2295 = vector.broadcast %add3A_2294 : i32 to vector<16xi32>
        %add3A_2296 = arith.addi %add3A_2295, %mul3A_2293 : vector<16xi32>
        %add3A_2297 = arith.constant 10 : i32
        %add3A_2298 = vector.broadcast %add3A_2297 : i32 to vector<16xi32>
        %add3A_2299 = arith.addi %add3A_2296, %add3A_2298 : vector<16xi32>
        tpu.vector_store_idx %arg12[%add3A_2299], %add3A_2290 : memref<1280xf32, #tpu.memory_space<vmem>>[vector<16xi32>], vector<16xf32>,
        %mul3A_2300 = arith.constant 16 : i32
        %mul3A_2301 = arith.muli %scan3A_144, %mul3A_2300 : i32
        %add3A_2302 = arith.constant 11 : i32
        %add3A_2303 = arith.addi %mul3A_2301, %add3A_2302 : i32
        %get3A_2304 = arith.index_cast %add3A_2303 : i32 to index
        %get3A_2305 = arith.constant 0 : index
        %get3A_2306 = tpu.vector_load %arg9[%get3A_2304, %get3A_2305] {strides = array<i32>} : memref<128x64xf32, #tpu.memory_space<vmem>>, vector<16xf32>,
        %get3A_2307 = arith.index_cast %add3A_2303 : i32 to index
        %get3A_2308 = arith.constant 16 : index
        %get3A_2309 = tpu.vector_load %arg9[%get3A_2307, %get3A_2308] {strides = array<i32>} : memref<128x64xf32, #tpu.memory_space<vmem>>, vector<16xf32>,
        %get3A_2310 = arith.index_cast %add3A_2303 : i32 to index
        %get3A_2311 = arith.constant 32 : index
        %get3A_2312 = tpu.vector_load %arg9[%get3A_2310, %get3A_2311] {strides = array<i32>} : memref<128x64xf32, #tpu.memory_space<vmem>>, vector<16xf32>,
        %get3A_2313 = arith.index_cast %add3A_2303 : i32 to index
        %get3A_2314 = arith.constant 48 : index
        %get3A_2315 = tpu.vector_load %arg9[%get3A_2313, %get3A_2314] {strides = array<i32>} : memref<128x64xf32, #tpu.memory_space<vmem>>, vector<16xf32>,
        %get3A_2316 = arith.constant 0 : i32
        %get3A_2317 = arith.index_cast %get3A_2316 : i32 to index
        %get3A_2318 = arith.index_cast %add3A_2303 : i32 to index
        %get3A_2319 = arith.constant 0 : index
        %get3A_2320 = tpu.vector_load %arg10[%get3A_2317, %get3A_2318, %get3A_2319] {strides = array<i32>} : memref<5x128x64xf32, #tpu.memory_space<vmem>>, vector<16xf32>,
        %mul3A_2321 = arith.mulf %get3A_2306, %get3A_2320 : vector<16xf32>
        %get3A_2322 = arith.constant 0 : i32
        %get3A_2323 = arith.index_cast %get3A_2322 : i32 to index
        %get3A_2324 = arith.index_cast %add3A_2303 : i32 to index
        %get3A_2325 = arith.constant 16 : index
        %get3A_2326 = tpu.vector_load %arg10[%get3A_2323, %get3A_2324, %get3A_2325] {strides = array<i32>} : memref<5x128x64xf32, #tpu.memory_space<vmem>>, vector<16xf32>,
        %mul3A_2327 = arith.mulf %get3A_2309, %get3A_2326 : vector<16xf32>
        %add3A_2328 = arith.addf %mul3A_2321, %mul3A_2327 : vector<16xf32>
        %get3A_2329 = arith.constant 0 : i32
        %get3A_2330 = arith.index_cast %get3A_2329 : i32 to index
        %get3A_2331 = arith.index_cast %add3A_2303 : i32 to index
        %get3A_2332 = arith.constant 32 : index
        %get3A_2333 = tpu.vector_load %arg10[%get3A_2330, %get3A_2331, %get3A_2332] {strides = array<i32>} : memref<5x128x64xf32, #tpu.memory_space<vmem>>, vector<16xf32>,
        %mul3A_2334 = arith.mulf %get3A_2312, %get3A_2333 : vector<16xf32>
        %add3A_2335 = arith.addf %add3A_2328, %mul3A_2334 : vector<16xf32>
        %get3A_2336 = arith.constant 0 : i32
        %get3A_2337 = arith.index_cast %get3A_2336 : i32 to index
        %get3A_2338 = arith.index_cast %add3A_2303 : i32 to index
        %get3A_2339 = arith.constant 48 : index
        %get3A_2340 = tpu.vector_load %arg10[%get3A_2337, %get3A_2338, %get3A_2339] {strides = array<i32>} : memref<5x128x64xf32, #tpu.memory_space<vmem>>, vector<16xf32>,
        %mul3A_2341 = arith.mulf %get3A_2315, %get3A_2340 : vector<16xf32>
        %add3A_2342 = arith.addf %add3A_2335, %mul3A_2341 : vector<16xf32>
        %mul3A_2343 = arith.constant 16 : i32
        %mul3A_2344 = vector.broadcast %mul3A_2343 : i32 to vector<16xi32>
        %mul3A_2345 = arith.muli %iota3A, %mul3A_2344 : vector<16xi32>
        %add3A_2346 = arith.constant 0 : i32
        %add3A_2347 = vector.broadcast %add3A_2346 : i32 to vector<16xi32>
        %add3A_2348 = arith.addi %add3A_2347, %mul3A_2345 : vector<16xi32>
        %add3A_2349 = arith.constant 11 : i32
        %add3A_2350 = vector.broadcast %add3A_2349 : i32 to vector<16xi32>
        %add3A_2351 = arith.addi %add3A_2348, %add3A_2350 : vector<16xi32>
        tpu.vector_store_idx %arg12[%add3A_2351], %add3A_2342 : memref<1280xf32, #tpu.memory_space<vmem>>[vector<16xi32>], vector<16xf32>,
        %get3A_2352 = arith.constant 1 : i32
        %get3A_2353 = arith.index_cast %get3A_2352 : i32 to index
        %get3A_2354 = arith.index_cast %add3A_2303 : i32 to index
        %get3A_2355 = arith.constant 0 : index
        %get3A_2356 = tpu.vector_load %arg10[%get3A_2353, %get3A_2354, %get3A_2355] {strides = array<i32>} : memref<5x128x64xf32, #tpu.memory_space<vmem>>, vector<16xf32>,
        %mul3A_2357 = arith.mulf %get3A_2306, %get3A_2356 : vector<16xf32>
        %get3A_2358 = arith.constant 1 : i32
        %get3A_2359 = arith.index_cast %get3A_2358 : i32 to index
        %get3A_2360 = arith.index_cast %add3A_2303 : i32 to index
        %get3A_2361 = arith.constant 16 : index
        %get3A_2362 = tpu.vector_load %arg10[%get3A_2359, %get3A_2360, %get3A_2361] {strides = array<i32>} : memref<5x128x64xf32, #tpu.memory_space<vmem>>, vector<16xf32>,
        %mul3A_2363 = arith.mulf %get3A_2309, %get3A_2362 : vector<16xf32>
        %add3A_2364 = arith.addf %mul3A_2357, %mul3A_2363 : vector<16xf32>
        %get3A_2365 = arith.constant 1 : i32
        %get3A_2366 = arith.index_cast %get3A_2365 : i32 to index
        %get3A_2367 = arith.index_cast %add3A_2303 : i32 to index
        %get3A_2368 = arith.constant 32 : index
        %get3A_2369 = tpu.vector_load %arg10[%get3A_2366, %get3A_2367, %get3A_2368] {strides = array<i32>} : memref<5x128x64xf32, #tpu.memory_space<vmem>>, vector<16xf32>,
        %mul3A_2370 = arith.mulf %get3A_2312, %get3A_2369 : vector<16xf32>
        %add3A_2371 = arith.addf %add3A_2364, %mul3A_2370 : vector<16xf32>
        %get3A_2372 = arith.constant 1 : i32
        %get3A_2373 = arith.index_cast %get3A_2372 : i32 to index
        %get3A_2374 = arith.index_cast %add3A_2303 : i32 to index
        %get3A_2375 = arith.constant 48 : index
        %get3A_2376 = tpu.vector_load %arg10[%get3A_2373, %get3A_2374, %get3A_2375] {strides = array<i32>} : memref<5x128x64xf32, #tpu.memory_space<vmem>>, vector<16xf32>,
        %mul3A_2377 = arith.mulf %get3A_2315, %get3A_2376 : vector<16xf32>
        %add3A_2378 = arith.addf %add3A_2371, %mul3A_2377 : vector<16xf32>
        %mul3A_2379 = arith.constant 16 : i32
        %mul3A_2380 = vector.broadcast %mul3A_2379 : i32 to vector<16xi32>
        %mul3A_2381 = arith.muli %iota3A, %mul3A_2380 : vector<16xi32>
        %add3A_2382 = arith.constant 256 : i32
        %add3A_2383 = vector.broadcast %add3A_2382 : i32 to vector<16xi32>
        %add3A_2384 = arith.addi %add3A_2383, %mul3A_2381 : vector<16xi32>
        %add3A_2385 = arith.constant 11 : i32
        %add3A_2386 = vector.broadcast %add3A_2385 : i32 to vector<16xi32>
        %add3A_2387 = arith.addi %add3A_2384, %add3A_2386 : vector<16xi32>
        tpu.vector_store_idx %arg12[%add3A_2387], %add3A_2378 : memref<1280xf32, #tpu.memory_space<vmem>>[vector<16xi32>], vector<16xf32>,
        %get3A_2388 = arith.constant 2 : i32
        %get3A_2389 = arith.index_cast %get3A_2388 : i32 to index
        %get3A_2390 = arith.index_cast %add3A_2303 : i32 to index
        %get3A_2391 = arith.constant 0 : index
        %get3A_2392 = tpu.vector_load %arg10[%get3A_2389, %get3A_2390, %get3A_2391] {strides = array<i32>} : memref<5x128x64xf32, #tpu.memory_space<vmem>>, vector<16xf32>,
        %mul3A_2393 = arith.mulf %get3A_2306, %get3A_2392 : vector<16xf32>
        %get3A_2394 = arith.constant 2 : i32
        %get3A_2395 = arith.index_cast %get3A_2394 : i32 to index
        %get3A_2396 = arith.index_cast %add3A_2303 : i32 to index
        %get3A_2397 = arith.constant 16 : index
        %get3A_2398 = tpu.vector_load %arg10[%get3A_2395, %get3A_2396, %get3A_2397] {strides = array<i32>} : memref<5x128x64xf32, #tpu.memory_space<vmem>>, vector<16xf32>,
        %mul3A_2399 = arith.mulf %get3A_2309, %get3A_2398 : vector<16xf32>
        %add3A_2400 = arith.addf %mul3A_2393, %mul3A_2399 : vector<16xf32>
        %get3A_2401 = arith.constant 2 : i32
        %get3A_2402 = arith.index_cast %get3A_2401 : i32 to index
        %get3A_2403 = arith.index_cast %add3A_2303 : i32 to index
        %get3A_2404 = arith.constant 32 : index
        %get3A_2405 = tpu.vector_load %arg10[%get3A_2402, %get3A_2403, %get3A_2404] {strides = array<i32>} : memref<5x128x64xf32, #tpu.memory_space<vmem>>, vector<16xf32>,
        %mul3A_2406 = arith.mulf %get3A_2312, %get3A_2405 : vector<16xf32>
        %add3A_2407 = arith.addf %add3A_2400, %mul3A_2406 : vector<16xf32>
        %get3A_2408 = arith.constant 2 : i32
        %get3A_2409 = arith.index_cast %get3A_2408 : i32 to index
        %get3A_2410 = arith.index_cast %add3A_2303 : i32 to index
        %get3A_2411 = arith.constant 48 : index
        %get3A_2412 = tpu.vector_load %arg10[%get3A_2409, %get3A_2410, %get3A_2411] {strides = array<i32>} : memref<5x128x64xf32, #tpu.memory_space<vmem>>, vector<16xf32>,
        %mul3A_2413 = arith.mulf %get3A_2315, %get3A_2412 : vector<16xf32>
        %add3A_2414 = arith.addf %add3A_2407, %mul3A_2413 : vector<16xf32>
        %mul3A_2415 = arith.constant 16 : i32
        %mul3A_2416 = vector.broadcast %mul3A_2415 : i32 to vector<16xi32>
        %mul3A_2417 = arith.muli %iota3A, %mul3A_2416 : vector<16xi32>
        %add3A_2418 = arith.constant 512 : i32
        %add3A_2419 = vector.broadcast %add3A_2418 : i32 to vector<16xi32>
        %add3A_2420 = arith.addi %add3A_2419, %mul3A_2417 : vector<16xi32>
        %add3A_2421 = arith.constant 11 : i32
        %add3A_2422 = vector.broadcast %add3A_2421 : i32 to vector<16xi32>
        %add3A_2423 = arith.addi %add3A_2420, %add3A_2422 : vector<16xi32>
        tpu.vector_store_idx %arg12[%add3A_2423], %add3A_2414 : memref<1280xf32, #tpu.memory_space<vmem>>[vector<16xi32>], vector<16xf32>,
        %get3A_2424 = arith.constant 3 : i32
        %get3A_2425 = arith.index_cast %get3A_2424 : i32 to index
        %get3A_2426 = arith.index_cast %add3A_2303 : i32 to index
        %get3A_2427 = arith.constant 0 : index
        %get3A_2428 = tpu.vector_load %arg10[%get3A_2425, %get3A_2426, %get3A_2427] {strides = array<i32>} : memref<5x128x64xf32, #tpu.memory_space<vmem>>, vector<16xf32>,
        %mul3A_2429 = arith.mulf %get3A_2306, %get3A_2428 : vector<16xf32>
        %get3A_2430 = arith.constant 3 : i32
        %get3A_2431 = arith.index_cast %get3A_2430 : i32 to index
        %get3A_2432 = arith.index_cast %add3A_2303 : i32 to index
        %get3A_2433 = arith.constant 16 : index
        %get3A_2434 = tpu.vector_load %arg10[%get3A_2431, %get3A_2432, %get3A_2433] {strides = array<i32>} : memref<5x128x64xf32, #tpu.memory_space<vmem>>, vector<16xf32>,
        %mul3A_2435 = arith.mulf %get3A_2309, %get3A_2434 : vector<16xf32>
        %add3A_2436 = arith.addf %mul3A_2429, %mul3A_2435 : vector<16xf32>
        %get3A_2437 = arith.constant 3 : i32
        %get3A_2438 = arith.index_cast %get3A_2437 : i32 to index
        %get3A_2439 = arith.index_cast %add3A_2303 : i32 to index
        %get3A_2440 = arith.constant 32 : index
        %get3A_2441 = tpu.vector_load %arg10[%get3A_2438, %get3A_2439, %get3A_2440] {strides = array<i32>} : memref<5x128x64xf32, #tpu.memory_space<vmem>>, vector<16xf32>,
        %mul3A_2442 = arith.mulf %get3A_2312, %get3A_2441 : vector<16xf32>
        %add3A_2443 = arith.addf %add3A_2436, %mul3A_2442 : vector<16xf32>
        %get3A_2444 = arith.constant 3 : i32
        %get3A_2445 = arith.index_cast %get3A_2444 : i32 to index
        %get3A_2446 = arith.index_cast %add3A_2303 : i32 to index
        %get3A_2447 = arith.constant 48 : index
        %get3A_2448 = tpu.vector_load %arg10[%get3A_2445, %get3A_2446, %get3A_2447] {strides = array<i32>} : memref<5x128x64xf32, #tpu.memory_space<vmem>>, vector<16xf32>,
        %mul3A_2449 = arith.mulf %get3A_2315, %get3A_2448 : vector<16xf32>
        %add3A_2450 = arith.addf %add3A_2443, %mul3A_2449 : vector<16xf32>
        %mul3A_2451 = arith.constant 16 : i32
        %mul3A_2452 = vector.broadcast %mul3A_2451 : i32 to vector<16xi32>
        %mul3A_2453 = arith.muli %iota3A, %mul3A_2452 : vector<16xi32>
        %add3A_2454 = arith.constant 768 : i32
        %add3A_2455 = vector.broadcast %add3A_2454 : i32 to vector<16xi32>
        %add3A_2456 = arith.addi %add3A_2455, %mul3A_2453 : vector<16xi32>
        %add3A_2457 = arith.constant 11 : i32
        %add3A_2458 = vector.broadcast %add3A_2457 : i32 to vector<16xi32>
        %add3A_2459 = arith.addi %add3A_2456, %add3A_2458 : vector<16xi32>
        tpu.vector_store_idx %arg12[%add3A_2459], %add3A_2450 : memref<1280xf32, #tpu.memory_space<vmem>>[vector<16xi32>], vector<16xf32>,
        %get3A_2460 = arith.constant 4 : i32
        %get3A_2461 = arith.index_cast %get3A_2460 : i32 to index
        %get3A_2462 = arith.index_cast %add3A_2303 : i32 to index
        %get3A_2463 = arith.constant 0 : index
        %get3A_2464 = tpu.vector_load %arg10[%get3A_2461, %get3A_2462, %get3A_2463] {strides = array<i32>} : memref<5x128x64xf32, #tpu.memory_space<vmem>>, vector<16xf32>,
        %mul3A_2465 = arith.mulf %get3A_2306, %get3A_2464 : vector<16xf32>
        %get3A_2466 = arith.constant 4 : i32
        %get3A_2467 = arith.index_cast %get3A_2466 : i32 to index
        %get3A_2468 = arith.index_cast %add3A_2303 : i32 to index
        %get3A_2469 = arith.constant 16 : index
        %get3A_2470 = tpu.vector_load %arg10[%get3A_2467, %get3A_2468, %get3A_2469] {strides = array<i32>} : memref<5x128x64xf32, #tpu.memory_space<vmem>>, vector<16xf32>,
        %mul3A_2471 = arith.mulf %get3A_2309, %get3A_2470 : vector<16xf32>
        %add3A_2472 = arith.addf %mul3A_2465, %mul3A_2471 : vector<16xf32>
        %get3A_2473 = arith.constant 4 : i32
        %get3A_2474 = arith.index_cast %get3A_2473 : i32 to index
        %get3A_2475 = arith.index_cast %add3A_2303 : i32 to index
        %get3A_2476 = arith.constant 32 : index
        %get3A_2477 = tpu.vector_load %arg10[%get3A_2474, %get3A_2475, %get3A_2476] {strides = array<i32>} : memref<5x128x64xf32, #tpu.memory_space<vmem>>, vector<16xf32>,
        %mul3A_2478 = arith.mulf %get3A_2312, %get3A_2477 : vector<16xf32>
        %add3A_2479 = arith.addf %add3A_2472, %mul3A_2478 : vector<16xf32>
        %get3A_2480 = arith.constant 4 : i32
        %get3A_2481 = arith.index_cast %get3A_2480 : i32 to index
        %get3A_2482 = arith.index_cast %add3A_2303 : i32 to index
        %get3A_2483 = arith.constant 48 : index
        %get3A_2484 = tpu.vector_load %arg10[%get3A_2481, %get3A_2482, %get3A_2483] {strides = array<i32>} : memref<5x128x64xf32, #tpu.memory_space<vmem>>, vector<16xf32>,
        %mul3A_2485 = arith.mulf %get3A_2315, %get3A_2484 : vector<16xf32>
        %add3A_2486 = arith.addf %add3A_2479, %mul3A_2485 : vector<16xf32>
        %mul3A_2487 = arith.constant 16 : i32
        %mul3A_2488 = vector.broadcast %mul3A_2487 : i32 to vector<16xi32>
        %mul3A_2489 = arith.muli %iota3A, %mul3A_2488 : vector<16xi32>
        %add3A_2490 = arith.constant 1024 : i32
        %add3A_2491 = vector.broadcast %add3A_2490 : i32 to vector<16xi32>
        %add3A_2492 = arith.addi %add3A_2491, %mul3A_2489 : vector<16xi32>
        %add3A_2493 = arith.constant 11 : i32
        %add3A_2494 = vector.broadcast %add3A_2493 : i32 to vector<16xi32>
        %add3A_2495 = arith.addi %add3A_2492, %add3A_2494 : vector<16xi32>
        tpu.vector_store_idx %arg12[%add3A_2495], %add3A_2486 : memref<1280xf32, #tpu.memory_space<vmem>>[vector<16xi32>], vector<16xf32>,
        %mul3A_2496 = arith.constant 16 : i32
        %mul3A_2497 = arith.muli %scan3A_144, %mul3A_2496 : i32
        %add3A_2498 = arith.constant 12 : i32
        %add3A_2499 = arith.addi %mul3A_2497, %add3A_2498 : i32
        %get3A_2500 = arith.index_cast %add3A_2499 : i32 to index
        %get3A_2501 = arith.constant 0 : index
        %get3A_2502 = tpu.vector_load %arg9[%get3A_2500, %get3A_2501] {strides = array<i32>} : memref<128x64xf32, #tpu.memory_space<vmem>>, vector<16xf32>,
        %get3A_2503 = arith.index_cast %add3A_2499 : i32 to index
        %get3A_2504 = arith.constant 16 : index
        %get3A_2505 = tpu.vector_load %arg9[%get3A_2503, %get3A_2504] {strides = array<i32>} : memref<128x64xf32, #tpu.memory_space<vmem>>, vector<16xf32>,
        %get3A_2506 = arith.index_cast %add3A_2499 : i32 to index
        %get3A_2507 = arith.constant 32 : index
        %get3A_2508 = tpu.vector_load %arg9[%get3A_2506, %get3A_2507] {strides = array<i32>} : memref<128x64xf32, #tpu.memory_space<vmem>>, vector<16xf32>,
        %get3A_2509 = arith.index_cast %add3A_2499 : i32 to index
        %get3A_2510 = arith.constant 48 : index
        %get3A_2511 = tpu.vector_load %arg9[%get3A_2509, %get3A_2510] {strides = array<i32>} : memref<128x64xf32, #tpu.memory_space<vmem>>, vector<16xf32>,
        %get3A_2512 = arith.constant 0 : i32
        %get3A_2513 = arith.index_cast %get3A_2512 : i32 to index
        %get3A_2514 = arith.index_cast %add3A_2499 : i32 to index
        %get3A_2515 = arith.constant 0 : index
        %get3A_2516 = tpu.vector_load %arg10[%get3A_2513, %get3A_2514, %get3A_2515] {strides = array<i32>} : memref<5x128x64xf32, #tpu.memory_space<vmem>>, vector<16xf32>,
        %mul3A_2517 = arith.mulf %get3A_2502, %get3A_2516 : vector<16xf32>
        %get3A_2518 = arith.constant 0 : i32
        %get3A_2519 = arith.index_cast %get3A_2518 : i32 to index
        %get3A_2520 = arith.index_cast %add3A_2499 : i32 to index
        %get3A_2521 = arith.constant 16 : index
        %get3A_2522 = tpu.vector_load %arg10[%get3A_2519, %get3A_2520, %get3A_2521] {strides = array<i32>} : memref<5x128x64xf32, #tpu.memory_space<vmem>>, vector<16xf32>,
        %mul3A_2523 = arith.mulf %get3A_2505, %get3A_2522 : vector<16xf32>
        %add3A_2524 = arith.addf %mul3A_2517, %mul3A_2523 : vector<16xf32>
        %get3A_2525 = arith.constant 0 : i32
        %get3A_2526 = arith.index_cast %get3A_2525 : i32 to index
        %get3A_2527 = arith.index_cast %add3A_2499 : i32 to index
        %get3A_2528 = arith.constant 32 : index
        %get3A_2529 = tpu.vector_load %arg10[%get3A_2526, %get3A_2527, %get3A_2528] {strides = array<i32>} : memref<5x128x64xf32, #tpu.memory_space<vmem>>, vector<16xf32>,
        %mul3A_2530 = arith.mulf %get3A_2508, %get3A_2529 : vector<16xf32>
        %add3A_2531 = arith.addf %add3A_2524, %mul3A_2530 : vector<16xf32>
        %get3A_2532 = arith.constant 0 : i32
        %get3A_2533 = arith.index_cast %get3A_2532 : i32 to index
        %get3A_2534 = arith.index_cast %add3A_2499 : i32 to index
        %get3A_2535 = arith.constant 48 : index
        %get3A_2536 = tpu.vector_load %arg10[%get3A_2533, %get3A_2534, %get3A_2535] {strides = array<i32>} : memref<5x128x64xf32, #tpu.memory_space<vmem>>, vector<16xf32>,
        %mul3A_2537 = arith.mulf %get3A_2511, %get3A_2536 : vector<16xf32>
        %add3A_2538 = arith.addf %add3A_2531, %mul3A_2537 : vector<16xf32>
        %mul3A_2539 = arith.constant 16 : i32
        %mul3A_2540 = vector.broadcast %mul3A_2539 : i32 to vector<16xi32>
        %mul3A_2541 = arith.muli %iota3A, %mul3A_2540 : vector<16xi32>
        %add3A_2542 = arith.constant 0 : i32
        %add3A_2543 = vector.broadcast %add3A_2542 : i32 to vector<16xi32>
        %add3A_2544 = arith.addi %add3A_2543, %mul3A_2541 : vector<16xi32>
        %add3A_2545 = arith.constant 12 : i32
        %add3A_2546 = vector.broadcast %add3A_2545 : i32 to vector<16xi32>
        %add3A_2547 = arith.addi %add3A_2544, %add3A_2546 : vector<16xi32>
        tpu.vector_store_idx %arg12[%add3A_2547], %add3A_2538 : memref<1280xf32, #tpu.memory_space<vmem>>[vector<16xi32>], vector<16xf32>,
        %get3A_2548 = arith.constant 1 : i32
        %get3A_2549 = arith.index_cast %get3A_2548 : i32 to index
        %get3A_2550 = arith.index_cast %add3A_2499 : i32 to index
        %get3A_2551 = arith.constant 0 : index
        %get3A_2552 = tpu.vector_load %arg10[%get3A_2549, %get3A_2550, %get3A_2551] {strides = array<i32>} : memref<5x128x64xf32, #tpu.memory_space<vmem>>, vector<16xf32>,
        %mul3A_2553 = arith.mulf %get3A_2502, %get3A_2552 : vector<16xf32>
        %get3A_2554 = arith.constant 1 : i32
        %get3A_2555 = arith.index_cast %get3A_2554 : i32 to index
        %get3A_2556 = arith.index_cast %add3A_2499 : i32 to index
        %get3A_2557 = arith.constant 16 : index
        %get3A_2558 = tpu.vector_load %arg10[%get3A_2555, %get3A_2556, %get3A_2557] {strides = array<i32>} : memref<5x128x64xf32, #tpu.memory_space<vmem>>, vector<16xf32>,
        %mul3A_2559 = arith.mulf %get3A_2505, %get3A_2558 : vector<16xf32>
        %add3A_2560 = arith.addf %mul3A_2553, %mul3A_2559 : vector<16xf32>
        %get3A_2561 = arith.constant 1 : i32
        %get3A_2562 = arith.index_cast %get3A_2561 : i32 to index
        %get3A_2563 = arith.index_cast %add3A_2499 : i32 to index
        %get3A_2564 = arith.constant 32 : index
        %get3A_2565 = tpu.vector_load %arg10[%get3A_2562, %get3A_2563, %get3A_2564] {strides = array<i32>} : memref<5x128x64xf32, #tpu.memory_space<vmem>>, vector<16xf32>,
        %mul3A_2566 = arith.mulf %get3A_2508, %get3A_2565 : vector<16xf32>
        %add3A_2567 = arith.addf %add3A_2560, %mul3A_2566 : vector<16xf32>
        %get3A_2568 = arith.constant 1 : i32
        %get3A_2569 = arith.index_cast %get3A_2568 : i32 to index
        %get3A_2570 = arith.index_cast %add3A_2499 : i32 to index
        %get3A_2571 = arith.constant 48 : index
        %get3A_2572 = tpu.vector_load %arg10[%get3A_2569, %get3A_2570, %get3A_2571] {strides = array<i32>} : memref<5x128x64xf32, #tpu.memory_space<vmem>>, vector<16xf32>,
        %mul3A_2573 = arith.mulf %get3A_2511, %get3A_2572 : vector<16xf32>
        %add3A_2574 = arith.addf %add3A_2567, %mul3A_2573 : vector<16xf32>
        %mul3A_2575 = arith.constant 16 : i32
        %mul3A_2576 = vector.broadcast %mul3A_2575 : i32 to vector<16xi32>
        %mul3A_2577 = arith.muli %iota3A, %mul3A_2576 : vector<16xi32>
        %add3A_2578 = arith.constant 256 : i32
        %add3A_2579 = vector.broadcast %add3A_2578 : i32 to vector<16xi32>
        %add3A_2580 = arith.addi %add3A_2579, %mul3A_2577 : vector<16xi32>
        %add3A_2581 = arith.constant 12 : i32
        %add3A_2582 = vector.broadcast %add3A_2581 : i32 to vector<16xi32>
        %add3A_2583 = arith.addi %add3A_2580, %add3A_2582 : vector<16xi32>
        tpu.vector_store_idx %arg12[%add3A_2583], %add3A_2574 : memref<1280xf32, #tpu.memory_space<vmem>>[vector<16xi32>], vector<16xf32>,
        %get3A_2584 = arith.constant 2 : i32
        %get3A_2585 = arith.index_cast %get3A_2584 : i32 to index
        %get3A_2586 = arith.index_cast %add3A_2499 : i32 to index
        %get3A_2587 = arith.constant 0 : index
        %get3A_2588 = tpu.vector_load %arg10[%get3A_2585, %get3A_2586, %get3A_2587] {strides = array<i32>} : memref<5x128x64xf32, #tpu.memory_space<vmem>>, vector<16xf32>,
        %mul3A_2589 = arith.mulf %get3A_2502, %get3A_2588 : vector<16xf32>
        %get3A_2590 = arith.constant 2 : i32
        %get3A_2591 = arith.index_cast %get3A_2590 : i32 to index
        %get3A_2592 = arith.index_cast %add3A_2499 : i32 to index
        %get3A_2593 = arith.constant 16 : index
        %get3A_2594 = tpu.vector_load %arg10[%get3A_2591, %get3A_2592, %get3A_2593] {strides = array<i32>} : memref<5x128x64xf32, #tpu.memory_space<vmem>>, vector<16xf32>,
        %mul3A_2595 = arith.mulf %get3A_2505, %get3A_2594 : vector<16xf32>
        %add3A_2596 = arith.addf %mul3A_2589, %mul3A_2595 : vector<16xf32>
        %get3A_2597 = arith.constant 2 : i32
        %get3A_2598 = arith.index_cast %get3A_2597 : i32 to index
        %get3A_2599 = arith.index_cast %add3A_2499 : i32 to index
        %get3A_2600 = arith.constant 32 : index
        %get3A_2601 = tpu.vector_load %arg10[%get3A_2598, %get3A_2599, %get3A_2600] {strides = array<i32>} : memref<5x128x64xf32, #tpu.memory_space<vmem>>, vector<16xf32>,
        %mul3A_2602 = arith.mulf %get3A_2508, %get3A_2601 : vector<16xf32>
        %add3A_2603 = arith.addf %add3A_2596, %mul3A_2602 : vector<16xf32>
        %get3A_2604 = arith.constant 2 : i32
        %get3A_2605 = arith.index_cast %get3A_2604 : i32 to index
        %get3A_2606 = arith.index_cast %add3A_2499 : i32 to index
        %get3A_2607 = arith.constant 48 : index
        %get3A_2608 = tpu.vector_load %arg10[%get3A_2605, %get3A_2606, %get3A_2607] {strides = array<i32>} : memref<5x128x64xf32, #tpu.memory_space<vmem>>, vector<16xf32>,
        %mul3A_2609 = arith.mulf %get3A_2511, %get3A_2608 : vector<16xf32>
        %add3A_2610 = arith.addf %add3A_2603, %mul3A_2609 : vector<16xf32>
        %mul3A_2611 = arith.constant 16 : i32
        %mul3A_2612 = vector.broadcast %mul3A_2611 : i32 to vector<16xi32>
        %mul3A_2613 = arith.muli %iota3A, %mul3A_2612 : vector<16xi32>
        %add3A_2614 = arith.constant 512 : i32
        %add3A_2615 = vector.broadcast %add3A_2614 : i32 to vector<16xi32>
        %add3A_2616 = arith.addi %add3A_2615, %mul3A_2613 : vector<16xi32>
        %add3A_2617 = arith.constant 12 : i32
        %add3A_2618 = vector.broadcast %add3A_2617 : i32 to vector<16xi32>
        %add3A_2619 = arith.addi %add3A_2616, %add3A_2618 : vector<16xi32>
        tpu.vector_store_idx %arg12[%add3A_2619], %add3A_2610 : memref<1280xf32, #tpu.memory_space<vmem>>[vector<16xi32>], vector<16xf32>,
        %get3A_2620 = arith.constant 3 : i32
        %get3A_2621 = arith.index_cast %get3A_2620 : i32 to index
        %get3A_2622 = arith.index_cast %add3A_2499 : i32 to index
        %get3A_2623 = arith.constant 0 : index
        %get3A_2624 = tpu.vector_load %arg10[%get3A_2621, %get3A_2622, %get3A_2623] {strides = array<i32>} : memref<5x128x64xf32, #tpu.memory_space<vmem>>, vector<16xf32>,
        %mul3A_2625 = arith.mulf %get3A_2502, %get3A_2624 : vector<16xf32>
        %get3A_2626 = arith.constant 3 : i32
        %get3A_2627 = arith.index_cast %get3A_2626 : i32 to index
        %get3A_2628 = arith.index_cast %add3A_2499 : i32 to index
        %get3A_2629 = arith.constant 16 : index
        %get3A_2630 = tpu.vector_load %arg10[%get3A_2627, %get3A_2628, %get3A_2629] {strides = array<i32>} : memref<5x128x64xf32, #tpu.memory_space<vmem>>, vector<16xf32>,
        %mul3A_2631 = arith.mulf %get3A_2505, %get3A_2630 : vector<16xf32>
        %add3A_2632 = arith.addf %mul3A_2625, %mul3A_2631 : vector<16xf32>
        %get3A_2633 = arith.constant 3 : i32
        %get3A_2634 = arith.index_cast %get3A_2633 : i32 to index
        %get3A_2635 = arith.index_cast %add3A_2499 : i32 to index
        %get3A_2636 = arith.constant 32 : index
        %get3A_2637 = tpu.vector_load %arg10[%get3A_2634, %get3A_2635, %get3A_2636] {strides = array<i32>} : memref<5x128x64xf32, #tpu.memory_space<vmem>>, vector<16xf32>,
        %mul3A_2638 = arith.mulf %get3A_2508, %get3A_2637 : vector<16xf32>
        %add3A_2639 = arith.addf %add3A_2632, %mul3A_2638 : vector<16xf32>
        %get3A_2640 = arith.constant 3 : i32
        %get3A_2641 = arith.index_cast %get3A_2640 : i32 to index
        %get3A_2642 = arith.index_cast %add3A_2499 : i32 to index
        %get3A_2643 = arith.constant 48 : index
        %get3A_2644 = tpu.vector_load %arg10[%get3A_2641, %get3A_2642, %get3A_2643] {strides = array<i32>} : memref<5x128x64xf32, #tpu.memory_space<vmem>>, vector<16xf32>,
        %mul3A_2645 = arith.mulf %get3A_2511, %get3A_2644 : vector<16xf32>
        %add3A_2646 = arith.addf %add3A_2639, %mul3A_2645 : vector<16xf32>
        %mul3A_2647 = arith.constant 16 : i32
        %mul3A_2648 = vector.broadcast %mul3A_2647 : i32 to vector<16xi32>
        %mul3A_2649 = arith.muli %iota3A, %mul3A_2648 : vector<16xi32>
        %add3A_2650 = arith.constant 768 : i32
        %add3A_2651 = vector.broadcast %add3A_2650 : i32 to vector<16xi32>
        %add3A_2652 = arith.addi %add3A_2651, %mul3A_2649 : vector<16xi32>
        %add3A_2653 = arith.constant 12 : i32
        %add3A_2654 = vector.broadcast %add3A_2653 : i32 to vector<16xi32>
        %add3A_2655 = arith.addi %add3A_2652, %add3A_2654 : vector<16xi32>
        tpu.vector_store_idx %arg12[%add3A_2655], %add3A_2646 : memref<1280xf32, #tpu.memory_space<vmem>>[vector<16xi32>], vector<16xf32>,
        %get3A_2656 = arith.constant 4 : i32
        %get3A_2657 = arith.index_cast %get3A_2656 : i32 to index
        %get3A_2658 = arith.index_cast %add3A_2499 : i32 to index
        %get3A_2659 = arith.constant 0 : index
        %get3A_2660 = tpu.vector_load %arg10[%get3A_2657, %get3A_2658, %get3A_2659] {strides = array<i32>} : memref<5x128x64xf32, #tpu.memory_space<vmem>>, vector<16xf32>,
        %mul3A_2661 = arith.mulf %get3A_2502, %get3A_2660 : vector<16xf32>
        %get3A_2662 = arith.constant 4 : i32
        %get3A_2663 = arith.index_cast %get3A_2662 : i32 to index
        %get3A_2664 = arith.index_cast %add3A_2499 : i32 to index
        %get3A_2665 = arith.constant 16 : index
        %get3A_2666 = tpu.vector_load %arg10[%get3A_2663, %get3A_2664, %get3A_2665] {strides = array<i32>} : memref<5x128x64xf32, #tpu.memory_space<vmem>>, vector<16xf32>,
        %mul3A_2667 = arith.mulf %get3A_2505, %get3A_2666 : vector<16xf32>
        %add3A_2668 = arith.addf %mul3A_2661, %mul3A_2667 : vector<16xf32>
        %get3A_2669 = arith.constant 4 : i32
        %get3A_2670 = arith.index_cast %get3A_2669 : i32 to index
        %get3A_2671 = arith.index_cast %add3A_2499 : i32 to index
        %get3A_2672 = arith.constant 32 : index
        %get3A_2673 = tpu.vector_load %arg10[%get3A_2670, %get3A_2671, %get3A_2672] {strides = array<i32>} : memref<5x128x64xf32, #tpu.memory_space<vmem>>, vector<16xf32>,
        %mul3A_2674 = arith.mulf %get3A_2508, %get3A_2673 : vector<16xf32>
        %add3A_2675 = arith.addf %add3A_2668, %mul3A_2674 : vector<16xf32>
        %get3A_2676 = arith.constant 4 : i32
        %get3A_2677 = arith.index_cast %get3A_2676 : i32 to index
        %get3A_2678 = arith.index_cast %add3A_2499 : i32 to index
        %get3A_2679 = arith.constant 48 : index
        %get3A_2680 = tpu.vector_load %arg10[%get3A_2677, %get3A_2678, %get3A_2679] {strides = array<i32>} : memref<5x128x64xf32, #tpu.memory_space<vmem>>, vector<16xf32>,
        %mul3A_2681 = arith.mulf %get3A_2511, %get3A_2680 : vector<16xf32>
        %add3A_2682 = arith.addf %add3A_2675, %mul3A_2681 : vector<16xf32>
        %mul3A_2683 = arith.constant 16 : i32
        %mul3A_2684 = vector.broadcast %mul3A_2683 : i32 to vector<16xi32>
        %mul3A_2685 = arith.muli %iota3A, %mul3A_2684 : vector<16xi32>
        %add3A_2686 = arith.constant 1024 : i32
        %add3A_2687 = vector.broadcast %add3A_2686 : i32 to vector<16xi32>
        %add3A_2688 = arith.addi %add3A_2687, %mul3A_2685 : vector<16xi32>
        %add3A_2689 = arith.constant 12 : i32
        %add3A_2690 = vector.broadcast %add3A_2689 : i32 to vector<16xi32>
        %add3A_2691 = arith.addi %add3A_2688, %add3A_2690 : vector<16xi32>
        tpu.vector_store_idx %arg12[%add3A_2691], %add3A_2682 : memref<1280xf32, #tpu.memory_space<vmem>>[vector<16xi32>], vector<16xf32>,
        %mul3A_2692 = arith.constant 16 : i32
        %mul3A_2693 = arith.muli %scan3A_144, %mul3A_2692 : i32
        %add3A_2694 = arith.constant 13 : i32
        %add3A_2695 = arith.addi %mul3A_2693, %add3A_2694 : i32
        %get3A_2696 = arith.index_cast %add3A_2695 : i32 to index
        %get3A_2697 = arith.constant 0 : index
        %get3A_2698 = tpu.vector_load %arg9[%get3A_2696, %get3A_2697] {strides = array<i32>} : memref<128x64xf32, #tpu.memory_space<vmem>>, vector<16xf32>,
        %get3A_2699 = arith.index_cast %add3A_2695 : i32 to index
        %get3A_2700 = arith.constant 16 : index
        %get3A_2701 = tpu.vector_load %arg9[%get3A_2699, %get3A_2700] {strides = array<i32>} : memref<128x64xf32, #tpu.memory_space<vmem>>, vector<16xf32>,
        %get3A_2702 = arith.index_cast %add3A_2695 : i32 to index
        %get3A_2703 = arith.constant 32 : index
        %get3A_2704 = tpu.vector_load %arg9[%get3A_2702, %get3A_2703] {strides = array<i32>} : memref<128x64xf32, #tpu.memory_space<vmem>>, vector<16xf32>,
        %get3A_2705 = arith.index_cast %add3A_2695 : i32 to index
        %get3A_2706 = arith.constant 48 : index
        %get3A_2707 = tpu.vector_load %arg9[%get3A_2705, %get3A_2706] {strides = array<i32>} : memref<128x64xf32, #tpu.memory_space<vmem>>, vector<16xf32>,
        %get3A_2708 = arith.constant 0 : i32
        %get3A_2709 = arith.index_cast %get3A_2708 : i32 to index
        %get3A_2710 = arith.index_cast %add3A_2695 : i32 to index
        %get3A_2711 = arith.constant 0 : index
        %get3A_2712 = tpu.vector_load %arg10[%get3A_2709, %get3A_2710, %get3A_2711] {strides = array<i32>} : memref<5x128x64xf32, #tpu.memory_space<vmem>>, vector<16xf32>,
        %mul3A_2713 = arith.mulf %get3A_2698, %get3A_2712 : vector<16xf32>
        %get3A_2714 = arith.constant 0 : i32
        %get3A_2715 = arith.index_cast %get3A_2714 : i32 to index
        %get3A_2716 = arith.index_cast %add3A_2695 : i32 to index
        %get3A_2717 = arith.constant 16 : index
        %get3A_2718 = tpu.vector_load %arg10[%get3A_2715, %get3A_2716, %get3A_2717] {strides = array<i32>} : memref<5x128x64xf32, #tpu.memory_space<vmem>>, vector<16xf32>,
        %mul3A_2719 = arith.mulf %get3A_2701, %get3A_2718 : vector<16xf32>
        %add3A_2720 = arith.addf %mul3A_2713, %mul3A_2719 : vector<16xf32>
        %get3A_2721 = arith.constant 0 : i32
        %get3A_2722 = arith.index_cast %get3A_2721 : i32 to index
        %get3A_2723 = arith.index_cast %add3A_2695 : i32 to index
        %get3A_2724 = arith.constant 32 : index
        %get3A_2725 = tpu.vector_load %arg10[%get3A_2722, %get3A_2723, %get3A_2724] {strides = array<i32>} : memref<5x128x64xf32, #tpu.memory_space<vmem>>, vector<16xf32>,
        %mul3A_2726 = arith.mulf %get3A_2704, %get3A_2725 : vector<16xf32>
        %add3A_2727 = arith.addf %add3A_2720, %mul3A_2726 : vector<16xf32>
        %get3A_2728 = arith.constant 0 : i32
        %get3A_2729 = arith.index_cast %get3A_2728 : i32 to index
        %get3A_2730 = arith.index_cast %add3A_2695 : i32 to index
        %get3A_2731 = arith.constant 48 : index
        %get3A_2732 = tpu.vector_load %arg10[%get3A_2729, %get3A_2730, %get3A_2731] {strides = array<i32>} : memref<5x128x64xf32, #tpu.memory_space<vmem>>, vector<16xf32>,
        %mul3A_2733 = arith.mulf %get3A_2707, %get3A_2732 : vector<16xf32>
        %add3A_2734 = arith.addf %add3A_2727, %mul3A_2733 : vector<16xf32>
        %mul3A_2735 = arith.constant 16 : i32
        %mul3A_2736 = vector.broadcast %mul3A_2735 : i32 to vector<16xi32>
        %mul3A_2737 = arith.muli %iota3A, %mul3A_2736 : vector<16xi32>
        %add3A_2738 = arith.constant 0 : i32
        %add3A_2739 = vector.broadcast %add3A_2738 : i32 to vector<16xi32>
        %add3A_2740 = arith.addi %add3A_2739, %mul3A_2737 : vector<16xi32>
        %add3A_2741 = arith.constant 13 : i32
        %add3A_2742 = vector.broadcast %add3A_2741 : i32 to vector<16xi32>
        %add3A_2743 = arith.addi %add3A_2740, %add3A_2742 : vector<16xi32>
        tpu.vector_store_idx %arg12[%add3A_2743], %add3A_2734 : memref<1280xf32, #tpu.memory_space<vmem>>[vector<16xi32>], vector<16xf32>,
        %get3A_2744 = arith.constant 1 : i32
        %get3A_2745 = arith.index_cast %get3A_2744 : i32 to index
        %get3A_2746 = arith.index_cast %add3A_2695 : i32 to index
        %get3A_2747 = arith.constant 0 : index
        %get3A_2748 = tpu.vector_load %arg10[%get3A_2745, %get3A_2746, %get3A_2747] {strides = array<i32>} : memref<5x128x64xf32, #tpu.memory_space<vmem>>, vector<16xf32>,
        %mul3A_2749 = arith.mulf %get3A_2698, %get3A_2748 : vector<16xf32>
        %get3A_2750 = arith.constant 1 : i32
        %get3A_2751 = arith.index_cast %get3A_2750 : i32 to index
        %get3A_2752 = arith.index_cast %add3A_2695 : i32 to index
        %get3A_2753 = arith.constant 16 : index
        %get3A_2754 = tpu.vector_load %arg10[%get3A_2751, %get3A_2752, %get3A_2753] {strides = array<i32>} : memref<5x128x64xf32, #tpu.memory_space<vmem>>, vector<16xf32>,
        %mul3A_2755 = arith.mulf %get3A_2701, %get3A_2754 : vector<16xf32>
        %add3A_2756 = arith.addf %mul3A_2749, %mul3A_2755 : vector<16xf32>
        %get3A_2757 = arith.constant 1 : i32
        %get3A_2758 = arith.index_cast %get3A_2757 : i32 to index
        %get3A_2759 = arith.index_cast %add3A_2695 : i32 to index
        %get3A_2760 = arith.constant 32 : index
        %get3A_2761 = tpu.vector_load %arg10[%get3A_2758, %get3A_2759, %get3A_2760] {strides = array<i32>} : memref<5x128x64xf32, #tpu.memory_space<vmem>>, vector<16xf32>,
        %mul3A_2762 = arith.mulf %get3A_2704, %get3A_2761 : vector<16xf32>
        %add3A_2763 = arith.addf %add3A_2756, %mul3A_2762 : vector<16xf32>
        %get3A_2764 = arith.constant 1 : i32
        %get3A_2765 = arith.index_cast %get3A_2764 : i32 to index
        %get3A_2766 = arith.index_cast %add3A_2695 : i32 to index
        %get3A_2767 = arith.constant 48 : index
        %get3A_2768 = tpu.vector_load %arg10[%get3A_2765, %get3A_2766, %get3A_2767] {strides = array<i32>} : memref<5x128x64xf32, #tpu.memory_space<vmem>>, vector<16xf32>,
        %mul3A_2769 = arith.mulf %get3A_2707, %get3A_2768 : vector<16xf32>
        %add3A_2770 = arith.addf %add3A_2763, %mul3A_2769 : vector<16xf32>
        %mul3A_2771 = arith.constant 16 : i32
        %mul3A_2772 = vector.broadcast %mul3A_2771 : i32 to vector<16xi32>
        %mul3A_2773 = arith.muli %iota3A, %mul3A_2772 : vector<16xi32>
        %add3A_2774 = arith.constant 256 : i32
        %add3A_2775 = vector.broadcast %add3A_2774 : i32 to vector<16xi32>
        %add3A_2776 = arith.addi %add3A_2775, %mul3A_2773 : vector<16xi32>
        %add3A_2777 = arith.constant 13 : i32
        %add3A_2778 = vector.broadcast %add3A_2777 : i32 to vector<16xi32>
        %add3A_2779 = arith.addi %add3A_2776, %add3A_2778 : vector<16xi32>
        tpu.vector_store_idx %arg12[%add3A_2779], %add3A_2770 : memref<1280xf32, #tpu.memory_space<vmem>>[vector<16xi32>], vector<16xf32>,
        %get3A_2780 = arith.constant 2 : i32
        %get3A_2781 = arith.index_cast %get3A_2780 : i32 to index
        %get3A_2782 = arith.index_cast %add3A_2695 : i32 to index
        %get3A_2783 = arith.constant 0 : index
        %get3A_2784 = tpu.vector_load %arg10[%get3A_2781, %get3A_2782, %get3A_2783] {strides = array<i32>} : memref<5x128x64xf32, #tpu.memory_space<vmem>>, vector<16xf32>,
        %mul3A_2785 = arith.mulf %get3A_2698, %get3A_2784 : vector<16xf32>
        %get3A_2786 = arith.constant 2 : i32
        %get3A_2787 = arith.index_cast %get3A_2786 : i32 to index
        %get3A_2788 = arith.index_cast %add3A_2695 : i32 to index
        %get3A_2789 = arith.constant 16 : index
        %get3A_2790 = tpu.vector_load %arg10[%get3A_2787, %get3A_2788, %get3A_2789] {strides = array<i32>} : memref<5x128x64xf32, #tpu.memory_space<vmem>>, vector<16xf32>,
        %mul3A_2791 = arith.mulf %get3A_2701, %get3A_2790 : vector<16xf32>
        %add3A_2792 = arith.addf %mul3A_2785, %mul3A_2791 : vector<16xf32>
        %get3A_2793 = arith.constant 2 : i32
        %get3A_2794 = arith.index_cast %get3A_2793 : i32 to index
        %get3A_2795 = arith.index_cast %add3A_2695 : i32 to index
        %get3A_2796 = arith.constant 32 : index
        %get3A_2797 = tpu.vector_load %arg10[%get3A_2794, %get3A_2795, %get3A_2796] {strides = array<i32>} : memref<5x128x64xf32, #tpu.memory_space<vmem>>, vector<16xf32>,
        %mul3A_2798 = arith.mulf %get3A_2704, %get3A_2797 : vector<16xf32>
        %add3A_2799 = arith.addf %add3A_2792, %mul3A_2798 : vector<16xf32>
        %get3A_2800 = arith.constant 2 : i32
        %get3A_2801 = arith.index_cast %get3A_2800 : i32 to index
        %get3A_2802 = arith.index_cast %add3A_2695 : i32 to index
        %get3A_2803 = arith.constant 48 : index
        %get3A_2804 = tpu.vector_load %arg10[%get3A_2801, %get3A_2802, %get3A_2803] {strides = array<i32>} : memref<5x128x64xf32, #tpu.memory_space<vmem>>, vector<16xf32>,
        %mul3A_2805 = arith.mulf %get3A_2707, %get3A_2804 : vector<16xf32>
        %add3A_2806 = arith.addf %add3A_2799, %mul3A_2805 : vector<16xf32>
        %mul3A_2807 = arith.constant 16 : i32
        %mul3A_2808 = vector.broadcast %mul3A_2807 : i32 to vector<16xi32>
        %mul3A_2809 = arith.muli %iota3A, %mul3A_2808 : vector<16xi32>
        %add3A_2810 = arith.constant 512 : i32
        %add3A_2811 = vector.broadcast %add3A_2810 : i32 to vector<16xi32>
        %add3A_2812 = arith.addi %add3A_2811, %mul3A_2809 : vector<16xi32>
        %add3A_2813 = arith.constant 13 : i32
        %add3A_2814 = vector.broadcast %add3A_2813 : i32 to vector<16xi32>
        %add3A_2815 = arith.addi %add3A_2812, %add3A_2814 : vector<16xi32>
        tpu.vector_store_idx %arg12[%add3A_2815], %add3A_2806 : memref<1280xf32, #tpu.memory_space<vmem>>[vector<16xi32>], vector<16xf32>,
        %get3A_2816 = arith.constant 3 : i32
        %get3A_2817 = arith.index_cast %get3A_2816 : i32 to index
        %get3A_2818 = arith.index_cast %add3A_2695 : i32 to index
        %get3A_2819 = arith.constant 0 : index
        %get3A_2820 = tpu.vector_load %arg10[%get3A_2817, %get3A_2818, %get3A_2819] {strides = array<i32>} : memref<5x128x64xf32, #tpu.memory_space<vmem>>, vector<16xf32>,
        %mul3A_2821 = arith.mulf %get3A_2698, %get3A_2820 : vector<16xf32>
        %get3A_2822 = arith.constant 3 : i32
        %get3A_2823 = arith.index_cast %get3A_2822 : i32 to index
        %get3A_2824 = arith.index_cast %add3A_2695 : i32 to index
        %get3A_2825 = arith.constant 16 : index
        %get3A_2826 = tpu.vector_load %arg10[%get3A_2823, %get3A_2824, %get3A_2825] {strides = array<i32>} : memref<5x128x64xf32, #tpu.memory_space<vmem>>, vector<16xf32>,
        %mul3A_2827 = arith.mulf %get3A_2701, %get3A_2826 : vector<16xf32>
        %add3A_2828 = arith.addf %mul3A_2821, %mul3A_2827 : vector<16xf32>
        %get3A_2829 = arith.constant 3 : i32
        %get3A_2830 = arith.index_cast %get3A_2829 : i32 to index
        %get3A_2831 = arith.index_cast %add3A_2695 : i32 to index
        %get3A_2832 = arith.constant 32 : index
        %get3A_2833 = tpu.vector_load %arg10[%get3A_2830, %get3A_2831, %get3A_2832] {strides = array<i32>} : memref<5x128x64xf32, #tpu.memory_space<vmem>>, vector<16xf32>,
        %mul3A_2834 = arith.mulf %get3A_2704, %get3A_2833 : vector<16xf32>
        %add3A_2835 = arith.addf %add3A_2828, %mul3A_2834 : vector<16xf32>
        %get3A_2836 = arith.constant 3 : i32
        %get3A_2837 = arith.index_cast %get3A_2836 : i32 to index
        %get3A_2838 = arith.index_cast %add3A_2695 : i32 to index
        %get3A_2839 = arith.constant 48 : index
        %get3A_2840 = tpu.vector_load %arg10[%get3A_2837, %get3A_2838, %get3A_2839] {strides = array<i32>} : memref<5x128x64xf32, #tpu.memory_space<vmem>>, vector<16xf32>,
        %mul3A_2841 = arith.mulf %get3A_2707, %get3A_2840 : vector<16xf32>
        %add3A_2842 = arith.addf %add3A_2835, %mul3A_2841 : vector<16xf32>
        %mul3A_2843 = arith.constant 16 : i32
        %mul3A_2844 = vector.broadcast %mul3A_2843 : i32 to vector<16xi32>
        %mul3A_2845 = arith.muli %iota3A, %mul3A_2844 : vector<16xi32>
        %add3A_2846 = arith.constant 768 : i32
        %add3A_2847 = vector.broadcast %add3A_2846 : i32 to vector<16xi32>
        %add3A_2848 = arith.addi %add3A_2847, %mul3A_2845 : vector<16xi32>
        %add3A_2849 = arith.constant 13 : i32
        %add3A_2850 = vector.broadcast %add3A_2849 : i32 to vector<16xi32>
        %add3A_2851 = arith.addi %add3A_2848, %add3A_2850 : vector<16xi32>
        tpu.vector_store_idx %arg12[%add3A_2851], %add3A_2842 : memref<1280xf32, #tpu.memory_space<vmem>>[vector<16xi32>], vector<16xf32>,
        %get3A_2852 = arith.constant 4 : i32
        %get3A_2853 = arith.index_cast %get3A_2852 : i32 to index
        %get3A_2854 = arith.index_cast %add3A_2695 : i32 to index
        %get3A_2855 = arith.constant 0 : index
        %get3A_2856 = tpu.vector_load %arg10[%get3A_2853, %get3A_2854, %get3A_2855] {strides = array<i32>} : memref<5x128x64xf32, #tpu.memory_space<vmem>>, vector<16xf32>,
        %mul3A_2857 = arith.mulf %get3A_2698, %get3A_2856 : vector<16xf32>
        %get3A_2858 = arith.constant 4 : i32
        %get3A_2859 = arith.index_cast %get3A_2858 : i32 to index
        %get3A_2860 = arith.index_cast %add3A_2695 : i32 to index
        %get3A_2861 = arith.constant 16 : index
        %get3A_2862 = tpu.vector_load %arg10[%get3A_2859, %get3A_2860, %get3A_2861] {strides = array<i32>} : memref<5x128x64xf32, #tpu.memory_space<vmem>>, vector<16xf32>,
        %mul3A_2863 = arith.mulf %get3A_2701, %get3A_2862 : vector<16xf32>
        %add3A_2864 = arith.addf %mul3A_2857, %mul3A_2863 : vector<16xf32>
        %get3A_2865 = arith.constant 4 : i32
        %get3A_2866 = arith.index_cast %get3A_2865 : i32 to index
        %get3A_2867 = arith.index_cast %add3A_2695 : i32 to index
        %get3A_2868 = arith.constant 32 : index
        %get3A_2869 = tpu.vector_load %arg10[%get3A_2866, %get3A_2867, %get3A_2868] {strides = array<i32>} : memref<5x128x64xf32, #tpu.memory_space<vmem>>, vector<16xf32>,
        %mul3A_2870 = arith.mulf %get3A_2704, %get3A_2869 : vector<16xf32>
        %add3A_2871 = arith.addf %add3A_2864, %mul3A_2870 : vector<16xf32>
        %get3A_2872 = arith.constant 4 : i32
        %get3A_2873 = arith.index_cast %get3A_2872 : i32 to index
        %get3A_2874 = arith.index_cast %add3A_2695 : i32 to index
        %get3A_2875 = arith.constant 48 : index
        %get3A_2876 = tpu.vector_load %arg10[%get3A_2873, %get3A_2874, %get3A_2875] {strides = array<i32>} : memref<5x128x64xf32, #tpu.memory_space<vmem>>, vector<16xf32>,
        %mul3A_2877 = arith.mulf %get3A_2707, %get3A_2876 : vector<16xf32>
        %add3A_2878 = arith.addf %add3A_2871, %mul3A_2877 : vector<16xf32>
        %mul3A_2879 = arith.constant 16 : i32
        %mul3A_2880 = vector.broadcast %mul3A_2879 : i32 to vector<16xi32>
        %mul3A_2881 = arith.muli %iota3A, %mul3A_2880 : vector<16xi32>
        %add3A_2882 = arith.constant 1024 : i32
        %add3A_2883 = vector.broadcast %add3A_2882 : i32 to vector<16xi32>
        %add3A_2884 = arith.addi %add3A_2883, %mul3A_2881 : vector<16xi32>
        %add3A_2885 = arith.constant 13 : i32
        %add3A_2886 = vector.broadcast %add3A_2885 : i32 to vector<16xi32>
        %add3A_2887 = arith.addi %add3A_2884, %add3A_2886 : vector<16xi32>
        tpu.vector_store_idx %arg12[%add3A_2887], %add3A_2878 : memref<1280xf32, #tpu.memory_space<vmem>>[vector<16xi32>], vector<16xf32>,
        %mul3A_2888 = arith.constant 16 : i32
        %mul3A_2889 = arith.muli %scan3A_144, %mul3A_2888 : i32
        %add3A_2890 = arith.constant 14 : i32
        %add3A_2891 = arith.addi %mul3A_2889, %add3A_2890 : i32
        %get3A_2892 = arith.index_cast %add3A_2891 : i32 to index
        %get3A_2893 = arith.constant 0 : index
        %get3A_2894 = tpu.vector_load %arg9[%get3A_2892, %get3A_2893] {strides = array<i32>} : memref<128x64xf32, #tpu.memory_space<vmem>>, vector<16xf32>,
        %get3A_2895 = arith.index_cast %add3A_2891 : i32 to index
        %get3A_2896 = arith.constant 16 : index
        %get3A_2897 = tpu.vector_load %arg9[%get3A_2895, %get3A_2896] {strides = array<i32>} : memref<128x64xf32, #tpu.memory_space<vmem>>, vector<16xf32>,
        %get3A_2898 = arith.index_cast %add3A_2891 : i32 to index
        %get3A_2899 = arith.constant 32 : index
        %get3A_2900 = tpu.vector_load %arg9[%get3A_2898, %get3A_2899] {strides = array<i32>} : memref<128x64xf32, #tpu.memory_space<vmem>>, vector<16xf32>,
        %get3A_2901 = arith.index_cast %add3A_2891 : i32 to index
        %get3A_2902 = arith.constant 48 : index
        %get3A_2903 = tpu.vector_load %arg9[%get3A_2901, %get3A_2902] {strides = array<i32>} : memref<128x64xf32, #tpu.memory_space<vmem>>, vector<16xf32>,
        %get3A_2904 = arith.constant 0 : i32
        %get3A_2905 = arith.index_cast %get3A_2904 : i32 to index
        %get3A_2906 = arith.index_cast %add3A_2891 : i32 to index
        %get3A_2907 = arith.constant 0 : index
        %get3A_2908 = tpu.vector_load %arg10[%get3A_2905, %get3A_2906, %get3A_2907] {strides = array<i32>} : memref<5x128x64xf32, #tpu.memory_space<vmem>>, vector<16xf32>,
        %mul3A_2909 = arith.mulf %get3A_2894, %get3A_2908 : vector<16xf32>
        %get3A_2910 = arith.constant 0 : i32
        %get3A_2911 = arith.index_cast %get3A_2910 : i32 to index
        %get3A_2912 = arith.index_cast %add3A_2891 : i32 to index
        %get3A_2913 = arith.constant 16 : index
        %get3A_2914 = tpu.vector_load %arg10[%get3A_2911, %get3A_2912, %get3A_2913] {strides = array<i32>} : memref<5x128x64xf32, #tpu.memory_space<vmem>>, vector<16xf32>,
        %mul3A_2915 = arith.mulf %get3A_2897, %get3A_2914 : vector<16xf32>
        %add3A_2916 = arith.addf %mul3A_2909, %mul3A_2915 : vector<16xf32>
        %get3A_2917 = arith.constant 0 : i32
        %get3A_2918 = arith.index_cast %get3A_2917 : i32 to index
        %get3A_2919 = arith.index_cast %add3A_2891 : i32 to index
        %get3A_2920 = arith.constant 32 : index
        %get3A_2921 = tpu.vector_load %arg10[%get3A_2918, %get3A_2919, %get3A_2920] {strides = array<i32>} : memref<5x128x64xf32, #tpu.memory_space<vmem>>, vector<16xf32>,
        %mul3A_2922 = arith.mulf %get3A_2900, %get3A_2921 : vector<16xf32>
        %add3A_2923 = arith.addf %add3A_2916, %mul3A_2922 : vector<16xf32>
        %get3A_2924 = arith.constant 0 : i32
        %get3A_2925 = arith.index_cast %get3A_2924 : i32 to index
        %get3A_2926 = arith.index_cast %add3A_2891 : i32 to index
        %get3A_2927 = arith.constant 48 : index
        %get3A_2928 = tpu.vector_load %arg10[%get3A_2925, %get3A_2926, %get3A_2927] {strides = array<i32>} : memref<5x128x64xf32, #tpu.memory_space<vmem>>, vector<16xf32>,
        %mul3A_2929 = arith.mulf %get3A_2903, %get3A_2928 : vector<16xf32>
        %add3A_2930 = arith.addf %add3A_2923, %mul3A_2929 : vector<16xf32>
        %mul3A_2931 = arith.constant 16 : i32
        %mul3A_2932 = vector.broadcast %mul3A_2931 : i32 to vector<16xi32>
        %mul3A_2933 = arith.muli %iota3A, %mul3A_2932 : vector<16xi32>
        %add3A_2934 = arith.constant 0 : i32
        %add3A_2935 = vector.broadcast %add3A_2934 : i32 to vector<16xi32>
        %add3A_2936 = arith.addi %add3A_2935, %mul3A_2933 : vector<16xi32>
        %add3A_2937 = arith.constant 14 : i32
        %add3A_2938 = vector.broadcast %add3A_2937 : i32 to vector<16xi32>
        %add3A_2939 = arith.addi %add3A_2936, %add3A_2938 : vector<16xi32>
        tpu.vector_store_idx %arg12[%add3A_2939], %add3A_2930 : memref<1280xf32, #tpu.memory_space<vmem>>[vector<16xi32>], vector<16xf32>,
        %get3A_2940 = arith.constant 1 : i32
        %get3A_2941 = arith.index_cast %get3A_2940 : i32 to index
        %get3A_2942 = arith.index_cast %add3A_2891 : i32 to index
        %get3A_2943 = arith.constant 0 : index
        %get3A_2944 = tpu.vector_load %arg10[%get3A_2941, %get3A_2942, %get3A_2943] {strides = array<i32>} : memref<5x128x64xf32, #tpu.memory_space<vmem>>, vector<16xf32>,
        %mul3A_2945 = arith.mulf %get3A_2894, %get3A_2944 : vector<16xf32>
        %get3A_2946 = arith.constant 1 : i32
        %get3A_2947 = arith.index_cast %get3A_2946 : i32 to index
        %get3A_2948 = arith.index_cast %add3A_2891 : i32 to index
        %get3A_2949 = arith.constant 16 : index
        %get3A_2950 = tpu.vector_load %arg10[%get3A_2947, %get3A_2948, %get3A_2949] {strides = array<i32>} : memref<5x128x64xf32, #tpu.memory_space<vmem>>, vector<16xf32>,
        %mul3A_2951 = arith.mulf %get3A_2897, %get3A_2950 : vector<16xf32>
        %add3A_2952 = arith.addf %mul3A_2945, %mul3A_2951 : vector<16xf32>
        %get3A_2953 = arith.constant 1 : i32
        %get3A_2954 = arith.index_cast %get3A_2953 : i32 to index
        %get3A_2955 = arith.index_cast %add3A_2891 : i32 to index
        %get3A_2956 = arith.constant 32 : index
        %get3A_2957 = tpu.vector_load %arg10[%get3A_2954, %get3A_2955, %get3A_2956] {strides = array<i32>} : memref<5x128x64xf32, #tpu.memory_space<vmem>>, vector<16xf32>,
        %mul3A_2958 = arith.mulf %get3A_2900, %get3A_2957 : vector<16xf32>
        %add3A_2959 = arith.addf %add3A_2952, %mul3A_2958 : vector<16xf32>
        %get3A_2960 = arith.constant 1 : i32
        %get3A_2961 = arith.index_cast %get3A_2960 : i32 to index
        %get3A_2962 = arith.index_cast %add3A_2891 : i32 to index
        %get3A_2963 = arith.constant 48 : index
        %get3A_2964 = tpu.vector_load %arg10[%get3A_2961, %get3A_2962, %get3A_2963] {strides = array<i32>} : memref<5x128x64xf32, #tpu.memory_space<vmem>>, vector<16xf32>,
        %mul3A_2965 = arith.mulf %get3A_2903, %get3A_2964 : vector<16xf32>
        %add3A_2966 = arith.addf %add3A_2959, %mul3A_2965 : vector<16xf32>
        %mul3A_2967 = arith.constant 16 : i32
        %mul3A_2968 = vector.broadcast %mul3A_2967 : i32 to vector<16xi32>
        %mul3A_2969 = arith.muli %iota3A, %mul3A_2968 : vector<16xi32>
        %add3A_2970 = arith.constant 256 : i32
        %add3A_2971 = vector.broadcast %add3A_2970 : i32 to vector<16xi32>
        %add3A_2972 = arith.addi %add3A_2971, %mul3A_2969 : vector<16xi32>
        %add3A_2973 = arith.constant 14 : i32
        %add3A_2974 = vector.broadcast %add3A_2973 : i32 to vector<16xi32>
        %add3A_2975 = arith.addi %add3A_2972, %add3A_2974 : vector<16xi32>
        tpu.vector_store_idx %arg12[%add3A_2975], %add3A_2966 : memref<1280xf32, #tpu.memory_space<vmem>>[vector<16xi32>], vector<16xf32>,
        %get3A_2976 = arith.constant 2 : i32
        %get3A_2977 = arith.index_cast %get3A_2976 : i32 to index
        %get3A_2978 = arith.index_cast %add3A_2891 : i32 to index
        %get3A_2979 = arith.constant 0 : index
        %get3A_2980 = tpu.vector_load %arg10[%get3A_2977, %get3A_2978, %get3A_2979] {strides = array<i32>} : memref<5x128x64xf32, #tpu.memory_space<vmem>>, vector<16xf32>,
        %mul3A_2981 = arith.mulf %get3A_2894, %get3A_2980 : vector<16xf32>
        %get3A_2982 = arith.constant 2 : i32
        %get3A_2983 = arith.index_cast %get3A_2982 : i32 to index
        %get3A_2984 = arith.index_cast %add3A_2891 : i32 to index
        %get3A_2985 = arith.constant 16 : index
        %get3A_2986 = tpu.vector_load %arg10[%get3A_2983, %get3A_2984, %get3A_2985] {strides = array<i32>} : memref<5x128x64xf32, #tpu.memory_space<vmem>>, vector<16xf32>,
        %mul3A_2987 = arith.mulf %get3A_2897, %get3A_2986 : vector<16xf32>
        %add3A_2988 = arith.addf %mul3A_2981, %mul3A_2987 : vector<16xf32>
        %get3A_2989 = arith.constant 2 : i32
        %get3A_2990 = arith.index_cast %get3A_2989 : i32 to index
        %get3A_2991 = arith.index_cast %add3A_2891 : i32 to index
        %get3A_2992 = arith.constant 32 : index
        %get3A_2993 = tpu.vector_load %arg10[%get3A_2990, %get3A_2991, %get3A_2992] {strides = array<i32>} : memref<5x128x64xf32, #tpu.memory_space<vmem>>, vector<16xf32>,
        %mul3A_2994 = arith.mulf %get3A_2900, %get3A_2993 : vector<16xf32>
        %add3A_2995 = arith.addf %add3A_2988, %mul3A_2994 : vector<16xf32>
        %get3A_2996 = arith.constant 2 : i32
        %get3A_2997 = arith.index_cast %get3A_2996 : i32 to index
        %get3A_2998 = arith.index_cast %add3A_2891 : i32 to index
        %get3A_2999 = arith.constant 48 : index
        %get3A_3000 = tpu.vector_load %arg10[%get3A_2997, %get3A_2998, %get3A_2999] {strides = array<i32>} : memref<5x128x64xf32, #tpu.memory_space<vmem>>, vector<16xf32>,
        %mul3A_3001 = arith.mulf %get3A_2903, %get3A_3000 : vector<16xf32>
        %add3A_3002 = arith.addf %add3A_2995, %mul3A_3001 : vector<16xf32>
        %mul3A_3003 = arith.constant 16 : i32
        %mul3A_3004 = vector.broadcast %mul3A_3003 : i32 to vector<16xi32>
        %mul3A_3005 = arith.muli %iota3A, %mul3A_3004 : vector<16xi32>
        %add3A_3006 = arith.constant 512 : i32
        %add3A_3007 = vector.broadcast %add3A_3006 : i32 to vector<16xi32>
        %add3A_3008 = arith.addi %add3A_3007, %mul3A_3005 : vector<16xi32>
        %add3A_3009 = arith.constant 14 : i32
        %add3A_3010 = vector.broadcast %add3A_3009 : i32 to vector<16xi32>
        %add3A_3011 = arith.addi %add3A_3008, %add3A_3010 : vector<16xi32>
        tpu.vector_store_idx %arg12[%add3A_3011], %add3A_3002 : memref<1280xf32, #tpu.memory_space<vmem>>[vector<16xi32>], vector<16xf32>,
        %get3A_3012 = arith.constant 3 : i32
        %get3A_3013 = arith.index_cast %get3A_3012 : i32 to index
        %get3A_3014 = arith.index_cast %add3A_2891 : i32 to index
        %get3A_3015 = arith.constant 0 : index
        %get3A_3016 = tpu.vector_load %arg10[%get3A_3013, %get3A_3014, %get3A_3015] {strides = array<i32>} : memref<5x128x64xf32, #tpu.memory_space<vmem>>, vector<16xf32>,
        %mul3A_3017 = arith.mulf %get3A_2894, %get3A_3016 : vector<16xf32>
        %get3A_3018 = arith.constant 3 : i32
        %get3A_3019 = arith.index_cast %get3A_3018 : i32 to index
        %get3A_3020 = arith.index_cast %add3A_2891 : i32 to index
        %get3A_3021 = arith.constant 16 : index
        %get3A_3022 = tpu.vector_load %arg10[%get3A_3019, %get3A_3020, %get3A_3021] {strides = array<i32>} : memref<5x128x64xf32, #tpu.memory_space<vmem>>, vector<16xf32>,
        %mul3A_3023 = arith.mulf %get3A_2897, %get3A_3022 : vector<16xf32>
        %add3A_3024 = arith.addf %mul3A_3017, %mul3A_3023 : vector<16xf32>
        %get3A_3025 = arith.constant 3 : i32
        %get3A_3026 = arith.index_cast %get3A_3025 : i32 to index
        %get3A_3027 = arith.index_cast %add3A_2891 : i32 to index
        %get3A_3028 = arith.constant 32 : index
        %get3A_3029 = tpu.vector_load %arg10[%get3A_3026, %get3A_3027, %get3A_3028] {strides = array<i32>} : memref<5x128x64xf32, #tpu.memory_space<vmem>>, vector<16xf32>,
        %mul3A_3030 = arith.mulf %get3A_2900, %get3A_3029 : vector<16xf32>
        %add3A_3031 = arith.addf %add3A_3024, %mul3A_3030 : vector<16xf32>
        %get3A_3032 = arith.constant 3 : i32
        %get3A_3033 = arith.index_cast %get3A_3032 : i32 to index
        %get3A_3034 = arith.index_cast %add3A_2891 : i32 to index
        %get3A_3035 = arith.constant 48 : index
        %get3A_3036 = tpu.vector_load %arg10[%get3A_3033, %get3A_3034, %get3A_3035] {strides = array<i32>} : memref<5x128x64xf32, #tpu.memory_space<vmem>>, vector<16xf32>,
        %mul3A_3037 = arith.mulf %get3A_2903, %get3A_3036 : vector<16xf32>
        %add3A_3038 = arith.addf %add3A_3031, %mul3A_3037 : vector<16xf32>
        %mul3A_3039 = arith.constant 16 : i32
        %mul3A_3040 = vector.broadcast %mul3A_3039 : i32 to vector<16xi32>
        %mul3A_3041 = arith.muli %iota3A, %mul3A_3040 : vector<16xi32>
        %add3A_3042 = arith.constant 768 : i32
        %add3A_3043 = vector.broadcast %add3A_3042 : i32 to vector<16xi32>
        %add3A_3044 = arith.addi %add3A_3043, %mul3A_3041 : vector<16xi32>
        %add3A_3045 = arith.constant 14 : i32
        %add3A_3046 = vector.broadcast %add3A_3045 : i32 to vector<16xi32>
        %add3A_3047 = arith.addi %add3A_3044, %add3A_3046 : vector<16xi32>
        tpu.vector_store_idx %arg12[%add3A_3047], %add3A_3038 : memref<1280xf32, #tpu.memory_space<vmem>>[vector<16xi32>], vector<16xf32>,
        %get3A_3048 = arith.constant 4 : i32
        %get3A_3049 = arith.index_cast %get3A_3048 : i32 to index
        %get3A_3050 = arith.index_cast %add3A_2891 : i32 to index
        %get3A_3051 = arith.constant 0 : index
        %get3A_3052 = tpu.vector_load %arg10[%get3A_3049, %get3A_3050, %get3A_3051] {strides = array<i32>} : memref<5x128x64xf32, #tpu.memory_space<vmem>>, vector<16xf32>,
        %mul3A_3053 = arith.mulf %get3A_2894, %get3A_3052 : vector<16xf32>
        %get3A_3054 = arith.constant 4 : i32
        %get3A_3055 = arith.index_cast %get3A_3054 : i32 to index
        %get3A_3056 = arith.index_cast %add3A_2891 : i32 to index
        %get3A_3057 = arith.constant 16 : index
        %get3A_3058 = tpu.vector_load %arg10[%get3A_3055, %get3A_3056, %get3A_3057] {strides = array<i32>} : memref<5x128x64xf32, #tpu.memory_space<vmem>>, vector<16xf32>,
        %mul3A_3059 = arith.mulf %get3A_2897, %get3A_3058 : vector<16xf32>
        %add3A_3060 = arith.addf %mul3A_3053, %mul3A_3059 : vector<16xf32>
        %get3A_3061 = arith.constant 4 : i32
        %get3A_3062 = arith.index_cast %get3A_3061 : i32 to index
        %get3A_3063 = arith.index_cast %add3A_2891 : i32 to index
        %get3A_3064 = arith.constant 32 : index
        %get3A_3065 = tpu.vector_load %arg10[%get3A_3062, %get3A_3063, %get3A_3064] {strides = array<i32>} : memref<5x128x64xf32, #tpu.memory_space<vmem>>, vector<16xf32>,
        %mul3A_3066 = arith.mulf %get3A_2900, %get3A_3065 : vector<16xf32>
        %add3A_3067 = arith.addf %add3A_3060, %mul3A_3066 : vector<16xf32>
        %get3A_3068 = arith.constant 4 : i32
        %get3A_3069 = arith.index_cast %get3A_3068 : i32 to index
        %get3A_3070 = arith.index_cast %add3A_2891 : i32 to index
        %get3A_3071 = arith.constant 48 : index
        %get3A_3072 = tpu.vector_load %arg10[%get3A_3069, %get3A_3070, %get3A_3071] {strides = array<i32>} : memref<5x128x64xf32, #tpu.memory_space<vmem>>, vector<16xf32>,
        %mul3A_3073 = arith.mulf %get3A_2903, %get3A_3072 : vector<16xf32>
        %add3A_3074 = arith.addf %add3A_3067, %mul3A_3073 : vector<16xf32>
        %mul3A_3075 = arith.constant 16 : i32
        %mul3A_3076 = vector.broadcast %mul3A_3075 : i32 to vector<16xi32>
        %mul3A_3077 = arith.muli %iota3A, %mul3A_3076 : vector<16xi32>
        %add3A_3078 = arith.constant 1024 : i32
        %add3A_3079 = vector.broadcast %add3A_3078 : i32 to vector<16xi32>
        %add3A_3080 = arith.addi %add3A_3079, %mul3A_3077 : vector<16xi32>
        %add3A_3081 = arith.constant 14 : i32
        %add3A_3082 = vector.broadcast %add3A_3081 : i32 to vector<16xi32>
        %add3A_3083 = arith.addi %add3A_3080, %add3A_3082 : vector<16xi32>
        tpu.vector_store_idx %arg12[%add3A_3083], %add3A_3074 : memref<1280xf32, #tpu.memory_space<vmem>>[vector<16xi32>], vector<16xf32>,
        %mul3A_3084 = arith.constant 16 : i32
        %mul3A_3085 = arith.muli %scan3A_144, %mul3A_3084 : i32
        %add3A_3086 = arith.constant 15 : i32
        %add3A_3087 = arith.addi %mul3A_3085, %add3A_3086 : i32
        %get3A_3088 = arith.index_cast %add3A_3087 : i32 to index
        %get3A_3089 = arith.constant 0 : index
        %get3A_3090 = tpu.vector_load %arg9[%get3A_3088, %get3A_3089] {strides = array<i32>} : memref<128x64xf32, #tpu.memory_space<vmem>>, vector<16xf32>,
        %get3A_3091 = arith.index_cast %add3A_3087 : i32 to index
        %get3A_3092 = arith.constant 16 : index
        %get3A_3093 = tpu.vector_load %arg9[%get3A_3091, %get3A_3092] {strides = array<i32>} : memref<128x64xf32, #tpu.memory_space<vmem>>, vector<16xf32>,
        %get3A_3094 = arith.index_cast %add3A_3087 : i32 to index
        %get3A_3095 = arith.constant 32 : index
        %get3A_3096 = tpu.vector_load %arg9[%get3A_3094, %get3A_3095] {strides = array<i32>} : memref<128x64xf32, #tpu.memory_space<vmem>>, vector<16xf32>,
        %get3A_3097 = arith.index_cast %add3A_3087 : i32 to index
        %get3A_3098 = arith.constant 48 : index
        %get3A_3099 = tpu.vector_load %arg9[%get3A_3097, %get3A_3098] {strides = array<i32>} : memref<128x64xf32, #tpu.memory_space<vmem>>, vector<16xf32>,
        %get3A_3100 = arith.constant 0 : i32
        %get3A_3101 = arith.index_cast %get3A_3100 : i32 to index
        %get3A_3102 = arith.index_cast %add3A_3087 : i32 to index
        %get3A_3103 = arith.constant 0 : index
        %get3A_3104 = tpu.vector_load %arg10[%get3A_3101, %get3A_3102, %get3A_3103] {strides = array<i32>} : memref<5x128x64xf32, #tpu.memory_space<vmem>>, vector<16xf32>,
        %mul3A_3105 = arith.mulf %get3A_3090, %get3A_3104 : vector<16xf32>
        %get3A_3106 = arith.constant 0 : i32
        %get3A_3107 = arith.index_cast %get3A_3106 : i32 to index
        %get3A_3108 = arith.index_cast %add3A_3087 : i32 to index
        %get3A_3109 = arith.constant 16 : index
        %get3A_3110 = tpu.vector_load %arg10[%get3A_3107, %get3A_3108, %get3A_3109] {strides = array<i32>} : memref<5x128x64xf32, #tpu.memory_space<vmem>>, vector<16xf32>,
        %mul3A_3111 = arith.mulf %get3A_3093, %get3A_3110 : vector<16xf32>
        %add3A_3112 = arith.addf %mul3A_3105, %mul3A_3111 : vector<16xf32>
        %get3A_3113 = arith.constant 0 : i32
        %get3A_3114 = arith.index_cast %get3A_3113 : i32 to index
        %get3A_3115 = arith.index_cast %add3A_3087 : i32 to index
        %get3A_3116 = arith.constant 32 : index
        %get3A_3117 = tpu.vector_load %arg10[%get3A_3114, %get3A_3115, %get3A_3116] {strides = array<i32>} : memref<5x128x64xf32, #tpu.memory_space<vmem>>, vector<16xf32>,
        %mul3A_3118 = arith.mulf %get3A_3096, %get3A_3117 : vector<16xf32>
        %add3A_3119 = arith.addf %add3A_3112, %mul3A_3118 : vector<16xf32>
        %get3A_3120 = arith.constant 0 : i32
        %get3A_3121 = arith.index_cast %get3A_3120 : i32 to index
        %get3A_3122 = arith.index_cast %add3A_3087 : i32 to index
        %get3A_3123 = arith.constant 48 : index
        %get3A_3124 = tpu.vector_load %arg10[%get3A_3121, %get3A_3122, %get3A_3123] {strides = array<i32>} : memref<5x128x64xf32, #tpu.memory_space<vmem>>, vector<16xf32>,
        %mul3A_3125 = arith.mulf %get3A_3099, %get3A_3124 : vector<16xf32>
        %add3A_3126 = arith.addf %add3A_3119, %mul3A_3125 : vector<16xf32>
        %mul3A_3127 = arith.constant 16 : i32
        %mul3A_3128 = vector.broadcast %mul3A_3127 : i32 to vector<16xi32>
        %mul3A_3129 = arith.muli %iota3A, %mul3A_3128 : vector<16xi32>
        %add3A_3130 = arith.constant 0 : i32
        %add3A_3131 = vector.broadcast %add3A_3130 : i32 to vector<16xi32>
        %add3A_3132 = arith.addi %add3A_3131, %mul3A_3129 : vector<16xi32>
        %add3A_3133 = arith.constant 15 : i32
        %add3A_3134 = vector.broadcast %add3A_3133 : i32 to vector<16xi32>
        %add3A_3135 = arith.addi %add3A_3132, %add3A_3134 : vector<16xi32>
        tpu.vector_store_idx %arg12[%add3A_3135], %add3A_3126 : memref<1280xf32, #tpu.memory_space<vmem>>[vector<16xi32>], vector<16xf32>,
        %get3A_3136 = arith.constant 1 : i32
        %get3A_3137 = arith.index_cast %get3A_3136 : i32 to index
        %get3A_3138 = arith.index_cast %add3A_3087 : i32 to index
        %get3A_3139 = arith.constant 0 : index
        %get3A_3140 = tpu.vector_load %arg10[%get3A_3137, %get3A_3138, %get3A_3139] {strides = array<i32>} : memref<5x128x64xf32, #tpu.memory_space<vmem>>, vector<16xf32>,
        %mul3A_3141 = arith.mulf %get3A_3090, %get3A_3140 : vector<16xf32>
        %get3A_3142 = arith.constant 1 : i32
        %get3A_3143 = arith.index_cast %get3A_3142 : i32 to index
        %get3A_3144 = arith.index_cast %add3A_3087 : i32 to index
        %get3A_3145 = arith.constant 16 : index
        %get3A_3146 = tpu.vector_load %arg10[%get3A_3143, %get3A_3144, %get3A_3145] {strides = array<i32>} : memref<5x128x64xf32, #tpu.memory_space<vmem>>, vector<16xf32>,
        %mul3A_3147 = arith.mulf %get3A_3093, %get3A_3146 : vector<16xf32>
        %add3A_3148 = arith.addf %mul3A_3141, %mul3A_3147 : vector<16xf32>
        %get3A_3149 = arith.constant 1 : i32
        %get3A_3150 = arith.index_cast %get3A_3149 : i32 to index
        %get3A_3151 = arith.index_cast %add3A_3087 : i32 to index
        %get3A_3152 = arith.constant 32 : index
        %get3A_3153 = tpu.vector_load %arg10[%get3A_3150, %get3A_3151, %get3A_3152] {strides = array<i32>} : memref<5x128x64xf32, #tpu.memory_space<vmem>>, vector<16xf32>,
        %mul3A_3154 = arith.mulf %get3A_3096, %get3A_3153 : vector<16xf32>
        %add3A_3155 = arith.addf %add3A_3148, %mul3A_3154 : vector<16xf32>
        %get3A_3156 = arith.constant 1 : i32
        %get3A_3157 = arith.index_cast %get3A_3156 : i32 to index
        %get3A_3158 = arith.index_cast %add3A_3087 : i32 to index
        %get3A_3159 = arith.constant 48 : index
        %get3A_3160 = tpu.vector_load %arg10[%get3A_3157, %get3A_3158, %get3A_3159] {strides = array<i32>} : memref<5x128x64xf32, #tpu.memory_space<vmem>>, vector<16xf32>,
        %mul3A_3161 = arith.mulf %get3A_3099, %get3A_3160 : vector<16xf32>
        %add3A_3162 = arith.addf %add3A_3155, %mul3A_3161 : vector<16xf32>
        %mul3A_3163 = arith.constant 16 : i32
        %mul3A_3164 = vector.broadcast %mul3A_3163 : i32 to vector<16xi32>
        %mul3A_3165 = arith.muli %iota3A, %mul3A_3164 : vector<16xi32>
        %add3A_3166 = arith.constant 256 : i32
        %add3A_3167 = vector.broadcast %add3A_3166 : i32 to vector<16xi32>
        %add3A_3168 = arith.addi %add3A_3167, %mul3A_3165 : vector<16xi32>
        %add3A_3169 = arith.constant 15 : i32
        %add3A_3170 = vector.broadcast %add3A_3169 : i32 to vector<16xi32>
        %add3A_3171 = arith.addi %add3A_3168, %add3A_3170 : vector<16xi32>
        tpu.vector_store_idx %arg12[%add3A_3171], %add3A_3162 : memref<1280xf32, #tpu.memory_space<vmem>>[vector<16xi32>], vector<16xf32>,
        %get3A_3172 = arith.constant 2 : i32
        %get3A_3173 = arith.index_cast %get3A_3172 : i32 to index
        %get3A_3174 = arith.index_cast %add3A_3087 : i32 to index
        %get3A_3175 = arith.constant 0 : index
        %get3A_3176 = tpu.vector_load %arg10[%get3A_3173, %get3A_3174, %get3A_3175] {strides = array<i32>} : memref<5x128x64xf32, #tpu.memory_space<vmem>>, vector<16xf32>,
        %mul3A_3177 = arith.mulf %get3A_3090, %get3A_3176 : vector<16xf32>
        %get3A_3178 = arith.constant 2 : i32
        %get3A_3179 = arith.index_cast %get3A_3178 : i32 to index
        %get3A_3180 = arith.index_cast %add3A_3087 : i32 to index
        %get3A_3181 = arith.constant 16 : index
        %get3A_3182 = tpu.vector_load %arg10[%get3A_3179, %get3A_3180, %get3A_3181] {strides = array<i32>} : memref<5x128x64xf32, #tpu.memory_space<vmem>>, vector<16xf32>,
        %mul3A_3183 = arith.mulf %get3A_3093, %get3A_3182 : vector<16xf32>
        %add3A_3184 = arith.addf %mul3A_3177, %mul3A_3183 : vector<16xf32>
        %get3A_3185 = arith.constant 2 : i32
        %get3A_3186 = arith.index_cast %get3A_3185 : i32 to index
        %get3A_3187 = arith.index_cast %add3A_3087 : i32 to index
        %get3A_3188 = arith.constant 32 : index
        %get3A_3189 = tpu.vector_load %arg10[%get3A_3186, %get3A_3187, %get3A_3188] {strides = array<i32>} : memref<5x128x64xf32, #tpu.memory_space<vmem>>, vector<16xf32>,
        %mul3A_3190 = arith.mulf %get3A_3096, %get3A_3189 : vector<16xf32>
        %add3A_3191 = arith.addf %add3A_3184, %mul3A_3190 : vector<16xf32>
        %get3A_3192 = arith.constant 2 : i32
        %get3A_3193 = arith.index_cast %get3A_3192 : i32 to index
        %get3A_3194 = arith.index_cast %add3A_3087 : i32 to index
        %get3A_3195 = arith.constant 48 : index
        %get3A_3196 = tpu.vector_load %arg10[%get3A_3193, %get3A_3194, %get3A_3195] {strides = array<i32>} : memref<5x128x64xf32, #tpu.memory_space<vmem>>, vector<16xf32>,
        %mul3A_3197 = arith.mulf %get3A_3099, %get3A_3196 : vector<16xf32>
        %add3A_3198 = arith.addf %add3A_3191, %mul3A_3197 : vector<16xf32>
        %mul3A_3199 = arith.constant 16 : i32
        %mul3A_3200 = vector.broadcast %mul3A_3199 : i32 to vector<16xi32>
        %mul3A_3201 = arith.muli %iota3A, %mul3A_3200 : vector<16xi32>
        %add3A_3202 = arith.constant 512 : i32
        %add3A_3203 = vector.broadcast %add3A_3202 : i32 to vector<16xi32>
        %add3A_3204 = arith.addi %add3A_3203, %mul3A_3201 : vector<16xi32>
        %add3A_3205 = arith.constant 15 : i32
        %add3A_3206 = vector.broadcast %add3A_3205 : i32 to vector<16xi32>
        %add3A_3207 = arith.addi %add3A_3204, %add3A_3206 : vector<16xi32>
        tpu.vector_store_idx %arg12[%add3A_3207], %add3A_3198 : memref<1280xf32, #tpu.memory_space<vmem>>[vector<16xi32>], vector<16xf32>,
        %get3A_3208 = arith.constant 3 : i32
        %get3A_3209 = arith.index_cast %get3A_3208 : i32 to index
        %get3A_3210 = arith.index_cast %add3A_3087 : i32 to index
        %get3A_3211 = arith.constant 0 : index
        %get3A_3212 = tpu.vector_load %arg10[%get3A_3209, %get3A_3210, %get3A_3211] {strides = array<i32>} : memref<5x128x64xf32, #tpu.memory_space<vmem>>, vector<16xf32>,
        %mul3A_3213 = arith.mulf %get3A_3090, %get3A_3212 : vector<16xf32>
        %get3A_3214 = arith.constant 3 : i32
        %get3A_3215 = arith.index_cast %get3A_3214 : i32 to index
        %get3A_3216 = arith.index_cast %add3A_3087 : i32 to index
        %get3A_3217 = arith.constant 16 : index
        %get3A_3218 = tpu.vector_load %arg10[%get3A_3215, %get3A_3216, %get3A_3217] {strides = array<i32>} : memref<5x128x64xf32, #tpu.memory_space<vmem>>, vector<16xf32>,
        %mul3A_3219 = arith.mulf %get3A_3093, %get3A_3218 : vector<16xf32>
        %add3A_3220 = arith.addf %mul3A_3213, %mul3A_3219 : vector<16xf32>
        %get3A_3221 = arith.constant 3 : i32
        %get3A_3222 = arith.index_cast %get3A_3221 : i32 to index
        %get3A_3223 = arith.index_cast %add3A_3087 : i32 to index
        %get3A_3224 = arith.constant 32 : index
        %get3A_3225 = tpu.vector_load %arg10[%get3A_3222, %get3A_3223, %get3A_3224] {strides = array<i32>} : memref<5x128x64xf32, #tpu.memory_space<vmem>>, vector<16xf32>,
        %mul3A_3226 = arith.mulf %get3A_3096, %get3A_3225 : vector<16xf32>
        %add3A_3227 = arith.addf %add3A_3220, %mul3A_3226 : vector<16xf32>
        %get3A_3228 = arith.constant 3 : i32
        %get3A_3229 = arith.index_cast %get3A_3228 : i32 to index
        %get3A_3230 = arith.index_cast %add3A_3087 : i32 to index
        %get3A_3231 = arith.constant 48 : index
        %get3A_3232 = tpu.vector_load %arg10[%get3A_3229, %get3A_3230, %get3A_3231] {strides = array<i32>} : memref<5x128x64xf32, #tpu.memory_space<vmem>>, vector<16xf32>,
        %mul3A_3233 = arith.mulf %get3A_3099, %get3A_3232 : vector<16xf32>
        %add3A_3234 = arith.addf %add3A_3227, %mul3A_3233 : vector<16xf32>
        %mul3A_3235 = arith.constant 16 : i32
        %mul3A_3236 = vector.broadcast %mul3A_3235 : i32 to vector<16xi32>
        %mul3A_3237 = arith.muli %iota3A, %mul3A_3236 : vector<16xi32>
        %add3A_3238 = arith.constant 768 : i32
        %add3A_3239 = vector.broadcast %add3A_3238 : i32 to vector<16xi32>
        %add3A_3240 = arith.addi %add3A_3239, %mul3A_3237 : vector<16xi32>
        %add3A_3241 = arith.constant 15 : i32
        %add3A_3242 = vector.broadcast %add3A_3241 : i32 to vector<16xi32>
        %add3A_3243 = arith.addi %add3A_3240, %add3A_3242 : vector<16xi32>
        tpu.vector_store_idx %arg12[%add3A_3243], %add3A_3234 : memref<1280xf32, #tpu.memory_space<vmem>>[vector<16xi32>], vector<16xf32>,
        %get3A_3244 = arith.constant 4 : i32
        %get3A_3245 = arith.index_cast %get3A_3244 : i32 to index
        %get3A_3246 = arith.index_cast %add3A_3087 : i32 to index
        %get3A_3247 = arith.constant 0 : index
        %get3A_3248 = tpu.vector_load %arg10[%get3A_3245, %get3A_3246, %get3A_3247] {strides = array<i32>} : memref<5x128x64xf32, #tpu.memory_space<vmem>>, vector<16xf32>,
        %mul3A_3249 = arith.mulf %get3A_3090, %get3A_3248 : vector<16xf32>
        %get3A_3250 = arith.constant 4 : i32
        %get3A_3251 = arith.index_cast %get3A_3250 : i32 to index
        %get3A_3252 = arith.index_cast %add3A_3087 : i32 to index
        %get3A_3253 = arith.constant 16 : index
        %get3A_3254 = tpu.vector_load %arg10[%get3A_3251, %get3A_3252, %get3A_3253] {strides = array<i32>} : memref<5x128x64xf32, #tpu.memory_space<vmem>>, vector<16xf32>,
        %mul3A_3255 = arith.mulf %get3A_3093, %get3A_3254 : vector<16xf32>
        %add3A_3256 = arith.addf %mul3A_3249, %mul3A_3255 : vector<16xf32>
        %get3A_3257 = arith.constant 4 : i32
        %get3A_3258 = arith.index_cast %get3A_3257 : i32 to index
        %get3A_3259 = arith.index_cast %add3A_3087 : i32 to index
        %get3A_3260 = arith.constant 32 : index
        %get3A_3261 = tpu.vector_load %arg10[%get3A_3258, %get3A_3259, %get3A_3260] {strides = array<i32>} : memref<5x128x64xf32, #tpu.memory_space<vmem>>, vector<16xf32>,
        %mul3A_3262 = arith.mulf %get3A_3096, %get3A_3261 : vector<16xf32>
        %add3A_3263 = arith.addf %add3A_3256, %mul3A_3262 : vector<16xf32>
        %get3A_3264 = arith.constant 4 : i32
        %get3A_3265 = arith.index_cast %get3A_3264 : i32 to index
        %get3A_3266 = arith.index_cast %add3A_3087 : i32 to index
        %get3A_3267 = arith.constant 48 : index
        %get3A_3268 = tpu.vector_load %arg10[%get3A_3265, %get3A_3266, %get3A_3267] {strides = array<i32>} : memref<5x128x64xf32, #tpu.memory_space<vmem>>, vector<16xf32>,
        %mul3A_3269 = arith.mulf %get3A_3099, %get3A_3268 : vector<16xf32>
        %add3A_3270 = arith.addf %add3A_3263, %mul3A_3269 : vector<16xf32>
        %mul3A_3271 = arith.constant 16 : i32
        %mul3A_3272 = vector.broadcast %mul3A_3271 : i32 to vector<16xi32>
        %mul3A_3273 = arith.muli %iota3A, %mul3A_3272 : vector<16xi32>
        %add3A_3274 = arith.constant 1024 : i32
        %add3A_3275 = vector.broadcast %add3A_3274 : i32 to vector<16xi32>
        %add3A_3276 = arith.addi %add3A_3275, %mul3A_3273 : vector<16xi32>
        %add3A_3277 = arith.constant 15 : i32
        %add3A_3278 = vector.broadcast %add3A_3277 : i32 to vector<16xi32>
        %add3A_3279 = arith.addi %add3A_3276, %add3A_3278 : vector<16xi32>
        tpu.vector_store_idx %arg12[%add3A_3279], %add3A_3270 : memref<1280xf32, #tpu.memory_space<vmem>>[vector<16xi32>], vector<16xf32>,
        %get3A_3280 = arith.constant 0 : index
        %get3A_3281 = tpu.vector_load %arg12[%get3A_3280] {strides = array<i32>} : memref<1280xf32, #tpu.memory_space<vmem>>, vector<16xf32>,
        %get3A_3282 = arith.constant 16 : index
        %get3A_3283 = tpu.vector_load %arg12[%get3A_3282] {strides = array<i32>} : memref<1280xf32, #tpu.memory_space<vmem>>, vector<16xf32>,
        %add3A_3284 = arith.addf %get3A_3281, %get3A_3283 : vector<16xf32>
        %get3A_3285 = arith.constant 32 : index
        %get3A_3286 = tpu.vector_load %arg12[%get3A_3285] {strides = array<i32>} : memref<1280xf32, #tpu.memory_space<vmem>>, vector<16xf32>,
        %add3A_3287 = arith.addf %add3A_3284, %get3A_3286 : vector<16xf32>
        %get3A_3288 = arith.constant 48 : index
        %get3A_3289 = tpu.vector_load %arg12[%get3A_3288] {strides = array<i32>} : memref<1280xf32, #tpu.memory_space<vmem>>, vector<16xf32>,
        %add3A_3290 = arith.addf %add3A_3287, %get3A_3289 : vector<16xf32>
        %get3A_3291 = arith.constant 64 : index
        %get3A_3292 = tpu.vector_load %arg12[%get3A_3291] {strides = array<i32>} : memref<1280xf32, #tpu.memory_space<vmem>>, vector<16xf32>,
        %add3A_3293 = arith.addf %add3A_3290, %get3A_3292 : vector<16xf32>
        %get3A_3294 = arith.constant 80 : index
        %get3A_3295 = tpu.vector_load %arg12[%get3A_3294] {strides = array<i32>} : memref<1280xf32, #tpu.memory_space<vmem>>, vector<16xf32>,
        %add3A_3296 = arith.addf %add3A_3293, %get3A_3295 : vector<16xf32>
        %get3A_3297 = arith.constant 96 : index
        %get3A_3298 = tpu.vector_load %arg12[%get3A_3297] {strides = array<i32>} : memref<1280xf32, #tpu.memory_space<vmem>>, vector<16xf32>,
        %add3A_3299 = arith.addf %add3A_3296, %get3A_3298 : vector<16xf32>
        %get3A_3300 = arith.constant 112 : index
        %get3A_3301 = tpu.vector_load %arg12[%get3A_3300] {strides = array<i32>} : memref<1280xf32, #tpu.memory_space<vmem>>, vector<16xf32>,
        %add3A_3302 = arith.addf %add3A_3299, %get3A_3301 : vector<16xf32>
        %get3A_3303 = arith.constant 128 : index
        %get3A_3304 = tpu.vector_load %arg12[%get3A_3303] {strides = array<i32>} : memref<1280xf32, #tpu.memory_space<vmem>>, vector<16xf32>,
        %add3A_3305 = arith.addf %add3A_3302, %get3A_3304 : vector<16xf32>
        %get3A_3306 = arith.constant 144 : index
        %get3A_3307 = tpu.vector_load %arg12[%get3A_3306] {strides = array<i32>} : memref<1280xf32, #tpu.memory_space<vmem>>, vector<16xf32>,
        %add3A_3308 = arith.addf %add3A_3305, %get3A_3307 : vector<16xf32>
        %get3A_3309 = arith.constant 160 : index
        %get3A_3310 = tpu.vector_load %arg12[%get3A_3309] {strides = array<i32>} : memref<1280xf32, #tpu.memory_space<vmem>>, vector<16xf32>,
        %add3A_3311 = arith.addf %add3A_3308, %get3A_3310 : vector<16xf32>
        %get3A_3312 = arith.constant 176 : index
        %get3A_3313 = tpu.vector_load %arg12[%get3A_3312] {strides = array<i32>} : memref<1280xf32, #tpu.memory_space<vmem>>, vector<16xf32>,
        %add3A_3314 = arith.addf %add3A_3311, %get3A_3313 : vector<16xf32>
        %get3A_3315 = arith.constant 192 : index
        %get3A_3316 = tpu.vector_load %arg12[%get3A_3315] {strides = array<i32>} : memref<1280xf32, #tpu.memory_space<vmem>>, vector<16xf32>,
        %add3A_3317 = arith.addf %add3A_3314, %get3A_3316 : vector<16xf32>
        %get3A_3318 = arith.constant 208 : index
        %get3A_3319 = tpu.vector_load %arg12[%get3A_3318] {strides = array<i32>} : memref<1280xf32, #tpu.memory_space<vmem>>, vector<16xf32>,
        %add3A_3320 = arith.addf %add3A_3317, %get3A_3319 : vector<16xf32>
        %get3A_3321 = arith.constant 224 : index
        %get3A_3322 = tpu.vector_load %arg12[%get3A_3321] {strides = array<i32>} : memref<1280xf32, #tpu.memory_space<vmem>>, vector<16xf32>,
        %add3A_3323 = arith.addf %add3A_3320, %get3A_3322 : vector<16xf32>
        %get3A_3324 = arith.constant 240 : index
        %get3A_3325 = tpu.vector_load %arg12[%get3A_3324] {strides = array<i32>} : memref<1280xf32, #tpu.memory_space<vmem>>, vector<16xf32>,
        %add3A_3326 = arith.addf %add3A_3323, %get3A_3325 : vector<16xf32>
        %mul3A_3327 = arith.constant 16 : i32
        %mul3A_3328 = arith.muli %scan3A_144, %mul3A_3327 : i32
        %add3A_3329 = vector.broadcast %mul3A_3328 : i32 to vector<16xi32>
        %add3A_3330 = arith.addi %add3A_3329, %iota3A : vector<16xi32>
        %mul3A_3331 = arith.constant 5 : i32
        %mul3A_3332 = vector.broadcast %mul3A_3331 : i32 to vector<16xi32>
        %mul3A_3333 = arith.muli %add3A_3330, %mul3A_3332 : vector<16xi32>
        %add3A_3334 = arith.constant 0 : i32
        %add3A_3335 = vector.broadcast %add3A_3334 : i32 to vector<16xi32>
        %add3A_3336 = arith.addi %mul3A_3333, %add3A_3335 : vector<16xi32>
        tpu.vector_store_idx %arg11[%add3A_3336], %add3A_3326 : memref<640xf32, #tpu.memory_space<vmem>>[vector<16xi32>], vector<16xf32>,
        %get3A_3337 = arith.constant 256 : index
        %get3A_3338 = tpu.vector_load %arg12[%get3A_3337] {strides = array<i32>} : memref<1280xf32, #tpu.memory_space<vmem>>, vector<16xf32>,
        %get3A_3339 = arith.constant 272 : index
        %get3A_3340 = tpu.vector_load %arg12[%get3A_3339] {strides = array<i32>} : memref<1280xf32, #tpu.memory_space<vmem>>, vector<16xf32>,
        %add3A_3341 = arith.addf %get3A_3338, %get3A_3340 : vector<16xf32>
        %get3A_3342 = arith.constant 288 : index
        %get3A_3343 = tpu.vector_load %arg12[%get3A_3342] {strides = array<i32>} : memref<1280xf32, #tpu.memory_space<vmem>>, vector<16xf32>,
        %add3A_3344 = arith.addf %add3A_3341, %get3A_3343 : vector<16xf32>
        %get3A_3345 = arith.constant 304 : index
        %get3A_3346 = tpu.vector_load %arg12[%get3A_3345] {strides = array<i32>} : memref<1280xf32, #tpu.memory_space<vmem>>, vector<16xf32>,
        %add3A_3347 = arith.addf %add3A_3344, %get3A_3346 : vector<16xf32>
        %get3A_3348 = arith.constant 320 : index
        %get3A_3349 = tpu.vector_load %arg12[%get3A_3348] {strides = array<i32>} : memref<1280xf32, #tpu.memory_space<vmem>>, vector<16xf32>,
        %add3A_3350 = arith.addf %add3A_3347, %get3A_3349 : vector<16xf32>
        %get3A_3351 = arith.constant 336 : index
        %get3A_3352 = tpu.vector_load %arg12[%get3A_3351] {strides = array<i32>} : memref<1280xf32, #tpu.memory_space<vmem>>, vector<16xf32>,
        %add3A_3353 = arith.addf %add3A_3350, %get3A_3352 : vector<16xf32>
        %get3A_3354 = arith.constant 352 : index
        %get3A_3355 = tpu.vector_load %arg12[%get3A_3354] {strides = array<i32>} : memref<1280xf32, #tpu.memory_space<vmem>>, vector<16xf32>,
        %add3A_3356 = arith.addf %add3A_3353, %get3A_3355 : vector<16xf32>
        %get3A_3357 = arith.constant 368 : index
        %get3A_3358 = tpu.vector_load %arg12[%get3A_3357] {strides = array<i32>} : memref<1280xf32, #tpu.memory_space<vmem>>, vector<16xf32>,
        %add3A_3359 = arith.addf %add3A_3356, %get3A_3358 : vector<16xf32>
        %get3A_3360 = arith.constant 384 : index
        %get3A_3361 = tpu.vector_load %arg12[%get3A_3360] {strides = array<i32>} : memref<1280xf32, #tpu.memory_space<vmem>>, vector<16xf32>,
        %add3A_3362 = arith.addf %add3A_3359, %get3A_3361 : vector<16xf32>
        %get3A_3363 = arith.constant 400 : index
        %get3A_3364 = tpu.vector_load %arg12[%get3A_3363] {strides = array<i32>} : memref<1280xf32, #tpu.memory_space<vmem>>, vector<16xf32>,
        %add3A_3365 = arith.addf %add3A_3362, %get3A_3364 : vector<16xf32>
        %get3A_3366 = arith.constant 416 : index
        %get3A_3367 = tpu.vector_load %arg12[%get3A_3366] {strides = array<i32>} : memref<1280xf32, #tpu.memory_space<vmem>>, vector<16xf32>,
        %add3A_3368 = arith.addf %add3A_3365, %get3A_3367 : vector<16xf32>
        %get3A_3369 = arith.constant 432 : index
        %get3A_3370 = tpu.vector_load %arg12[%get3A_3369] {strides = array<i32>} : memref<1280xf32, #tpu.memory_space<vmem>>, vector<16xf32>,
        %add3A_3371 = arith.addf %add3A_3368, %get3A_3370 : vector<16xf32>
        %get3A_3372 = arith.constant 448 : index
        %get3A_3373 = tpu.vector_load %arg12[%get3A_3372] {strides = array<i32>} : memref<1280xf32, #tpu.memory_space<vmem>>, vector<16xf32>,
        %add3A_3374 = arith.addf %add3A_3371, %get3A_3373 : vector<16xf32>
        %get3A_3375 = arith.constant 464 : index
        %get3A_3376 = tpu.vector_load %arg12[%get3A_3375] {strides = array<i32>} : memref<1280xf32, #tpu.memory_space<vmem>>, vector<16xf32>,
        %add3A_3377 = arith.addf %add3A_3374, %get3A_3376 : vector<16xf32>
        %get3A_3378 = arith.constant 480 : index
        %get3A_3379 = tpu.vector_load %arg12[%get3A_3378] {strides = array<i32>} : memref<1280xf32, #tpu.memory_space<vmem>>, vector<16xf32>,
        %add3A_3380 = arith.addf %add3A_3377, %get3A_3379 : vector<16xf32>
        %get3A_3381 = arith.constant 496 : index
        %get3A_3382 = tpu.vector_load %arg12[%get3A_3381] {strides = array<i32>} : memref<1280xf32, #tpu.memory_space<vmem>>, vector<16xf32>,
        %add3A_3383 = arith.addf %add3A_3380, %get3A_3382 : vector<16xf32>
        %mul3A_3384 = arith.constant 16 : i32
        %mul3A_3385 = arith.muli %scan3A_144, %mul3A_3384 : i32
        %add3A_3386 = vector.broadcast %mul3A_3385 : i32 to vector<16xi32>
        %add3A_3387 = arith.addi %add3A_3386, %iota3A : vector<16xi32>
        %mul3A_3388 = arith.constant 5 : i32
        %mul3A_3389 = vector.broadcast %mul3A_3388 : i32 to vector<16xi32>
        %mul3A_3390 = arith.muli %add3A_3387, %mul3A_3389 : vector<16xi32>
        %add3A_3391 = arith.constant 1 : i32
        %add3A_3392 = vector.broadcast %add3A_3391 : i32 to vector<16xi32>
        %add3A_3393 = arith.addi %mul3A_3390, %add3A_3392 : vector<16xi32>
        tpu.vector_store_idx %arg11[%add3A_3393], %add3A_3383 : memref<640xf32, #tpu.memory_space<vmem>>[vector<16xi32>], vector<16xf32>,
        %get3A_3394 = arith.constant 512 : index
        %get3A_3395 = tpu.vector_load %arg12[%get3A_3394] {strides = array<i32>} : memref<1280xf32, #tpu.memory_space<vmem>>, vector<16xf32>,
        %get3A_3396 = arith.constant 528 : index
        %get3A_3397 = tpu.vector_load %arg12[%get3A_3396] {strides = array<i32>} : memref<1280xf32, #tpu.memory_space<vmem>>, vector<16xf32>,
        %add3A_3398 = arith.addf %get3A_3395, %get3A_3397 : vector<16xf32>
        %get3A_3399 = arith.constant 544 : index
        %get3A_3400 = tpu.vector_load %arg12[%get3A_3399] {strides = array<i32>} : memref<1280xf32, #tpu.memory_space<vmem>>, vector<16xf32>,
        %add3A_3401 = arith.addf %add3A_3398, %get3A_3400 : vector<16xf32>
        %get3A_3402 = arith.constant 560 : index
        %get3A_3403 = tpu.vector_load %arg12[%get3A_3402] {strides = array<i32>} : memref<1280xf32, #tpu.memory_space<vmem>>, vector<16xf32>,
        %add3A_3404 = arith.addf %add3A_3401, %get3A_3403 : vector<16xf32>
        %get3A_3405 = arith.constant 576 : index
        %get3A_3406 = tpu.vector_load %arg12[%get3A_3405] {strides = array<i32>} : memref<1280xf32, #tpu.memory_space<vmem>>, vector<16xf32>,
        %add3A_3407 = arith.addf %add3A_3404, %get3A_3406 : vector<16xf32>
        %get3A_3408 = arith.constant 592 : index
        %get3A_3409 = tpu.vector_load %arg12[%get3A_3408] {strides = array<i32>} : memref<1280xf32, #tpu.memory_space<vmem>>, vector<16xf32>,
        %add3A_3410 = arith.addf %add3A_3407, %get3A_3409 : vector<16xf32>
        %get3A_3411 = arith.constant 608 : index
        %get3A_3412 = tpu.vector_load %arg12[%get3A_3411] {strides = array<i32>} : memref<1280xf32, #tpu.memory_space<vmem>>, vector<16xf32>,
        %add3A_3413 = arith.addf %add3A_3410, %get3A_3412 : vector<16xf32>
        %get3A_3414 = arith.constant 624 : index
        %get3A_3415 = tpu.vector_load %arg12[%get3A_3414] {strides = array<i32>} : memref<1280xf32, #tpu.memory_space<vmem>>, vector<16xf32>,
        %add3A_3416 = arith.addf %add3A_3413, %get3A_3415 : vector<16xf32>
        %get3A_3417 = arith.constant 640 : index
        %get3A_3418 = tpu.vector_load %arg12[%get3A_3417] {strides = array<i32>} : memref<1280xf32, #tpu.memory_space<vmem>>, vector<16xf32>,
        %add3A_3419 = arith.addf %add3A_3416, %get3A_3418 : vector<16xf32>
        %get3A_3420 = arith.constant 656 : index
        %get3A_3421 = tpu.vector_load %arg12[%get3A_3420] {strides = array<i32>} : memref<1280xf32, #tpu.memory_space<vmem>>, vector<16xf32>,
        %add3A_3422 = arith.addf %add3A_3419, %get3A_3421 : vector<16xf32>
        %get3A_3423 = arith.constant 672 : index
        %get3A_3424 = tpu.vector_load %arg12[%get3A_3423] {strides = array<i32>} : memref<1280xf32, #tpu.memory_space<vmem>>, vector<16xf32>,
        %add3A_3425 = arith.addf %add3A_3422, %get3A_3424 : vector<16xf32>
        %get3A_3426 = arith.constant 688 : index
        %get3A_3427 = tpu.vector_load %arg12[%get3A_3426] {strides = array<i32>} : memref<1280xf32, #tpu.memory_space<vmem>>, vector<16xf32>,
        %add3A_3428 = arith.addf %add3A_3425, %get3A_3427 : vector<16xf32>
        %get3A_3429 = arith.constant 704 : index
        %get3A_3430 = tpu.vector_load %arg12[%get3A_3429] {strides = array<i32>} : memref<1280xf32, #tpu.memory_space<vmem>>, vector<16xf32>,
        %add3A_3431 = arith.addf %add3A_3428, %get3A_3430 : vector<16xf32>
        %get3A_3432 = arith.constant 720 : index
        %get3A_3433 = tpu.vector_load %arg12[%get3A_3432] {strides = array<i32>} : memref<1280xf32, #tpu.memory_space<vmem>>, vector<16xf32>,
        %add3A_3434 = arith.addf %add3A_3431, %get3A_3433 : vector<16xf32>
        %get3A_3435 = arith.constant 736 : index
        %get3A_3436 = tpu.vector_load %arg12[%get3A_3435] {strides = array<i32>} : memref<1280xf32, #tpu.memory_space<vmem>>, vector<16xf32>,
        %add3A_3437 = arith.addf %add3A_3434, %get3A_3436 : vector<16xf32>
        %get3A_3438 = arith.constant 752 : index
        %get3A_3439 = tpu.vector_load %arg12[%get3A_3438] {strides = array<i32>} : memref<1280xf32, #tpu.memory_space<vmem>>, vector<16xf32>,
        %add3A_3440 = arith.addf %add3A_3437, %get3A_3439 : vector<16xf32>
        %mul3A_3441 = arith.constant 16 : i32
        %mul3A_3442 = arith.muli %scan3A_144, %mul3A_3441 : i32
        %add3A_3443 = vector.broadcast %mul3A_3442 : i32 to vector<16xi32>
        %add3A_3444 = arith.addi %add3A_3443, %iota3A : vector<16xi32>
        %mul3A_3445 = arith.constant 5 : i32
        %mul3A_3446 = vector.broadcast %mul3A_3445 : i32 to vector<16xi32>
        %mul3A_3447 = arith.muli %add3A_3444, %mul3A_3446 : vector<16xi32>
        %add3A_3448 = arith.constant 2 : i32
        %add3A_3449 = vector.broadcast %add3A_3448 : i32 to vector<16xi32>
        %add3A_3450 = arith.addi %mul3A_3447, %add3A_3449 : vector<16xi32>
        tpu.vector_store_idx %arg11[%add3A_3450], %add3A_3440 : memref<640xf32, #tpu.memory_space<vmem>>[vector<16xi32>], vector<16xf32>,
        %get3A_3451 = arith.constant 768 : index
        %get3A_3452 = tpu.vector_load %arg12[%get3A_3451] {strides = array<i32>} : memref<1280xf32, #tpu.memory_space<vmem>>, vector<16xf32>,
        %get3A_3453 = arith.constant 784 : index
        %get3A_3454 = tpu.vector_load %arg12[%get3A_3453] {strides = array<i32>} : memref<1280xf32, #tpu.memory_space<vmem>>, vector<16xf32>,
        %add3A_3455 = arith.addf %get3A_3452, %get3A_3454 : vector<16xf32>
        %get3A_3456 = arith.constant 800 : index
        %get3A_3457 = tpu.vector_load %arg12[%get3A_3456] {strides = array<i32>} : memref<1280xf32, #tpu.memory_space<vmem>>, vector<16xf32>,
        %add3A_3458 = arith.addf %add3A_3455, %get3A_3457 : vector<16xf32>
        %get3A_3459 = arith.constant 816 : index
        %get3A_3460 = tpu.vector_load %arg12[%get3A_3459] {strides = array<i32>} : memref<1280xf32, #tpu.memory_space<vmem>>, vector<16xf32>,
        %add3A_3461 = arith.addf %add3A_3458, %get3A_3460 : vector<16xf32>
        %get3A_3462 = arith.constant 832 : index
        %get3A_3463 = tpu.vector_load %arg12[%get3A_3462] {strides = array<i32>} : memref<1280xf32, #tpu.memory_space<vmem>>, vector<16xf32>,
        %add3A_3464 = arith.addf %add3A_3461, %get3A_3463 : vector<16xf32>
        %get3A_3465 = arith.constant 848 : index
        %get3A_3466 = tpu.vector_load %arg12[%get3A_3465] {strides = array<i32>} : memref<1280xf32, #tpu.memory_space<vmem>>, vector<16xf32>,
        %add3A_3467 = arith.addf %add3A_3464, %get3A_3466 : vector<16xf32>
        %get3A_3468 = arith.constant 864 : index
        %get3A_3469 = tpu.vector_load %arg12[%get3A_3468] {strides = array<i32>} : memref<1280xf32, #tpu.memory_space<vmem>>, vector<16xf32>,
        %add3A_3470 = arith.addf %add3A_3467, %get3A_3469 : vector<16xf32>
        %get3A_3471 = arith.constant 880 : index
        %get3A_3472 = tpu.vector_load %arg12[%get3A_3471] {strides = array<i32>} : memref<1280xf32, #tpu.memory_space<vmem>>, vector<16xf32>,
        %add3A_3473 = arith.addf %add3A_3470, %get3A_3472 : vector<16xf32>
        %get3A_3474 = arith.constant 896 : index
        %get3A_3475 = tpu.vector_load %arg12[%get3A_3474] {strides = array<i32>} : memref<1280xf32, #tpu.memory_space<vmem>>, vector<16xf32>,
        %add3A_3476 = arith.addf %add3A_3473, %get3A_3475 : vector<16xf32>
        %get3A_3477 = arith.constant 912 : index
        %get3A_3478 = tpu.vector_load %arg12[%get3A_3477] {strides = array<i32>} : memref<1280xf32, #tpu.memory_space<vmem>>, vector<16xf32>,
        %add3A_3479 = arith.addf %add3A_3476, %get3A_3478 : vector<16xf32>
        %get3A_3480 = arith.constant 928 : index
        %get3A_3481 = tpu.vector_load %arg12[%get3A_3480] {strides = array<i32>} : memref<1280xf32, #tpu.memory_space<vmem>>, vector<16xf32>,
        %add3A_3482 = arith.addf %add3A_3479, %get3A_3481 : vector<16xf32>
        %get3A_3483 = arith.constant 944 : index
        %get3A_3484 = tpu.vector_load %arg12[%get3A_3483] {strides = array<i32>} : memref<1280xf32, #tpu.memory_space<vmem>>, vector<16xf32>,
        %add3A_3485 = arith.addf %add3A_3482, %get3A_3484 : vector<16xf32>
        %get3A_3486 = arith.constant 960 : index
        %get3A_3487 = tpu.vector_load %arg12[%get3A_3486] {strides = array<i32>} : memref<1280xf32, #tpu.memory_space<vmem>>, vector<16xf32>,
        %add3A_3488 = arith.addf %add3A_3485, %get3A_3487 : vector<16xf32>
        %get3A_3489 = arith.constant 976 : index
        %get3A_3490 = tpu.vector_load %arg12[%get3A_3489] {strides = array<i32>} : memref<1280xf32, #tpu.memory_space<vmem>>, vector<16xf32>,
        %add3A_3491 = arith.addf %add3A_3488, %get3A_3490 : vector<16xf32>
        %get3A_3492 = arith.constant 992 : index
        %get3A_3493 = tpu.vector_load %arg12[%get3A_3492] {strides = array<i32>} : memref<1280xf32, #tpu.memory_space<vmem>>, vector<16xf32>,
        %add3A_3494 = arith.addf %add3A_3491, %get3A_3493 : vector<16xf32>
        %get3A_3495 = arith.constant 1008 : index
        %get3A_3496 = tpu.vector_load %arg12[%get3A_3495] {strides = array<i32>} : memref<1280xf32, #tpu.memory_space<vmem>>, vector<16xf32>,
        %add3A_3497 = arith.addf %add3A_3494, %get3A_3496 : vector<16xf32>
        %mul3A_3498 = arith.constant 16 : i32
        %mul3A_3499 = arith.muli %scan3A_144, %mul3A_3498 : i32
        %add3A_3500 = vector.broadcast %mul3A_3499 : i32 to vector<16xi32>
        %add3A_3501 = arith.addi %add3A_3500, %iota3A : vector<16xi32>
        %mul3A_3502 = arith.constant 5 : i32
        %mul3A_3503 = vector.broadcast %mul3A_3502 : i32 to vector<16xi32>
        %mul3A_3504 = arith.muli %add3A_3501, %mul3A_3503 : vector<16xi32>
        %add3A_3505 = arith.constant 3 : i32
        %add3A_3506 = vector.broadcast %add3A_3505 : i32 to vector<16xi32>
        %add3A_3507 = arith.addi %mul3A_3504, %add3A_3506 : vector<16xi32>
        tpu.vector_store_idx %arg11[%add3A_3507], %add3A_3497 : memref<640xf32, #tpu.memory_space<vmem>>[vector<16xi32>], vector<16xf32>,
        %get3A_3508 = arith.constant 1024 : index
        %get3A_3509 = tpu.vector_load %arg12[%get3A_3508] {strides = array<i32>} : memref<1280xf32, #tpu.memory_space<vmem>>, vector<16xf32>,
        %get3A_3510 = arith.constant 1040 : index
        %get3A_3511 = tpu.vector_load %arg12[%get3A_3510] {strides = array<i32>} : memref<1280xf32, #tpu.memory_space<vmem>>, vector<16xf32>,
        %add3A_3512 = arith.addf %get3A_3509, %get3A_3511 : vector<16xf32>
        %get3A_3513 = arith.constant 1056 : index
        %get3A_3514 = tpu.vector_load %arg12[%get3A_3513] {strides = array<i32>} : memref<1280xf32, #tpu.memory_space<vmem>>, vector<16xf32>,
        %add3A_3515 = arith.addf %add3A_3512, %get3A_3514 : vector<16xf32>
        %get3A_3516 = arith.constant 1072 : index
        %get3A_3517 = tpu.vector_load %arg12[%get3A_3516] {strides = array<i32>} : memref<1280xf32, #tpu.memory_space<vmem>>, vector<16xf32>,
        %add3A_3518 = arith.addf %add3A_3515, %get3A_3517 : vector<16xf32>
        %get3A_3519 = arith.constant 1088 : index
        %get3A_3520 = tpu.vector_load %arg12[%get3A_3519] {strides = array<i32>} : memref<1280xf32, #tpu.memory_space<vmem>>, vector<16xf32>,
        %add3A_3521 = arith.addf %add3A_3518, %get3A_3520 : vector<16xf32>
        %get3A_3522 = arith.constant 1104 : index
        %get3A_3523 = tpu.vector_load %arg12[%get3A_3522] {strides = array<i32>} : memref<1280xf32, #tpu.memory_space<vmem>>, vector<16xf32>,
        %add3A_3524 = arith.addf %add3A_3521, %get3A_3523 : vector<16xf32>
        %get3A_3525 = arith.constant 1120 : index
        %get3A_3526 = tpu.vector_load %arg12[%get3A_3525] {strides = array<i32>} : memref<1280xf32, #tpu.memory_space<vmem>>, vector<16xf32>,
        %add3A_3527 = arith.addf %add3A_3524, %get3A_3526 : vector<16xf32>
        %get3A_3528 = arith.constant 1136 : index
        %get3A_3529 = tpu.vector_load %arg12[%get3A_3528] {strides = array<i32>} : memref<1280xf32, #tpu.memory_space<vmem>>, vector<16xf32>,
        %add3A_3530 = arith.addf %add3A_3527, %get3A_3529 : vector<16xf32>
        %get3A_3531 = arith.constant 1152 : index
        %get3A_3532 = tpu.vector_load %arg12[%get3A_3531] {strides = array<i32>} : memref<1280xf32, #tpu.memory_space<vmem>>, vector<16xf32>,
        %add3A_3533 = arith.addf %add3A_3530, %get3A_3532 : vector<16xf32>
        %get3A_3534 = arith.constant 1168 : index
        %get3A_3535 = tpu.vector_load %arg12[%get3A_3534] {strides = array<i32>} : memref<1280xf32, #tpu.memory_space<vmem>>, vector<16xf32>,
        %add3A_3536 = arith.addf %add3A_3533, %get3A_3535 : vector<16xf32>
        %get3A_3537 = arith.constant 1184 : index
        %get3A_3538 = tpu.vector_load %arg12[%get3A_3537] {strides = array<i32>} : memref<1280xf32, #tpu.memory_space<vmem>>, vector<16xf32>,
        %add3A_3539 = arith.addf %add3A_3536, %get3A_3538 : vector<16xf32>
        %get3A_3540 = arith.constant 1200 : index
        %get3A_3541 = tpu.vector_load %arg12[%get3A_3540] {strides = array<i32>} : memref<1280xf32, #tpu.memory_space<vmem>>, vector<16xf32>,
        %add3A_3542 = arith.addf %add3A_3539, %get3A_3541 : vector<16xf32>
        %get3A_3543 = arith.constant 1216 : index
        %get3A_3544 = tpu.vector_load %arg12[%get3A_3543] {strides = array<i32>} : memref<1280xf32, #tpu.memory_space<vmem>>, vector<16xf32>,
        %add3A_3545 = arith.addf %add3A_3542, %get3A_3544 : vector<16xf32>
        %get3A_3546 = arith.constant 1232 : index
        %get3A_3547 = tpu.vector_load %arg12[%get3A_3546] {strides = array<i32>} : memref<1280xf32, #tpu.memory_space<vmem>>, vector<16xf32>,
        %add3A_3548 = arith.addf %add3A_3545, %get3A_3547 : vector<16xf32>
        %get3A_3549 = arith.constant 1248 : index
        %get3A_3550 = tpu.vector_load %arg12[%get3A_3549] {strides = array<i32>} : memref<1280xf32, #tpu.memory_space<vmem>>, vector<16xf32>,
        %add3A_3551 = arith.addf %add3A_3548, %get3A_3550 : vector<16xf32>
        %get3A_3552 = arith.constant 1264 : index
        %get3A_3553 = tpu.vector_load %arg12[%get3A_3552] {strides = array<i32>} : memref<1280xf32, #tpu.memory_space<vmem>>, vector<16xf32>,
        %add3A_3554 = arith.addf %add3A_3551, %get3A_3553 : vector<16xf32>
        %mul3A_3555 = arith.constant 16 : i32
        %mul3A_3556 = arith.muli %scan3A_144, %mul3A_3555 : i32
        %add3A_3557 = vector.broadcast %mul3A_3556 : i32 to vector<16xi32>
        %add3A_3558 = arith.addi %add3A_3557, %iota3A : vector<16xi32>
        %mul3A_3559 = arith.constant 5 : i32
        %mul3A_3560 = vector.broadcast %mul3A_3559 : i32 to vector<16xi32>
        %mul3A_3561 = arith.muli %add3A_3558, %mul3A_3560 : vector<16xi32>
        %add3A_3562 = arith.constant 4 : i32
        %add3A_3563 = vector.broadcast %add3A_3562 : i32 to vector<16xi32>
        %add3A_3564 = arith.addi %mul3A_3561, %add3A_3563 : vector<16xi32>
        tpu.vector_store_idx %arg11[%add3A_3564], %add3A_3554 : memref<640xf32, #tpu.memory_space<vmem>>[vector<16xi32>], vector<16xf32>,
      }
      %scan3A_141 = arith.constant 8 : i32
      %mul3A_142 = arith.constant 5 : i32
      %mul3A_143 = arith.muli %add3A_11, %mul3A_142 : i32
      "tpu.region"() ({
        %run_scoped3A = tpu.sem_alloc : memref<!tpu.dma_semaphore, #tpu.memory_space<semaphore_mem>>
        %dma_start3A_144 = tpu.memref_slice %arg6[%mul3A_143] : memref<81920xf32, #tpu.memory_space<hbm>> -> memref<640xf32, #tpu.memory_space<hbm>>
        %dma_start3A_145 = tpu.memref_slice %arg6[%mul3A_143] : memref<81920xf32, #tpu.memory_space<hbm>> -> memref<640xf32, #tpu.memory_space<hbm>>
        tpu.enqueue_dma source(%arg11 : memref<640xf32, #tpu.memory_space<vmem>>) target(%dma_start3A_145 : memref<640xf32, #tpu.memory_space<hbm>>) target_semaphore(%run_scoped3A : memref<!tpu.dma_semaphore, #tpu.memory_space<semaphore_mem>>)
        %dma_wait3A_146 = tpu.memref_slice %arg6[%mul3A_143] : memref<81920xf32, #tpu.memory_space<hbm>> -> memref<640xf32, #tpu.memory_space<hbm>>
        %dma_wait3A_147 = tpu.memref_slice %arg6[%mul3A_143] : memref<81920xf32, #tpu.memory_space<hbm>> -> memref<640xf32, #tpu.memory_space<hbm>>
        tpu.wait_dma2 semaphore(%run_scoped3A : memref<!tpu.dma_semaphore, #tpu.memory_space<semaphore_mem>>) src(%arg11 : memref<640xf32, #tpu.memory_space<vmem>>) dst(%dma_wait3A_147 : memref<640xf32, #tpu.memory_space<hbm>>)
        tpu.yield
      }) : () -> ()
    }
    %scan3A_5 = arith.constant 4 : i32
    return
  }
}

</mosaic_0001>

<sc_bundles>
// kernel: kernel.3.cloned.1.call-start
scs
__scs_entry_jumppad:
0x0: {  	(pc) =	sbr.rel $0x88, $3  }
0x1: {  	(tag) =	ssettag $0x0;
	lr =	simm.s32 $0x1  }
0x2: {  	[smem:$0x3F9D] =	sst lr;
	_ =	strace $0xD0000000  }
0x3: {  	_ = 	snop  }
0x4: {  	_ = 	snop  }
0x5: {  	_ = 	snop  }
0x6: {  	_ = 	snop  }
0x7: {  	_ = 	snop  }
__scs_overlays_trampoline_lowered:
0x8: {  	[smem:$0x3FAC] =	sst s0  }
0x9: {  	[smem:$0x3FAD] =	sst s1  }
0xa: {  	[smem:$0x3FAE] =	sst s2  }
0xb: {  	[smem:$0x3FAF] =	sst s3  }
0xc: {  	[smem:$0x3FB0] =	sst s4  }
0xd: {  	[smem:$0x3FB1] =	sst s5  }
0xe: {  	[smem:$0x3FB2] =	sst s6  }
0xf: {  	[smem:$0x3FB3] =	sst s7  }
0x10: {  	[smem:$0x3FB4] =	sst s8  }
0x11: {  	[smem:$0x3FB5] =	sst s9;
	s0 =	simm.s32 @!p0 $0x0  }
0x12: {  	s1 =	sld [smem:$0x3F9B];
	s0 =	simm.s32 @p0 $0x1  }
0x13: {  	[smem:$0x3FB6] =	sst s0;
	s0 =	simm.s32 @!p1 $0x0  }
0x14: {  	s2 =	sld [smem:$0x3F9A];
	s0 =	simm.s32 @p1 $0x1  }
0x15: {  	[smem:$0x3FB7] =	sst s0;
	s0 =	simm.s32 @!p2 $0x0  }
0x16: {  	s3 =	sld [smem:$0x3FDB];
	s0 =	simm.s32 @p2 $0x1  }
0x17: {  	s4 =	simm.s32 $0x1BF5;
	[smem:$0x3FB9] =	sst s0  }
0x18: {  	s0 =	sld [smem:$0x3F9C];
	_ =	swait.ge [sflag:s4], $0x0  }
0x19: {  	s7 =	sld [smem:$0x3F9D]  }
0x1a: {  	s8 =	sadd.s32 $0xFFFFE003, lr  }
0x1b: {  	s9 =	sadd.s32 $0xFFFFFEF7, lr;
	s5 =	simm.s32 $0xFFFFFFFF;
	p2 =	slt.u32 s8, $0xFFFFF086  }
0x1c: {  	p1 =	slt.u32 s9, $0xF7A;
	s5 =	simm.s32 @!p2 $0x0  }
0x1d: {  	s5 =	simm.s32 @p1 $0x1;
	p0 =	seq.s32 s7, s2  }
0x1e: {  	s7 =	smul.u32 @!p0 $0xF7A, s2;
	p2 =	seq.s32 @!p0 s5, $0x0  }
0x1f: {  	s9 =	smul.u32 $0xF7A, s1;
	s8 =	simm.s32 @!p0 $0x1BF5;
	p2 =	por !p2, p0  }
0x20: {  	[sflag:s8] =	ssyncset.s32 @!p0 $0xFFFFF086;
	s6 =	sadd.s32 @!p0 s3, s7;
	s7 =	simm.s32 @!p0 $0x108  }
0x21: {  	s3 =	sadd.s32 s3, s9;
	s6 =	sadd.s32 @!p0 $0x88, s6;
	s7 =	simm.s32 @p2 $0x1082  }
0x22: {  	[simem:s7], [sflag:s8] =	dma.local @!p0 [hbm:s6], $0xF7A  }
0x23: {  	s9 =	sor.u32 $0xD0000000, s2;
	s6 =	simm.s32 $0x108;
	_ =	swait.ge @!p0 [sflag:s8], $0x0  }
0x24: {  	s3 =	sadd.s32 $0x88, s3;
	s6 =	simm.s32 @!p1 $0x1082;
	[sflag:s4] =	ssyncset.s32 $0xFFFFF086  }
0x25: {  	[simem:s6], [sflag:s4] =	dma.local [hbm:s3], $0xF7A  }
0x26: {  	[smem:$0x3F9D] =	sst s1;
	(tag) =	ssettag s2;
	_ =	strace s9  }
0x27: {  	s1 =	sld [smem:$0x3FAD]  }
0x28: {  	s2 =	sld [smem:$0x3FAE]  }
0x29: {  	s4 =	sld [smem:$0x3FB0]  }
0x2a: {  	p0 =	seq.s32 s5, $0x0;
	s5 =	sld [smem:$0x3FB1]  }
0x2b: {  	s6 =	sld [smem:$0x3FB2]  }
0x2c: {  	s7 =	sld [smem:$0x3FB3]  }
0x2d: {  	s3 =	simm.s32 $0x108;
	s8 =	sld [smem:$0x3FB4]  }
0x2e: {  	s3 =	simm.s32 @!p0 $0x1082;
	s9 =	sld [smem:$0x3FB5]  }
0x2f: {  	lr =	sadd.s32 s0, s3;
	s0 =	sld [smem:$0x3FAC]  }
0x30: {  	s3 =	sld [smem:$0x3FAF]  }
0x31: {  	[smem:$0x3FB8] =	sst s10  }
0x32: {  	s10 =	sld [smem:$0x3FB6];
	_ =	sdelay $0x3  }
0x33: {  	p0 =	seq.s32 s10, $0x1;
	s10 =	sld [smem:$0x3FB8];
	_ =	sdelay $0x3  }
0x34: {  	[smem:$0x3FB8] =	sst s10  }
0x35: {  	s10 =	sld [smem:$0x3FB7];
	_ =	sdelay $0x3  }
0x36: {  	p1 =	seq.s32 s10, $0x1;
	s10 =	sld [smem:$0x3FB8];
	_ =	sdelay $0x3  }
0x37: {  	[smem:$0x3FB8] =	sst s10  }
0x38: {  	s10 =	sld [smem:$0x3FB9]  }
0x39: {  	_ = 	snop;
	(pc) =	sbr.ind lr, $3  }
0x3a: {  	_ = 	snop  }
0x3b: {  	_ = 	snop  }
0x3c: {  	p2 =	seq.s32 s10, $0x1;
	s10 =	sld [smem:$0x3FB8]  }
0x3d: {  	_ =	shalt  }
0x3e: {  	_ =	shalt  }
0x3f: {  	_ =	shalt  }
0x40: {  	_ =	shalt  }
0x41: {  	_ =	shalt  }
0x42: {  	_ =	shalt  }
0x43: {  	_ =	shalt  }
0x44: {  	_ =	shalt  }
0x45: {  	_ =	shalt  }
0x46: {  	_ =	shalt  }
0x47: {  	_ =	shalt  }
0x48: {  	_ =	shalt  }
0x49: {  	_ =	shalt  }
0x4a: {  	_ =	shalt  }
0x4b: {  	_ =	shalt  }
0x4c: {  	_ =	shalt  }
0x4d: {  	_ =	shalt  }
0x4e: {  	_ =	shalt  }
0x4f: {  	_ =	shalt  }
0x50: {  	_ =	shalt  }
0x51: {  	_ =	shalt  }
0x52: {  	_ =	shalt  }
0x53: {  	_ =	shalt  }
0x54: {  	_ =	shalt  }
0x55: {  	_ =	shalt  }
0x56: {  	_ =	shalt  }
0x57: {  	_ =	shalt  }
0x58: {  	_ =	shalt  }
0x59: {  	_ =	shalt  }
0x5a: {  	_ =	shalt  }
0x5b: {  	_ =	shalt  }
0x5c: {  	_ =	shalt  }
0x5d: {  	_ =	shalt  }
0x5e: {  	_ =	shalt  }
0x5f: {  	_ =	shalt  }
0x60: {  	_ =	shalt  }
0x61: {  	_ =	shalt  }
0x62: {  	_ =	shalt  }
0x63: {  	_ =	shalt  }
0x64: {  	_ =	shalt  }
0x65: {  	_ =	shalt  }
0x66: {  	_ =	shalt  }
0x67: {  	_ =	shalt  }
0x68: {  	_ =	shalt  }
0x69: {  	_ =	shalt  }
0x6a: {  	_ =	shalt  }
0x6b: {  	_ =	shalt  }
0x6c: {  	_ =	shalt  }
0x6d: {  	_ =	shalt  }
0x6e: {  	_ =	shalt  }
0x6f: {  	_ =	shalt  }
0x70: {  	_ =	shalt  }
0x71: {  	_ =	shalt  }
0x72: {  	_ =	shalt  }
0x73: {  	_ =	shalt  }
0x74: {  	_ =	shalt  }
0x75: {  	_ =	shalt  }
0x76: {  	_ =	shalt  }
0x77: {  	_ =	shalt  }
0x78: {  	_ =	shalt  }
0x79: {  	_ =	shalt  }
0x7a: {  	_ =	shalt  }
0x7b: {  	_ =	shalt  }
0x7c: {  	_ =	shalt  }
0x7d: {  	_ =	shalt  }
0x7e: {  	_ =	shalt  }
0x7f: {  	_ =	shalt  }
0x80: {  	_ =	shalt  }
0x81: {  	_ =	shalt  }
0x82: {  	_ =	shalt  }
0x83: {  	_ =	shalt  }
0x84: {  	_ =	shalt  }
0x85: {  	_ =	shalt  }
0x86: {  	_ =	shalt  }
0x87: {  	_ =	shalt  }
.Lfunc_end0:
.L_simem_size_0:
called_computation_lowered:
.L_overlay_start_0:
0x88: {  	s2 =	sld [smem:$0x3FD9]  }
0x89: {  	s3 =	sld [smem:$0x3FFE];
	_ =	sdelay $0x1  }
0x8a: {  	s1 =	srdreg.scid  }
0x8b: {  	s0 =	sand.u32 $0x1, s1  }
0x8c: {  	s17 =	sshll.u32 s0, $0xA;
	s2 =	sadd.s32 s3, s2  }
0x8d: {  	s2 =	sadd.s32 s2, s17  }
0x8e: {  	[smem:$0x3FC4] =	sst s2  }
0x8f: {  	_ = 	snop  }
0x90: {  	s2 =	sld [smem:$0x3FC9]  }
0x91: {  	s18 =	sld [smem:$0x3FD0];
	(tm) =	ssettm $0x1  }
0x92: {  	s4 =	sld [smem:$0x3FFB];
	_ =	sdelay $0x3  }
0x93: {  	_ =	strace s4  }
0x94: {  	s4 =	sld [smem:$0x3FFC];
	_ =	sdelay $0x3  }
0x95: {  	_ =	strace s4  }
0x96: {  	s4 =	sld [smem:$0x3FFD];
	_ =	sdelay $0x3  }
0x97: {  	_ =	strace s4  }
0x98: {  	_ =	strace $0x8FFFFFFF  }
0x99: {  	s19 =	sld [smem:$0x3FDB];
	_ =	sdelay $0x1  }
0x9a: {  	s5 =	simm.s32 $_scs_section_size  }
0x9b: {  	s6 =	simm.s32 $_size__tile_overlayer_lowered;
	s7 =	simm.s32 $_tile_overlayer_lowered  }
0x9c: {  	s22 =	simm.s32 $0x1BFF;
	s21 =	sshll.u32 s7, $0x1;
	s4 =	sadd.s32 s5, s19  }
0x9d: {  	s8 =	simm.s32 $0x0;
	s20 =	sshll.u32 s6, $0x1;
	s6 =	sadd.s32 s21, s4  }
0x9e: {  	[timem:s8], [sflag:s22] =	dma.local [hbm:s6], s20  }
0x9f: {  	_ =	swait.ge [sflag:s22], s20  }
0xa0: {  	s5 =	ssub.s32 $0x0, s20;
	[sflag:s22] =	ssyncset.done $0x0  }
0xa1: {  	[sflag:s22] =	ssyncadd.s32 s5;
	_ =	sdelay $0x1  }
0xa2: {  	s23 =	simm.s32 $0x1B8B  }
0xa3: {  	_ =	swait.ge [sflag:s23], $0x1  }
0xa4: {  	[sflag:s23] =	ssyncset.done $0x0  }
0xa5: {  	s25 =	simm.s32 $0x1B8E;
	s24 =	sld [smem:$0x3FFE];
	[sflag:s23] =	ssyncadd.s32 $0xFFFFFFFF  }
0xa6: {  	s26 =	simm.s32 $execute0_lowered;
	[smem:$0x3FD2] =	sst s25  }
0xa7: {  	s6 =	sshll.u32 s26, $0x1;
	_ =	strace $0x80000046;
	[dreg:$0x1] =	wrdreg $0xFFFFFFFF  }
0xa8: {  	s28 =	simm.s32 $_size_execute0_lowered;
	s4 =	sadd.s32 s4, s6;
	[dreg:$0x0] =	wrdreg $0x0  }
0xa9: {  	s6 =	sshll.u32 s28, $0x1;
	[dreg:$0x2] =	wrdreg s4  }
0xaa: {  	[dreg:$0x3] =	wrdreg s6  }
0xab: {  	[dreg:$0x4] =	wrdreg $0xC0  }
0xac: {  	_ =	task [dreg:s8], $0x5FFFF  }
0xad: {  	[dreg:$0x1] =	wrdreg $0xFFFFFFFF  }
0xae: {  	[dreg:$0x0] =	wrdreg $0x60  }
0xaf: {  	[dreg:$0x2] =	wrdreg s2  }
0xb0: {  	[dreg:$0x3] =	wrdreg s18  }
0xb1: {  	[dreg:$0x4] =	wrdreg s24  }
0xb2: {  	[dreg:$0x5] =	wrdreg $0x9  }
0xb3: {  	_ =	task.clear_ibuf [dreg:s8], $0x6FFFF;
	_ =	strace $0x90000046  }
0xb4: {  	s29 =	simm.s32 $0x9;
	_ =	strace $0x80000048  }
0xb5: {  	_ =	swait.ge [sflag:s29], $0x1  }
0xb6: {  	[sflag:s29] =	ssyncadd.s32 $0xFFFFFFFF  }
0xb7: {  	_ =	strace $0x90000048  }
0xb8: {  	_ =	sfence  }
0xb9: {  	s30 =	sld [smem:$0x0];
	_ =	sdelay $0x2  }
0xba: {  	s31 =	sshll.u32 s1, $0xD;
	s1 =	sshrl.u32 s1, $0x2  }
0xbb: {  	s3 =	sand.u32 $0x4000, s31;
	s1 =	sadd.s32 s1, s30  }
0xbc: {  	s0 =	sor.u32 s3, s0;
	s1 =	sshll.u32 s1, $0x11  }
0xbd: {  	s0 =	sor.u32 s1, s0  }
0xbe: {  	s0 =	sadd.s32 $0x8F2B, s0  }
0xbf: {  	[sflag:s0] =	ssyncadd.remote.s32 $0x1  }
0xc0: {  	_ =	sfence.sel $0xFFFF  }
0xc1: {  	[dreg:$0x0] =	wrdreg $0xFFFFFFFF;
	(pc) =	sbr.abs _section_cstart, $3  }
0xc2: {  	[dreg:$0x1] =	wrdreg $0xFFFFFFFF  }
0xc3: {  	_ =	task.clear_ibuf [dreg:s8], $0x2FFFF;
	_ =	strace $0x9FFFFFFF  }
0xc4: {  	(tm) =	ssettm $0x7FFFFFFF  }
0xc5: {  	_ =	shalt  }
tec
execute0_lowered:
.L_overlay_start_1:
0x0: {  	(tag) =	ssettag $0x1  }
0x1: {  	v0 =	vlaneseq.u32  }
0x2: {  	v1 =	vmul.u32 $0x10, v0;
	_ =	sdelay $0x1  }
0x3: {  	v0 =	vor.u32 $0x100, v1  }
0x4: {  	[tilespmem:$0x1FC20] =	vst v0;
	v0 =	vor.u32 $0x200, v1  }
0x5: {  	[tilespmem:$0x1FC30] =	vst v0;
	v0 =	vor.u32 $0x300, v1  }
0x6: {  	[tilespmem:$0x1FC40] =	vst v0;
	v0 =	vor.u32 $0x400, v1  }
0x7: {  	[tilespmem:$0x1FC50] =	vst v0;
	v0 =	vor.u32 $0x1, v1  }
0x8: {  	[tilespmem:$0x1FC60] =	vst v0;
	v0 =	vor.u32 $0x101, v1  }
0x9: {  	[tilespmem:$0x1FC70] =	vst v0;
	v0 =	vor.u32 $0x201, v1  }
0xa: {  	[tilespmem:$0x1FC80] =	vst v0;
	v0 =	vor.u32 $0x301, v1  }
0xb: {  	[tilespmem:$0x1FC90] =	vst v0;
	v0 =	vor.u32 $0x401, v1  }
0xc: {  	[tilespmem:$0x1FCA0] =	vst v0;
	v0 =	vor.u32 $0x2, v1  }
0xd: {  	[tilespmem:$0x1FCB0] =	vst v0;
	v0 =	vor.u32 $0x102, v1  }
0xe: {  	[tilespmem:$0x1FCC0] =	vst v0;
	v0 =	vor.u32 $0x202, v1  }
0xf: {  	[tilespmem:$0x1FCD0] =	vst v0;
	v0 =	vor.u32 $0x302, v1  }
0x10: {  	[tilespmem:$0x1FCE0] =	vst v0;
	v0 =	vor.u32 $0x402, v1  }
0x11: {  	[tilespmem:$0x1FCF0] =	vst v0;
	v0 =	vor.u32 $0x3, v1  }
0x12: {  	[tilespmem:$0x1FD00] =	vst v0;
	v0 =	vor.u32 $0x103, v1  }
0x13: {  	[tilespmem:$0x1FD10] =	vst v0;
	v0 =	vor.u32 $0x203, v1  }
0x14: {  	[tilespmem:$0x1FD20] =	vst v0;
	v0 =	vor.u32 $0x303, v1  }
0x15: {  	[tilespmem:$0x1FD30] =	vst v0;
	v0 =	vor.u32 $0x403, v1  }
0x16: {  	[tilespmem:$0x1FD40] =	vst v0;
	v0 =	vor.u32 $0x4, v1  }
0x17: {  	[tilespmem:$0x1FD50] =	vst v0;
	v0 =	vor.u32 $0x104, v1  }
0x18: {  	[tilespmem:$0x1FD60] =	vst v0;
	v0 =	vor.u32 $0x204, v1  }
0x19: {  	[tilespmem:$0x1FD70] =	vst v0;
	v0 =	vor.u32 $0x304, v1  }
0x1a: {  	[tilespmem:$0x1FD80] =	vst v0;
	v0 =	vor.u32 $0x404, v1  }
0x1b: {  	[tilespmem:$0x1FD90] =	vst v0;
	v0 =	vor.u32 $0x5, v1  }
0x1c: {  	[tilespmem:$0x1FDA0] =	vst v0;
	v0 =	vor.u32 $0x105, v1  }
0x1d: {  	[tilespmem:$0x1FDB0] =	vst v0;
	v0 =	vor.u32 $0x205, v1  }
0x1e: {  	[tilespmem:$0x1FDC0] =	vst v0;
	v0 =	vor.u32 $0x305, v1  }
0x1f: {  	[tilespmem:$0x1FDD0] =	vst v0;
	v0 =	vor.u32 $0x405, v1  }
0x20: {  	[tilespmem:$0x1FDE0] =	vst v0;
	v0 =	vor.u32 $0x6, v1  }
0x21: {  	[tilespmem:$0x1FDF0] =	vst v0;
	v0 =	vor.u32 $0x106, v1  }
0x22: {  	[tilespmem:$0x1FE00] =	vst v0;
	v0 =	vor.u32 $0x206, v1  }
0x23: {  	[tilespmem:$0x1FE10] =	vst v0;
	v0 =	vor.u32 $0x306, v1  }
0x24: {  	[tilespmem:$0x1FE20] =	vst v0;
	v0 =	vor.u32 $0x406, v1  }
0x25: {  	[tilespmem:$0x1FE30] =	vst v0;
	v0 =	vor.u32 $0x7, v1  }
0x26: {  	[tilespmem:$0x1FE40] =	vst v0;
	v0 =	vor.u32 $0x107, v1  }
0x27: {  	[tilespmem:$0x1FE50] =	vst v0;
	v0 =	vor.u32 $0x207, v1  }
0x28: {  	[tilespmem:$0x1FE60] =	vst v0;
	v0 =	vor.u32 $0x307, v1  }
0x29: {  	[tilespmem:$0x1FE70] =	vst v0;
	v0 =	vor.u32 $0x407, v1  }
0x2a: {  	[tilespmem:$0x1FE80] =	vst v0;
	v0 =	vor.u32 $0x8, v1  }
0x2b: {  	[tilespmem:$0x1FE90] =	vst v0;
	v0 =	vor.u32 $0x108, v1  }
0x2c: {  	[tilespmem:$0x1FEA0] =	vst v0;
	v0 =	vor.u32 $0x208, v1  }
0x2d: {  	s0 =	rddreg [dreg:$0x0];
	[tilespmem:$0x1FEB0] =	vst v0;
	v0 =	vor.u32 $0x308, v1  }
0x2e: {  	s1 =	rddreg [dreg:$0x1];
	s3 =	simm.s32 $0x0;
	[tilespmem:$0x1FEC0] =	vst v0;
	v0 =	vor.u32 $0x408, v1  }
0x2f: {  	[smem:$0x7FF] =	sst s3;
	[tilespmem:$0x1FED0] =	vst v0;
	v0 =	vor.u32 $0x9, v1  }
0x30: {  	s7 =	rddreg [dreg:$0x2];
	_ =	strace $0x80000047;
	[tilespmem:$0x1FEE0] =	vst v0;
	v0 =	vor.u32 $0x109, v1  }
0x31: {  	[tilespmem:$0x1FEF0] =	vst v0;
	v0 =	vor.u32 $0x209, v1  }
0x32: {  	[tilespmem:$0x1FF00] =	vst v0;
	v0 =	vor.u32 $0x309, v1  }
0x33: {  	[tilespmem:$0x1FF10] =	vst v0;
	v0 =	vor.u32 $0x409, v1  }
0x34: {  	[tilespmem:$0x1FF20] =	vst v0;
	v0 =	vor.u32 $0xA, v1  }
0x35: {  	[tilespmem:$0x1FF30] =	vst v0;
	v0 =	vor.u32 $0x10A, v1  }
0x36: {  	[tilespmem:$0x1FF40] =	vst v0;
	v0 =	vor.u32 $0x20A, v1  }
0x37: {  	[tilespmem:$0x1FF50] =	vst v0;
	v0 =	vor.u32 $0x30A, v1  }
0x38: {  	[tilespmem:$0x1FF60] =	vst v0;
	v0 =	vor.u32 $0x40A, v1  }
0x39: {  	[tilespmem:$0x1FF70] =	vst v0;
	v0 =	vor.u32 $0xB, v1  }
0x3a: {  	[tilespmem:$0x1FF80] =	vst v0;
	v0 =	vimm.s32 $0x36147250  }
0x3b: {  	s5 =	srdreg.scid;
	s12 =	simm.s32 $0x80;
	s13 =	simm.s32 $0x300;
	v0 =	vunpack.c.l.s4.s8 v0  }
0x3c: {  	s14 =	simm.s32 $0x2300;
	v5 =	vimm.s32 $0x72503614;
	s15 =	simm.s32 $0x100;
	s16 =	simm.s32 $0x4300  }
0x3d: {  	s17 =	simm.s32 $0x180;
	s18 =	simm.s32 $0x6300;
	s19 =	simm.s32 $0x200;
	v2 =	vor.u32 $0x10B, v1;
	v16 =	vunpack.c.0.s8.s32 v0;
	v0 =	vunpack.c.l.s4.s8 v5  }
0x3e: {  	s20 =	simm.s32 $0x8300;
	s21 =	simm.s32 $0x280;
	s22 =	simm.s32 $0xA300;
	v6 =	vor.u32 $0x20B, v1;
	[tilespmem:$0x1FF90] =	vst v2  }
0x3f: {  	v3 =	vimm.s32 $0x50361472;
	s23 =	simm.s32 $0x1;
	s24 =	simm.s32 $0xC580;
	s25 =	simm.s32 $0xC300;
	[tilespmem:$0x1FFA0] =	vst v6;
	v21 =	vunpack.c.0.s8.s32 v0;
	v0 =	vor.u32 $0x30B, v1  }
0x40: {  	v4 =	vimm.s32 $0x61472503;
	s26 =	simm.s32 $0x0;
	s4 =	sadd.s32 $0x16E3C00, s7;
	s8 =	sand.u32 $0x1, s5;
	[tilespmem:$0x1FFB0] =	vst v0;
	v0 =	vor.u32 $0x40B, v1  }
0x41: {  	s6 =	sadd.s32 $0xF42A00, s7;
	s5 =	stileid.u32;
	v3 =	vunpack.c.l.s4.s8 v3;
	s9 =	ssub.s32 $0x2, s8;
	v2 =	vimm.s32 $0x47250361;
	[tilespmem:$0x1FFC0] =	vst v0;
	v0 =	vor.u32 $0xC, v1  }
0x42: {  	v4 =	vunpack.c.l.s4.s8 v4;
	s11 =	sshll.u32 s5, $0xA;
	s8 =	sshll.u32 s8, $0x9;
	s10 =	sshrl.u32 s9, $0x1;
	v2 =	vunpack.c.l.s4.s8 v2;
	[tilespmem:$0x1FFD0] =	vst v0;
	v0 =	vor.u32 $0x10C, v1  }
0x43: {  	s7 =	sadd.s32 $0x600, s7;
	s8 =	sor.u32 s8, s11;
	s9 =	ssub.s32 s9, s10;
	[tilespmem:$0x1FFE0] =	vst v0;
	v0 =	vor.u32 $0x20C, v1  }
0x44: {  	s11 =	simm.s32 $0x4000;
	v18 =	vunpack.c.0.s8.s32 v3;
	v19 =	vunpack.c.0.s8.s32 v4;
	s10 =	simm.s32 $0x2;
	s9 =	smax.u32 s9, $0x1;
	v17 =	vunpack.c.0.s8.s32 v2;
	[tilespmem:$0x1FFF0] =	vst v0  }
.LBB2_1:
0x45: {  	s28 =	simm.s32 $0x0  }
.LBB2_2:
0x46: {  	s29 =	sshll.u32 s28, $0x7  }
0x47: {  	s29 =	sadd.s32 s8, s29  }
0x48: {  	s31 =	sshrl.u32 s29, $0x3  }
0x49: {  	s30 =	simm.s32 $0x0;
	s2 =	sadd.s32 s0, s31  }
0x4a: {  	[tilespmem:s30], [sflag:$0x2] =	stream.linear.gather [hbm4b:s2+s30], $0x80, $0x38;
	[tilespmem:$0xCA80] =	vst v63  }
0x4b: {  	_ =	swait.ge [sflag:s10], $0x80  }
0x4c: {  	[sflag:s10] =	ssyncset.done $0x0  }
0x4d: {  	s31 =	sadd.s32 s1, s31;
	[sflag:s10] =	ssyncadd.s32 $0xFFFFFF80  }
0x4e: {  	[tilespmem:s12], [sflag:$0x2] =	stream.strided.gather [hbm4b:s31+s12], $0x280, s11, s12, $0x38;
	[tilespmem:$0xCA80] =	vst v63  }
0x4f: {  	_ =	swait.ge [sflag:s10], $0x280  }
0x50: {  	[sflag:s10] =	ssyncset.done $0x0  }
0x51: {  	[sflag:s10] =	ssyncadd.s32 $0xFFFFFD80  }
0x52: {  	[tilespmem:s13], [sflag:$0x1] =	stream.indirect.gather [hbm4b:s4+s12], $0x40, s30, s12, $0xb8;
	[tilespmem:$0xCA80] =	vst v63  }
0x53: {  	_ = 	snop  }
0x54: {  	[tilespmem:s14], [sflag:$0x1] =	stream.indirect.gather [hbm4b:s6+s12], $0x40, s12, s12, $0xb8;
	[tilespmem:$0xCA80] =	vst v63  }
0x55: {  	_ = 	snop  }
0x56: {  	[tilespmem:s16], [sflag:$0x1] =	stream.indirect.gather [hbm4b:s6+s12], $0x40, s15, s12, $0xb8;
	[tilespmem:$0xCA80] =	vst v63  }
0x57: {  	_ = 	snop  }
0x58: {  	[tilespmem:s18], [sflag:$0x1] =	stream.indirect.gather [hbm4b:s6+s12], $0x40, s17, s12, $0xb8;
	[tilespmem:$0xCA80] =	vst v63  }
0x59: {  	_ = 	snop  }
0x5a: {  	[tilespmem:s20], [sflag:$0x1] =	stream.indirect.gather [hbm4b:s6+s12], $0x40, s19, s12, $0xb8;
	[tilespmem:$0xCA80] =	vst v63  }
0x5b: {  	_ = 	snop  }
0x5c: {  	[tilespmem:s22], [sflag:$0x1] =	stream.indirect.gather [hbm4b:s6+s12], $0x40, s21, s12, $0xb8;
	[tilespmem:$0xCA80] =	vst v63  }
0x5d: {  	_ =	swait.ge [sflag:s23], $0x2000  }
0x5e: {  	[sflag:s23] =	ssyncset.done $0x0  }
0x5f: {  	[sflag:s23] =	ssyncadd.s32 $0xFFFFE000  }
0x60: {  	_ =	swait.ge [sflag:s23], $0x2000  }
0x61: {  	[sflag:s23] =	ssyncset.done $0x0  }
0x62: {  	[sflag:s23] =	ssyncadd.s32 $0xFFFFE000  }
0x63: {  	_ =	swait.ge [sflag:s23], $0x2000  }
0x64: {  	[sflag:s23] =	ssyncset.done $0x0  }
0x65: {  	[sflag:s23] =	ssyncadd.s32 $0xFFFFE000  }
0x66: {  	_ =	swait.ge [sflag:s23], $0x2000  }
0x67: {  	[sflag:s23] =	ssyncset.done $0x0  }
0x68: {  	[sflag:s23] =	ssyncadd.s32 $0xFFFFE000  }
0x69: {  	_ =	swait.ge [sflag:s23], $0x2000  }
0x6a: {  	[sflag:s23] =	ssyncset.done $0x0  }
0x6b: {  	[sflag:s23] =	ssyncadd.s32 $0xFFFFE000  }
0x6c: {  	_ =	swait.ge [sflag:s23], $0x2000  }
0x6d: {  	v26 =	vld [tilespmem:$0x1FCE0]  }
0x6e: {  	v27 =	vld [tilespmem:$0x1FCF0]  }
0x6f: {  	v28 =	vld [tilespmem:$0x1FD00]  }
0x70: {  	v29 =	vld [tilespmem:$0x1FD10]  }
0x71: {  	v30 =	vld [tilespmem:$0x1FD20]  }
0x72: {  	v31 =	vld [tilespmem:$0x1FD30]  }
0x73: {  	v32 =	vld [tilespmem:$0x1FD40]  }
0x74: {  	v33 =	vld [tilespmem:$0x1FD50]  }
0x75: {  	v34 =	vld [tilespmem:$0x1FD60]  }
0x76: {  	v35 =	vld [tilespmem:$0x1FD70]  }
0x77: {  	v36 =	vld [tilespmem:$0x1FD80]  }
0x78: {  	v37 =	vld [tilespmem:$0x1FD90]  }
0x79: {  	v38 =	vld [tilespmem:$0x1FDA0]  }
0x7a: {  	v39 =	vld [tilespmem:$0x1FDB0]  }
0x7b: {  	v40 =	vld [tilespmem:$0x1FDC0]  }
0x7c: {  	v41 =	vld [tilespmem:$0x1FDD0]  }
0x7d: {  	v42 =	vld [tilespmem:$0x1FDE0]  }
0x7e: {  	v43 =	vld [tilespmem:$0x1FDF0]  }
0x7f: {  	v44 =	vld [tilespmem:$0x1FE00]  }
0x80: {  	v45 =	vld [tilespmem:$0x1FE10]  }
0x81: {  	v46 =	vld [tilespmem:$0x1FE20]  }
0x82: {  	v47 =	vld [tilespmem:$0x1FE30]  }
0x83: {  	v48 =	vld [tilespmem:$0x1FE40]  }
0x84: {  	v49 =	vld [tilespmem:$0x1FE50]  }
0x85: {  	v50 =	vld [tilespmem:$0x1FE60]  }
0x86: {  	v51 =	vld [tilespmem:$0x1FE70]  }
0x87: {  	v52 =	vld [tilespmem:$0x1FE80]  }
0x88: {  	v53 =	vld [tilespmem:$0x1FE90]  }
0x89: {  	v54 =	vld [tilespmem:$0x1FEA0]  }
0x8a: {  	v55 =	vld [tilespmem:$0x1FEB0]  }
0x8b: {  	v56 =	vld [tilespmem:$0x1FEC0]  }
0x8c: {  	v57 =	vld [tilespmem:$0x1FED0]  }
0x8d: {  	v58 =	vld [tilespmem:$0x1FEE0]  }
0x8e: {  	v59 =	vld [tilespmem:$0x1FEF0]  }
0x8f: {  	v60 =	vld [tilespmem:$0x1FF00]  }
0x90: {  	v61 =	vld [tilespmem:$0x1FF10]  }
0x91: {  	v62 =	vld [tilespmem:$0x1FF20]  }
0x92: {  	v63 =	vld [tilespmem:$0x1FF30]  }
0x93: {  	v0 =	vld [tilespmem:$0x1FF40]  }
0x94: {  	v2 =	vld [tilespmem:$0x1FF50]  }
0x95: {  	v3 =	vld [tilespmem:$0x1FF60]  }
0x96: {  	v4 =	vld [tilespmem:$0x1FF70]  }
0x97: {  	v5 =	vld [tilespmem:$0x1FF80]  }
0x98: {  	v14 =	vld [tilespmem:$0x1FF90]  }
0x99: {  	v15 =	vld [tilespmem:$0x1FFA0]  }
0x9a: {  	v20 =	vld [tilespmem:$0x1FFB0]  }
0x9b: {  	v22 =	vld [tilespmem:$0x1FFC0]  }
0x9c: {  	v23 =	vld [tilespmem:$0x1FFD0]  }
0x9d: {  	[sflag:s23] =	ssyncset.done $0x0;
	v24 =	vld [tilespmem:$0x1FFE0]  }
0x9e: {  	v25 =	vld [tilespmem:$0x1FFF0];
	[sflag:s23] =	ssyncadd.s32 $0xFFFFE000  }
.LBB2_3:
0x9f: {  	s31 =	sshll.u32 s30, $0xA  }
0xa0: {  	v6 =	vld [tilespmem:s31+$0x300]  }
0xa1: {  	v7 =	vld [tilespmem:s31+$0x310]  }
0xa2: {  	v8 =	vld [tilespmem:s31+$0x2300]  }
0xa3: {  	v9 =	vld [tilespmem:s31+$0x2310]  }
0xa4: {  	v10 =	vld [tilespmem:s31+$0x320]  }
0xa5: {  	v11 =	vld [tilespmem:s31+$0x2320]  }
0xa6: {  	v12 =	vld [tilespmem:s31+$0x330]  }
0xa7: {  	v13 =	vld [tilespmem:s31+$0x2330]  }
0xa8: {  	v8 =	vmul.f32 v8, v6;
	v9 =	vmul.f32 v9, v7;
	_ =	sdelay $0x1  }
0xa9: {  	v8 =	vadd.f32 v9, v8;
	v9 =	vmul.f32 v11, v10;
	_ =	sdelay $0x1  }
0xaa: {  	v8 =	vadd.f32 v9, v8;
	v9 =	vmul.f32 v13, v12;
	_ =	sdelay $0x1  }
0xab: {  	v8 =	vadd.f32 v9, v8;
	_ =	sdelay $0x1  }
0xac: {  	[tilespmem:v1+s24+$0x0] =	vst.idx.msk $0xffff, v8  }
0xad: {  	v8 =	vld [tilespmem:s31+$0x4300]  }
0xae: {  	v9 =	vld [tilespmem:s31+$0x4310];
	_ =	sdelay $0x1  }
0xaf: {  	v11 =	vld [tilespmem:s31+$0x4320];
	_ =	sdelay $0x1  }
0xb0: {  	v13 =	vld [tilespmem:s31+$0x4330]  }
0xb1: {  	v8 =	vmul.f32 v8, v6;
	v9 =	vmul.f32 v9, v7;
	_ =	sdelay $0x1  }
0xb2: {  	v8 =	vadd.f32 v9, v8;
	v9 =	vmul.f32 v11, v10;
	_ =	sdelay $0x1  }
0xb3: {  	v8 =	vadd.f32 v9, v8;
	v9 =	vmul.f32 v13, v12;
	_ =	sdelay $0x1  }
0xb4: {  	v8 =	vadd.f32 v9, v8;
	v9 =	vld [tilespmem:$0x1FC20];
	_ =	sdelay $0x7  }
0xb5: {  	[tilespmem:v9+s24+$0x0] =	vst.idx.msk $0xffff, v8  }
0xb6: {  	v8 =	vld [tilespmem:s31+$0x6300]  }
0xb7: {  	v9 =	vld [tilespmem:s31+$0x6310];
	_ =	sdelay $0x1  }
0xb8: {  	v11 =	vld [tilespmem:s31+$0x6320];
	_ =	sdelay $0x1  }
0xb9: {  	v13 =	vld [tilespmem:s31+$0x6330]  }
0xba: {  	v8 =	vmul.f32 v8, v6;
	v9 =	vmul.f32 v9, v7;
	_ =	sdelay $0x1  }
0xbb: {  	v8 =	vadd.f32 v9, v8;
	v9 =	vmul.f32 v11, v10;
	_ =	sdelay $0x1  }
0xbc: {  	v8 =	vadd.f32 v9, v8;
	v9 =	vmul.f32 v13, v12;
	_ =	sdelay $0x1  }
0xbd: {  	v8 =	vadd.f32 v9, v8;
	v9 =	vld [tilespmem:$0x1FC30];
	_ =	sdelay $0x7  }
0xbe: {  	[tilespmem:v9+s24+$0x0] =	vst.idx.msk $0xffff, v8  }
0xbf: {  	v8 =	vld [tilespmem:s31+$0x8300]  }
0xc0: {  	v9 =	vld [tilespmem:s31+$0x8310];
	_ =	sdelay $0x1  }
0xc1: {  	v11 =	vld [tilespmem:s31+$0x8320];
	_ =	sdelay $0x1  }
0xc2: {  	v13 =	vld [tilespmem:s31+$0x8330]  }
0xc3: {  	v8 =	vmul.f32 v8, v6;
	v9 =	vmul.f32 v9, v7;
	_ =	sdelay $0x1  }
0xc4: {  	v8 =	vadd.f32 v9, v8;
	v9 =	vmul.f32 v11, v10;
	_ =	sdelay $0x1  }
0xc5: {  	v8 =	vadd.f32 v9, v8;
	v9 =	vmul.f32 v13, v12;
	_ =	sdelay $0x1  }
0xc6: {  	v8 =	vadd.f32 v9, v8;
	v9 =	vld [tilespmem:$0x1FC40];
	_ =	sdelay $0x7  }
0xc7: {  	[tilespmem:v9+s24+$0x0] =	vst.idx.msk $0xffff, v8  }
0xc8: {  	v8 =	vld [tilespmem:s31+$0xA300]  }
0xc9: {  	v9 =	vld [tilespmem:s31+$0xA310];
	_ =	sdelay $0x1  }
0xca: {  	v11 =	vld [tilespmem:s31+$0xA320];
	_ =	sdelay $0x1  }
0xcb: {  	v13 =	vld [tilespmem:s31+$0xA330]  }
0xcc: {  	v6 =	vmul.f32 v8, v6;
	v7 =	vmul.f32 v9, v7;
	_ =	sdelay $0x1  }
0xcd: {  	v6 =	vadd.f32 v7, v6;
	v7 =	vmul.f32 v11, v10;
	_ =	sdelay $0x1  }
0xce: {  	v6 =	vadd.f32 v7, v6;
	v7 =	vmul.f32 v13, v12;
	_ =	sdelay $0x1  }
0xcf: {  	v6 =	vadd.f32 v7, v6;
	v7 =	vld [tilespmem:$0x1FC50];
	_ =	sdelay $0x7  }
0xd0: {  	[tilespmem:v7+s24+$0x0] =	vst.idx.msk $0xffff, v6  }
0xd1: {  	v6 =	vld [tilespmem:s31+$0x340]  }
0xd2: {  	v7 =	vld [tilespmem:s31+$0x350]  }
0xd3: {  	v8 =	vld [tilespmem:s31+$0x2340]  }
0xd4: {  	v9 =	vld [tilespmem:s31+$0x2350]  }
0xd5: {  	v10 =	vld [tilespmem:s31+$0x360]  }
0xd6: {  	v11 =	vld [tilespmem:s31+$0x2360]  }
0xd7: {  	v12 =	vld [tilespmem:s31+$0x370]  }
0xd8: {  	v13 =	vld [tilespmem:s31+$0x2370]  }
0xd9: {  	v8 =	vmul.f32 v8, v6;
	v9 =	vmul.f32 v9, v7;
	_ =	sdelay $0x1  }
0xda: {  	v8 =	vadd.f32 v9, v8;
	v9 =	vmul.f32 v11, v10;
	_ =	sdelay $0x1  }
0xdb: {  	v8 =	vadd.f32 v9, v8;
	v9 =	vmul.f32 v13, v12;
	_ =	sdelay $0x1  }
0xdc: {  	v8 =	vadd.f32 v9, v8;
	v9 =	vld [tilespmem:$0x1FC60];
	_ =	sdelay $0x7  }
0xdd: {  	[tilespmem:v9+s24+$0x0] =	vst.idx.msk $0xffff, v8  }
0xde: {  	v8 =	vld [tilespmem:s31+$0x4340]  }
0xdf: {  	v9 =	vld [tilespmem:s31+$0x4350];
	_ =	sdelay $0x1  }
0xe0: {  	v11 =	vld [tilespmem:s31+$0x4360];
	_ =	sdelay $0x1  }
0xe1: {  	v13 =	vld [tilespmem:s31+$0x4370]  }
0xe2: {  	v8 =	vmul.f32 v8, v6;
	v9 =	vmul.f32 v9, v7;
	_ =	sdelay $0x1  }
0xe3: {  	v8 =	vadd.f32 v9, v8;
	v9 =	vmul.f32 v11, v10;
	_ =	sdelay $0x1  }
0xe4: {  	v8 =	vadd.f32 v9, v8;
	v9 =	vmul.f32 v13, v12;
	_ =	sdelay $0x1  }
0xe5: {  	v8 =	vadd.f32 v9, v8;
	v9 =	vld [tilespmem:$0x1FC70];
	_ =	sdelay $0x7  }
0xe6: {  	[tilespmem:v9+s24+$0x0] =	vst.idx.msk $0xffff, v8  }
0xe7: {  	v8 =	vld [tilespmem:s31+$0x6340]  }
0xe8: {  	v9 =	vld [tilespmem:s31+$0x6350];
	_ =	sdelay $0x1  }
0xe9: {  	v11 =	vld [tilespmem:s31+$0x6360];
	_ =	sdelay $0x1  }
0xea: {  	v13 =	vld [tilespmem:s31+$0x6370]  }
0xeb: {  	v8 =	vmul.f32 v8, v6;
	v9 =	vmul.f32 v9, v7;
	_ =	sdelay $0x1  }
0xec: {  	v8 =	vadd.f32 v9, v8;
	v9 =	vmul.f32 v11, v10;
	_ =	sdelay $0x1  }
0xed: {  	v8 =	vadd.f32 v9, v8;
	v9 =	vmul.f32 v13, v12;
	_ =	sdelay $0x1  }
0xee: {  	v8 =	vadd.f32 v9, v8;
	v9 =	vld [tilespmem:$0x1FC80];
	_ =	sdelay $0x7  }
0xef: {  	[tilespmem:v9+s24+$0x0] =	vst.idx.msk $0xffff, v8  }
0xf0: {  	v8 =	vld [tilespmem:s31+$0x8340]  }
0xf1: {  	v9 =	vld [tilespmem:s31+$0x8350];
	_ =	sdelay $0x1  }
0xf2: {  	v11 =	vld [tilespmem:s31+$0x8360];
	_ =	sdelay $0x1  }
0xf3: {  	v13 =	vld [tilespmem:s31+$0x8370]  }
0xf4: {  	v8 =	vmul.f32 v8, v6;
	v9 =	vmul.f32 v9, v7;
	_ =	sdelay $0x1  }
0xf5: {  	v8 =	vadd.f32 v9, v8;
	v9 =	vmul.f32 v11, v10;
	_ =	sdelay $0x1  }
0xf6: {  	v8 =	vadd.f32 v9, v8;
	v9 =	vmul.f32 v13, v12;
	_ =	sdelay $0x1  }
0xf7: {  	v8 =	vadd.f32 v9, v8;
	v9 =	vld [tilespmem:$0x1FC90];
	_ =	sdelay $0x7  }
0xf8: {  	[tilespmem:v9+s24+$0x0] =	vst.idx.msk $0xffff, v8  }
0xf9: {  	v8 =	vld [tilespmem:s31+$0xA340]  }
0xfa: {  	v9 =	vld [tilespmem:s31+$0xA350];
	_ =	sdelay $0x1  }
0xfb: {  	v11 =	vld [tilespmem:s31+$0xA360];
	_ =	sdelay $0x1  }
0xfc: {  	v13 =	vld [tilespmem:s31+$0xA370]  }
0xfd: {  	v6 =	vmul.f32 v8, v6;
	v7 =	vmul.f32 v9, v7;
	_ =	sdelay $0x1  }
0xfe: {  	v6 =	vadd.f32 v7, v6;
	v7 =	vmul.f32 v11, v10;
	_ =	sdelay $0x1  }
0xff: {  	v6 =	vadd.f32 v7, v6;
	v7 =	vmul.f32 v13, v12;
	_ =	sdelay $0x1  }
0x100: {  	v6 =	vadd.f32 v7, v6;
	v7 =	vld [tilespmem:$0x1FCA0];
	_ =	sdelay $0x7  }
0x101: {  	[tilespmem:v7+s24+$0x0] =	vst.idx.msk $0xffff, v6  }
0x102: {  	v6 =	vld [tilespmem:s31+$0x380]  }
0x103: {  	v7 =	vld [tilespmem:s31+$0x390]  }
0x104: {  	v8 =	vld [tilespmem:s31+$0x2380]  }
0x105: {  	v9 =	vld [tilespmem:s31+$0x2390]  }
0x106: {  	v10 =	vld [tilespmem:s31+$0x3A0]  }
0x107: {  	v11 =	vld [tilespmem:s31+$0x23A0]  }
0x108: {  	v12 =	vld [tilespmem:s31+$0x3B0]  }
0x109: {  	v13 =	vld [tilespmem:s31+$0x23B0]  }
0x10a: {  	v8 =	vmul.f32 v8, v6;
	v9 =	vmul.f32 v9, v7;
	_ =	sdelay $0x1  }
0x10b: {  	v8 =	vadd.f32 v9, v8;
	v9 =	vmul.f32 v11, v10;
	_ =	sdelay $0x1  }
0x10c: {  	v8 =	vadd.f32 v9, v8;
	v9 =	vmul.f32 v13, v12;
	_ =	sdelay $0x1  }
0x10d: {  	v8 =	vadd.f32 v9, v8;
	v9 =	vld [tilespmem:$0x1FCB0];
	_ =	sdelay $0x7  }
0x10e: {  	[tilespmem:v9+s24+$0x0] =	vst.idx.msk $0xffff, v8  }
0x10f: {  	v8 =	vld [tilespmem:s31+$0x4380]  }
0x110: {  	v9 =	vld [tilespmem:s31+$0x4390];
	_ =	sdelay $0x1  }
0x111: {  	v11 =	vld [tilespmem:s31+$0x43A0];
	_ =	sdelay $0x1  }
0x112: {  	v13 =	vld [tilespmem:s31+$0x43B0]  }
0x113: {  	v8 =	vmul.f32 v8, v6;
	v9 =	vmul.f32 v9, v7;
	_ =	sdelay $0x1  }
0x114: {  	v8 =	vadd.f32 v9, v8;
	v9 =	vmul.f32 v11, v10;
	_ =	sdelay $0x1  }
0x115: {  	v8 =	vadd.f32 v9, v8;
	v9 =	vmul.f32 v13, v12;
	_ =	sdelay $0x1  }
0x116: {  	v8 =	vadd.f32 v9, v8;
	v9 =	vld [tilespmem:$0x1FCC0];
	_ =	sdelay $0x7  }
0x117: {  	[tilespmem:v9+s24+$0x0] =	vst.idx.msk $0xffff, v8  }
0x118: {  	v8 =	vld [tilespmem:s31+$0x6380]  }
0x119: {  	v9 =	vld [tilespmem:s31+$0x6390];
	_ =	sdelay $0x1  }
0x11a: {  	v11 =	vld [tilespmem:s31+$0x63A0];
	_ =	sdelay $0x1  }
0x11b: {  	v13 =	vld [tilespmem:s31+$0x63B0]  }
0x11c: {  	v8 =	vmul.f32 v8, v6;
	v9 =	vmul.f32 v9, v7;
	_ =	sdelay $0x1  }
0x11d: {  	v8 =	vadd.f32 v9, v8;
	v9 =	vmul.f32 v11, v10;
	_ =	sdelay $0x1  }
0x11e: {  	v8 =	vadd.f32 v9, v8;
	v9 =	vmul.f32 v13, v12;
	_ =	sdelay $0x1  }
0x11f: {  	v8 =	vadd.f32 v9, v8;
	v9 =	vld [tilespmem:$0x1FCD0];
	_ =	sdelay $0x7  }
0x120: {  	[tilespmem:v9+s24+$0x0] =	vst.idx.msk $0xffff, v8  }
0x121: {  	v8 =	vld [tilespmem:s31+$0x8380]  }
0x122: {  	v9 =	vld [tilespmem:s31+$0x8390];
	_ =	sdelay $0x1  }
0x123: {  	v11 =	vld [tilespmem:s31+$0x83A0];
	_ =	sdelay $0x1  }
0x124: {  	v13 =	vld [tilespmem:s31+$0x83B0]  }
0x125: {  	v8 =	vmul.f32 v8, v6;
	v9 =	vmul.f32 v9, v7;
	_ =	sdelay $0x1  }
0x126: {  	v8 =	vadd.f32 v9, v8;
	v9 =	vmul.f32 v11, v10;
	_ =	sdelay $0x1  }
0x127: {  	v8 =	vadd.f32 v9, v8;
	v9 =	vmul.f32 v13, v12;
	_ =	sdelay $0x1  }
0x128: {  	v8 =	vadd.f32 v9, v8;
	_ =	sdelay $0x1  }
0x129: {  	[tilespmem:v26+s24+$0x0] =	vst.idx.msk $0xffff, v8  }
0x12a: {  	v8 =	vld [tilespmem:s31+$0xA380]  }
0x12b: {  	v9 =	vld [tilespmem:s31+$0xA390];
	_ =	sdelay $0x1  }
0x12c: {  	v11 =	vld [tilespmem:s31+$0xA3A0];
	_ =	sdelay $0x1  }
0x12d: {  	v13 =	vld [tilespmem:s31+$0xA3B0]  }
0x12e: {  	v6 =	vmul.f32 v8, v6;
	v7 =	vmul.f32 v9, v7;
	_ =	sdelay $0x1  }
0x12f: {  	v6 =	vadd.f32 v7, v6;
	v7 =	vmul.f32 v11, v10;
	_ =	sdelay $0x1  }
0x130: {  	v6 =	vadd.f32 v7, v6;
	v7 =	vmul.f32 v13, v12;
	_ =	sdelay $0x1  }
0x131: {  	v6 =	vadd.f32 v7, v6;
	_ =	sdelay $0x1  }
0x132: {  	[tilespmem:v27+s24+$0x0] =	vst.idx.msk $0xffff, v6  }
0x133: {  	v6 =	vld [tilespmem:s31+$0x3C0]  }
0x134: {  	v7 =	vld [tilespmem:s31+$0x3D0]  }
0x135: {  	v8 =	vld [tilespmem:s31+$0x23C0]  }
0x136: {  	v9 =	vld [tilespmem:s31+$0x23D0]  }
0x137: {  	v10 =	vld [tilespmem:s31+$0x3E0]  }
0x138: {  	v11 =	vld [tilespmem:s31+$0x23E0]  }
0x139: {  	v12 =	vld [tilespmem:s31+$0x3F0]  }
0x13a: {  	v13 =	vld [tilespmem:s31+$0x23F0]  }
0x13b: {  	v8 =	vmul.f32 v8, v6;
	v9 =	vmul.f32 v9, v7;
	_ =	sdelay $0x1  }
0x13c: {  	v8 =	vadd.f32 v9, v8;
	v9 =	vmul.f32 v11, v10;
	_ =	sdelay $0x1  }
0x13d: {  	v8 =	vadd.f32 v9, v8;
	v9 =	vmul.f32 v13, v12;
	_ =	sdelay $0x1  }
0x13e: {  	v8 =	vadd.f32 v9, v8;
	_ =	sdelay $0x1  }
0x13f: {  	[tilespmem:v28+s24+$0x0] =	vst.idx.msk $0xffff, v8  }
0x140: {  	v8 =	vld [tilespmem:s31+$0x43C0]  }
0x141: {  	v9 =	vld [tilespmem:s31+$0x43D0];
	_ =	sdelay $0x1  }
0x142: {  	v11 =	vld [tilespmem:s31+$0x43E0];
	_ =	sdelay $0x1  }
0x143: {  	v13 =	vld [tilespmem:s31+$0x43F0]  }
0x144: {  	v8 =	vmul.f32 v8, v6;
	v9 =	vmul.f32 v9, v7;
	_ =	sdelay $0x1  }
0x145: {  	v8 =	vadd.f32 v9, v8;
	v9 =	vmul.f32 v11, v10;
	_ =	sdelay $0x1  }
0x146: {  	v8 =	vadd.f32 v9, v8;
	v9 =	vmul.f32 v13, v12;
	_ =	sdelay $0x1  }
0x147: {  	v8 =	vadd.f32 v9, v8;
	_ =	sdelay $0x1  }
0x148: {  	[tilespmem:v29+s24+$0x0] =	vst.idx.msk $0xffff, v8  }
0x149: {  	v8 =	vld [tilespmem:s31+$0x63C0]  }
0x14a: {  	v9 =	vld [tilespmem:s31+$0x63D0];
	_ =	sdelay $0x1  }
0x14b: {  	v11 =	vld [tilespmem:s31+$0x63E0];
	_ =	sdelay $0x1  }
0x14c: {  	v13 =	vld [tilespmem:s31+$0x63F0]  }
0x14d: {  	v8 =	vmul.f32 v8, v6;
	v9 =	vmul.f32 v9, v7;
	_ =	sdelay $0x1  }
0x14e: {  	v8 =	vadd.f32 v9, v8;
	v9 =	vmul.f32 v11, v10;
	_ =	sdelay $0x1  }
0x14f: {  	v8 =	vadd.f32 v9, v8;
	v9 =	vmul.f32 v13, v12;
	_ =	sdelay $0x1  }
0x150: {  	v8 =	vadd.f32 v9, v8;
	_ =	sdelay $0x1  }
0x151: {  	[tilespmem:v30+s24+$0x0] =	vst.idx.msk $0xffff, v8  }
0x152: {  	v8 =	vld [tilespmem:s31+$0x83C0]  }
0x153: {  	v9 =	vld [tilespmem:s31+$0x83D0];
	_ =	sdelay $0x1  }
0x154: {  	v11 =	vld [tilespmem:s31+$0x83E0];
	_ =	sdelay $0x1  }
0x155: {  	v13 =	vld [tilespmem:s31+$0x83F0]  }
0x156: {  	v8 =	vmul.f32 v8, v6;
	v9 =	vmul.f32 v9, v7;
	_ =	sdelay $0x1  }
0x157: {  	v8 =	vadd.f32 v9, v8;
	v9 =	vmul.f32 v11, v10;
	_ =	sdelay $0x1  }
0x158: {  	v8 =	vadd.f32 v9, v8;
	v9 =	vmul.f32 v13, v12;
	_ =	sdelay $0x1  }
0x159: {  	v8 =	vadd.f32 v9, v8;
	_ =	sdelay $0x1  }
0x15a: {  	[tilespmem:v31+s24+$0x0] =	vst.idx.msk $0xffff, v8  }
0x15b: {  	v8 =	vld [tilespmem:s31+$0xA3C0]  }
0x15c: {  	v9 =	vld [tilespmem:s31+$0xA3D0];
	_ =	sdelay $0x1  }
0x15d: {  	v11 =	vld [tilespmem:s31+$0xA3E0];
	_ =	sdelay $0x1  }
0x15e: {  	v13 =	vld [tilespmem:s31+$0xA3F0]  }
0x15f: {  	v6 =	vmul.f32 v8, v6;
	v7 =	vmul.f32 v9, v7;
	_ =	sdelay $0x1  }
0x160: {  	v6 =	vadd.f32 v7, v6;
	v7 =	vmul.f32 v11, v10;
	_ =	sdelay $0x1  }
0x161: {  	v6 =	vadd.f32 v7, v6;
	v7 =	vmul.f32 v13, v12;
	_ =	sdelay $0x1  }
0x162: {  	v6 =	vadd.f32 v7, v6;
	_ =	sdelay $0x1  }
0x163: {  	[tilespmem:v32+s24+$0x0] =	vst.idx.msk $0xffff, v6  }
0x164: {  	v6 =	vld [tilespmem:s31+$0x400]  }
0x165: {  	v7 =	vld [tilespmem:s31+$0x410]  }
0x166: {  	v8 =	vld [tilespmem:s31+$0x2400]  }
0x167: {  	v9 =	vld [tilespmem:s31+$0x2410]  }
0x168: {  	v10 =	vld [tilespmem:s31+$0x420]  }
0x169: {  	v11 =	vld [tilespmem:s31+$0x2420]  }
0x16a: {  	v12 =	vld [tilespmem:s31+$0x430]  }
0x16b: {  	v13 =	vld [tilespmem:s31+$0x2430]  }
0x16c: {  	v8 =	vmul.f32 v8, v6;
	v9 =	vmul.f32 v9, v7;
	_ =	sdelay $0x1  }
0x16d: {  	v8 =	vadd.f32 v9, v8;
	v9 =	vmul.f32 v11, v10;
	_ =	sdelay $0x1  }
0x16e: {  	v8 =	vadd.f32 v9, v8;
	v9 =	vmul.f32 v13, v12;
	_ =	sdelay $0x1  }
0x16f: {  	v8 =	vadd.f32 v9, v8;
	_ =	sdelay $0x1  }
0x170: {  	[tilespmem:v33+s24+$0x0] =	vst.idx.msk $0xffff, v8  }
0x171: {  	v8 =	vld [tilespmem:s31+$0x4400]  }
0x172: {  	v9 =	vld [tilespmem:s31+$0x4410];
	_ =	sdelay $0x1  }
0x173: {  	v11 =	vld [tilespmem:s31+$0x4420];
	_ =	sdelay $0x1  }
0x174: {  	v13 =	vld [tilespmem:s31+$0x4430]  }
0x175: {  	v8 =	vmul.f32 v8, v6;
	v9 =	vmul.f32 v9, v7;
	_ =	sdelay $0x1  }
0x176: {  	v8 =	vadd.f32 v9, v8;
	v9 =	vmul.f32 v11, v10;
	_ =	sdelay $0x1  }
0x177: {  	v8 =	vadd.f32 v9, v8;
	v9 =	vmul.f32 v13, v12;
	_ =	sdelay $0x1  }
0x178: {  	v8 =	vadd.f32 v9, v8;
	_ =	sdelay $0x1  }
0x179: {  	[tilespmem:v34+s24+$0x0] =	vst.idx.msk $0xffff, v8  }
0x17a: {  	v8 =	vld [tilespmem:s31+$0x6400]  }
0x17b: {  	v9 =	vld [tilespmem:s31+$0x6410];
	_ =	sdelay $0x1  }
0x17c: {  	v11 =	vld [tilespmem:s31+$0x6420];
	_ =	sdelay $0x1  }
0x17d: {  	v13 =	vld [tilespmem:s31+$0x6430]  }
0x17e: {  	v8 =	vmul.f32 v8, v6;
	v9 =	vmul.f32 v9, v7;
	_ =	sdelay $0x1  }
0x17f: {  	v8 =	vadd.f32 v9, v8;
	v9 =	vmul.f32 v11, v10;
	_ =	sdelay $0x1  }
0x180: {  	v8 =	vadd.f32 v9, v8;
	v9 =	vmul.f32 v13, v12;
	_ =	sdelay $0x1  }
0x181: {  	v8 =	vadd.f32 v9, v8;
	_ =	sdelay $0x1  }
0x182: {  	[tilespmem:v35+s24+$0x0] =	vst.idx.msk $0xffff, v8  }
0x183: {  	v8 =	vld [tilespmem:s31+$0x8400]  }
0x184: {  	v9 =	vld [tilespmem:s31+$0x8410];
	_ =	sdelay $0x1  }
0x185: {  	v11 =	vld [tilespmem:s31+$0x8420];
	_ =	sdelay $0x1  }
0x186: {  	v13 =	vld [tilespmem:s31+$0x8430]  }
0x187: {  	v8 =	vmul.f32 v8, v6;
	v9 =	vmul.f32 v9, v7;
	_ =	sdelay $0x1  }
0x188: {  	v8 =	vadd.f32 v9, v8;
	v9 =	vmul.f32 v11, v10;
	_ =	sdelay $0x1  }
0x189: {  	v8 =	vadd.f32 v9, v8;
	v9 =	vmul.f32 v13, v12;
	_ =	sdelay $0x1  }
0x18a: {  	v8 =	vadd.f32 v9, v8;
	_ =	sdelay $0x1  }
0x18b: {  	[tilespmem:v36+s24+$0x0] =	vst.idx.msk $0xffff, v8  }
0x18c: {  	v8 =	vld [tilespmem:s31+$0xA400]  }
0x18d: {  	v9 =	vld [tilespmem:s31+$0xA410];
	_ =	sdelay $0x1  }
0x18e: {  	v11 =	vld [tilespmem:s31+$0xA420];
	_ =	sdelay $0x1  }
0x18f: {  	v13 =	vld [tilespmem:s31+$0xA430]  }
0x190: {  	v6 =	vmul.f32 v8, v6;
	v7 =	vmul.f32 v9, v7;
	_ =	sdelay $0x1  }
0x191: {  	v6 =	vadd.f32 v7, v6;
	v7 =	vmul.f32 v11, v10;
	_ =	sdelay $0x1  }
0x192: {  	v6 =	vadd.f32 v7, v6;
	v7 =	vmul.f32 v13, v12;
	_ =	sdelay $0x1  }
0x193: {  	v6 =	vadd.f32 v7, v6;
	_ =	sdelay $0x1  }
0x194: {  	[tilespmem:v37+s24+$0x0] =	vst.idx.msk $0xffff, v6  }
0x195: {  	v6 =	vld [tilespmem:s31+$0x440]  }
0x196: {  	v7 =	vld [tilespmem:s31+$0x450]  }
0x197: {  	v8 =	vld [tilespmem:s31+$0x2440]  }
0x198: {  	v9 =	vld [tilespmem:s31+$0x2450]  }
0x199: {  	v10 =	vld [tilespmem:s31+$0x460]  }
0x19a: {  	v11 =	vld [tilespmem:s31+$0x2460]  }
0x19b: {  	v12 =	vld [tilespmem:s31+$0x470]  }
0x19c: {  	v13 =	vld [tilespmem:s31+$0x2470]  }
0x19d: {  	v8 =	vmul.f32 v8, v6;
	v9 =	vmul.f32 v9, v7;
	_ =	sdelay $0x1  }
0x19e: {  	v8 =	vadd.f32 v9, v8;
	v9 =	vmul.f32 v11, v10;
	_ =	sdelay $0x1  }
0x19f: {  	v8 =	vadd.f32 v9, v8;
	v9 =	vmul.f32 v13, v12;
	_ =	sdelay $0x1  }
0x1a0: {  	v8 =	vadd.f32 v9, v8;
	_ =	sdelay $0x1  }
0x1a1: {  	[tilespmem:v38+s24+$0x0] =	vst.idx.msk $0xffff, v8  }
0x1a2: {  	v8 =	vld [tilespmem:s31+$0x4440]  }
0x1a3: {  	v9 =	vld [tilespmem:s31+$0x4450];
	_ =	sdelay $0x1  }
0x1a4: {  	v11 =	vld [tilespmem:s31+$0x4460];
	_ =	sdelay $0x1  }
0x1a5: {  	v13 =	vld [tilespmem:s31+$0x4470]  }
0x1a6: {  	v8 =	vmul.f32 v8, v6;
	v9 =	vmul.f32 v9, v7;
	_ =	sdelay $0x1  }
0x1a7: {  	v8 =	vadd.f32 v9, v8;
	v9 =	vmul.f32 v11, v10;
	_ =	sdelay $0x1  }
0x1a8: {  	v8 =	vadd.f32 v9, v8;
	v9 =	vmul.f32 v13, v12;
	_ =	sdelay $0x1  }
0x1a9: {  	v8 =	vadd.f32 v9, v8;
	_ =	sdelay $0x1  }
0x1aa: {  	[tilespmem:v39+s24+$0x0] =	vst.idx.msk $0xffff, v8  }
0x1ab: {  	v8 =	vld [tilespmem:s31+$0x6440]  }
0x1ac: {  	v9 =	vld [tilespmem:s31+$0x6450];
	_ =	sdelay $0x1  }
0x1ad: {  	v11 =	vld [tilespmem:s31+$0x6460];
	_ =	sdelay $0x1  }
0x1ae: {  	v13 =	vld [tilespmem:s31+$0x6470]  }
0x1af: {  	v8 =	vmul.f32 v8, v6;
	v9 =	vmul.f32 v9, v7;
	_ =	sdelay $0x1  }
0x1b0: {  	v8 =	vadd.f32 v9, v8;
	v9 =	vmul.f32 v11, v10;
	_ =	sdelay $0x1  }
0x1b1: {  	v8 =	vadd.f32 v9, v8;
	v9 =	vmul.f32 v13, v12;
	_ =	sdelay $0x1  }
0x1b2: {  	v8 =	vadd.f32 v9, v8;
	_ =	sdelay $0x1  }
0x1b3: {  	[tilespmem:v40+s24+$0x0] =	vst.idx.msk $0xffff, v8  }
0x1b4: {  	v8 =	vld [tilespmem:s31+$0x8440]  }
0x1b5: {  	v9 =	vld [tilespmem:s31+$0x8450];
	_ =	sdelay $0x1  }
0x1b6: {  	v11 =	vld [tilespmem:s31+$0x8460];
	_ =	sdelay $0x1  }
0x1b7: {  	v13 =	vld [tilespmem:s31+$0x8470]  }
0x1b8: {  	v8 =	vmul.f32 v8, v6;
	v9 =	vmul.f32 v9, v7;
	_ =	sdelay $0x1  }
0x1b9: {  	v8 =	vadd.f32 v9, v8;
	v9 =	vmul.f32 v11, v10;
	_ =	sdelay $0x1  }
0x1ba: {  	v8 =	vadd.f32 v9, v8;
	v9 =	vmul.f32 v13, v12;
	_ =	sdelay $0x1  }
0x1bb: {  	v8 =	vadd.f32 v9, v8;
	_ =	sdelay $0x1  }
0x1bc: {  	[tilespmem:v41+s24+$0x0] =	vst.idx.msk $0xffff, v8  }
0x1bd: {  	v8 =	vld [tilespmem:s31+$0xA440]  }
0x1be: {  	v9 =	vld [tilespmem:s31+$0xA450];
	_ =	sdelay $0x1  }
0x1bf: {  	v11 =	vld [tilespmem:s31+$0xA460];
	_ =	sdelay $0x1  }
0x1c0: {  	v13 =	vld [tilespmem:s31+$0xA470]  }
0x1c1: {  	v6 =	vmul.f32 v8, v6;
	v7 =	vmul.f32 v9, v7;
	_ =	sdelay $0x1  }
0x1c2: {  	v6 =	vadd.f32 v7, v6;
	v7 =	vmul.f32 v11, v10;
	_ =	sdelay $0x1  }
0x1c3: {  	v6 =	vadd.f32 v7, v6;
	v7 =	vmul.f32 v13, v12;
	_ =	sdelay $0x1  }
0x1c4: {  	v6 =	vadd.f32 v7, v6;
	_ =	sdelay $0x1  }
0x1c5: {  	[tilespmem:v42+s24+$0x0] =	vst.idx.msk $0xffff, v6  }
0x1c6: {  	v6 =	vld [tilespmem:s31+$0x480]  }
0x1c7: {  	v7 =	vld [tilespmem:s31+$0x490]  }
0x1c8: {  	v8 =	vld [tilespmem:s31+$0x2480]  }
0x1c9: {  	v9 =	vld [tilespmem:s31+$0x2490]  }
0x1ca: {  	v10 =	vld [tilespmem:s31+$0x4A0]  }
0x1cb: {  	v11 =	vld [tilespmem:s31+$0x24A0]  }
0x1cc: {  	v12 =	vld [tilespmem:s31+$0x4B0]  }
0x1cd: {  	v13 =	vld [tilespmem:s31+$0x24B0]  }
0x1ce: {  	v8 =	vmul.f32 v8, v6;
	v9 =	vmul.f32 v9, v7;
	_ =	sdelay $0x1  }
0x1cf: {  	v8 =	vadd.f32 v9, v8;
	v9 =	vmul.f32 v11, v10;
	_ =	sdelay $0x1  }
0x1d0: {  	v8 =	vadd.f32 v9, v8;
	v9 =	vmul.f32 v13, v12;
	_ =	sdelay $0x1  }
0x1d1: {  	v8 =	vadd.f32 v9, v8;
	_ =	sdelay $0x1  }
0x1d2: {  	[tilespmem:v43+s24+$0x0] =	vst.idx.msk $0xffff, v8  }
0x1d3: {  	v8 =	vld [tilespmem:s31+$0x4480]  }
0x1d4: {  	v9 =	vld [tilespmem:s31+$0x4490];
	_ =	sdelay $0x1  }
0x1d5: {  	v11 =	vld [tilespmem:s31+$0x44A0];
	_ =	sdelay $0x1  }
0x1d6: {  	v13 =	vld [tilespmem:s31+$0x44B0]  }
0x1d7: {  	v8 =	vmul.f32 v8, v6;
	v9 =	vmul.f32 v9, v7;
	_ =	sdelay $0x1  }
0x1d8: {  	v8 =	vadd.f32 v9, v8;
	v9 =	vmul.f32 v11, v10;
	_ =	sdelay $0x1  }
0x1d9: {  	v8 =	vadd.f32 v9, v8;
	v9 =	vmul.f32 v13, v12;
	_ =	sdelay $0x1  }
0x1da: {  	v8 =	vadd.f32 v9, v8;
	_ =	sdelay $0x1  }
0x1db: {  	[tilespmem:v44+s24+$0x0] =	vst.idx.msk $0xffff, v8  }
0x1dc: {  	v8 =	vld [tilespmem:s31+$0x6480]  }
0x1dd: {  	v9 =	vld [tilespmem:s31+$0x6490];
	_ =	sdelay $0x1  }
0x1de: {  	v11 =	vld [tilespmem:s31+$0x64A0];
	_ =	sdelay $0x1  }
0x1df: {  	v13 =	vld [tilespmem:s31+$0x64B0]  }
0x1e0: {  	v8 =	vmul.f32 v8, v6;
	v9 =	vmul.f32 v9, v7;
	_ =	sdelay $0x1  }
0x1e1: {  	v8 =	vadd.f32 v9, v8;
	v9 =	vmul.f32 v11, v10;
	_ =	sdelay $0x1  }
0x1e2: {  	v8 =	vadd.f32 v9, v8;
	v9 =	vmul.f32 v13, v12;
	_ =	sdelay $0x1  }
0x1e3: {  	v8 =	vadd.f32 v9, v8;
	_ =	sdelay $0x1  }
0x1e4: {  	[tilespmem:v45+s24+$0x0] =	vst.idx.msk $0xffff, v8  }
0x1e5: {  	v8 =	vld [tilespmem:s31+$0x8480]  }
0x1e6: {  	v9 =	vld [tilespmem:s31+$0x8490];
	_ =	sdelay $0x1  }
0x1e7: {  	v11 =	vld [tilespmem:s31+$0x84A0];
	_ =	sdelay $0x1  }
0x1e8: {  	v13 =	vld [tilespmem:s31+$0x84B0]  }
0x1e9: {  	v8 =	vmul.f32 v8, v6;
	v9 =	vmul.f32 v9, v7;
	_ =	sdelay $0x1  }
0x1ea: {  	v8 =	vadd.f32 v9, v8;
	v9 =	vmul.f32 v11, v10;
	_ =	sdelay $0x1  }
0x1eb: {  	v8 =	vadd.f32 v9, v8;
	v9 =	vmul.f32 v13, v12;
	_ =	sdelay $0x1  }
0x1ec: {  	v8 =	vadd.f32 v9, v8;
	_ =	sdelay $0x1  }
0x1ed: {  	[tilespmem:v46+s24+$0x0] =	vst.idx.msk $0xffff, v8  }
0x1ee: {  	v8 =	vld [tilespmem:s31+$0xA480]  }
0x1ef: {  	v9 =	vld [tilespmem:s31+$0xA490];
	_ =	sdelay $0x1  }
0x1f0: {  	v11 =	vld [tilespmem:s31+$0xA4A0];
	_ =	sdelay $0x1  }
0x1f1: {  	v13 =	vld [tilespmem:s31+$0xA4B0]  }
0x1f2: {  	v6 =	vmul.f32 v8, v6;
	v7 =	vmul.f32 v9, v7;
	_ =	sdelay $0x1  }
0x1f3: {  	v6 =	vadd.f32 v7, v6;
	v7 =	vmul.f32 v11, v10;
	_ =	sdelay $0x1  }
0x1f4: {  	v6 =	vadd.f32 v7, v6;
	v7 =	vmul.f32 v13, v12;
	_ =	sdelay $0x1  }
0x1f5: {  	v6 =	vadd.f32 v7, v6;
	_ =	sdelay $0x1  }
0x1f6: {  	[tilespmem:v47+s24+$0x0] =	vst.idx.msk $0xffff, v6  }
0x1f7: {  	v6 =	vld [tilespmem:s31+$0x4C0]  }
0x1f8: {  	v7 =	vld [tilespmem:s31+$0x4D0]  }
0x1f9: {  	v8 =	vld [tilespmem:s31+$0x24C0]  }
0x1fa: {  	v9 =	vld [tilespmem:s31+$0x24D0]  }
0x1fb: {  	v10 =	vld [tilespmem:s31+$0x4E0]  }
0x1fc: {  	v11 =	vld [tilespmem:s31+$0x24E0]  }
0x1fd: {  	v12 =	vld [tilespmem:s31+$0x4F0]  }
0x1fe: {  	v13 =	vld [tilespmem:s31+$0x24F0]  }
0x1ff: {  	v8 =	vmul.f32 v8, v6;
	v9 =	vmul.f32 v9, v7;
	_ =	sdelay $0x1  }
0x200: {  	v8 =	vadd.f32 v9, v8;
	v9 =	vmul.f32 v11, v10;
	_ =	sdelay $0x1  }
0x201: {  	v8 =	vadd.f32 v9, v8;
	v9 =	vmul.f32 v13, v12;
	_ =	sdelay $0x1  }
0x202: {  	v8 =	vadd.f32 v9, v8;
	_ =	sdelay $0x1  }
0x203: {  	[tilespmem:v48+s24+$0x0] =	vst.idx.msk $0xffff, v8  }
0x204: {  	v8 =	vld [tilespmem:s31+$0x44C0]  }
0x205: {  	v9 =	vld [tilespmem:s31+$0x44D0];
	_ =	sdelay $0x1  }
0x206: {  	v11 =	vld [tilespmem:s31+$0x44E0];
	_ =	sdelay $0x1  }
0x207: {  	v13 =	vld [tilespmem:s31+$0x44F0]  }
0x208: {  	v8 =	vmul.f32 v8, v6;
	v9 =	vmul.f32 v9, v7;
	_ =	sdelay $0x1  }
0x209: {  	v8 =	vadd.f32 v9, v8;
	v9 =	vmul.f32 v11, v10;
	_ =	sdelay $0x1  }
0x20a: {  	v8 =	vadd.f32 v9, v8;
	v9 =	vmul.f32 v13, v12;
	_ =	sdelay $0x1  }
0x20b: {  	v8 =	vadd.f32 v9, v8;
	_ =	sdelay $0x1  }
0x20c: {  	[tilespmem:v49+s24+$0x0] =	vst.idx.msk $0xffff, v8  }
0x20d: {  	v8 =	vld [tilespmem:s31+$0x64C0]  }
0x20e: {  	v9 =	vld [tilespmem:s31+$0x64D0];
	_ =	sdelay $0x1  }
0x20f: {  	v11 =	vld [tilespmem:s31+$0x64E0];
	_ =	sdelay $0x1  }
0x210: {  	v13 =	vld [tilespmem:s31+$0x64F0]  }
0x211: {  	v8 =	vmul.f32 v8, v6;
	v9 =	vmul.f32 v9, v7;
	_ =	sdelay $0x1  }
0x212: {  	v8 =	vadd.f32 v9, v8;
	v9 =	vmul.f32 v11, v10;
	_ =	sdelay $0x1  }
0x213: {  	v8 =	vadd.f32 v9, v8;
	v9 =	vmul.f32 v13, v12;
	_ =	sdelay $0x1  }
0x214: {  	v8 =	vadd.f32 v9, v8;
	_ =	sdelay $0x1  }
0x215: {  	[tilespmem:v50+s24+$0x0] =	vst.idx.msk $0xffff, v8  }
0x216: {  	v8 =	vld [tilespmem:s31+$0x84C0]  }
0x217: {  	v9 =	vld [tilespmem:s31+$0x84D0];
	_ =	sdelay $0x1  }
0x218: {  	v11 =	vld [tilespmem:s31+$0x84E0];
	_ =	sdelay $0x1  }
0x219: {  	v13 =	vld [tilespmem:s31+$0x84F0]  }
0x21a: {  	v8 =	vmul.f32 v8, v6;
	v9 =	vmul.f32 v9, v7;
	_ =	sdelay $0x1  }
0x21b: {  	v8 =	vadd.f32 v9, v8;
	v9 =	vmul.f32 v11, v10;
	_ =	sdelay $0x1  }
0x21c: {  	v8 =	vadd.f32 v9, v8;
	v9 =	vmul.f32 v13, v12;
	_ =	sdelay $0x1  }
0x21d: {  	v8 =	vadd.f32 v9, v8;
	_ =	sdelay $0x1  }
0x21e: {  	[tilespmem:v51+s24+$0x0] =	vst.idx.msk $0xffff, v8  }
0x21f: {  	v8 =	vld [tilespmem:s31+$0xA4C0]  }
0x220: {  	v9 =	vld [tilespmem:s31+$0xA4D0];
	_ =	sdelay $0x1  }
0x221: {  	v11 =	vld [tilespmem:s31+$0xA4E0];
	_ =	sdelay $0x1  }
0x222: {  	v13 =	vld [tilespmem:s31+$0xA4F0]  }
0x223: {  	v6 =	vmul.f32 v8, v6;
	v7 =	vmul.f32 v9, v7;
	_ =	sdelay $0x1  }
0x224: {  	v6 =	vadd.f32 v7, v6;
	v7 =	vmul.f32 v11, v10;
	_ =	sdelay $0x1  }
0x225: {  	v6 =	vadd.f32 v7, v6;
	v7 =	vmul.f32 v13, v12;
	_ =	sdelay $0x1  }
0x226: {  	v6 =	vadd.f32 v7, v6;
	_ =	sdelay $0x1  }
0x227: {  	[tilespmem:v52+s24+$0x0] =	vst.idx.msk $0xffff, v6  }
0x228: {  	v6 =	vld [tilespmem:s31+$0x500]  }
0x229: {  	v7 =	vld [tilespmem:s31+$0x510]  }
0x22a: {  	v8 =	vld [tilespmem:s31+$0x2500]  }
0x22b: {  	v9 =	vld [tilespmem:s31+$0x2510]  }
0x22c: {  	v10 =	vld [tilespmem:s31+$0x520]  }
0x22d: {  	v11 =	vld [tilespmem:s31+$0x2520]  }
0x22e: {  	v12 =	vld [tilespmem:s31+$0x530]  }
0x22f: {  	v13 =	vld [tilespmem:s31+$0x2530]  }
0x230: {  	v8 =	vmul.f32 v8, v6;
	v9 =	vmul.f32 v9, v7;
	_ =	sdelay $0x1  }
0x231: {  	v8 =	vadd.f32 v9, v8;
	v9 =	vmul.f32 v11, v10;
	_ =	sdelay $0x1  }
0x232: {  	v8 =	vadd.f32 v9, v8;
	v9 =	vmul.f32 v13, v12;
	_ =	sdelay $0x1  }
0x233: {  	v8 =	vadd.f32 v9, v8;
	_ =	sdelay $0x1  }
0x234: {  	[tilespmem:v53+s24+$0x0] =	vst.idx.msk $0xffff, v8  }
0x235: {  	v8 =	vld [tilespmem:s31+$0x4500]  }
0x236: {  	v9 =	vld [tilespmem:s31+$0x4510];
	_ =	sdelay $0x1  }
0x237: {  	v11 =	vld [tilespmem:s31+$0x4520];
	_ =	sdelay $0x1  }
0x238: {  	v13 =	vld [tilespmem:s31+$0x4530]  }
0x239: {  	v8 =	vmul.f32 v8, v6;
	v9 =	vmul.f32 v9, v7;
	_ =	sdelay $0x1  }
0x23a: {  	v8 =	vadd.f32 v9, v8;
	v9 =	vmul.f32 v11, v10;
	_ =	sdelay $0x1  }
0x23b: {  	v8 =	vadd.f32 v9, v8;
	v9 =	vmul.f32 v13, v12;
	_ =	sdelay $0x1  }
0x23c: {  	v8 =	vadd.f32 v9, v8;
	_ =	sdelay $0x1  }
0x23d: {  	[tilespmem:v54+s24+$0x0] =	vst.idx.msk $0xffff, v8  }
0x23e: {  	v8 =	vld [tilespmem:s31+$0x6500]  }
0x23f: {  	v9 =	vld [tilespmem:s31+$0x6510];
	_ =	sdelay $0x1  }
0x240: {  	v11 =	vld [tilespmem:s31+$0x6520];
	_ =	sdelay $0x1  }
0x241: {  	v13 =	vld [tilespmem:s31+$0x6530]  }
0x242: {  	v8 =	vmul.f32 v8, v6;
	v9 =	vmul.f32 v9, v7;
	_ =	sdelay $0x1  }
0x243: {  	v8 =	vadd.f32 v9, v8;
	v9 =	vmul.f32 v11, v10;
	_ =	sdelay $0x1  }
0x244: {  	v8 =	vadd.f32 v9, v8;
	v9 =	vmul.f32 v13, v12;
	_ =	sdelay $0x1  }
0x245: {  	v8 =	vadd.f32 v9, v8;
	_ =	sdelay $0x1  }
0x246: {  	[tilespmem:v55+s24+$0x0] =	vst.idx.msk $0xffff, v8  }
0x247: {  	v8 =	vld [tilespmem:s31+$0x8500]  }
0x248: {  	v9 =	vld [tilespmem:s31+$0x8510];
	_ =	sdelay $0x1  }
0x249: {  	v11 =	vld [tilespmem:s31+$0x8520];
	_ =	sdelay $0x1  }
0x24a: {  	v13 =	vld [tilespmem:s31+$0x8530]  }
0x24b: {  	v8 =	vmul.f32 v8, v6;
	v9 =	vmul.f32 v9, v7;
	_ =	sdelay $0x1  }
0x24c: {  	v8 =	vadd.f32 v9, v8;
	v9 =	vmul.f32 v11, v10;
	_ =	sdelay $0x1  }
0x24d: {  	v8 =	vadd.f32 v9, v8;
	v9 =	vmul.f32 v13, v12;
	_ =	sdelay $0x1  }
0x24e: {  	v8 =	vadd.f32 v9, v8;
	_ =	sdelay $0x1  }
0x24f: {  	[tilespmem:v56+s24+$0x0] =	vst.idx.msk $0xffff, v8  }
0x250: {  	v8 =	vld [tilespmem:s31+$0xA500]  }
0x251: {  	v9 =	vld [tilespmem:s31+$0xA510];
	_ =	sdelay $0x1  }
0x252: {  	v11 =	vld [tilespmem:s31+$0xA520];
	_ =	sdelay $0x1  }
0x253: {  	v13 =	vld [tilespmem:s31+$0xA530]  }
0x254: {  	v6 =	vmul.f32 v8, v6;
	v7 =	vmul.f32 v9, v7;
	_ =	sdelay $0x1  }
0x255: {  	v6 =	vadd.f32 v7, v6;
	v7 =	vmul.f32 v11, v10;
	_ =	sdelay $0x1  }
0x256: {  	v6 =	vadd.f32 v7, v6;
	v7 =	vmul.f32 v13, v12;
	_ =	sdelay $0x1  }
0x257: {  	v6 =	vadd.f32 v7, v6;
	_ =	sdelay $0x1  }
0x258: {  	[tilespmem:v57+s24+$0x0] =	vst.idx.msk $0xffff, v6  }
0x259: {  	v6 =	vld [tilespmem:s31+$0x540]  }
0x25a: {  	v7 =	vld [tilespmem:s31+$0x550]  }
0x25b: {  	v8 =	vld [tilespmem:s31+$0x2540]  }
0x25c: {  	v9 =	vld [tilespmem:s31+$0x2550]  }
0x25d: {  	v10 =	vld [tilespmem:s31+$0x560]  }
0x25e: {  	v11 =	vld [tilespmem:s31+$0x2560]  }
0x25f: {  	v12 =	vld [tilespmem:s31+$0x570]  }
0x260: {  	v13 =	vld [tilespmem:s31+$0x2570]  }
0x261: {  	v8 =	vmul.f32 v8, v6;
	v9 =	vmul.f32 v9, v7;
	_ =	sdelay $0x1  }
0x262: {  	v8 =	vadd.f32 v9, v8;
	v9 =	vmul.f32 v11, v10;
	_ =	sdelay $0x1  }
0x263: {  	v8 =	vadd.f32 v9, v8;
	v9 =	vmul.f32 v13, v12;
	_ =	sdelay $0x1  }
0x264: {  	v8 =	vadd.f32 v9, v8;
	_ =	sdelay $0x1  }
0x265: {  	[tilespmem:v58+s24+$0x0] =	vst.idx.msk $0xffff, v8  }
0x266: {  	v8 =	vld [tilespmem:s31+$0x4540]  }
0x267: {  	v9 =	vld [tilespmem:s31+$0x4550];
	_ =	sdelay $0x1  }
0x268: {  	v11 =	vld [tilespmem:s31+$0x4560];
	_ =	sdelay $0x1  }
0x269: {  	v13 =	vld [tilespmem:s31+$0x4570]  }
0x26a: {  	v8 =	vmul.f32 v8, v6;
	v9 =	vmul.f32 v9, v7;
	_ =	sdelay $0x1  }
0x26b: {  	v8 =	vadd.f32 v9, v8;
	v9 =	vmul.f32 v11, v10;
	_ =	sdelay $0x1  }
0x26c: {  	v8 =	vadd.f32 v9, v8;
	v9 =	vmul.f32 v13, v12;
	_ =	sdelay $0x1  }
0x26d: {  	v8 =	vadd.f32 v9, v8;
	_ =	sdelay $0x1  }
0x26e: {  	[tilespmem:v59+s24+$0x0] =	vst.idx.msk $0xffff, v8  }
0x26f: {  	v8 =	vld [tilespmem:s31+$0x6540]  }
0x270: {  	v9 =	vld [tilespmem:s31+$0x6550];
	_ =	sdelay $0x1  }
0x271: {  	v11 =	vld [tilespmem:s31+$0x6560];
	_ =	sdelay $0x1  }
0x272: {  	v13 =	vld [tilespmem:s31+$0x6570]  }
0x273: {  	v8 =	vmul.f32 v8, v6;
	v9 =	vmul.f32 v9, v7;
	_ =	sdelay $0x1  }
0x274: {  	v8 =	vadd.f32 v9, v8;
	v9 =	vmul.f32 v11, v10;
	_ =	sdelay $0x1  }
0x275: {  	v8 =	vadd.f32 v9, v8;
	v9 =	vmul.f32 v13, v12;
	_ =	sdelay $0x1  }
0x276: {  	v8 =	vadd.f32 v9, v8;
	_ =	sdelay $0x1  }
0x277: {  	[tilespmem:v60+s24+$0x0] =	vst.idx.msk $0xffff, v8  }
0x278: {  	v8 =	vld [tilespmem:s31+$0x8540]  }
0x279: {  	v9 =	vld [tilespmem:s31+$0x8550];
	_ =	sdelay $0x1  }
0x27a: {  	v11 =	vld [tilespmem:s31+$0x8560];
	_ =	sdelay $0x1  }
0x27b: {  	v13 =	vld [tilespmem:s31+$0x8570]  }
0x27c: {  	v8 =	vmul.f32 v8, v6;
	v9 =	vmul.f32 v9, v7;
	_ =	sdelay $0x1  }
0x27d: {  	v8 =	vadd.f32 v9, v8;
	v9 =	vmul.f32 v11, v10;
	_ =	sdelay $0x1  }
0x27e: {  	v8 =	vadd.f32 v9, v8;
	v9 =	vmul.f32 v13, v12;
	_ =	sdelay $0x1  }
0x27f: {  	v8 =	vadd.f32 v9, v8;
	_ =	sdelay $0x1  }
0x280: {  	[tilespmem:v61+s24+$0x0] =	vst.idx.msk $0xffff, v8  }
0x281: {  	v8 =	vld [tilespmem:s31+$0xA540]  }
0x282: {  	v9 =	vld [tilespmem:s31+$0xA550];
	_ =	sdelay $0x1  }
0x283: {  	v11 =	vld [tilespmem:s31+$0xA560];
	_ =	sdelay $0x1  }
0x284: {  	v13 =	vld [tilespmem:s31+$0xA570]  }
0x285: {  	v6 =	vmul.f32 v8, v6;
	v7 =	vmul.f32 v9, v7;
	_ =	sdelay $0x1  }
0x286: {  	v6 =	vadd.f32 v7, v6;
	v7 =	vmul.f32 v11, v10;
	_ =	sdelay $0x1  }
0x287: {  	v6 =	vadd.f32 v7, v6;
	v7 =	vmul.f32 v13, v12;
	_ =	sdelay $0x1  }
0x288: {  	v6 =	vadd.f32 v7, v6;
	_ =	sdelay $0x1  }
0x289: {  	[tilespmem:v62+s24+$0x0] =	vst.idx.msk $0xffff, v6  }
0x28a: {  	v6 =	vld [tilespmem:s31+$0x580]  }
0x28b: {  	v7 =	vld [tilespmem:s31+$0x590]  }
0x28c: {  	v8 =	vld [tilespmem:s31+$0x2580]  }
0x28d: {  	v9 =	vld [tilespmem:s31+$0x2590]  }
0x28e: {  	v10 =	vld [tilespmem:s31+$0x5A0]  }
0x28f: {  	v11 =	vld [tilespmem:s31+$0x25A0]  }
0x290: {  	v12 =	vld [tilespmem:s31+$0x5B0]  }
0x291: {  	v13 =	vld [tilespmem:s31+$0x25B0]  }
0x292: {  	v8 =	vmul.f32 v8, v6;
	v9 =	vmul.f32 v9, v7;
	_ =	sdelay $0x1  }
0x293: {  	v8 =	vadd.f32 v9, v8;
	v9 =	vmul.f32 v11, v10;
	_ =	sdelay $0x1  }
0x294: {  	v8 =	vadd.f32 v9, v8;
	v9 =	vmul.f32 v13, v12;
	_ =	sdelay $0x1  }
0x295: {  	v8 =	vadd.f32 v9, v8;
	_ =	sdelay $0x1  }
0x296: {  	[tilespmem:v63+s24+$0x0] =	vst.idx.msk $0xffff, v8  }
0x297: {  	v8 =	vld [tilespmem:s31+$0x4580]  }
0x298: {  	v9 =	vld [tilespmem:s31+$0x4590];
	_ =	sdelay $0x1  }
0x299: {  	v11 =	vld [tilespmem:s31+$0x45A0];
	_ =	sdelay $0x1  }
0x29a: {  	v13 =	vld [tilespmem:s31+$0x45B0]  }
0x29b: {  	v8 =	vmul.f32 v8, v6;
	v9 =	vmul.f32 v9, v7;
	_ =	sdelay $0x1  }
0x29c: {  	v8 =	vadd.f32 v9, v8;
	v9 =	vmul.f32 v11, v10;
	_ =	sdelay $0x1  }
0x29d: {  	v8 =	vadd.f32 v9, v8;
	v9 =	vmul.f32 v13, v12;
	_ =	sdelay $0x1  }
0x29e: {  	v8 =	vadd.f32 v9, v8;
	_ =	sdelay $0x1  }
0x29f: {  	[tilespmem:v0+s24+$0x0] =	vst.idx.msk $0xffff, v8  }
0x2a0: {  	v8 =	vld [tilespmem:s31+$0x6580]  }
0x2a1: {  	v9 =	vld [tilespmem:s31+$0x6590];
	_ =	sdelay $0x1  }
0x2a2: {  	v11 =	vld [tilespmem:s31+$0x65A0];
	_ =	sdelay $0x1  }
0x2a3: {  	v13 =	vld [tilespmem:s31+$0x65B0]  }
0x2a4: {  	v8 =	vmul.f32 v8, v6;
	v9 =	vmul.f32 v9, v7;
	_ =	sdelay $0x1  }
0x2a5: {  	v8 =	vadd.f32 v9, v8;
	v9 =	vmul.f32 v11, v10;
	_ =	sdelay $0x1  }
0x2a6: {  	v8 =	vadd.f32 v9, v8;
	v9 =	vmul.f32 v13, v12;
	_ =	sdelay $0x1  }
0x2a7: {  	v8 =	vadd.f32 v9, v8;
	_ =	sdelay $0x1  }
0x2a8: {  	[tilespmem:v2+s24+$0x0] =	vst.idx.msk $0xffff, v8  }
0x2a9: {  	v8 =	vld [tilespmem:s31+$0x8580]  }
0x2aa: {  	v9 =	vld [tilespmem:s31+$0x8590];
	_ =	sdelay $0x1  }
0x2ab: {  	v11 =	vld [tilespmem:s31+$0x85A0];
	_ =	sdelay $0x1  }
0x2ac: {  	v13 =	vld [tilespmem:s31+$0x85B0]  }
0x2ad: {  	v8 =	vmul.f32 v8, v6;
	v9 =	vmul.f32 v9, v7;
	_ =	sdelay $0x1  }
0x2ae: {  	v8 =	vadd.f32 v9, v8;
	v9 =	vmul.f32 v11, v10;
	_ =	sdelay $0x1  }
0x2af: {  	v8 =	vadd.f32 v9, v8;
	v9 =	vmul.f32 v13, v12;
	_ =	sdelay $0x1  }
0x2b0: {  	v8 =	vadd.f32 v9, v8;
	_ =	sdelay $0x1  }
0x2b1: {  	[tilespmem:v3+s24+$0x0] =	vst.idx.msk $0xffff, v8  }
0x2b2: {  	v8 =	vld [tilespmem:s31+$0xA580]  }
0x2b3: {  	v9 =	vld [tilespmem:s31+$0xA590];
	_ =	sdelay $0x1  }
0x2b4: {  	v11 =	vld [tilespmem:s31+$0xA5A0];
	_ =	sdelay $0x1  }
0x2b5: {  	v13 =	vld [tilespmem:s31+$0xA5B0]  }
0x2b6: {  	v6 =	vmul.f32 v8, v6;
	v7 =	vmul.f32 v9, v7;
	_ =	sdelay $0x1  }
0x2b7: {  	v6 =	vadd.f32 v7, v6;
	v7 =	vmul.f32 v11, v10;
	_ =	sdelay $0x1  }
0x2b8: {  	v6 =	vadd.f32 v7, v6;
	v7 =	vmul.f32 v13, v12;
	_ =	sdelay $0x1  }
0x2b9: {  	v6 =	vadd.f32 v7, v6;
	_ =	sdelay $0x1  }
0x2ba: {  	[tilespmem:v4+s24+$0x0] =	vst.idx.msk $0xffff, v6  }
0x2bb: {  	v6 =	vld [tilespmem:s31+$0x5C0]  }
0x2bc: {  	v7 =	vld [tilespmem:s31+$0x5D0]  }
0x2bd: {  	v8 =	vld [tilespmem:s31+$0x25C0]  }
0x2be: {  	v9 =	vld [tilespmem:s31+$0x25D0]  }
0x2bf: {  	v10 =	vld [tilespmem:s31+$0x5E0]  }
0x2c0: {  	v11 =	vld [tilespmem:s31+$0x25E0]  }
0x2c1: {  	v12 =	vld [tilespmem:s31+$0x5F0]  }
0x2c2: {  	v13 =	vld [tilespmem:s31+$0x25F0]  }
0x2c3: {  	v8 =	vmul.f32 v8, v6;
	v9 =	vmul.f32 v9, v7;
	_ =	sdelay $0x1  }
0x2c4: {  	v8 =	vadd.f32 v9, v8;
	v9 =	vmul.f32 v11, v10;
	_ =	sdelay $0x1  }
0x2c5: {  	v8 =	vadd.f32 v9, v8;
	v9 =	vmul.f32 v13, v12;
	_ =	sdelay $0x1  }
0x2c6: {  	v8 =	vadd.f32 v9, v8;
	_ =	sdelay $0x1  }
0x2c7: {  	[tilespmem:v5+s24+$0x0] =	vst.idx.msk $0xffff, v8  }
0x2c8: {  	v8 =	vld [tilespmem:s31+$0x45C0]  }
0x2c9: {  	v9 =	vld [tilespmem:s31+$0x45D0];
	_ =	sdelay $0x1  }
0x2ca: {  	v11 =	vld [tilespmem:s31+$0x45E0];
	_ =	sdelay $0x1  }
0x2cb: {  	v13 =	vld [tilespmem:s31+$0x45F0]  }
0x2cc: {  	v8 =	vmul.f32 v8, v6;
	v9 =	vmul.f32 v9, v7;
	_ =	sdelay $0x1  }
0x2cd: {  	v8 =	vadd.f32 v9, v8;
	v9 =	vmul.f32 v11, v10;
	_ =	sdelay $0x1  }
0x2ce: {  	v8 =	vadd.f32 v9, v8;
	v9 =	vmul.f32 v13, v12;
	_ =	sdelay $0x1  }
0x2cf: {  	v8 =	vadd.f32 v9, v8;
	_ =	sdelay $0x1  }
0x2d0: {  	[tilespmem:v14+s24+$0x0] =	vst.idx.msk $0xffff, v8  }
0x2d1: {  	v8 =	vld [tilespmem:s31+$0x65C0]  }
0x2d2: {  	v9 =	vld [tilespmem:s31+$0x65D0];
	_ =	sdelay $0x1  }
0x2d3: {  	v11 =	vld [tilespmem:s31+$0x65E0];
	_ =	sdelay $0x1  }
0x2d4: {  	v13 =	vld [tilespmem:s31+$0x65F0]  }
0x2d5: {  	v8 =	vmul.f32 v8, v6;
	v9 =	vmul.f32 v9, v7;
	_ =	sdelay $0x1  }
0x2d6: {  	v8 =	vadd.f32 v9, v8;
	v9 =	vmul.f32 v11, v10;
	_ =	sdelay $0x1  }
0x2d7: {  	v8 =	vadd.f32 v9, v8;
	v9 =	vmul.f32 v13, v12;
	_ =	sdelay $0x1  }
0x2d8: {  	v8 =	vadd.f32 v9, v8;
	_ =	sdelay $0x1  }
0x2d9: {  	[tilespmem:v15+s24+$0x0] =	vst.idx.msk $0xffff, v8  }
0x2da: {  	v8 =	vld [tilespmem:s31+$0x85C0]  }
0x2db: {  	v9 =	vld [tilespmem:s31+$0x85D0];
	_ =	sdelay $0x1  }
0x2dc: {  	v11 =	vld [tilespmem:s31+$0x85E0];
	_ =	sdelay $0x1  }
0x2dd: {  	v13 =	vld [tilespmem:s31+$0x85F0]  }
0x2de: {  	v8 =	vmul.f32 v8, v6;
	v9 =	vmul.f32 v9, v7;
	_ =	sdelay $0x1  }
0x2df: {  	v8 =	vadd.f32 v9, v8;
	v9 =	vmul.f32 v11, v10;
	_ =	sdelay $0x1  }
0x2e0: {  	v8 =	vadd.f32 v9, v8;
	v9 =	vmul.f32 v13, v12;
	_ =	sdelay $0x1  }
0x2e1: {  	v8 =	vadd.f32 v9, v8;
	_ =	sdelay $0x1  }
0x2e2: {  	[tilespmem:v20+s24+$0x0] =	vst.idx.msk $0xffff, v8  }
0x2e3: {  	v8 =	vld [tilespmem:s31+$0xA5C0]  }
0x2e4: {  	v9 =	vld [tilespmem:s31+$0xA5D0];
	_ =	sdelay $0x1  }
0x2e5: {  	v11 =	vld [tilespmem:s31+$0xA5E0];
	_ =	sdelay $0x1  }
0x2e6: {  	v13 =	vld [tilespmem:s31+$0xA5F0]  }
0x2e7: {  	v6 =	vmul.f32 v8, v6;
	v7 =	vmul.f32 v9, v7;
	_ =	sdelay $0x1  }
0x2e8: {  	v6 =	vadd.f32 v7, v6;
	v7 =	vmul.f32 v11, v10;
	_ =	sdelay $0x1  }
0x2e9: {  	v6 =	vadd.f32 v7, v6;
	v7 =	vmul.f32 v13, v12;
	_ =	sdelay $0x1  }
0x2ea: {  	v6 =	vadd.f32 v7, v6;
	_ =	sdelay $0x1  }
0x2eb: {  	[tilespmem:v22+s24+$0x0] =	vst.idx.msk $0xffff, v6  }
0x2ec: {  	v6 =	vld [tilespmem:s31+$0x600]  }
0x2ed: {  	v7 =	vld [tilespmem:s31+$0x610]  }
0x2ee: {  	v8 =	vld [tilespmem:s31+$0x2600]  }
0x2ef: {  	v9 =	vld [tilespmem:s31+$0x2610]  }
0x2f0: {  	v10 =	vld [tilespmem:s31+$0x620]  }
0x2f1: {  	v11 =	vld [tilespmem:s31+$0x2620]  }
0x2f2: {  	v12 =	vld [tilespmem:s31+$0x630]  }
0x2f3: {  	v13 =	vld [tilespmem:s31+$0x2630]  }
0x2f4: {  	v8 =	vmul.f32 v8, v6;
	v9 =	vmul.f32 v9, v7;
	_ =	sdelay $0x1  }
0x2f5: {  	v8 =	vadd.f32 v9, v8;
	v9 =	vmul.f32 v11, v10;
	_ =	sdelay $0x1  }
0x2f6: {  	v8 =	vadd.f32 v9, v8;
	v9 =	vmul.f32 v13, v12;
	_ =	sdelay $0x1  }
0x2f7: {  	v8 =	vadd.f32 v9, v8;
	_ =	sdelay $0x1  }
0x2f8: {  	[tilespmem:v23+s24+$0x0] =	vst.idx.msk $0xffff, v8  }
0x2f9: {  	v8 =	vld [tilespmem:s31+$0x4600]  }
0x2fa: {  	v9 =	vld [tilespmem:s31+$0x4610];
	_ =	sdelay $0x1  }
0x2fb: {  	v11 =	vld [tilespmem:s31+$0x4620];
	_ =	sdelay $0x1  }
0x2fc: {  	v13 =	vld [tilespmem:s31+$0x4630]  }
0x2fd: {  	v8 =	vmul.f32 v8, v6;
	v9 =	vmul.f32 v9, v7;
	_ =	sdelay $0x1  }
0x2fe: {  	v8 =	vadd.f32 v9, v8;
	v9 =	vmul.f32 v11, v10;
	_ =	sdelay $0x1  }
0x2ff: {  	v8 =	vadd.f32 v9, v8;
	v9 =	vmul.f32 v13, v12;
	_ =	sdelay $0x1  }
0x300: {  	v8 =	vadd.f32 v9, v8;
	_ =	sdelay $0x1  }
0x301: {  	[tilespmem:v24+s24+$0x0] =	vst.idx.msk $0xffff, v8  }
0x302: {  	v8 =	vld [tilespmem:s31+$0x6600]  }
0x303: {  	v9 =	vld [tilespmem:s31+$0x6610];
	_ =	sdelay $0x1  }
0x304: {  	v11 =	vld [tilespmem:s31+$0x6620];
	_ =	sdelay $0x1  }
0x305: {  	v13 =	vld [tilespmem:s31+$0x6630]  }
0x306: {  	v8 =	vmul.f32 v8, v6;
	v9 =	vmul.f32 v9, v7;
	_ =	sdelay $0x1  }
0x307: {  	v8 =	vadd.f32 v9, v8;
	v9 =	vmul.f32 v11, v10;
	_ =	sdelay $0x1  }
0x308: {  	v8 =	vadd.f32 v9, v8;
	v9 =	vmul.f32 v13, v12;
	_ =	sdelay $0x1  }
0x309: {  	v8 =	vadd.f32 v9, v8;
	_ =	sdelay $0x1  }
0x30a: {  	[tilespmem:v25+s24+$0x0] =	vst.idx.msk $0xffff, v8  }
0x30b: {  	v8 =	vld [tilespmem:s31+$0x8600]  }
0x30c: {  	v9 =	vld [tilespmem:s31+$0x8610];
	_ =	sdelay $0x1  }
0x30d: {  	v11 =	vld [tilespmem:s31+$0x8620];
	_ =	sdelay $0x1  }
0x30e: {  	v13 =	vld [tilespmem:s31+$0x8630]  }
0x30f: {  	v8 =	vmul.f32 v8, v6;
	v9 =	vmul.f32 v9, v7;
	_ =	sdelay $0x1  }
0x310: {  	v8 =	vadd.f32 v9, v8;
	v9 =	vmul.f32 v11, v10  }
0x311: {  	v11 =	vor.u32 $0x30C, v1  }
0x312: {  	v8 =	vadd.f32 v9, v8;
	v9 =	vmul.f32 v13, v12;
	_ =	sdelay $0x1  }
0x313: {  	v8 =	vadd.f32 v9, v8;
	_ =	sdelay $0x1  }
0x314: {  	[tilespmem:v11+s24+$0x0] =	vst.idx.msk $0xffff, v8  }
0x315: {  	v8 =	vld [tilespmem:s31+$0xA600]  }
0x316: {  	v9 =	vld [tilespmem:s31+$0xA610];
	_ =	sdelay $0x1  }
0x317: {  	v11 =	vld [tilespmem:s31+$0xA620];
	_ =	sdelay $0x1  }
0x318: {  	v13 =	vld [tilespmem:s31+$0xA630]  }
0x319: {  	v6 =	vmul.f32 v8, v6;
	v7 =	vmul.f32 v9, v7;
	_ =	sdelay $0x1  }
0x31a: {  	v6 =	vadd.f32 v7, v6;
	v7 =	vmul.f32 v11, v10  }
0x31b: {  	v8 =	vor.u32 $0x40C, v1  }
0x31c: {  	v6 =	vadd.f32 v7, v6;
	v7 =	vmul.f32 v13, v12;
	_ =	sdelay $0x1  }
0x31d: {  	v6 =	vadd.f32 v7, v6;
	_ =	sdelay $0x1  }
0x31e: {  	[tilespmem:v8+s24+$0x0] =	vst.idx.msk $0xffff, v6  }
0x31f: {  	v6 =	vld [tilespmem:s31+$0x640]  }
0x320: {  	v7 =	vld [tilespmem:s31+$0x650]  }
0x321: {  	v8 =	vld [tilespmem:s31+$0x2640]  }
0x322: {  	v9 =	vld [tilespmem:s31+$0x2650]  }
0x323: {  	v10 =	vld [tilespmem:s31+$0x660]  }
0x324: {  	v11 =	vld [tilespmem:s31+$0x2660]  }
0x325: {  	v12 =	vld [tilespmem:s31+$0x670]  }
0x326: {  	v13 =	vld [tilespmem:s31+$0x2670]  }
0x327: {  	v8 =	vmul.f32 v8, v6;
	v9 =	vmul.f32 v9, v7;
	_ =	sdelay $0x1  }
0x328: {  	v8 =	vadd.f32 v9, v8;
	v9 =	vmul.f32 v11, v10  }
0x329: {  	v11 =	vor.u32 $0xD, v1  }
0x32a: {  	v8 =	vadd.f32 v9, v8;
	v9 =	vmul.f32 v13, v12;
	_ =	sdelay $0x1  }
0x32b: {  	v8 =	vadd.f32 v9, v8;
	_ =	sdelay $0x1  }
0x32c: {  	[tilespmem:v11+s24+$0x0] =	vst.idx.msk $0xffff, v8  }
0x32d: {  	v8 =	vld [tilespmem:s31+$0x4640]  }
0x32e: {  	v9 =	vld [tilespmem:s31+$0x4650];
	_ =	sdelay $0x1  }
0x32f: {  	v11 =	vld [tilespmem:s31+$0x4660];
	_ =	sdelay $0x1  }
0x330: {  	v13 =	vld [tilespmem:s31+$0x4670]  }
0x331: {  	v8 =	vmul.f32 v8, v6;
	v9 =	vmul.f32 v9, v7;
	_ =	sdelay $0x1  }
0x332: {  	v8 =	vadd.f32 v9, v8;
	v9 =	vmul.f32 v11, v10  }
0x333: {  	v11 =	vor.u32 $0x10D, v1  }
0x334: {  	v8 =	vadd.f32 v9, v8;
	v9 =	vmul.f32 v13, v12;
	_ =	sdelay $0x1  }
0x335: {  	v8 =	vadd.f32 v9, v8;
	_ =	sdelay $0x1  }
0x336: {  	[tilespmem:v11+s24+$0x0] =	vst.idx.msk $0xffff, v8  }
0x337: {  	v8 =	vld [tilespmem:s31+$0x6640]  }
0x338: {  	v9 =	vld [tilespmem:s31+$0x6650];
	_ =	sdelay $0x1  }
0x339: {  	v11 =	vld [tilespmem:s31+$0x6660];
	_ =	sdelay $0x1  }
0x33a: {  	v13 =	vld [tilespmem:s31+$0x6670]  }
0x33b: {  	v8 =	vmul.f32 v8, v6;
	v9 =	vmul.f32 v9, v7;
	_ =	sdelay $0x1  }
0x33c: {  	v8 =	vadd.f32 v9, v8;
	v9 =	vmul.f32 v11, v10  }
0x33d: {  	v11 =	vor.u32 $0x20D, v1  }
0x33e: {  	v8 =	vadd.f32 v9, v8;
	v9 =	vmul.f32 v13, v12;
	_ =	sdelay $0x1  }
0x33f: {  	v8 =	vadd.f32 v9, v8;
	_ =	sdelay $0x1  }
0x340: {  	[tilespmem:v11+s24+$0x0] =	vst.idx.msk $0xffff, v8  }
0x341: {  	v8 =	vld [tilespmem:s31+$0x8640]  }
0x342: {  	v9 =	vld [tilespmem:s31+$0x8650];
	_ =	sdelay $0x1  }
0x343: {  	v11 =	vld [tilespmem:s31+$0x8660];
	_ =	sdelay $0x1  }
0x344: {  	v13 =	vld [tilespmem:s31+$0x8670]  }
0x345: {  	v8 =	vmul.f32 v8, v6;
	v9 =	vmul.f32 v9, v7;
	_ =	sdelay $0x1  }
0x346: {  	v8 =	vadd.f32 v9, v8;
	v9 =	vmul.f32 v11, v10  }
0x347: {  	v11 =	vor.u32 $0x30D, v1  }
0x348: {  	v8 =	vadd.f32 v9, v8;
	v9 =	vmul.f32 v13, v12;
	_ =	sdelay $0x1  }
0x349: {  	v8 =	vadd.f32 v9, v8;
	_ =	sdelay $0x1  }
0x34a: {  	[tilespmem:v11+s24+$0x0] =	vst.idx.msk $0xffff, v8  }
0x34b: {  	v8 =	vld [tilespmem:s31+$0xA640]  }
0x34c: {  	v9 =	vld [tilespmem:s31+$0xA650];
	_ =	sdelay $0x1  }
0x34d: {  	v11 =	vld [tilespmem:s31+$0xA660];
	_ =	sdelay $0x1  }
0x34e: {  	v13 =	vld [tilespmem:s31+$0xA670]  }
0x34f: {  	v6 =	vmul.f32 v8, v6;
	v7 =	vmul.f32 v9, v7;
	_ =	sdelay $0x1  }
0x350: {  	v6 =	vadd.f32 v7, v6;
	v7 =	vmul.f32 v11, v10  }
0x351: {  	v8 =	vor.u32 $0x40D, v1  }
0x352: {  	v6 =	vadd.f32 v7, v6;
	v7 =	vmul.f32 v13, v12;
	_ =	sdelay $0x1  }
0x353: {  	v6 =	vadd.f32 v7, v6;
	_ =	sdelay $0x1  }
0x354: {  	[tilespmem:v8+s24+$0x0] =	vst.idx.msk $0xffff, v6  }
0x355: {  	v6 =	vld [tilespmem:s31+$0x680]  }
0x356: {  	v7 =	vld [tilespmem:s31+$0x690]  }
0x357: {  	v8 =	vld [tilespmem:s31+$0x2680]  }
0x358: {  	v9 =	vld [tilespmem:s31+$0x2690]  }
0x359: {  	v10 =	vld [tilespmem:s31+$0x6A0]  }
0x35a: {  	v11 =	vld [tilespmem:s31+$0x26A0]  }
0x35b: {  	v12 =	vld [tilespmem:s31+$0x6B0]  }
0x35c: {  	v13 =	vld [tilespmem:s31+$0x26B0]  }
0x35d: {  	v8 =	vmul.f32 v8, v6;
	v9 =	vmul.f32 v9, v7;
	_ =	sdelay $0x1  }
0x35e: {  	v8 =	vadd.f32 v9, v8;
	v9 =	vmul.f32 v11, v10  }
0x35f: {  	v11 =	vor.u32 $0xE, v1  }
0x360: {  	v8 =	vadd.f32 v9, v8;
	v9 =	vmul.f32 v13, v12;
	_ =	sdelay $0x1  }
0x361: {  	v8 =	vadd.f32 v9, v8;
	_ =	sdelay $0x1  }
0x362: {  	[tilespmem:v11+s24+$0x0] =	vst.idx.msk $0xffff, v8  }
0x363: {  	v8 =	vld [tilespmem:s31+$0x4680]  }
0x364: {  	v9 =	vld [tilespmem:s31+$0x4690];
	_ =	sdelay $0x1  }
0x365: {  	v11 =	vld [tilespmem:s31+$0x46A0];
	_ =	sdelay $0x1  }
0x366: {  	v13 =	vld [tilespmem:s31+$0x46B0]  }
0x367: {  	v8 =	vmul.f32 v8, v6;
	v9 =	vmul.f32 v9, v7;
	_ =	sdelay $0x1  }
0x368: {  	v8 =	vadd.f32 v9, v8;
	v9 =	vmul.f32 v11, v10  }
0x369: {  	v11 =	vor.u32 $0x10E, v1  }
0x36a: {  	v8 =	vadd.f32 v9, v8;
	v9 =	vmul.f32 v13, v12;
	_ =	sdelay $0x1  }
0x36b: {  	v8 =	vadd.f32 v9, v8;
	_ =	sdelay $0x1  }
0x36c: {  	[tilespmem:v11+s24+$0x0] =	vst.idx.msk $0xffff, v8  }
0x36d: {  	v8 =	vld [tilespmem:s31+$0x6680]  }
0x36e: {  	v9 =	vld [tilespmem:s31+$0x6690];
	_ =	sdelay $0x1  }
0x36f: {  	v11 =	vld [tilespmem:s31+$0x66A0];
	_ =	sdelay $0x1  }
0x370: {  	v13 =	vld [tilespmem:s31+$0x66B0]  }
0x371: {  	v8 =	vmul.f32 v8, v6;
	v9 =	vmul.f32 v9, v7;
	_ =	sdelay $0x1  }
0x372: {  	v8 =	vadd.f32 v9, v8;
	v9 =	vmul.f32 v11, v10  }
0x373: {  	v11 =	vor.u32 $0x20E, v1  }
0x374: {  	v8 =	vadd.f32 v9, v8;
	v9 =	vmul.f32 v13, v12;
	_ =	sdelay $0x1  }
0x375: {  	v8 =	vadd.f32 v9, v8;
	_ =	sdelay $0x1  }
0x376: {  	[tilespmem:v11+s24+$0x0] =	vst.idx.msk $0xffff, v8  }
0x377: {  	v8 =	vld [tilespmem:s31+$0x8680]  }
0x378: {  	v9 =	vld [tilespmem:s31+$0x8690];
	_ =	sdelay $0x1  }
0x379: {  	v11 =	vld [tilespmem:s31+$0x86A0];
	_ =	sdelay $0x1  }
0x37a: {  	v13 =	vld [tilespmem:s31+$0x86B0]  }
0x37b: {  	v8 =	vmul.f32 v8, v6;
	v9 =	vmul.f32 v9, v7;
	_ =	sdelay $0x1  }
0x37c: {  	v8 =	vadd.f32 v9, v8;
	v9 =	vmul.f32 v11, v10  }
0x37d: {  	v11 =	vor.u32 $0x30E, v1  }
0x37e: {  	v8 =	vadd.f32 v9, v8;
	v9 =	vmul.f32 v13, v12;
	_ =	sdelay $0x1  }
0x37f: {  	v8 =	vadd.f32 v9, v8;
	_ =	sdelay $0x1  }
0x380: {  	[tilespmem:v11+s24+$0x0] =	vst.idx.msk $0xffff, v8  }
0x381: {  	v8 =	vld [tilespmem:s31+$0xA680]  }
0x382: {  	v9 =	vld [tilespmem:s31+$0xA690];
	_ =	sdelay $0x1  }
0x383: {  	v11 =	vld [tilespmem:s31+$0xA6A0];
	_ =	sdelay $0x1  }
0x384: {  	v13 =	vld [tilespmem:s31+$0xA6B0]  }
0x385: {  	v6 =	vmul.f32 v8, v6;
	v7 =	vmul.f32 v9, v7;
	_ =	sdelay $0x1  }
0x386: {  	v6 =	vadd.f32 v7, v6;
	v7 =	vmul.f32 v11, v10  }
0x387: {  	v8 =	vor.u32 $0x40E, v1  }
0x388: {  	v6 =	vadd.f32 v7, v6;
	v7 =	vmul.f32 v13, v12;
	_ =	sdelay $0x1  }
0x389: {  	v6 =	vadd.f32 v7, v6;
	_ =	sdelay $0x1  }
0x38a: {  	[tilespmem:v8+s24+$0x0] =	vst.idx.msk $0xffff, v6  }
0x38b: {  	v6 =	vld [tilespmem:s31+$0x6C0]  }
0x38c: {  	v7 =	vld [tilespmem:s31+$0x6D0]  }
0x38d: {  	v8 =	vld [tilespmem:s31+$0x26C0]  }
0x38e: {  	v9 =	vld [tilespmem:s31+$0x26D0]  }
0x38f: {  	v10 =	vld [tilespmem:s31+$0x6E0]  }
0x390: {  	v11 =	vld [tilespmem:s31+$0x26E0]  }
0x391: {  	v12 =	vld [tilespmem:s31+$0x6F0]  }
0x392: {  	v13 =	vld [tilespmem:s31+$0x26F0]  }
0x393: {  	v8 =	vmul.f32 v8, v6;
	v9 =	vmul.f32 v9, v7;
	_ =	sdelay $0x1  }
0x394: {  	v8 =	vadd.f32 v9, v8;
	v9 =	vmul.f32 v11, v10  }
0x395: {  	v11 =	vor.u32 $0xF, v1  }
0x396: {  	v8 =	vadd.f32 v9, v8;
	v9 =	vmul.f32 v13, v12;
	_ =	sdelay $0x1  }
0x397: {  	v8 =	vadd.f32 v9, v8;
	_ =	sdelay $0x1  }
0x398: {  	[tilespmem:v11+s24+$0x0] =	vst.idx.msk $0xffff, v8  }
0x399: {  	v8 =	vld [tilespmem:s31+$0x46C0]  }
0x39a: {  	v9 =	vld [tilespmem:s31+$0x46D0];
	_ =	sdelay $0x1  }
0x39b: {  	v11 =	vld [tilespmem:s31+$0x46E0];
	_ =	sdelay $0x1  }
0x39c: {  	v13 =	vld [tilespmem:s31+$0x46F0]  }
0x39d: {  	v8 =	vmul.f32 v8, v6;
	v9 =	vmul.f32 v9, v7;
	_ =	sdelay $0x1  }
0x39e: {  	v8 =	vadd.f32 v9, v8;
	v9 =	vmul.f32 v11, v10  }
0x39f: {  	v11 =	vor.u32 $0x10F, v1  }
0x3a0: {  	v8 =	vadd.f32 v9, v8;
	v9 =	vmul.f32 v13, v12;
	_ =	sdelay $0x1  }
0x3a1: {  	v8 =	vadd.f32 v9, v8;
	_ =	sdelay $0x1  }
0x3a2: {  	[tilespmem:v11+s24+$0x0] =	vst.idx.msk $0xffff, v8  }
0x3a3: {  	v8 =	vld [tilespmem:s31+$0x66C0]  }
0x3a4: {  	v9 =	vld [tilespmem:s31+$0x66D0];
	_ =	sdelay $0x1  }
0x3a5: {  	v11 =	vld [tilespmem:s31+$0x66E0];
	_ =	sdelay $0x1  }
0x3a6: {  	v13 =	vld [tilespmem:s31+$0x66F0]  }
0x3a7: {  	v8 =	vmul.f32 v8, v6;
	v9 =	vmul.f32 v9, v7;
	_ =	sdelay $0x1  }
0x3a8: {  	v8 =	vadd.f32 v9, v8;
	v9 =	vmul.f32 v11, v10  }
0x3a9: {  	v11 =	vor.u32 $0x20F, v1  }
0x3aa: {  	v8 =	vadd.f32 v9, v8;
	v9 =	vmul.f32 v13, v12;
	_ =	sdelay $0x1  }
0x3ab: {  	v8 =	vadd.f32 v9, v8;
	_ =	sdelay $0x1  }
0x3ac: {  	[tilespmem:v11+s24+$0x0] =	vst.idx.msk $0xffff, v8  }
0x3ad: {  	v8 =	vld [tilespmem:s31+$0x86C0]  }
0x3ae: {  	v9 =	vld [tilespmem:s31+$0x86D0];
	_ =	sdelay $0x1  }
0x3af: {  	v11 =	vld [tilespmem:s31+$0x86E0];
	_ =	sdelay $0x1  }
0x3b0: {  	v13 =	vld [tilespmem:s31+$0x86F0]  }
0x3b1: {  	v8 =	vmul.f32 v8, v6;
	v9 =	vmul.f32 v9, v7;
	_ =	sdelay $0x1  }
0x3b2: {  	v8 =	vadd.f32 v9, v8;
	v9 =	vmul.f32 v11, v10  }
0x3b3: {  	v11 =	vor.u32 $0x30F, v1  }
0x3b4: {  	v8 =	vadd.f32 v9, v8;
	v9 =	vmul.f32 v13, v12;
	_ =	sdelay $0x1  }
0x3b5: {  	v8 =	vadd.f32 v9, v8;
	_ =	sdelay $0x1  }
0x3b6: {  	[tilespmem:v11+s24+$0x0] =	vst.idx.msk $0xffff, v8  }
0x3b7: {  	v8 =	vld [tilespmem:s31+$0xA6C0]  }
0x3b8: {  	v9 =	vld [tilespmem:s31+$0xA6D0];
	_ =	sdelay $0x1  }
0x3b9: {  	v11 =	vld [tilespmem:s31+$0xA6E0];
	_ =	sdelay $0x1  }
0x3ba: {  	v13 =	vld [tilespmem:s31+$0xA6F0]  }
0x3bb: {  	v6 =	vmul.f32 v8, v6;
	v7 =	vmul.f32 v9, v7;
	_ =	sdelay $0x1  }
0x3bc: {  	v6 =	vadd.f32 v7, v6;
	v7 =	vmul.f32 v11, v10  }
0x3bd: {  	v8 =	vor.u32 $0x40F, v1  }
0x3be: {  	v6 =	vadd.f32 v7, v6;
	v7 =	vmul.f32 v13, v12;
	_ =	sdelay $0x1  }
0x3bf: {  	v6 =	vadd.f32 v7, v6;
	_ =	sdelay $0x1  }
0x3c0: {  	[tilespmem:v8+s24+$0x0] =	vst.idx.msk $0xffff, v6  }
0x3c1: {  	v6 =	vld [tilespmem:$0xC580]  }
0x3c2: {  	v7 =	vld [tilespmem:$0xC590];
	_ =	sdelay $0x1  }
0x3c3: {  	v8 =	vld [tilespmem:$0xC5A0];
	_ =	sdelay $0x1  }
0x3c4: {  	v9 =	vld [tilespmem:$0xC5B0]  }
0x3c5: {  	v6 =	vadd.f32 v7, v6  }
0x3c6: {  	v7 =	vld [tilespmem:$0xC5C0]  }
0x3c7: {  	v6 =	vadd.f32 v8, v6  }
0x3c8: {  	v8 =	vld [tilespmem:$0xC5D0]  }
0x3c9: {  	v6 =	vadd.f32 v9, v6  }
0x3ca: {  	v9 =	vld [tilespmem:$0xC5E0]  }
0x3cb: {  	v6 =	vadd.f32 v7, v6  }
0x3cc: {  	v7 =	vld [tilespmem:$0xC5F0]  }
0x3cd: {  	v6 =	vadd.f32 v8, v6  }
0x3ce: {  	v8 =	vld [tilespmem:$0xC600]  }
0x3cf: {  	v6 =	vadd.f32 v9, v6  }
0x3d0: {  	v9 =	vld [tilespmem:$0xC610]  }
0x3d1: {  	v6 =	vadd.f32 v7, v6  }
0x3d2: {  	v7 =	vld [tilespmem:$0xC620]  }
0x3d3: {  	v6 =	vadd.f32 v8, v6  }
0x3d4: {  	v8 =	vld [tilespmem:$0xC630]  }
0x3d5: {  	v6 =	vadd.f32 v9, v6  }
0x3d6: {  	s2 =	sshll.u32 s30, $0x4;
	v9 =	vld [tilespmem:$0xC640]  }
0x3d7: {  	v6 =	vadd.f32 v7, v6;
	v7 =	vmov s2  }
0x3d8: {  	v10 =	vld [tilespmem:$0xC650];
	v7 =	vmul.u32 $0x5, v7  }
0x3d9: {  	v12 =	vlaneseq.u32;
	v8 =	vadd.f32 v8, v6  }
0x3da: {  	v11 =	vld [tilespmem:$0xC660];
	v6 =	vbroadcast v7, $0x0;
	v7 =	vmul.u32 $0x5, v12  }
0x3db: {  	v8 =	vadd.f32 v9, v8  }
0x3dc: {  	v9 =	vld [tilespmem:$0xC670];
	v12 =	vadd.s32 v7, v6  }
0x3dd: {  	v8 =	vadd.f32 v10, v8;
	v10 =	vand.u32 $0xFFFFFFF8, v12  }
0x3de: {  	v10 =	vor.u32 v16, v10  }
0x3df: {  	v8 =	vadd.f32 v11, v8;
	_ =	sdelay $0x1  }
0x3e0: {  	v8 =	vadd.f32 v9, v8;
	_ =	sdelay $0x1  }
0x3e1: {  	[tilespmem:v10+s25+$0x0] =	vst.idx.msk $0xffff, v8  }
0x3e2: {  	v8 =	vld [tilespmem:$0xC680]  }
0x3e3: {  	v9 =	vld [tilespmem:$0xC690];
	_ =	sdelay $0x1  }
0x3e4: {  	v10 =	vld [tilespmem:$0xC6A0];
	_ =	sdelay $0x1  }
0x3e5: {  	v11 =	vld [tilespmem:$0xC6B0]  }
0x3e6: {  	v8 =	vadd.f32 v9, v8  }
0x3e7: {  	v9 =	vld [tilespmem:$0xC6C0]  }
0x3e8: {  	v8 =	vadd.f32 v10, v8  }
0x3e9: {  	v10 =	vld [tilespmem:$0xC6D0]  }
0x3ea: {  	v8 =	vadd.f32 v11, v8  }
0x3eb: {  	v11 =	vld [tilespmem:$0xC6E0]  }
0x3ec: {  	v8 =	vadd.f32 v9, v8  }
0x3ed: {  	v9 =	vld [tilespmem:$0xC6F0]  }
0x3ee: {  	v8 =	vadd.f32 v10, v8  }
0x3ef: {  	v10 =	vld [tilespmem:$0xC700]  }
0x3f0: {  	v8 =	vadd.f32 v11, v8  }
0x3f1: {  	v11 =	vld [tilespmem:$0xC710]  }
0x3f2: {  	v8 =	vadd.f32 v9, v8  }
0x3f3: {  	v9 =	vld [tilespmem:$0xC720]  }
0x3f4: {  	v8 =	vadd.f32 v10, v8  }
0x3f5: {  	v10 =	vld [tilespmem:$0xC730]  }
0x3f6: {  	v8 =	vadd.f32 v11, v8  }
0x3f7: {  	v11 =	vld [tilespmem:$0xC740]  }
0x3f8: {  	v8 =	vadd.f32 v9, v8  }
0x3f9: {  	v9 =	vld [tilespmem:$0xC750]  }
0x3fa: {  	v8 =	vadd.f32 v10, v8  }
0x3fb: {  	v10 =	vld [tilespmem:$0xC760]  }
0x3fc: {  	v8 =	vadd.f32 v11, v8;
	v11 =	vadd.s32 $0x1, v7  }
0x3fd: {  	v12 =	vld [tilespmem:$0xC770];
	v11 =	vadd.s32 v11, v6  }
0x3fe: {  	v8 =	vadd.f32 v9, v8;
	v9 =	vand.u32 $0xFFFFFFF8, v11  }
0x3ff: {  	v9 =	vor.u32 v17, v9  }
0x400: {  	v8 =	vadd.f32 v10, v8;
	_ =	sdelay $0x1  }
0x401: {  	v8 =	vadd.f32 v12, v8;
	_ =	sdelay $0x1  }
0x402: {  	[tilespmem:v9+s25+$0x0] =	vst.idx.msk $0xffff, v8  }
0x403: {  	v8 =	vld [tilespmem:$0xC780]  }
0x404: {  	v9 =	vld [tilespmem:$0xC790];
	_ =	sdelay $0x1  }
0x405: {  	v10 =	vld [tilespmem:$0xC7A0];
	_ =	sdelay $0x1  }
0x406: {  	v11 =	vld [tilespmem:$0xC7B0]  }
0x407: {  	v8 =	vadd.f32 v9, v8  }
0x408: {  	v9 =	vld [tilespmem:$0xC7C0]  }
0x409: {  	v8 =	vadd.f32 v10, v8  }
0x40a: {  	v10 =	vld [tilespmem:$0xC7D0]  }
0x40b: {  	v8 =	vadd.f32 v11, v8  }
0x40c: {  	v11 =	vld [tilespmem:$0xC7E0]  }
0x40d: {  	v8 =	vadd.f32 v9, v8  }
0x40e: {  	v9 =	vld [tilespmem:$0xC7F0]  }
0x40f: {  	v8 =	vadd.f32 v10, v8  }
0x410: {  	v10 =	vld [tilespmem:$0xC800]  }
0x411: {  	v8 =	vadd.f32 v11, v8  }
0x412: {  	v11 =	vld [tilespmem:$0xC810]  }
0x413: {  	v8 =	vadd.f32 v9, v8  }
0x414: {  	v9 =	vld [tilespmem:$0xC820]  }
0x415: {  	v8 =	vadd.f32 v10, v8  }
0x416: {  	v10 =	vld [tilespmem:$0xC830]  }
0x417: {  	v8 =	vadd.f32 v11, v8  }
0x418: {  	v11 =	vld [tilespmem:$0xC840]  }
0x419: {  	v8 =	vadd.f32 v9, v8  }
0x41a: {  	v9 =	vld [tilespmem:$0xC850]  }
0x41b: {  	v8 =	vadd.f32 v10, v8  }
0x41c: {  	v10 =	vld [tilespmem:$0xC860]  }
0x41d: {  	v8 =	vadd.f32 v11, v8;
	v11 =	vadd.s32 $0x2, v7  }
0x41e: {  	v12 =	vld [tilespmem:$0xC870];
	v11 =	vadd.s32 v11, v6  }
0x41f: {  	v8 =	vadd.f32 v9, v8;
	v9 =	vand.u32 $0xFFFFFFF8, v11  }
0x420: {  	v9 =	vor.u32 v18, v9  }
0x421: {  	v8 =	vadd.f32 v10, v8;
	_ =	sdelay $0x1  }
0x422: {  	v8 =	vadd.f32 v12, v8;
	_ =	sdelay $0x1  }
0x423: {  	[tilespmem:v9+s25+$0x0] =	vst.idx.msk $0xffff, v8  }
0x424: {  	v8 =	vld [tilespmem:$0xC880]  }
0x425: {  	v9 =	vld [tilespmem:$0xC890];
	_ =	sdelay $0x1  }
0x426: {  	v10 =	vld [tilespmem:$0xC8A0];
	_ =	sdelay $0x1  }
0x427: {  	v11 =	vld [tilespmem:$0xC8B0]  }
0x428: {  	v8 =	vadd.f32 v9, v8  }
0x429: {  	v9 =	vld [tilespmem:$0xC8C0]  }
0x42a: {  	v8 =	vadd.f32 v10, v8  }
0x42b: {  	v10 =	vld [tilespmem:$0xC8D0]  }
0x42c: {  	v8 =	vadd.f32 v11, v8  }
0x42d: {  	v11 =	vld [tilespmem:$0xC8E0]  }
0x42e: {  	v8 =	vadd.f32 v9, v8  }
0x42f: {  	v9 =	vld [tilespmem:$0xC8F0]  }
0x430: {  	v8 =	vadd.f32 v10, v8  }
0x431: {  	v10 =	vld [tilespmem:$0xC900]  }
0x432: {  	v8 =	vadd.f32 v11, v8  }
0x433: {  	v11 =	vld [tilespmem:$0xC910]  }
0x434: {  	v8 =	vadd.f32 v9, v8  }
0x435: {  	v9 =	vld [tilespmem:$0xC920]  }
0x436: {  	v8 =	vadd.f32 v10, v8  }
0x437: {  	v10 =	vld [tilespmem:$0xC930]  }
0x438: {  	v8 =	vadd.f32 v11, v8  }
0x439: {  	v11 =	vld [tilespmem:$0xC940]  }
0x43a: {  	v8 =	vadd.f32 v9, v8  }
0x43b: {  	v9 =	vld [tilespmem:$0xC950]  }
0x43c: {  	v8 =	vadd.f32 v10, v8  }
0x43d: {  	v10 =	vld [tilespmem:$0xC960]  }
0x43e: {  	v8 =	vadd.f32 v11, v8;
	v11 =	vadd.s32 $0x3, v7  }
0x43f: {  	v12 =	vld [tilespmem:$0xC970];
	v11 =	vadd.s32 v11, v6  }
0x440: {  	v8 =	vadd.f32 v9, v8;
	v9 =	vand.u32 $0xFFFFFFF8, v11  }
0x441: {  	v9 =	vor.u32 v19, v9  }
0x442: {  	v8 =	vadd.f32 v10, v8;
	_ =	sdelay $0x1  }
0x443: {  	v8 =	vadd.f32 v12, v8;
	_ =	sdelay $0x1  }
0x444: {  	[tilespmem:v9+s25+$0x0] =	vst.idx.msk $0xffff, v8  }
0x445: {  	v8 =	vld [tilespmem:$0xC980]  }
0x446: {  	v9 =	vld [tilespmem:$0xC990];
	_ =	sdelay $0x1  }
0x447: {  	v10 =	vld [tilespmem:$0xC9A0];
	_ =	sdelay $0x1  }
0x448: {  	v11 =	vld [tilespmem:$0xC9B0]  }
0x449: {  	v8 =	vadd.f32 v9, v8  }
0x44a: {  	v9 =	vld [tilespmem:$0xC9C0]  }
0x44b: {  	v8 =	vadd.f32 v10, v8  }
0x44c: {  	v10 =	vld [tilespmem:$0xC9D0]  }
0x44d: {  	v8 =	vadd.f32 v11, v8  }
0x44e: {  	v11 =	vld [tilespmem:$0xC9E0]  }
0x44f: {  	v8 =	vadd.f32 v9, v8  }
0x450: {  	v9 =	vld [tilespmem:$0xC9F0]  }
0x451: {  	v8 =	vadd.f32 v10, v8  }
0x452: {  	v10 =	vld [tilespmem:$0xCA00]  }
0x453: {  	v8 =	vadd.f32 v11, v8  }
0x454: {  	v11 =	vld [tilespmem:$0xCA10]  }
0x455: {  	v8 =	vadd.f32 v9, v8  }
0x456: {  	v9 =	vld [tilespmem:$0xCA20]  }
0x457: {  	v8 =	vadd.f32 v10, v8  }
0x458: {  	v10 =	vld [tilespmem:$0xCA30]  }
0x459: {  	v8 =	vadd.f32 v11, v8  }
0x45a: {  	v11 =	vld [tilespmem:$0xCA40]  }
0x45b: {  	v8 =	vadd.f32 v9, v8  }
0x45c: {  	v9 =	vld [tilespmem:$0xCA50]  }
0x45d: {  	v8 =	vadd.f32 v10, v8  }
0x45e: {  	v10 =	vld [tilespmem:$0xCA60]  }
0x45f: {  	v7 =	vadd.s32 $0x4, v7;
	v8 =	vadd.f32 v11, v8  }
0x460: {  	v6 =	vadd.s32 v7, v6;
	v7 =	vld [tilespmem:$0xCA70]  }
0x461: {  	v6 =	vand.u32 $0xFFFFFFF8, v6;
	v8 =	vadd.f32 v9, v8  }
0x462: {  	p0 =	sne.s32 s30, $0x7;
	v6 =	vor.u32 v21, v6  }
.Ltmp0:
0x463: {  	v8 =	vadd.f32 v10, v8;
	(pc) =	sbr.rel @p0 .LBB2_3-.Ltmp0, $3  }
0x464: {  	_ = 	snop  }
0x465: {  	v7 =	vadd.f32 v7, v8;
	_ =	sdelay $0x1  }
0x466: {  	s30 =	sadd.s32 $0x1, s30;
	[tilespmem:v6+s25+$0x0] =	vst.idx.msk $0xffff, v7  }
0x467: {  	s2 =	smul.u32 $0x5, s29  }
0x468: {  	s28 =	sadd.s32 $0x1, s28  }
0x469: {  	p0 =	sne.s32 s28, $0x4;
	s2 =	sshrl.u32 s2, $0x3  }
.Ltmp1:
0x46a: {  	s2 =	sadd.s32 s7, s2;
	(pc) =	sbr.rel @p0 .LBB2_2-.Ltmp1, $4  }
0x46b: {  	[hbm4b:s2+s3] =	stream.linear.scatter [tilespmem:s25], [sflag:$0x2], $0x280, $0x38;
	[tilespmem:$0xCA80] =	vst v63  }
0x46c: {  	_ =	swait.ge [sflag:s10], $0x280  }
0x46d: {  	[sflag:s10] =	ssyncset.done $0x0  }
0x46e: {  	[sflag:s10] =	ssyncadd.s32 $0xFFFFFD80  }
0x46f: {  	s26 =	sadd.s32 $0x1, s26  }
0x470: {  	p0 =	sne.s32 s26, s9  }
.Ltmp2:
0x471: {  	_ = 	snop;
	(pc) =	sbr.rel @p0 .LBB2_1-.Ltmp2, $1  }
0x472: {  	_ =	sdelay $0x3  }
0x473: {  	_ =	sfence.sel $0x180000  }
0x474: {  	[bflag:$0x0] =	sbarrier.arrive $0xFFFF  }
0x475: {  	_ =	strace $0x90000047  }
0x476: {  	[bflag:$0x2] =	sbarrier.arrive $0xFFFF  }
0x477: {  	p0 =	sne.s32 s5, $0x0;
	s0 =	rddreg [dreg:$0x3]  }
0x478: {  	s0 =	sadd.s32 @!p0 $0x100000, s0  }
0x479: {  	[sflag:s0] =	ssyncadd.tile.s32 @!p0 $0x1;
	_ =	shalt  }
.Lfunc_end2:
_tile_overlayer_lowered:
.L_overlay_start_2:
0x47a: {  	(tag) =	ssettag $0x2  }
0x47b: {  	s0 =	rddreg [dreg:$0x0];
	s2 =	stileid.u32  }
0x47c: {  	s1 =	rddreg [dreg:$0x1];
	p0 =	sne.s32 s2, $0x0  }
0x47d: {  	s3 =	rddreg [dreg:$0x2];
	[bflag:$0x3] =	sbarrier.arrive $0xFFFF;
	s2 =	simm.s32 @!p0 $0x1C02  }
0x47e: {  	[timem:s3], [sflag:s2] =	dma.local @!p0 [hbm:s0], s1  }
0x47f: {  	s0 =	simm.s32 @!p0 $0x2  }
0x480: {  	_ =	swait.ge @!p0 [sflag:s0], s1  }
0x481: {  	s1 =	ssub.s32 @!p0 $0x0, s1;
	[sflag:s0] =	ssyncset.done @!p0 $0x0  }
0x482: {  	[sflag:s0] =	ssyncadd.s32 @!p0 s1  }
0x483: {  	[bflag:$0x3] =	sbarrier.arrive $0xFFFF  }
0x484: {  	_ =	shalt  }

</sc_bundles>
